<compile_context>
chip_gen: v7x
topology: tpu7x:2x2x1
jax: 0.10.2.dev20260603
libtpu: 0.0.44.dev20260713+nightly
codegen_flags: <defaults>
</compile_context>

<pallas_src>
import functools

import jax
import jax.numpy as jnp
from jax import lax
from jax.experimental import pallas as pl
from jax.experimental.pallas import tpu as pltpu
from jax.experimental.pallas import tpu_sc as plsc

_N = 10000
_E = 320000
_D = 128
_NCLS = 256

_NC = 2
_NS = 16
_NW = _NC * _NS
_B = 64
_NB = 160
_DB = 128
_NBD = 80
_EPW = _B * _NB
_EPAD = _NW * _EPW
_NDUMMY = 240
_NROWS = _N + _NDUMMY
_RPS = _NROWS // _NS
_BLK = 2000
_GRID = _N // _BLK

_mesh = plsc.VectorSubcoreMesh(
    core_axis_name="c", subcore_axis_name="s", num_cores=_NC, num_subcores=_NS
)


@functools.partial(
    pl.kernel,
    out_type=jax.ShapeDtypeStruct((_NC, _NROWS), jnp.float32),
    mesh=_mesh,
    scratch_types=[
        pltpu.VMEM((_NBD, _DB), jnp.int32),
        pltpu.VMEM((_RPS,), jnp.float32),
        pltpu.VMEM((_DB,), jnp.float32),
        pltpu.SemaphoreType.DMA,
        pltpu.VMEM_SHARED((_NROWS,), jnp.float32),
    ],
)
def _deg_kernel(dst_hbm, out_hbm, dst_v, zb_v, ones_v, dsem, deg_sp):
    cid = lax.axis_index("c")
    sid = lax.axis_index("s")
    wid = cid * _NS + sid

    pltpu.async_copy(dst_hbm.at[wid], dst_v, dsem)

    def fill_z(i, _):
        zb_v[pl.ds(i * 16, 16)] = jnp.zeros((16,), jnp.float32)
        return _

    lax.fori_loop(0, _RPS // 16, fill_z, None)
    for i in range(_DB // 16):
        ones_v[pl.ds(i * 16, 16)] = jnp.ones((16,), jnp.float32)

    pltpu.make_async_copy(dst_hbm.at[wid], dst_v, dsem).wait()
    pltpu.sync_copy(zb_v, deg_sp.at[pl.ds(sid * _RPS, _RPS)])
    plsc.subcore_barrier()

    def group(g, _):
        for i in range(8):
            pltpu.async_copy(
                ones_v, deg_sp.at[dst_v.at[g * 8 + i]], dsem, add=True
            )
        for i in range(8):
            pltpu.make_async_copy(
                ones_v, deg_sp.at[dst_v.at[g * 8 + i]], dsem
            ).wait()
        return _

    lax.fori_loop(0, _NBD // 8, group, None)
    plsc.subcore_barrier()
    pltpu.sync_copy(
        deg_sp.at[pl.ds(sid * _RPS, _RPS)],
        out_hbm.at[cid, pl.ds(sid * _RPS, _RPS)],
    )


_SCAT_SCRATCH = [
    pltpu.VMEM((_NB, _B), jnp.int32),
    pltpu.VMEM((3, _B), jnp.int32),
    pltpu.VMEM((3, _B), jnp.int32),
    pltpu.VMEM((3, _B, _D), jnp.float32),
    pltpu.SemaphoreType.DMA,
    pltpu.SemaphoreType.DMA,
    pltpu.SemaphoreType.DMA,
    pltpu.SemaphoreType.DMA,
    pltpu.SemaphoreType.DMA,
    pltpu.SemaphoreType.DMA,
    pltpu.VMEM_SHARED((_NROWS, _D), jnp.float32),
]


def _scat_body(hp_hbm, se_hbm, out_hbm, se_v, srcb, dstb, rb,
               g0, g1, g2, s0, s1, s2, y_sp):
    cid = lax.axis_index("c")
    sid = lax.axis_index("s")
    wid = cid * _NS + sid
    gsem = (g0, g1, g2)
    ssem = (s0, s1, s2)

    pltpu.async_copy(se_hbm.at[wid], se_v, g0)

    def fill_z(i, _):
        for k in range(_D // 16):
            rb[0, i, pl.ds(k * 16, 16)] = jnp.zeros((16,), jnp.float32)
        return _

    lax.fori_loop(0, _B, fill_z, None)

    for j in range(_RPS // _B):
        pltpu.async_copy(
            rb.at[0], y_sp.at[pl.ds(sid * _RPS + j * _B, _B)], s0
        )
    for j in range(_RPS // _B):
        pltpu.make_async_copy(
            rb.at[0], y_sp.at[pl.ds(sid * _RPS + j * _B, _B)], s0
        ).wait()
    pltpu.make_async_copy(se_hbm.at[wid], se_v, g0).wait()
    plsc.subcore_barrier()

    def unpack(k, slot):
        for c in range(_B // 16):
            w = se_v[k, pl.ds(c * 16, 16)]
            srcb[slot, pl.ds(c * 16, 16)] = w & 0xFFFF
            dstb[slot, pl.ds(c * 16, 16)] = lax.shift_right_logical(w, 16)

    def gissue(slot):
        pltpu.async_copy(hp_hbm.at[srcb.at[slot]], rb.at[slot], gsem[slot])

    def gwait(slot):
        pltpu.make_async_copy(
            hp_hbm.at[srcb.at[slot]], rb.at[slot], gsem[slot]
        ).wait()

    def sissue(slot):
        pltpu.async_copy(
            rb.at[slot], y_sp.at[dstb.at[slot]], ssem[slot], add=True
        )

    def swait(slot):
        pltpu.make_async_copy(
            rb.at[slot], y_sp.at[dstb.at[slot]], ssem[slot]
        ).wait()

    def step(k, slot, first, last):
        if not first:
            swait((slot + 2) % 3)
        if not last:
            unpack(k + 2, (slot + 2) % 3)
            gissue((slot + 2) % 3)
        gwait(slot)
        sissue(slot)

    unpack(0, 0)
    gissue(0)
    unpack(1, 1)
    gissue(1)
    step(0, 0, True, False)
    step(1, 1, False, False)

    def mid(t, _):
        for i in range(3):
            step(3 * t + 2 + i, (2 + i) % 3, False, False)
        return _

    lax.fori_loop(0, (_NB - 4) // 3, mid, None)
    step(_NB - 2, (_NB - 2) % 3, False, True)
    step(_NB - 1, (_NB - 1) % 3, False, True)
    swait((_NB - 1) % 3)

    plsc.subcore_barrier()

    for j in range(_RPS // 128):
        pltpu.async_copy(
            y_sp.at[pl.ds(sid * _RPS + j * 128, 128)],
            out_hbm.at[cid, pl.ds(sid * _RPS + j * 128, 128)],
            s0,
        )
    for j in range(_RPS // 128):
        pltpu.make_async_copy(
            y_sp.at[pl.ds(sid * _RPS + j * 128, 128)],
            out_hbm.at[cid, pl.ds(sid * _RPS + j * 128, 128)],
            s0,
        ).wait()


_scat_kernel = pl.kernel(
    _scat_body,
    out_type=jax.ShapeDtypeStruct((_NC, _NROWS, _D), jnp.float32),
    mesh=_mesh,
    scratch_types=_SCAT_SCRATCH,
)


def _k1_body(x_ref, w1_ref, degp_ref, hp_ref, d_ref):
    deg = degp_ref[:, 0] + degp_ref[:, 1] + 1.0
    d = lax.rsqrt(deg)
    h = jnp.dot(x_ref[...], w1_ref[...], preferred_element_type=jnp.float32)
    hp_ref[...] = h * d[:, None]
    d_ref[...] = d[:, None]


def _tc_k1(x, w1, degt):
    return pl.pallas_call(
        _k1_body,
        grid=(_GRID,),
        in_specs=[
            pl.BlockSpec((_BLK, _D), lambda i: (i, 0)),
            pl.BlockSpec((_D, _D), lambda i: (0, 0)),
            pl.BlockSpec((_BLK, _NC), lambda i: (i, 0)),
        ],
        out_specs=[
            pl.BlockSpec((_BLK, _D), lambda i: (i, 0)),
            pl.BlockSpec((_BLK, 1), lambda i: (i, 0)),
        ],
        out_shape=[
            jax.ShapeDtypeStruct((_N, _D), jnp.float32),
            jax.ShapeDtypeStruct((_N, 1), jnp.float32),
        ],
    )(x, w1, degt)


def _mid_body(yp_ref, hp_ref, d_ref, b1_ref, w2_ref, hp2_ref):
    ysum = yp_ref[0] + yp_ref[1] + hp_ref[...]
    out1 = ysum * d_ref[...] + b1_ref[...]
    h = jnp.where(out1 > 0.0, out1, jnp.exp(out1) - 1.0)
    h2 = jnp.dot(h, w2_ref[...], preferred_element_type=jnp.float32)
    hp2_ref[...] = h2 * d_ref[...]


def _tc_mid(y_parts, hp, d, b1, w2):
    return pl.pallas_call(
        _mid_body,
        grid=(_GRID,),
        in_specs=[
            pl.BlockSpec((_NC, _BLK, _D), lambda i: (0, i, 0)),
            pl.BlockSpec((_BLK, _D), lambda i: (i, 0)),
            pl.BlockSpec((_BLK, 1), lambda i: (i, 0)),
            pl.BlockSpec((1, _D), lambda i: (0, 0)),
            pl.BlockSpec((_D, _D), lambda i: (0, 0)),
        ],
        out_specs=pl.BlockSpec((_BLK, _D), lambda i: (i, 0)),
        out_shape=jax.ShapeDtypeStruct((_N, _D), jnp.float32),
    )(y_parts, hp, d, b1, w2)


def _fin_body(yp_ref, hp2_ref, d_ref, b2_ref, wc_ref, bc_ref, emb_ref,
              logit_ref):
    ysum = yp_ref[0] + yp_ref[1] + hp2_ref[...]
    emb = ysum * d_ref[...] + b2_ref[...]
    emb_ref[...] = emb
    logit_ref[...] = (
        jnp.dot(emb, wc_ref[...], preferred_element_type=jnp.float32)
        + bc_ref[...]
    )


def _tc_fin(y2_parts, hp2, d, b2, wc, bc):
    return pl.pallas_call(
        _fin_body,
        grid=(_GRID,),
        in_specs=[
            pl.BlockSpec((_NC, _BLK, _D), lambda i: (0, i, 0)),
            pl.BlockSpec((_BLK, _D), lambda i: (i, 0)),
            pl.BlockSpec((_BLK, 1), lambda i: (i, 0)),
            pl.BlockSpec((1, _D), lambda i: (0, 0)),
            pl.BlockSpec((_D, _NCLS), lambda i: (0, 0)),
            pl.BlockSpec((1, _NCLS), lambda i: (0, 0)),
        ],
        out_specs=[
            pl.BlockSpec((_BLK, _D), lambda i: (i, 0)),
            pl.BlockSpec((_BLK, _NCLS), lambda i: (i, 0)),
        ],
        out_shape=[
            jax.ShapeDtypeStruct((_N, _D), jnp.float32),
            jax.ShapeDtypeStruct((_N, _NCLS), jnp.float32),
        ],
    )(y2_parts, hp2, d, b2, wc, bc)


def kernel(x, edge_index, W1, b1, W2, b2, Wc, bc):
    src = edge_index[0]
    dst = edge_index[1]
    pad = _EPAD - _E
    ar = jnp.arange(pad, dtype=jnp.int32)
    src_p = jnp.concatenate([src, ar % _N])
    dst_p = jnp.concatenate([dst, _N + ar % _NDUMMY])
    se_p = (src_p | (dst_p << 16)).reshape(_NW, _NB, _B)
    dst_deg = dst_p.reshape(_NW, _NBD, _DB)

    deg_parts = _deg_kernel(dst_deg)
    hp, d = _tc_k1(x, W1, deg_parts.T[:_N])
    y1 = _scat_kernel(hp, se_p)
    hp2 = _tc_mid(y1, hp, d, b1.reshape(1, _D), W2)
    y2 = _scat_kernel(hp2, se_p)
    emb, logits = _tc_fin(y2, hp2, d, b2.reshape(1, _D), Wc, bc.reshape(1, _NCLS))
    return emb, logits

# --- scband reference (transcript-rebuilt; emitter-appended) ---
"""Pipeline reference for scband-address-clustering-gnn-10161892622478 (READ-ONLY COPY).

The authoritative reference and input builder live on the scoring server;
editing this copy changes nothing except your own understanding.
"""

import jax, jax.numpy as jnp
import numpy as np

N = 10000
E = 320000
D_IN = 128
D_HID = 128
N_CLUSTERS = 256


def setup_inputs(seed: int = 0) -> dict:
    key = jax.random.key(seed)
    ks = jax.random.split(key, 8)
    x = jax.random.normal(ks[0], (N, D_IN), dtype=jnp.float32)
    edge_index = jax.random.randint(ks[1], (2, E), 0, N, dtype=jnp.int32)
    W1 = jax.random.normal(ks[2], (D_IN, D_HID), dtype=jnp.float32) * (1.0 / np.sqrt(D_IN))
    b1 = jnp.zeros((D_HID,), dtype=jnp.float32)
    W2 = jax.random.normal(ks[3], (D_HID, D_HID), dtype=jnp.float32) * (1.0 / np.sqrt(D_HID))
    b2 = jnp.zeros((D_HID,), dtype=jnp.float32)
    Wc = jax.random.normal(ks[4], (D_HID, N_CLUSTERS), dtype=jnp.float32) * (1.0 / np.sqrt(D_HID))
    bc = jnp.zeros((N_CLUSTERS,), dtype=jnp.float32)
    return {"x": x, "edge_index": edge_index, "W1": W1, "b1": b1, "W2": W2, "b2": b2, "Wc": Wc, "bc": bc}


def _gcn_conv(x, edge_index, W, b, num_nodes):
    # PyG GCNConv: add self-loops, symmetric normalization, linear transform, scatter-add aggregate
    src = edge_index[0]
    dst = edge_index[1]
    loop = jnp.arange(num_nodes, dtype=src.dtype)
    src = jnp.concatenate([src, loop])
    dst = jnp.concatenate([dst, loop])
    deg = jnp.zeros((num_nodes,), dtype=x.dtype).at[dst].add(1.0)
    deg_inv_sqrt = jnp.where(deg > 0, 1.0 / jnp.sqrt(deg), 0.0)
    norm = deg_inv_sqrt[src] * deg_inv_sqrt[dst]
    h = x @ W
    msg = h[src] * norm[:, None]
    out = jnp.zeros((num_nodes, W.shape[1]), dtype=x.dtype).at[dst].add(msg)
    return out + b


def reference(x, edge_index, W1, b1, W2, b2, Wc, bc):
    # WalletGNN forward (eval mode: dropout is identity)
    h = _gcn_conv(x, edge_index, W1, b1, N)
    h = jax.nn.elu(h)
    embeddings = _gcn_conv(h, edge_index, W2, b2, N)
    logits = embeddings @ Wc + bc
    return (embeddings, logits)

if __name__ == "__main__":
    import jax
    _d = setup_inputs()
    print(jax.jit(kernel)(*tuple(_d.values())))

</pallas_src>

<mosaic_0001>
#map = affine_map<(d0, d1) -> (0, 0, 0)>
#map1 = affine_map<(d0, d1) -> (0, 0)>
module attributes {stable_mosaic.version = 14 : i64} {
  func.func @_deg_kernel(%arg0: i32, %arg1: i32, %arg2: memref<32x80x128xi32, #tpu.memory_space<hbm>>, %arg3: memref<2x10240xf32, #tpu.memory_space<hbm>>, %arg4: memref<80x128xi32, #tpu.memory_space<vmem>>, %arg5: memref<640xf32, #tpu.memory_space<vmem>>, %arg6: memref<128xf32, #tpu.memory_space<vmem>>, %arg7: memref<!tpu.dma_semaphore, #tpu.memory_space<semaphore_mem>>, %arg8: memref<10240xf32, #tpu.memory_space<vmem_shared>>) attributes {dimension_semantics = [#tpu.dimension_semantics<core_parallel>, #tpu.dimension_semantics<subcore_parallel>], iteration_bounds = array<i64: 2, 16>, scalar_prefetch = 0 : i64, scratch_operands = 5 : i64, tpu.core_type = #tpu.core_type<sc_vector_subcore>, window_params = [{transform_indices = #map}, {transform_indices = #map1}]} {
    %mul3A = arith.constant 16 : i32
    %mul3A_0 = arith.muli %arg0, %mul3A : i32
    %add3A = arith.addi %mul3A_0, %arg1 : i32
    %dma_start3A = arith.constant 0 : i32
    %dma_start3A_1 = arith.constant 0 : i32
    %dma_start3A_2 = tpu.memref_slice %arg2[%add3A, %dma_start3A, %dma_start3A_1] : memref<32x80x128xi32, #tpu.memory_space<hbm>> -> memref<1x80x128xi32, #tpu.memory_space<hbm>>
    %dma_start3A_3 = tpu.memref_squeeze %dma_start3A_2 : memref<1x80x128xi32, #tpu.memory_space<hbm>> -> memref<80x128xi32, #tpu.memory_space<hbm>>
    %dma_start3A_4 = arith.constant 0 : i32
    %dma_start3A_5 = arith.constant 0 : i32
    %dma_start3A_6 = tpu.memref_slice %arg2[%add3A, %dma_start3A_4, %dma_start3A_5] : memref<32x80x128xi32, #tpu.memory_space<hbm>> -> memref<1x80x128xi32, #tpu.memory_space<hbm>>
    %dma_start3A_7 = tpu.memref_squeeze %dma_start3A_6 : memref<1x80x128xi32, #tpu.memory_space<hbm>> -> memref<80x128xi32, #tpu.memory_space<hbm>>
    tpu.enqueue_dma source(%dma_start3A_7 : memref<80x128xi32, #tpu.memory_space<hbm>>) target(%arg4 : memref<80x128xi32, #tpu.memory_space<vmem>>) target_semaphore(%arg7 : memref<!tpu.dma_semaphore, #tpu.memory_space<semaphore_mem>>)
    %scan3A = arith.constant 0 : i32
    %scan3A_8 = arith.constant 40 : i32
    %scan3A_9 = arith.addi %scan3A, %scan3A_8 : i32
    %scan3A_10 = arith.constant 1 : i32
    scf.for %scan3A_77 = %scan3A to %scan3A_9 step %scan3A_10  : i32 {
      %broadcast_in_dim3A_78 = arith.constant 0.000000e+00 : f32
      %broadcast_in_dim3A_79 = vector.broadcast %broadcast_in_dim3A_78 : f32 to vector<16xf32>
      %mul3A_80 = arith.constant 16 : i32
      %mul3A_81 = arith.muli %scan3A_77, %mul3A_80 : i32
      %swap3A_82 = arith.index_cast %mul3A_81 : i32 to index
      %swap3A_83 = tpu.vector_load %arg5[%swap3A_82] {strides = array<i32>} : memref<640xf32, #tpu.memory_space<vmem>>, vector<16xf32>,
      %swap3A_84 = vector.shape_cast %swap3A_83 : vector<16xf32> to vector<16xf32>
      %swap3A_85 = vector.shape_cast %broadcast_in_dim3A_79 : vector<16xf32> to vector<16xf32>
      tpu.vector_store %arg5[%swap3A_82], %swap3A_85 {strides = array<i32>} : memref<640xf32, #tpu.memory_space<vmem>>, vector<16xf32>,
    }
    %scan3A_11 = arith.constant 40 : i32
    %broadcast_in_dim3A = arith.constant 1.000000e+00 : f32
    %broadcast_in_dim3A_12 = vector.broadcast %broadcast_in_dim3A : f32 to vector<16xf32>
    %swap3A = arith.constant 0 : index
    %swap3A_13 = tpu.vector_load %arg6[%swap3A] {strides = array<i32>} : memref<128xf32, #tpu.memory_space<vmem>>, vector<16xf32>,
    %swap3A_14 = vector.shape_cast %swap3A_13 : vector<16xf32> to vector<16xf32>
    %swap3A_15 = vector.shape_cast %broadcast_in_dim3A_12 : vector<16xf32> to vector<16xf32>
    tpu.vector_store %arg6[%swap3A], %swap3A_15 {strides = array<i32>} : memref<128xf32, #tpu.memory_space<vmem>>, vector<16xf32>,
    %broadcast_in_dim3A_16 = arith.constant 1.000000e+00 : f32
    %broadcast_in_dim3A_17 = vector.broadcast %broadcast_in_dim3A_16 : f32 to vector<16xf32>
    %swap3A_18 = arith.constant 16 : index
    %swap3A_19 = tpu.vector_load %arg6[%swap3A_18] {strides = array<i32>} : memref<128xf32, #tpu.memory_space<vmem>>, vector<16xf32>,
    %swap3A_20 = vector.shape_cast %swap3A_19 : vector<16xf32> to vector<16xf32>
    %swap3A_21 = vector.shape_cast %broadcast_in_dim3A_17 : vector<16xf32> to vector<16xf32>
    tpu.vector_store %arg6[%swap3A_18], %swap3A_21 {strides = array<i32>} : memref<128xf32, #tpu.memory_space<vmem>>, vector<16xf32>,
    %broadcast_in_dim3A_22 = arith.constant 1.000000e+00 : f32
    %broadcast_in_dim3A_23 = vector.broadcast %broadcast_in_dim3A_22 : f32 to vector<16xf32>
    %swap3A_24 = arith.constant 32 : index
    %swap3A_25 = tpu.vector_load %arg6[%swap3A_24] {strides = array<i32>} : memref<128xf32, #tpu.memory_space<vmem>>, vector<16xf32>,
    %swap3A_26 = vector.shape_cast %swap3A_25 : vector<16xf32> to vector<16xf32>
    %swap3A_27 = vector.shape_cast %broadcast_in_dim3A_23 : vector<16xf32> to vector<16xf32>
    tpu.vector_store %arg6[%swap3A_24], %swap3A_27 {strides = array<i32>} : memref<128xf32, #tpu.memory_space<vmem>>, vector<16xf32>,
    %broadcast_in_dim3A_28 = arith.constant 1.000000e+00 : f32
    %broadcast_in_dim3A_29 = vector.broadcast %broadcast_in_dim3A_28 : f32 to vector<16xf32>
    %swap3A_30 = arith.constant 48 : index
    %swap3A_31 = tpu.vector_load %arg6[%swap3A_30] {strides = array<i32>} : memref<128xf32, #tpu.memory_space<vmem>>, vector<16xf32>,
    %swap3A_32 = vector.shape_cast %swap3A_31 : vector<16xf32> to vector<16xf32>
    %swap3A_33 = vector.shape_cast %broadcast_in_dim3A_29 : vector<16xf32> to vector<16xf32>
    tpu.vector_store %arg6[%swap3A_30], %swap3A_33 {strides = array<i32>} : memref<128xf32, #tpu.memory_space<vmem>>, vector<16xf32>,
    %broadcast_in_dim3A_34 = arith.constant 1.000000e+00 : f32
    %broadcast_in_dim3A_35 = vector.broadcast %broadcast_in_dim3A_34 : f32 to vector<16xf32>
    %swap3A_36 = arith.constant 64 : index
    %swap3A_37 = tpu.vector_load %arg6[%swap3A_36] {strides = array<i32>} : memref<128xf32, #tpu.memory_space<vmem>>, vector<16xf32>,
    %swap3A_38 = vector.shape_cast %swap3A_37 : vector<16xf32> to vector<16xf32>
    %swap3A_39 = vector.shape_cast %broadcast_in_dim3A_35 : vector<16xf32> to vector<16xf32>
    tpu.vector_store %arg6[%swap3A_36], %swap3A_39 {strides = array<i32>} : memref<128xf32, #tpu.memory_space<vmem>>, vector<16xf32>,
    %broadcast_in_dim3A_40 = arith.constant 1.000000e+00 : f32
    %broadcast_in_dim3A_41 = vector.broadcast %broadcast_in_dim3A_40 : f32 to vector<16xf32>
    %swap3A_42 = arith.constant 80 : index
    %swap3A_43 = tpu.vector_load %arg6[%swap3A_42] {strides = array<i32>} : memref<128xf32, #tpu.memory_space<vmem>>, vector<16xf32>,
    %swap3A_44 = vector.shape_cast %swap3A_43 : vector<16xf32> to vector<16xf32>
    %swap3A_45 = vector.shape_cast %broadcast_in_dim3A_41 : vector<16xf32> to vector<16xf32>
    tpu.vector_store %arg6[%swap3A_42], %swap3A_45 {strides = array<i32>} : memref<128xf32, #tpu.memory_space<vmem>>, vector<16xf32>,
    %broadcast_in_dim3A_46 = arith.constant 1.000000e+00 : f32
    %broadcast_in_dim3A_47 = vector.broadcast %broadcast_in_dim3A_46 : f32 to vector<16xf32>
    %swap3A_48 = arith.constant 96 : index
    %swap3A_49 = tpu.vector_load %arg6[%swap3A_48] {strides = array<i32>} : memref<128xf32, #tpu.memory_space<vmem>>, vector<16xf32>,
    %swap3A_50 = vector.shape_cast %swap3A_49 : vector<16xf32> to vector<16xf32>
    %swap3A_51 = vector.shape_cast %broadcast_in_dim3A_47 : vector<16xf32> to vector<16xf32>
    tpu.vector_store %arg6[%swap3A_48], %swap3A_51 {strides = array<i32>} : memref<128xf32, #tpu.memory_space<vmem>>, vector<16xf32>,
    %broadcast_in_dim3A_52 = arith.constant 1.000000e+00 : f32
    %broadcast_in_dim3A_53 = vector.broadcast %broadcast_in_dim3A_52 : f32 to vector<16xf32>
    %swap3A_54 = arith.constant 112 : index
    %swap3A_55 = tpu.vector_load %arg6[%swap3A_54] {strides = array<i32>} : memref<128xf32, #tpu.memory_space<vmem>>, vector<16xf32>,
    %swap3A_56 = vector.shape_cast %swap3A_55 : vector<16xf32> to vector<16xf32>
    %swap3A_57 = vector.shape_cast %broadcast_in_dim3A_53 : vector<16xf32> to vector<16xf32>
    tpu.vector_store %arg6[%swap3A_54], %swap3A_57 {strides = array<i32>} : memref<128xf32, #tpu.memory_space<vmem>>, vector<16xf32>,
    %dma_wait3A = arith.constant 0 : i32
    %dma_wait3A_58 = arith.constant 0 : i32
    %dma_wait3A_59 = tpu.memref_slice %arg2[%add3A, %dma_wait3A, %dma_wait3A_58] : memref<32x80x128xi32, #tpu.memory_space<hbm>> -> memref<1x80x128xi32, #tpu.memory_space<hbm>>
    %dma_wait3A_60 = tpu.memref_squeeze %dma_wait3A_59 : memref<1x80x128xi32, #tpu.memory_space<hbm>> -> memref<80x128xi32, #tpu.memory_space<hbm>>
    %dma_wait3A_61 = arith.constant 0 : i32
    %dma_wait3A_62 = arith.constant 0 : i32
    %dma_wait3A_63 = tpu.memref_slice %arg2[%add3A, %dma_wait3A_61, %dma_wait3A_62] : memref<32x80x128xi32, #tpu.memory_space<hbm>> -> memref<1x80x128xi32, #tpu.memory_space<hbm>>
    %dma_wait3A_64 = tpu.memref_squeeze %dma_wait3A_63 : memref<1x80x128xi32, #tpu.memory_space<hbm>> -> memref<80x128xi32, #tpu.memory_space<hbm>>
    tpu.wait_dma2 semaphore(%arg7 : memref<!tpu.dma_semaphore, #tpu.memory_space<semaphore_mem>>) src(%dma_wait3A_64 : memref<80x128xi32, #tpu.memory_space<hbm>>) dst(%arg4 : memref<80x128xi32, #tpu.memory_space<vmem>>)
    %mul3A_65 = arith.constant 640 : i32
    %mul3A_66 = arith.muli %arg1, %mul3A_65 : i32
    "tpu.region"() ({
      %run_scoped3A = tpu.sem_alloc : memref<!tpu.dma_semaphore, #tpu.memory_space<semaphore_mem>>
      %dma_start3A_77 = tpu.memref_slice %arg8[%mul3A_66] : memref<10240xf32, #tpu.memory_space<vmem_shared>> -> memref<640xf32, #tpu.memory_space<vmem_shared>>
      %dma_start3A_78 = tpu.memref_slice %arg8[%mul3A_66] : memref<10240xf32, #tpu.memory_space<vmem_shared>> -> memref<640xf32, #tpu.memory_space<vmem_shared>>
      tpu.enqueue_dma source(%arg5 : memref<640xf32, #tpu.memory_space<vmem>>) target(%dma_start3A_78 : memref<640xf32, #tpu.memory_space<vmem_shared>>) target_semaphore(%run_scoped3A : memref<!tpu.dma_semaphore, #tpu.memory_space<semaphore_mem>>)
      %dma_wait3A_79 = tpu.memref_slice %arg8[%mul3A_66] : memref<10240xf32, #tpu.memory_space<vmem_shared>> -> memref<640xf32, #tpu.memory_space<vmem_shared>>
      %dma_wait3A_80 = tpu.memref_slice %arg8[%mul3A_66] : memref<10240xf32, #tpu.memory_space<vmem_shared>> -> memref<640xf32, #tpu.memory_space<vmem_shared>>
      tpu.wait_dma2 semaphore(%run_scoped3A : memref<!tpu.dma_semaphore, #tpu.memory_space<semaphore_mem>>) src(%arg5 : memref<640xf32, #tpu.memory_space<vmem>>) dst(%dma_wait3A_80 : memref<640xf32, #tpu.memory_space<vmem_shared>>)
      tpu.yield
    }) : () -> ()
    %barrier3A = arith.constant 0 : index
    tpu.barrier barrier_id(%barrier3A)
    %scan3A_67 = arith.constant 0 : i32
    %scan3A_68 = arith.constant 10 : i32
    %scan3A_69 = arith.addi %scan3A_67, %scan3A_68 : i32
    %scan3A_70 = arith.constant 1 : i32
    scf.for %scan3A_77 = %scan3A_67 to %scan3A_69 step %scan3A_70  : i32 {
      %mul3A_78 = arith.constant 8 : i32
      %mul3A_79 = arith.muli %scan3A_77, %mul3A_78 : i32
      %add3A_80 = arith.constant 0 : i32
      %add3A_81 = arith.addi %mul3A_79, %add3A_80 : i32
      %dma_start3A_82 = arith.constant 0 : i32
      %dma_start3A_83 = tpu.memref_slice %arg4[%add3A_81, %dma_start3A_82] : memref<80x128xi32, #tpu.memory_space<vmem>> -> memref<1x128xi32, #tpu.memory_space<vmem>>
      %dma_start3A_84 = tpu.memref_squeeze %dma_start3A_83 : memref<1x128xi32, #tpu.memory_space<vmem>> -> memref<128xi32, #tpu.memory_space<vmem>>
      %dma_start3A_85 = arith.constant 0 : i32
      %dma_start3A_86 = tpu.memref_slice %arg8[%dma_start3A_85] : memref<10240xf32, #tpu.memory_space<vmem_shared>> -> memref<10240xf32, #tpu.memory_space<vmem_shared>>
      tpu.enqueue_indirect_dma source(%arg6 : memref<128xf32, #tpu.memory_space<vmem>>) target(%dma_start3A_86 : memref<10240xf32, #tpu.memory_space<vmem_shared>>) offsets(%dma_start3A_84 : memref<128xi32, #tpu.memory_space<vmem>>) semaphore(%arg7 : memref<!tpu.dma_semaphore, #tpu.memory_space<semaphore_mem>>) {add = true}
      %mul3A_87 = arith.constant 8 : i32
      %mul3A_88 = arith.muli %scan3A_77, %mul3A_87 : i32
      %add3A_89 = arith.constant 1 : i32
      %add3A_90 = arith.addi %mul3A_88, %add3A_89 : i32
      %dma_start3A_91 = arith.constant 0 : i32
      %dma_start3A_92 = tpu.memref_slice %arg4[%add3A_90, %dma_start3A_91] : memref<80x128xi32, #tpu.memory_space<vmem>> -> memref<1x128xi32, #tpu.memory_space<vmem>>
      %dma_start3A_93 = tpu.memref_squeeze %dma_start3A_92 : memref<1x128xi32, #tpu.memory_space<vmem>> -> memref<128xi32, #tpu.memory_space<vmem>>
      %dma_start3A_94 = arith.constant 0 : i32
      %dma_start3A_95 = tpu.memref_slice %arg8[%dma_start3A_94] : memref<10240xf32, #tpu.memory_space<vmem_shared>> -> memref<10240xf32, #tpu.memory_space<vmem_shared>>
      tpu.enqueue_indirect_dma source(%arg6 : memref<128xf32, #tpu.memory_space<vmem>>) target(%dma_start3A_95 : memref<10240xf32, #tpu.memory_space<vmem_shared>>) offsets(%dma_start3A_93 : memref<128xi32, #tpu.memory_space<vmem>>) semaphore(%arg7 : memref<!tpu.dma_semaphore, #tpu.memory_space<semaphore_mem>>) {add = true}
      %mul3A_96 = arith.constant 8 : i32
      %mul3A_97 = arith.muli %scan3A_77, %mul3A_96 : i32
      %add3A_98 = arith.constant 2 : i32
      %add3A_99 = arith.addi %mul3A_97, %add3A_98 : i32
      %dma_start3A_100 = arith.constant 0 : i32
      %dma_start3A_101 = tpu.memref_slice %arg4[%add3A_99, %dma_start3A_100] : memref<80x128xi32, #tpu.memory_space<vmem>> -> memref<1x128xi32, #tpu.memory_space<vmem>>
      %dma_start3A_102 = tpu.memref_squeeze %dma_start3A_101 : memref<1x128xi32, #tpu.memory_space<vmem>> -> memref<128xi32, #tpu.memory_space<vmem>>
      %dma_start3A_103 = arith.constant 0 : i32
      %dma_start3A_104 = tpu.memref_slice %arg8[%dma_start3A_103] : memref<10240xf32, #tpu.memory_space<vmem_shared>> -> memref<10240xf32, #tpu.memory_space<vmem_shared>>
      tpu.enqueue_indirect_dma source(%arg6 : memref<128xf32, #tpu.memory_space<vmem>>) target(%dma_start3A_104 : memref<10240xf32, #tpu.memory_space<vmem_shared>>) offsets(%dma_start3A_102 : memref<128xi32, #tpu.memory_space<vmem>>) semaphore(%arg7 : memref<!tpu.dma_semaphore, #tpu.memory_space<semaphore_mem>>) {add = true}
      %mul3A_105 = arith.constant 8 : i32
      %mul3A_106 = arith.muli %scan3A_77, %mul3A_105 : i32
      %add3A_107 = arith.constant 3 : i32
      %add3A_108 = arith.addi %mul3A_106, %add3A_107 : i32
      %dma_start3A_109 = arith.constant 0 : i32
      %dma_start3A_110 = tpu.memref_slice %arg4[%add3A_108, %dma_start3A_109] : memref<80x128xi32, #tpu.memory_space<vmem>> -> memref<1x128xi32, #tpu.memory_space<vmem>>
      %dma_start3A_111 = tpu.memref_squeeze %dma_start3A_110 : memref<1x128xi32, #tpu.memory_space<vmem>> -> memref<128xi32, #tpu.memory_space<vmem>>
      %dma_start3A_112 = arith.constant 0 : i32
      %dma_start3A_113 = tpu.memref_slice %arg8[%dma_start3A_112] : memref<10240xf32, #tpu.memory_space<vmem_shared>> -> memref<10240xf32, #tpu.memory_space<vmem_shared>>
      tpu.enqueue_indirect_dma source(%arg6 : memref<128xf32, #tpu.memory_space<vmem>>) target(%dma_start3A_113 : memref<10240xf32, #tpu.memory_space<vmem_shared>>) offsets(%dma_start3A_111 : memref<128xi32, #tpu.memory_space<vmem>>) semaphore(%arg7 : memref<!tpu.dma_semaphore, #tpu.memory_space<semaphore_mem>>) {add = true}
      %mul3A_114 = arith.constant 8 : i32
      %mul3A_115 = arith.muli %scan3A_77, %mul3A_114 : i32
      %add3A_116 = arith.constant 4 : i32
      %add3A_117 = arith.addi %mul3A_115, %add3A_116 : i32
      %dma_start3A_118 = arith.constant 0 : i32
      %dma_start3A_119 = tpu.memref_slice %arg4[%add3A_117, %dma_start3A_118] : memref<80x128xi32, #tpu.memory_space<vmem>> -> memref<1x128xi32, #tpu.memory_space<vmem>>
      %dma_start3A_120 = tpu.memref_squeeze %dma_start3A_119 : memref<1x128xi32, #tpu.memory_space<vmem>> -> memref<128xi32, #tpu.memory_space<vmem>>
      %dma_start3A_121 = arith.constant 0 : i32
      %dma_start3A_122 = tpu.memref_slice %arg8[%dma_start3A_121] : memref<10240xf32, #tpu.memory_space<vmem_shared>> -> memref<10240xf32, #tpu.memory_space<vmem_shared>>
      tpu.enqueue_indirect_dma source(%arg6 : memref<128xf32, #tpu.memory_space<vmem>>) target(%dma_start3A_122 : memref<10240xf32, #tpu.memory_space<vmem_shared>>) offsets(%dma_start3A_120 : memref<128xi32, #tpu.memory_space<vmem>>) semaphore(%arg7 : memref<!tpu.dma_semaphore, #tpu.memory_space<semaphore_mem>>) {add = true}
      %mul3A_123 = arith.constant 8 : i32
      %mul3A_124 = arith.muli %scan3A_77, %mul3A_123 : i32
      %add3A_125 = arith.constant 5 : i32
      %add3A_126 = arith.addi %mul3A_124, %add3A_125 : i32
      %dma_start3A_127 = arith.constant 0 : i32
      %dma_start3A_128 = tpu.memref_slice %arg4[%add3A_126, %dma_start3A_127] : memref<80x128xi32, #tpu.memory_space<vmem>> -> memref<1x128xi32, #tpu.memory_space<vmem>>
      %dma_start3A_129 = tpu.memref_squeeze %dma_start3A_128 : memref<1x128xi32, #tpu.memory_space<vmem>> -> memref<128xi32, #tpu.memory_space<vmem>>
      %dma_start3A_130 = arith.constant 0 : i32
      %dma_start3A_131 = tpu.memref_slice %arg8[%dma_start3A_130] : memref<10240xf32, #tpu.memory_space<vmem_shared>> -> memref<10240xf32, #tpu.memory_space<vmem_shared>>
      tpu.enqueue_indirect_dma source(%arg6 : memref<128xf32, #tpu.memory_space<vmem>>) target(%dma_start3A_131 : memref<10240xf32, #tpu.memory_space<vmem_shared>>) offsets(%dma_start3A_129 : memref<128xi32, #tpu.memory_space<vmem>>) semaphore(%arg7 : memref<!tpu.dma_semaphore, #tpu.memory_space<semaphore_mem>>) {add = true}
      %mul3A_132 = arith.constant 8 : i32
      %mul3A_133 = arith.muli %scan3A_77, %mul3A_132 : i32
      %add3A_134 = arith.constant 6 : i32
      %add3A_135 = arith.addi %mul3A_133, %add3A_134 : i32
      %dma_start3A_136 = arith.constant 0 : i32
      %dma_start3A_137 = tpu.memref_slice %arg4[%add3A_135, %dma_start3A_136] : memref<80x128xi32, #tpu.memory_space<vmem>> -> memref<1x128xi32, #tpu.memory_space<vmem>>
      %dma_start3A_138 = tpu.memref_squeeze %dma_start3A_137 : memref<1x128xi32, #tpu.memory_space<vmem>> -> memref<128xi32, #tpu.memory_space<vmem>>
      %dma_start3A_139 = arith.constant 0 : i32
      %dma_start3A_140 = tpu.memref_slice %arg8[%dma_start3A_139] : memref<10240xf32, #tpu.memory_space<vmem_shared>> -> memref<10240xf32, #tpu.memory_space<vmem_shared>>
      tpu.enqueue_indirect_dma source(%arg6 : memref<128xf32, #tpu.memory_space<vmem>>) target(%dma_start3A_140 : memref<10240xf32, #tpu.memory_space<vmem_shared>>) offsets(%dma_start3A_138 : memref<128xi32, #tpu.memory_space<vmem>>) semaphore(%arg7 : memref<!tpu.dma_semaphore, #tpu.memory_space<semaphore_mem>>) {add = true}
      %mul3A_141 = arith.constant 8 : i32
      %mul3A_142 = arith.muli %scan3A_77, %mul3A_141 : i32
      %add3A_143 = arith.constant 7 : i32
      %add3A_144 = arith.addi %mul3A_142, %add3A_143 : i32
      %dma_start3A_145 = arith.constant 0 : i32
      %dma_start3A_146 = tpu.memref_slice %arg4[%add3A_144, %dma_start3A_145] : memref<80x128xi32, #tpu.memory_space<vmem>> -> memref<1x128xi32, #tpu.memory_space<vmem>>
      %dma_start3A_147 = tpu.memref_squeeze %dma_start3A_146 : memref<1x128xi32, #tpu.memory_space<vmem>> -> memref<128xi32, #tpu.memory_space<vmem>>
      %dma_start3A_148 = arith.constant 0 : i32
      %dma_start3A_149 = tpu.memref_slice %arg8[%dma_start3A_148] : memref<10240xf32, #tpu.memory_space<vmem_shared>> -> memref<10240xf32, #tpu.memory_space<vmem_shared>>
      tpu.enqueue_indirect_dma source(%arg6 : memref<128xf32, #tpu.memory_space<vmem>>) target(%dma_start3A_149 : memref<10240xf32, #tpu.memory_space<vmem_shared>>) offsets(%dma_start3A_147 : memref<128xi32, #tpu.memory_space<vmem>>) semaphore(%arg7 : memref<!tpu.dma_semaphore, #tpu.memory_space<semaphore_mem>>) {add = true}
      %mul3A_150 = arith.constant 8 : i32
      %mul3A_151 = arith.muli %scan3A_77, %mul3A_150 : i32
      %add3A_152 = arith.constant 0 : i32
      %add3A_153 = arith.addi %mul3A_151, %add3A_152 : i32
      %dma_wait3A_154 = arith.constant 0 : i32
      %dma_wait3A_155 = tpu.memref_slice %arg4[%add3A_153, %dma_wait3A_154] : memref<80x128xi32, #tpu.memory_space<vmem>> -> memref<1x128xi32, #tpu.memory_space<vmem>>
      %dma_wait3A_156 = tpu.memref_squeeze %dma_wait3A_155 : memref<1x128xi32, #tpu.memory_space<vmem>> -> memref<128xi32, #tpu.memory_space<vmem>>
      %dma_wait3A_157 = arith.constant 0 : i32
      %dma_wait3A_158 = tpu.memref_slice %arg8[%dma_wait3A_157] : memref<10240xf32, #tpu.memory_space<vmem_shared>> -> memref<10240xf32, #tpu.memory_space<vmem_shared>>
      tpu.wait_indirect_dma semaphore(%arg7 : memref<!tpu.dma_semaphore, #tpu.memory_space<semaphore_mem>>) src(%arg6 : memref<128xf32, #tpu.memory_space<vmem>>) dst(%dma_wait3A_158 : memref<10240xf32, #tpu.memory_space<vmem_shared>>)
      %mul3A_159 = arith.constant 8 : i32
      %mul3A_160 = arith.muli %scan3A_77, %mul3A_159 : i32
      %add3A_161 = arith.constant 1 : i32
      %add3A_162 = arith.addi %mul3A_160, %add3A_161 : i32
      %dma_wait3A_163 = arith.constant 0 : i32
      %dma_wait3A_164 = tpu.memref_slice %arg4[%add3A_162, %dma_wait3A_163] : memref<80x128xi32, #tpu.memory_space<vmem>> -> memref<1x128xi32, #tpu.memory_space<vmem>>
      %dma_wait3A_165 = tpu.memref_squeeze %dma_wait3A_164 : memref<1x128xi32, #tpu.memory_space<vmem>> -> memref<128xi32, #tpu.memory_space<vmem>>
      %dma_wait3A_166 = arith.constant 0 : i32
      %dma_wait3A_167 = tpu.memref_slice %arg8[%dma_wait3A_166] : memref<10240xf32, #tpu.memory_space<vmem_shared>> -> memref<10240xf32, #tpu.memory_space<vmem_shared>>
      tpu.wait_indirect_dma semaphore(%arg7 : memref<!tpu.dma_semaphore, #tpu.memory_space<semaphore_mem>>) src(%arg6 : memref<128xf32, #tpu.memory_space<vmem>>) dst(%dma_wait3A_167 : memref<10240xf32, #tpu.memory_space<vmem_shared>>)
      %mul3A_168 = arith.constant 8 : i32
      %mul3A_169 = arith.muli %scan3A_77, %mul3A_168 : i32
      %add3A_170 = arith.constant 2 : i32
      %add3A_171 = arith.addi %mul3A_169, %add3A_170 : i32
      %dma_wait3A_172 = arith.constant 0 : i32
      %dma_wait3A_173 = tpu.memref_slice %arg4[%add3A_171, %dma_wait3A_172] : memref<80x128xi32, #tpu.memory_space<vmem>> -> memref<1x128xi32, #tpu.memory_space<vmem>>
      %dma_wait3A_174 = tpu.memref_squeeze %dma_wait3A_173 : memref<1x128xi32, #tpu.memory_space<vmem>> -> memref<128xi32, #tpu.memory_space<vmem>>
      %dma_wait3A_175 = arith.constant 0 : i32
      %dma_wait3A_176 = tpu.memref_slice %arg8[%dma_wait3A_175] : memref<10240xf32, #tpu.memory_space<vmem_shared>> -> memref<10240xf32, #tpu.memory_space<vmem_shared>>
      tpu.wait_indirect_dma semaphore(%arg7 : memref<!tpu.dma_semaphore, #tpu.memory_space<semaphore_mem>>) src(%arg6 : memref<128xf32, #tpu.memory_space<vmem>>) dst(%dma_wait3A_176 : memref<10240xf32, #tpu.memory_space<vmem_shared>>)
      %mul3A_177 = arith.constant 8 : i32
      %mul3A_178 = arith.muli %scan3A_77, %mul3A_177 : i32
      %add3A_179 = arith.constant 3 : i32
      %add3A_180 = arith.addi %mul3A_178, %add3A_179 : i32
      %dma_wait3A_181 = arith.constant 0 : i32
      %dma_wait3A_182 = tpu.memref_slice %arg4[%add3A_180, %dma_wait3A_181] : memref<80x128xi32, #tpu.memory_space<vmem>> -> memref<1x128xi32, #tpu.memory_space<vmem>>
      %dma_wait3A_183 = tpu.memref_squeeze %dma_wait3A_182 : memref<1x128xi32, #tpu.memory_space<vmem>> -> memref<128xi32, #tpu.memory_space<vmem>>
      %dma_wait3A_184 = arith.constant 0 : i32
      %dma_wait3A_185 = tpu.memref_slice %arg8[%dma_wait3A_184] : memref<10240xf32, #tpu.memory_space<vmem_shared>> -> memref<10240xf32, #tpu.memory_space<vmem_shared>>
      tpu.wait_indirect_dma semaphore(%arg7 : memref<!tpu.dma_semaphore, #tpu.memory_space<semaphore_mem>>) src(%arg6 : memref<128xf32, #tpu.memory_space<vmem>>) dst(%dma_wait3A_185 : memref<10240xf32, #tpu.memory_space<vmem_shared>>)
      %mul3A_186 = arith.constant 8 : i32
      %mul3A_187 = arith.muli %scan3A_77, %mul3A_186 : i32
      %add3A_188 = arith.constant 4 : i32
      %add3A_189 = arith.addi %mul3A_187, %add3A_188 : i32
      %dma_wait3A_190 = arith.constant 0 : i32
      %dma_wait3A_191 = tpu.memref_slice %arg4[%add3A_189, %dma_wait3A_190] : memref<80x128xi32, #tpu.memory_space<vmem>> -> memref<1x128xi32, #tpu.memory_space<vmem>>
      %dma_wait3A_192 = tpu.memref_squeeze %dma_wait3A_191 : memref<1x128xi32, #tpu.memory_space<vmem>> -> memref<128xi32, #tpu.memory_space<vmem>>
      %dma_wait3A_193 = arith.constant 0 : i32
      %dma_wait3A_194 = tpu.memref_slice %arg8[%dma_wait3A_193] : memref<10240xf32, #tpu.memory_space<vmem_shared>> -> memref<10240xf32, #tpu.memory_space<vmem_shared>>
      tpu.wait_indirect_dma semaphore(%arg7 : memref<!tpu.dma_semaphore, #tpu.memory_space<semaphore_mem>>) src(%arg6 : memref<128xf32, #tpu.memory_space<vmem>>) dst(%dma_wait3A_194 : memref<10240xf32, #tpu.memory_space<vmem_shared>>)
      %mul3A_195 = arith.constant 8 : i32
      %mul3A_196 = arith.muli %scan3A_77, %mul3A_195 : i32
      %add3A_197 = arith.constant 5 : i32
      %add3A_198 = arith.addi %mul3A_196, %add3A_197 : i32
      %dma_wait3A_199 = arith.constant 0 : i32
      %dma_wait3A_200 = tpu.memref_slice %arg4[%add3A_198, %dma_wait3A_199] : memref<80x128xi32, #tpu.memory_space<vmem>> -> memref<1x128xi32, #tpu.memory_space<vmem>>
      %dma_wait3A_201 = tpu.memref_squeeze %dma_wait3A_200 : memref<1x128xi32, #tpu.memory_space<vmem>> -> memref<128xi32, #tpu.memory_space<vmem>>
      %dma_wait3A_202 = arith.constant 0 : i32
      %dma_wait3A_203 = tpu.memref_slice %arg8[%dma_wait3A_202] : memref<10240xf32, #tpu.memory_space<vmem_shared>> -> memref<10240xf32, #tpu.memory_space<vmem_shared>>
      tpu.wait_indirect_dma semaphore(%arg7 : memref<!tpu.dma_semaphore, #tpu.memory_space<semaphore_mem>>) src(%arg6 : memref<128xf32, #tpu.memory_space<vmem>>) dst(%dma_wait3A_203 : memref<10240xf32, #tpu.memory_space<vmem_shared>>)
      %mul3A_204 = arith.constant 8 : i32
      %mul3A_205 = arith.muli %scan3A_77, %mul3A_204 : i32
      %add3A_206 = arith.constant 6 : i32
      %add3A_207 = arith.addi %mul3A_205, %add3A_206 : i32
      %dma_wait3A_208 = arith.constant 0 : i32
      %dma_wait3A_209 = tpu.memref_slice %arg4[%add3A_207, %dma_wait3A_208] : memref<80x128xi32, #tpu.memory_space<vmem>> -> memref<1x128xi32, #tpu.memory_space<vmem>>
      %dma_wait3A_210 = tpu.memref_squeeze %dma_wait3A_209 : memref<1x128xi32, #tpu.memory_space<vmem>> -> memref<128xi32, #tpu.memory_space<vmem>>
      %dma_wait3A_211 = arith.constant 0 : i32
      %dma_wait3A_212 = tpu.memref_slice %arg8[%dma_wait3A_211] : memref<10240xf32, #tpu.memory_space<vmem_shared>> -> memref<10240xf32, #tpu.memory_space<vmem_shared>>
      tpu.wait_indirect_dma semaphore(%arg7 : memref<!tpu.dma_semaphore, #tpu.memory_space<semaphore_mem>>) src(%arg6 : memref<128xf32, #tpu.memory_space<vmem>>) dst(%dma_wait3A_212 : memref<10240xf32, #tpu.memory_space<vmem_shared>>)
      %mul3A_213 = arith.constant 8 : i32
      %mul3A_214 = arith.muli %scan3A_77, %mul3A_213 : i32
      %add3A_215 = arith.constant 7 : i32
      %add3A_216 = arith.addi %mul3A_214, %add3A_215 : i32
      %dma_wait3A_217 = arith.constant 0 : i32
      %dma_wait3A_218 = tpu.memref_slice %arg4[%add3A_216, %dma_wait3A_217] : memref<80x128xi32, #tpu.memory_space<vmem>> -> memref<1x128xi32, #tpu.memory_space<vmem>>
      %dma_wait3A_219 = tpu.memref_squeeze %dma_wait3A_218 : memref<1x128xi32, #tpu.memory_space<vmem>> -> memref<128xi32, #tpu.memory_space<vmem>>
      %dma_wait3A_220 = arith.constant 0 : i32
      %dma_wait3A_221 = tpu.memref_slice %arg8[%dma_wait3A_220] : memref<10240xf32, #tpu.memory_space<vmem_shared>> -> memref<10240xf32, #tpu.memory_space<vmem_shared>>
      tpu.wait_indirect_dma semaphore(%arg7 : memref<!tpu.dma_semaphore, #tpu.memory_space<semaphore_mem>>) src(%arg6 : memref<128xf32, #tpu.memory_space<vmem>>) dst(%dma_wait3A_221 : memref<10240xf32, #tpu.memory_space<vmem_shared>>)
    }
    %scan3A_71 = arith.constant 10 : i32
    %barrier3A_72 = arith.constant 0 : index
    tpu.barrier barrier_id(%barrier3A_72)
    %mul3A_73 = arith.constant 640 : i32
    %mul3A_74 = arith.muli %arg1, %mul3A_73 : i32
    %mul3A_75 = arith.constant 640 : i32
    %mul3A_76 = arith.muli %arg1, %mul3A_75 : i32
    "tpu.region"() ({
      %run_scoped3A = tpu.sem_alloc : memref<!tpu.dma_semaphore, #tpu.memory_space<semaphore_mem>>
      %dma_start3A_77 = tpu.memref_slice %arg3[%arg0, %mul3A_76] : memref<2x10240xf32, #tpu.memory_space<hbm>> -> memref<1x640xf32, #tpu.memory_space<hbm>>
      %dma_start3A_78 = tpu.memref_squeeze %dma_start3A_77 : memref<1x640xf32, #tpu.memory_space<hbm>> -> memref<640xf32, #tpu.memory_space<hbm>>
      %dma_start3A_79 = tpu.memref_slice %arg8[%mul3A_74] : memref<10240xf32, #tpu.memory_space<vmem_shared>> -> memref<640xf32, #tpu.memory_space<vmem_shared>>
      tpu.enqueue_dma source(%dma_start3A_79 : memref<640xf32, #tpu.memory_space<vmem_shared>>) target(%dma_start3A_78 : memref<640xf32, #tpu.memory_space<hbm>>) target_semaphore(%run_scoped3A : memref<!tpu.dma_semaphore, #tpu.memory_space<semaphore_mem>>)
      %dma_wait3A_80 = tpu.memref_slice %arg3[%arg0, %mul3A_76] : memref<2x10240xf32, #tpu.memory_space<hbm>> -> memref<1x640xf32, #tpu.memory_space<hbm>>
      %dma_wait3A_81 = tpu.memref_squeeze %dma_wait3A_80 : memref<1x640xf32, #tpu.memory_space<hbm>> -> memref<640xf32, #tpu.memory_space<hbm>>
      %dma_wait3A_82 = tpu.memref_slice %arg8[%mul3A_74] : memref<10240xf32, #tpu.memory_space<vmem_shared>> -> memref<640xf32, #tpu.memory_space<vmem_shared>>
      tpu.wait_dma2 semaphore(%run_scoped3A : memref<!tpu.dma_semaphore, #tpu.memory_space<semaphore_mem>>) src(%dma_wait3A_82 : memref<640xf32, #tpu.memory_space<vmem_shared>>) dst(%dma_wait3A_81 : memref<640xf32, #tpu.memory_space<hbm>>)
      tpu.yield
    }) : () -> ()
    return
  }
}

#map = affine_map<(d0, d1) -> (0, 0)>
#map1 = affine_map<(d0, d1) -> (0, 0, 0)>
module attributes {stable_mosaic.version = 14 : i64} {
  func.func @_scat_body(%arg0: i32, %arg1: i32, %arg2: memref<10000x128xf32, #tpu.memory_space<hbm>>, %arg3: memref<32x160x64xi32, #tpu.memory_space<hbm>>, %arg4: memref<2x10240x128xf32, #tpu.memory_space<hbm>>, %arg5: memref<160x64xi32, #tpu.memory_space<vmem>>, %arg6: memref<3x64xi32, #tpu.memory_space<vmem>>, %arg7: memref<3x64xi32, #tpu.memory_space<vmem>>, %arg8: memref<3x64x128xf32, #tpu.memory_space<vmem>>, %arg9: memref<!tpu.dma_semaphore, #tpu.memory_space<semaphore_mem>>, %arg10: memref<!tpu.dma_semaphore, #tpu.memory_space<semaphore_mem>>, %arg11: memref<!tpu.dma_semaphore, #tpu.memory_space<semaphore_mem>>, %arg12: memref<!tpu.dma_semaphore, #tpu.memory_space<semaphore_mem>>, %arg13: memref<!tpu.dma_semaphore, #tpu.memory_space<semaphore_mem>>, %arg14: memref<!tpu.dma_semaphore, #tpu.memory_space<semaphore_mem>>, %arg15: memref<10240x128xf32, #tpu.memory_space<vmem_shared>>) attributes {dimension_semantics = [#tpu.dimension_semantics<core_parallel>, #tpu.dimension_semantics<subcore_parallel>], iteration_bounds = array<i64: 2, 16>, scalar_prefetch = 0 : i64, scratch_operands = 11 : i64, tpu.core_type = #tpu.core_type<sc_vector_subcore>, window_params = [{transform_indices = #map}, {transform_indices = #map1}, {transform_indices = #map1}]} {
    %mul3A = arith.constant 16 : i32
    %mul3A_0 = arith.muli %arg0, %mul3A : i32
    %add3A = arith.addi %mul3A_0, %arg1 : i32
    %dma_start3A = arith.constant 0 : i32
    %dma_start3A_1 = arith.constant 0 : i32
    %dma_start3A_2 = tpu.memref_slice %arg3[%add3A, %dma_start3A, %dma_start3A_1] : memref<32x160x64xi32, #tpu.memory_space<hbm>> -> memref<1x160x64xi32, #tpu.memory_space<hbm>>
    %dma_start3A_3 = tpu.memref_squeeze %dma_start3A_2 : memref<1x160x64xi32, #tpu.memory_space<hbm>> -> memref<160x64xi32, #tpu.memory_space<hbm>>
    %dma_start3A_4 = arith.constant 0 : i32
    %dma_start3A_5 = arith.constant 0 : i32
    %dma_start3A_6 = tpu.memref_slice %arg3[%add3A, %dma_start3A_4, %dma_start3A_5] : memref<32x160x64xi32, #tpu.memory_space<hbm>> -> memref<1x160x64xi32, #tpu.memory_space<hbm>>
    %dma_start3A_7 = tpu.memref_squeeze %dma_start3A_6 : memref<1x160x64xi32, #tpu.memory_space<hbm>> -> memref<160x64xi32, #tpu.memory_space<hbm>>
    tpu.enqueue_dma source(%dma_start3A_7 : memref<160x64xi32, #tpu.memory_space<hbm>>) target(%arg5 : memref<160x64xi32, #tpu.memory_space<vmem>>) target_semaphore(%arg9 : memref<!tpu.dma_semaphore, #tpu.memory_space<semaphore_mem>>)
    %scan3A = arith.constant 0 : i32
    %scan3A_8 = arith.constant 64 : i32
    %scan3A_9 = arith.addi %scan3A, %scan3A_8 : i32
    %scan3A_10 = arith.constant 1 : i32
    scf.for %scan3A_1051 = %scan3A to %scan3A_9 step %scan3A_10  : i32 {
      %broadcast_in_dim3A = arith.constant 0.000000e+00 : f32
      %broadcast_in_dim3A_1052 = vector.broadcast %broadcast_in_dim3A : f32 to vector<16xf32>
      %swap3A_1053 = arith.constant 0 : i32
      %swap3A_1054 = arith.index_cast %swap3A_1053 : i32 to index
      %swap3A_1055 = arith.index_cast %scan3A_1051 : i32 to index
      %swap3A_1056 = arith.constant 0 : index
      %swap3A_1057 = tpu.vector_load %arg8[%swap3A_1054, %swap3A_1055, %swap3A_1056] {strides = array<i32>} : memref<3x64x128xf32, #tpu.memory_space<vmem>>, vector<1x1x16xf32>,
      %swap3A_1058 = vector.shape_cast %swap3A_1057 : vector<1x1x16xf32> to vector<16xf32>
      %swap3A_1059 = vector.shape_cast %broadcast_in_dim3A_1052 : vector<16xf32> to vector<1x1x16xf32>
      tpu.vector_store %arg8[%swap3A_1054, %swap3A_1055, %swap3A_1056], %swap3A_1059 {strides = array<i32>} : memref<3x64x128xf32, #tpu.memory_space<vmem>>, vector<1x1x16xf32>,
      %broadcast_in_dim3A_1060 = arith.constant 0.000000e+00 : f32
      %broadcast_in_dim3A_1061 = vector.broadcast %broadcast_in_dim3A_1060 : f32 to vector<16xf32>
      %swap3A_1062 = arith.constant 0 : i32
      %swap3A_1063 = arith.index_cast %swap3A_1062 : i32 to index
      %swap3A_1064 = arith.index_cast %scan3A_1051 : i32 to index
      %swap3A_1065 = arith.constant 16 : index
      %swap3A_1066 = tpu.vector_load %arg8[%swap3A_1063, %swap3A_1064, %swap3A_1065] {strides = array<i32>} : memref<3x64x128xf32, #tpu.memory_space<vmem>>, vector<1x1x16xf32>,
      %swap3A_1067 = vector.shape_cast %swap3A_1066 : vector<1x1x16xf32> to vector<16xf32>
      %swap3A_1068 = vector.shape_cast %broadcast_in_dim3A_1061 : vector<16xf32> to vector<1x1x16xf32>
      tpu.vector_store %arg8[%swap3A_1063, %swap3A_1064, %swap3A_1065], %swap3A_1068 {strides = array<i32>} : memref<3x64x128xf32, #tpu.memory_space<vmem>>, vector<1x1x16xf32>,
      %broadcast_in_dim3A_1069 = arith.constant 0.000000e+00 : f32
      %broadcast_in_dim3A_1070 = vector.broadcast %broadcast_in_dim3A_1069 : f32 to vector<16xf32>
      %swap3A_1071 = arith.constant 0 : i32
      %swap3A_1072 = arith.index_cast %swap3A_1071 : i32 to index
      %swap3A_1073 = arith.index_cast %scan3A_1051 : i32 to index
      %swap3A_1074 = arith.constant 32 : index
      %swap3A_1075 = tpu.vector_load %arg8[%swap3A_1072, %swap3A_1073, %swap3A_1074] {strides = array<i32>} : memref<3x64x128xf32, #tpu.memory_space<vmem>>, vector<1x1x16xf32>,
      %swap3A_1076 = vector.shape_cast %swap3A_1075 : vector<1x1x16xf32> to vector<16xf32>
      %swap3A_1077 = vector.shape_cast %broadcast_in_dim3A_1070 : vector<16xf32> to vector<1x1x16xf32>
      tpu.vector_store %arg8[%swap3A_1072, %swap3A_1073, %swap3A_1074], %swap3A_1077 {strides = array<i32>} : memref<3x64x128xf32, #tpu.memory_space<vmem>>, vector<1x1x16xf32>,
      %broadcast_in_dim3A_1078 = arith.constant 0.000000e+00 : f32
      %broadcast_in_dim3A_1079 = vector.broadcast %broadcast_in_dim3A_1078 : f32 to vector<16xf32>
      %swap3A_1080 = arith.constant 0 : i32
      %swap3A_1081 = arith.index_cast %swap3A_1080 : i32 to index
      %swap3A_1082 = arith.index_cast %scan3A_1051 : i32 to index
      %swap3A_1083 = arith.constant 48 : index
      %swap3A_1084 = tpu.vector_load %arg8[%swap3A_1081, %swap3A_1082, %swap3A_1083] {strides = array<i32>} : memref<3x64x128xf32, #tpu.memory_space<vmem>>, vector<1x1x16xf32>,
      %swap3A_1085 = vector.shape_cast %swap3A_1084 : vector<1x1x16xf32> to vector<16xf32>
      %swap3A_1086 = vector.shape_cast %broadcast_in_dim3A_1079 : vector<16xf32> to vector<1x1x16xf32>
      tpu.vector_store %arg8[%swap3A_1081, %swap3A_1082, %swap3A_1083], %swap3A_1086 {strides = array<i32>} : memref<3x64x128xf32, #tpu.memory_space<vmem>>, vector<1x1x16xf32>,
      %broadcast_in_dim3A_1087 = arith.constant 0.000000e+00 : f32
      %broadcast_in_dim3A_1088 = vector.broadcast %broadcast_in_dim3A_1087 : f32 to vector<16xf32>
      %swap3A_1089 = arith.constant 0 : i32
      %swap3A_1090 = arith.index_cast %swap3A_1089 : i32 to index
      %swap3A_1091 = arith.index_cast %scan3A_1051 : i32 to index
      %swap3A_1092 = arith.constant 64 : index
      %swap3A_1093 = tpu.vector_load %arg8[%swap3A_1090, %swap3A_1091, %swap3A_1092] {strides = array<i32>} : memref<3x64x128xf32, #tpu.memory_space<vmem>>, vector<1x1x16xf32>,
      %swap3A_1094 = vector.shape_cast %swap3A_1093 : vector<1x1x16xf32> to vector<16xf32>
      %swap3A_1095 = vector.shape_cast %broadcast_in_dim3A_1088 : vector<16xf32> to vector<1x1x16xf32>
      tpu.vector_store %arg8[%swap3A_1090, %swap3A_1091, %swap3A_1092], %swap3A_1095 {strides = array<i32>} : memref<3x64x128xf32, #tpu.memory_space<vmem>>, vector<1x1x16xf32>,
      %broadcast_in_dim3A_1096 = arith.constant 0.000000e+00 : f32
      %broadcast_in_dim3A_1097 = vector.broadcast %broadcast_in_dim3A_1096 : f32 to vector<16xf32>
      %swap3A_1098 = arith.constant 0 : i32
      %swap3A_1099 = arith.index_cast %swap3A_1098 : i32 to index
      %swap3A_1100 = arith.index_cast %scan3A_1051 : i32 to index
      %swap3A_1101 = arith.constant 80 : index
      %swap3A_1102 = tpu.vector_load %arg8[%swap3A_1099, %swap3A_1100, %swap3A_1101] {strides = array<i32>} : memref<3x64x128xf32, #tpu.memory_space<vmem>>, vector<1x1x16xf32>,
      %swap3A_1103 = vector.shape_cast %swap3A_1102 : vector<1x1x16xf32> to vector<16xf32>
      %swap3A_1104 = vector.shape_cast %broadcast_in_dim3A_1097 : vector<16xf32> to vector<1x1x16xf32>
      tpu.vector_store %arg8[%swap3A_1099, %swap3A_1100, %swap3A_1101], %swap3A_1104 {strides = array<i32>} : memref<3x64x128xf32, #tpu.memory_space<vmem>>, vector<1x1x16xf32>,
      %broadcast_in_dim3A_1105 = arith.constant 0.000000e+00 : f32
      %broadcast_in_dim3A_1106 = vector.broadcast %broadcast_in_dim3A_1105 : f32 to vector<16xf32>
      %swap3A_1107 = arith.constant 0 : i32
      %swap3A_1108 = arith.index_cast %swap3A_1107 : i32 to index
      %swap3A_1109 = arith.index_cast %scan3A_1051 : i32 to index
      %swap3A_1110 = arith.constant 96 : index
      %swap3A_1111 = tpu.vector_load %arg8[%swap3A_1108, %swap3A_1109, %swap3A_1110] {strides = array<i32>} : memref<3x64x128xf32, #tpu.memory_space<vmem>>, vector<1x1x16xf32>,
      %swap3A_1112 = vector.shape_cast %swap3A_1111 : vector<1x1x16xf32> to vector<16xf32>
      %swap3A_1113 = vector.shape_cast %broadcast_in_dim3A_1106 : vector<16xf32> to vector<1x1x16xf32>
      tpu.vector_store %arg8[%swap3A_1108, %swap3A_1109, %swap3A_1110], %swap3A_1113 {strides = array<i32>} : memref<3x64x128xf32, #tpu.memory_space<vmem>>, vector<1x1x16xf32>,
      %broadcast_in_dim3A_1114 = arith.constant 0.000000e+00 : f32
      %broadcast_in_dim3A_1115 = vector.broadcast %broadcast_in_dim3A_1114 : f32 to vector<16xf32>
      %swap3A_1116 = arith.constant 0 : i32
      %swap3A_1117 = arith.index_cast %swap3A_1116 : i32 to index
      %swap3A_1118 = arith.index_cast %scan3A_1051 : i32 to index
      %swap3A_1119 = arith.constant 112 : index
      %swap3A_1120 = tpu.vector_load %arg8[%swap3A_1117, %swap3A_1118, %swap3A_1119] {strides = array<i32>} : memref<3x64x128xf32, #tpu.memory_space<vmem>>, vector<1x1x16xf32>,
      %swap3A_1121 = vector.shape_cast %swap3A_1120 : vector<1x1x16xf32> to vector<16xf32>
      %swap3A_1122 = vector.shape_cast %broadcast_in_dim3A_1115 : vector<16xf32> to vector<1x1x16xf32>
      tpu.vector_store %arg8[%swap3A_1117, %swap3A_1118, %swap3A_1119], %swap3A_1122 {strides = array<i32>} : memref<3x64x128xf32, #tpu.memory_space<vmem>>, vector<1x1x16xf32>,
    }
    %scan3A_11 = arith.constant 64 : i32
    %mul3A_12 = arith.constant 640 : i32
    %mul3A_13 = arith.muli %arg1, %mul3A_12 : i32
    %add3A_14 = arith.constant 0 : i32
    %add3A_15 = arith.addi %mul3A_13, %add3A_14 : i32
    %dma_start3A_16 = arith.constant 0 : i32
    %dma_start3A_17 = arith.constant 0 : i32
    %dma_start3A_18 = arith.constant 0 : i32
    %dma_start3A_19 = tpu.memref_slice %arg8[%dma_start3A_16, %dma_start3A_17, %dma_start3A_18] : memref<3x64x128xf32, #tpu.memory_space<vmem>> -> memref<1x64x128xf32, #tpu.memory_space<vmem>>
    %dma_start3A_20 = tpu.memref_squeeze %dma_start3A_19 : memref<1x64x128xf32, #tpu.memory_space<vmem>> -> memref<64x128xf32, #tpu.memory_space<vmem>>
    %dma_start3A_21 = arith.constant 0 : i32
    %dma_start3A_22 = tpu.memref_slice %arg15[%add3A_15, %dma_start3A_21] : memref<10240x128xf32, #tpu.memory_space<vmem_shared>> -> memref<64x128xf32, #tpu.memory_space<vmem_shared>>
    %dma_start3A_23 = arith.constant 0 : i32
    %dma_start3A_24 = tpu.memref_slice %arg15[%add3A_15, %dma_start3A_23] : memref<10240x128xf32, #tpu.memory_space<vmem_shared>> -> memref<64x128xf32, #tpu.memory_space<vmem_shared>>
    %dma_start3A_25 = arith.constant 0 : i32
    %dma_start3A_26 = arith.constant 0 : i32
    %dma_start3A_27 = tpu.memref_slice %arg8[%dma_start3A_16, %dma_start3A_25, %dma_start3A_26] : memref<3x64x128xf32, #tpu.memory_space<vmem>> -> memref<1x64x128xf32, #tpu.memory_space<vmem>>
    %dma_start3A_28 = tpu.memref_squeeze %dma_start3A_27 : memref<1x64x128xf32, #tpu.memory_space<vmem>> -> memref<64x128xf32, #tpu.memory_space<vmem>>
    tpu.enqueue_dma source(%dma_start3A_28 : memref<64x128xf32, #tpu.memory_space<vmem>>) target(%dma_start3A_24 : memref<64x128xf32, #tpu.memory_space<vmem_shared>>) target_semaphore(%arg12 : memref<!tpu.dma_semaphore, #tpu.memory_space<semaphore_mem>>)
    %mul3A_29 = arith.constant 640 : i32
    %mul3A_30 = arith.muli %arg1, %mul3A_29 : i32
    %add3A_31 = arith.constant 64 : i32
    %add3A_32 = arith.addi %mul3A_30, %add3A_31 : i32
    %dma_start3A_33 = arith.constant 0 : i32
    %dma_start3A_34 = arith.constant 0 : i32
    %dma_start3A_35 = arith.constant 0 : i32
    %dma_start3A_36 = tpu.memref_slice %arg8[%dma_start3A_33, %dma_start3A_34, %dma_start3A_35] : memref<3x64x128xf32, #tpu.memory_space<vmem>> -> memref<1x64x128xf32, #tpu.memory_space<vmem>>
    %dma_start3A_37 = tpu.memref_squeeze %dma_start3A_36 : memref<1x64x128xf32, #tpu.memory_space<vmem>> -> memref<64x128xf32, #tpu.memory_space<vmem>>
    %dma_start3A_38 = arith.constant 0 : i32
    %dma_start3A_39 = tpu.memref_slice %arg15[%add3A_32, %dma_start3A_38] : memref<10240x128xf32, #tpu.memory_space<vmem_shared>> -> memref<64x128xf32, #tpu.memory_space<vmem_shared>>
    %dma_start3A_40 = arith.constant 0 : i32
    %dma_start3A_41 = tpu.memref_slice %arg15[%add3A_32, %dma_start3A_40] : memref<10240x128xf32, #tpu.memory_space<vmem_shared>> -> memref<64x128xf32, #tpu.memory_space<vmem_shared>>
    %dma_start3A_42 = arith.constant 0 : i32
    %dma_start3A_43 = arith.constant 0 : i32
    %dma_start3A_44 = tpu.memref_slice %arg8[%dma_start3A_33, %dma_start3A_42, %dma_start3A_43] : memref<3x64x128xf32, #tpu.memory_space<vmem>> -> memref<1x64x128xf32, #tpu.memory_space<vmem>>
    %dma_start3A_45 = tpu.memref_squeeze %dma_start3A_44 : memref<1x64x128xf32, #tpu.memory_space<vmem>> -> memref<64x128xf32, #tpu.memory_space<vmem>>
    tpu.enqueue_dma source(%dma_start3A_45 : memref<64x128xf32, #tpu.memory_space<vmem>>) target(%dma_start3A_41 : memref<64x128xf32, #tpu.memory_space<vmem_shared>>) target_semaphore(%arg12 : memref<!tpu.dma_semaphore, #tpu.memory_space<semaphore_mem>>)
    %mul3A_46 = arith.constant 640 : i32
    %mul3A_47 = arith.muli %arg1, %mul3A_46 : i32
    %add3A_48 = arith.constant 128 : i32
    %add3A_49 = arith.addi %mul3A_47, %add3A_48 : i32
    %dma_start3A_50 = arith.constant 0 : i32
    %dma_start3A_51 = arith.constant 0 : i32
    %dma_start3A_52 = arith.constant 0 : i32
    %dma_start3A_53 = tpu.memref_slice %arg8[%dma_start3A_50, %dma_start3A_51, %dma_start3A_52] : memref<3x64x128xf32, #tpu.memory_space<vmem>> -> memref<1x64x128xf32, #tpu.memory_space<vmem>>
    %dma_start3A_54 = tpu.memref_squeeze %dma_start3A_53 : memref<1x64x128xf32, #tpu.memory_space<vmem>> -> memref<64x128xf32, #tpu.memory_space<vmem>>
    %dma_start3A_55 = arith.constant 0 : i32
    %dma_start3A_56 = tpu.memref_slice %arg15[%add3A_49, %dma_start3A_55] : memref<10240x128xf32, #tpu.memory_space<vmem_shared>> -> memref<64x128xf32, #tpu.memory_space<vmem_shared>>
    %dma_start3A_57 = arith.constant 0 : i32
    %dma_start3A_58 = tpu.memref_slice %arg15[%add3A_49, %dma_start3A_57] : memref<10240x128xf32, #tpu.memory_space<vmem_shared>> -> memref<64x128xf32, #tpu.memory_space<vmem_shared>>
    %dma_start3A_59 = arith.constant 0 : i32
    %dma_start3A_60 = arith.constant 0 : i32
    %dma_start3A_61 = tpu.memref_slice %arg8[%dma_start3A_50, %dma_start3A_59, %dma_start3A_60] : memref<3x64x128xf32, #tpu.memory_space<vmem>> -> memref<1x64x128xf32, #tpu.memory_space<vmem>>
    %dma_start3A_62 = tpu.memref_squeeze %dma_start3A_61 : memref<1x64x128xf32, #tpu.memory_space<vmem>> -> memref<64x128xf32, #tpu.memory_space<vmem>>
    tpu.enqueue_dma source(%dma_start3A_62 : memref<64x128xf32, #tpu.memory_space<vmem>>) target(%dma_start3A_58 : memref<64x128xf32, #tpu.memory_space<vmem_shared>>) target_semaphore(%arg12 : memref<!tpu.dma_semaphore, #tpu.memory_space<semaphore_mem>>)
    %mul3A_63 = arith.constant 640 : i32
    %mul3A_64 = arith.muli %arg1, %mul3A_63 : i32
    %add3A_65 = arith.constant 192 : i32
    %add3A_66 = arith.addi %mul3A_64, %add3A_65 : i32
    %dma_start3A_67 = arith.constant 0 : i32
    %dma_start3A_68 = arith.constant 0 : i32
    %dma_start3A_69 = arith.constant 0 : i32
    %dma_start3A_70 = tpu.memref_slice %arg8[%dma_start3A_67, %dma_start3A_68, %dma_start3A_69] : memref<3x64x128xf32, #tpu.memory_space<vmem>> -> memref<1x64x128xf32, #tpu.memory_space<vmem>>
    %dma_start3A_71 = tpu.memref_squeeze %dma_start3A_70 : memref<1x64x128xf32, #tpu.memory_space<vmem>> -> memref<64x128xf32, #tpu.memory_space<vmem>>
    %dma_start3A_72 = arith.constant 0 : i32
    %dma_start3A_73 = tpu.memref_slice %arg15[%add3A_66, %dma_start3A_72] : memref<10240x128xf32, #tpu.memory_space<vmem_shared>> -> memref<64x128xf32, #tpu.memory_space<vmem_shared>>
    %dma_start3A_74 = arith.constant 0 : i32
    %dma_start3A_75 = tpu.memref_slice %arg15[%add3A_66, %dma_start3A_74] : memref<10240x128xf32, #tpu.memory_space<vmem_shared>> -> memref<64x128xf32, #tpu.memory_space<vmem_shared>>
    %dma_start3A_76 = arith.constant 0 : i32
    %dma_start3A_77 = arith.constant 0 : i32
    %dma_start3A_78 = tpu.memref_slice %arg8[%dma_start3A_67, %dma_start3A_76, %dma_start3A_77] : memref<3x64x128xf32, #tpu.memory_space<vmem>> -> memref<1x64x128xf32, #tpu.memory_space<vmem>>
    %dma_start3A_79 = tpu.memref_squeeze %dma_start3A_78 : memref<1x64x128xf32, #tpu.memory_space<vmem>> -> memref<64x128xf32, #tpu.memory_space<vmem>>
    tpu.enqueue_dma source(%dma_start3A_79 : memref<64x128xf32, #tpu.memory_space<vmem>>) target(%dma_start3A_75 : memref<64x128xf32, #tpu.memory_space<vmem_shared>>) target_semaphore(%arg12 : memref<!tpu.dma_semaphore, #tpu.memory_space<semaphore_mem>>)
    %mul3A_80 = arith.constant 640 : i32
    %mul3A_81 = arith.muli %arg1, %mul3A_80 : i32
    %add3A_82 = arith.constant 256 : i32
    %add3A_83 = arith.addi %mul3A_81, %add3A_82 : i32
    %dma_start3A_84 = arith.constant 0 : i32
    %dma_start3A_85 = arith.constant 0 : i32
    %dma_start3A_86 = arith.constant 0 : i32
    %dma_start3A_87 = tpu.memref_slice %arg8[%dma_start3A_84, %dma_start3A_85, %dma_start3A_86] : memref<3x64x128xf32, #tpu.memory_space<vmem>> -> memref<1x64x128xf32, #tpu.memory_space<vmem>>
    %dma_start3A_88 = tpu.memref_squeeze %dma_start3A_87 : memref<1x64x128xf32, #tpu.memory_space<vmem>> -> memref<64x128xf32, #tpu.memory_space<vmem>>
    %dma_start3A_89 = arith.constant 0 : i32
    %dma_start3A_90 = tpu.memref_slice %arg15[%add3A_83, %dma_start3A_89] : memref<10240x128xf32, #tpu.memory_space<vmem_shared>> -> memref<64x128xf32, #tpu.memory_space<vmem_shared>>
    %dma_start3A_91 = arith.constant 0 : i32
    %dma_start3A_92 = tpu.memref_slice %arg15[%add3A_83, %dma_start3A_91] : memref<10240x128xf32, #tpu.memory_space<vmem_shared>> -> memref<64x128xf32, #tpu.memory_space<vmem_shared>>
    %dma_start3A_93 = arith.constant 0 : i32
    %dma_start3A_94 = arith.constant 0 : i32
    %dma_start3A_95 = tpu.memref_slice %arg8[%dma_start3A_84, %dma_start3A_93, %dma_start3A_94] : memref<3x64x128xf32, #tpu.memory_space<vmem>> -> memref<1x64x128xf32, #tpu.memory_space<vmem>>
    %dma_start3A_96 = tpu.memref_squeeze %dma_start3A_95 : memref<1x64x128xf32, #tpu.memory_space<vmem>> -> memref<64x128xf32, #tpu.memory_space<vmem>>
    tpu.enqueue_dma source(%dma_start3A_96 : memref<64x128xf32, #tpu.memory_space<vmem>>) target(%dma_start3A_92 : memref<64x128xf32, #tpu.memory_space<vmem_shared>>) target_semaphore(%arg12 : memref<!tpu.dma_semaphore, #tpu.memory_space<semaphore_mem>>)
    %mul3A_97 = arith.constant 640 : i32
    %mul3A_98 = arith.muli %arg1, %mul3A_97 : i32
    %add3A_99 = arith.constant 320 : i32
    %add3A_100 = arith.addi %mul3A_98, %add3A_99 : i32
    %dma_start3A_101 = arith.constant 0 : i32
    %dma_start3A_102 = arith.constant 0 : i32
    %dma_start3A_103 = arith.constant 0 : i32
    %dma_start3A_104 = tpu.memref_slice %arg8[%dma_start3A_101, %dma_start3A_102, %dma_start3A_103] : memref<3x64x128xf32, #tpu.memory_space<vmem>> -> memref<1x64x128xf32, #tpu.memory_space<vmem>>
    %dma_start3A_105 = tpu.memref_squeeze %dma_start3A_104 : memref<1x64x128xf32, #tpu.memory_space<vmem>> -> memref<64x128xf32, #tpu.memory_space<vmem>>
    %dma_start3A_106 = arith.constant 0 : i32
    %dma_start3A_107 = tpu.memref_slice %arg15[%add3A_100, %dma_start3A_106] : memref<10240x128xf32, #tpu.memory_space<vmem_shared>> -> memref<64x128xf32, #tpu.memory_space<vmem_shared>>
    %dma_start3A_108 = arith.constant 0 : i32
    %dma_start3A_109 = tpu.memref_slice %arg15[%add3A_100, %dma_start3A_108] : memref<10240x128xf32, #tpu.memory_space<vmem_shared>> -> memref<64x128xf32, #tpu.memory_space<vmem_shared>>
    %dma_start3A_110 = arith.constant 0 : i32
    %dma_start3A_111 = arith.constant 0 : i32
    %dma_start3A_112 = tpu.memref_slice %arg8[%dma_start3A_101, %dma_start3A_110, %dma_start3A_111] : memref<3x64x128xf32, #tpu.memory_space<vmem>> -> memref<1x64x128xf32, #tpu.memory_space<vmem>>
    %dma_start3A_113 = tpu.memref_squeeze %dma_start3A_112 : memref<1x64x128xf32, #tpu.memory_space<vmem>> -> memref<64x128xf32, #tpu.memory_space<vmem>>
    tpu.enqueue_dma source(%dma_start3A_113 : memref<64x128xf32, #tpu.memory_space<vmem>>) target(%dma_start3A_109 : memref<64x128xf32, #tpu.memory_space<vmem_shared>>) target_semaphore(%arg12 : memref<!tpu.dma_semaphore, #tpu.memory_space<semaphore_mem>>)
    %mul3A_114 = arith.constant 640 : i32
    %mul3A_115 = arith.muli %arg1, %mul3A_114 : i32
    %add3A_116 = arith.constant 384 : i32
    %add3A_117 = arith.addi %mul3A_115, %add3A_116 : i32
    %dma_start3A_118 = arith.constant 0 : i32
    %dma_start3A_119 = arith.constant 0 : i32
    %dma_start3A_120 = arith.constant 0 : i32
    %dma_start3A_121 = tpu.memref_slice %arg8[%dma_start3A_118, %dma_start3A_119, %dma_start3A_120] : memref<3x64x128xf32, #tpu.memory_space<vmem>> -> memref<1x64x128xf32, #tpu.memory_space<vmem>>
    %dma_start3A_122 = tpu.memref_squeeze %dma_start3A_121 : memref<1x64x128xf32, #tpu.memory_space<vmem>> -> memref<64x128xf32, #tpu.memory_space<vmem>>
    %dma_start3A_123 = arith.constant 0 : i32
    %dma_start3A_124 = tpu.memref_slice %arg15[%add3A_117, %dma_start3A_123] : memref<10240x128xf32, #tpu.memory_space<vmem_shared>> -> memref<64x128xf32, #tpu.memory_space<vmem_shared>>
    %dma_start3A_125 = arith.constant 0 : i32
    %dma_start3A_126 = tpu.memref_slice %arg15[%add3A_117, %dma_start3A_125] : memref<10240x128xf32, #tpu.memory_space<vmem_shared>> -> memref<64x128xf32, #tpu.memory_space<vmem_shared>>
    %dma_start3A_127 = arith.constant 0 : i32
    %dma_start3A_128 = arith.constant 0 : i32
    %dma_start3A_129 = tpu.memref_slice %arg8[%dma_start3A_118, %dma_start3A_127, %dma_start3A_128] : memref<3x64x128xf32, #tpu.memory_space<vmem>> -> memref<1x64x128xf32, #tpu.memory_space<vmem>>
    %dma_start3A_130 = tpu.memref_squeeze %dma_start3A_129 : memref<1x64x128xf32, #tpu.memory_space<vmem>> -> memref<64x128xf32, #tpu.memory_space<vmem>>
    tpu.enqueue_dma source(%dma_start3A_130 : memref<64x128xf32, #tpu.memory_space<vmem>>) target(%dma_start3A_126 : memref<64x128xf32, #tpu.memory_space<vmem_shared>>) target_semaphore(%arg12 : memref<!tpu.dma_semaphore, #tpu.memory_space<semaphore_mem>>)
    %mul3A_131 = arith.constant 640 : i32
    %mul3A_132 = arith.muli %arg1, %mul3A_131 : i32
    %add3A_133 = arith.constant 448 : i32
    %add3A_134 = arith.addi %mul3A_132, %add3A_133 : i32
    %dma_start3A_135 = arith.constant 0 : i32
    %dma_start3A_136 = arith.constant 0 : i32
    %dma_start3A_137 = arith.constant 0 : i32
    %dma_start3A_138 = tpu.memref_slice %arg8[%dma_start3A_135, %dma_start3A_136, %dma_start3A_137] : memref<3x64x128xf32, #tpu.memory_space<vmem>> -> memref<1x64x128xf32, #tpu.memory_space<vmem>>
    %dma_start3A_139 = tpu.memref_squeeze %dma_start3A_138 : memref<1x64x128xf32, #tpu.memory_space<vmem>> -> memref<64x128xf32, #tpu.memory_space<vmem>>
    %dma_start3A_140 = arith.constant 0 : i32
    %dma_start3A_141 = tpu.memref_slice %arg15[%add3A_134, %dma_start3A_140] : memref<10240x128xf32, #tpu.memory_space<vmem_shared>> -> memref<64x128xf32, #tpu.memory_space<vmem_shared>>
    %dma_start3A_142 = arith.constant 0 : i32
    %dma_start3A_143 = tpu.memref_slice %arg15[%add3A_134, %dma_start3A_142] : memref<10240x128xf32, #tpu.memory_space<vmem_shared>> -> memref<64x128xf32, #tpu.memory_space<vmem_shared>>
    %dma_start3A_144 = arith.constant 0 : i32
    %dma_start3A_145 = arith.constant 0 : i32
    %dma_start3A_146 = tpu.memref_slice %arg8[%dma_start3A_135, %dma_start3A_144, %dma_start3A_145] : memref<3x64x128xf32, #tpu.memory_space<vmem>> -> memref<1x64x128xf32, #tpu.memory_space<vmem>>
    %dma_start3A_147 = tpu.memref_squeeze %dma_start3A_146 : memref<1x64x128xf32, #tpu.memory_space<vmem>> -> memref<64x128xf32, #tpu.memory_space<vmem>>
    tpu.enqueue_dma source(%dma_start3A_147 : memref<64x128xf32, #tpu.memory_space<vmem>>) target(%dma_start3A_143 : memref<64x128xf32, #tpu.memory_space<vmem_shared>>) target_semaphore(%arg12 : memref<!tpu.dma_semaphore, #tpu.memory_space<semaphore_mem>>)
    %mul3A_148 = arith.constant 640 : i32
    %mul3A_149 = arith.muli %arg1, %mul3A_148 : i32
    %add3A_150 = arith.constant 512 : i32
    %add3A_151 = arith.addi %mul3A_149, %add3A_150 : i32
    %dma_start3A_152 = arith.constant 0 : i32
    %dma_start3A_153 = arith.constant 0 : i32
    %dma_start3A_154 = arith.constant 0 : i32
    %dma_start3A_155 = tpu.memref_slice %arg8[%dma_start3A_152, %dma_start3A_153, %dma_start3A_154] : memref<3x64x128xf32, #tpu.memory_space<vmem>> -> memref<1x64x128xf32, #tpu.memory_space<vmem>>
    %dma_start3A_156 = tpu.memref_squeeze %dma_start3A_155 : memref<1x64x128xf32, #tpu.memory_space<vmem>> -> memref<64x128xf32, #tpu.memory_space<vmem>>
    %dma_start3A_157 = arith.constant 0 : i32
    %dma_start3A_158 = tpu.memref_slice %arg15[%add3A_151, %dma_start3A_157] : memref<10240x128xf32, #tpu.memory_space<vmem_shared>> -> memref<64x128xf32, #tpu.memory_space<vmem_shared>>
    %dma_start3A_159 = arith.constant 0 : i32
    %dma_start3A_160 = tpu.memref_slice %arg15[%add3A_151, %dma_start3A_159] : memref<10240x128xf32, #tpu.memory_space<vmem_shared>> -> memref<64x128xf32, #tpu.memory_space<vmem_shared>>
    %dma_start3A_161 = arith.constant 0 : i32
    %dma_start3A_162 = arith.constant 0 : i32
    %dma_start3A_163 = tpu.memref_slice %arg8[%dma_start3A_152, %dma_start3A_161, %dma_start3A_162] : memref<3x64x128xf32, #tpu.memory_space<vmem>> -> memref<1x64x128xf32, #tpu.memory_space<vmem>>
    %dma_start3A_164 = tpu.memref_squeeze %dma_start3A_163 : memref<1x64x128xf32, #tpu.memory_space<vmem>> -> memref<64x128xf32, #tpu.memory_space<vmem>>
    tpu.enqueue_dma source(%dma_start3A_164 : memref<64x128xf32, #tpu.memory_space<vmem>>) target(%dma_start3A_160 : memref<64x128xf32, #tpu.memory_space<vmem_shared>>) target_semaphore(%arg12 : memref<!tpu.dma_semaphore, #tpu.memory_space<semaphore_mem>>)
    %mul3A_165 = arith.constant 640 : i32
    %mul3A_166 = arith.muli %arg1, %mul3A_165 : i32
    %add3A_167 = arith.constant 576 : i32
    %add3A_168 = arith.addi %mul3A_166, %add3A_167 : i32
    %dma_start3A_169 = arith.constant 0 : i32
    %dma_start3A_170 = arith.constant 0 : i32
    %dma_start3A_171 = arith.constant 0 : i32
    %dma_start3A_172 = tpu.memref_slice %arg8[%dma_start3A_169, %dma_start3A_170, %dma_start3A_171] : memref<3x64x128xf32, #tpu.memory_space<vmem>> -> memref<1x64x128xf32, #tpu.memory_space<vmem>>
    %dma_start3A_173 = tpu.memref_squeeze %dma_start3A_172 : memref<1x64x128xf32, #tpu.memory_space<vmem>> -> memref<64x128xf32, #tpu.memory_space<vmem>>
    %dma_start3A_174 = arith.constant 0 : i32
    %dma_start3A_175 = tpu.memref_slice %arg15[%add3A_168, %dma_start3A_174] : memref<10240x128xf32, #tpu.memory_space<vmem_shared>> -> memref<64x128xf32, #tpu.memory_space<vmem_shared>>
    %dma_start3A_176 = arith.constant 0 : i32
    %dma_start3A_177 = tpu.memref_slice %arg15[%add3A_168, %dma_start3A_176] : memref<10240x128xf32, #tpu.memory_space<vmem_shared>> -> memref<64x128xf32, #tpu.memory_space<vmem_shared>>
    %dma_start3A_178 = arith.constant 0 : i32
    %dma_start3A_179 = arith.constant 0 : i32
    %dma_start3A_180 = tpu.memref_slice %arg8[%dma_start3A_169, %dma_start3A_178, %dma_start3A_179] : memref<3x64x128xf32, #tpu.memory_space<vmem>> -> memref<1x64x128xf32, #tpu.memory_space<vmem>>
    %dma_start3A_181 = tpu.memref_squeeze %dma_start3A_180 : memref<1x64x128xf32, #tpu.memory_space<vmem>> -> memref<64x128xf32, #tpu.memory_space<vmem>>
    tpu.enqueue_dma source(%dma_start3A_181 : memref<64x128xf32, #tpu.memory_space<vmem>>) target(%dma_start3A_177 : memref<64x128xf32, #tpu.memory_space<vmem_shared>>) target_semaphore(%arg12 : memref<!tpu.dma_semaphore, #tpu.memory_space<semaphore_mem>>)
    %mul3A_182 = arith.constant 640 : i32
    %mul3A_183 = arith.muli %arg1, %mul3A_182 : i32
    %add3A_184 = arith.constant 0 : i32
    %add3A_185 = arith.addi %mul3A_183, %add3A_184 : i32
    %dma_wait3A = arith.constant 0 : i32
    %dma_wait3A_186 = arith.constant 0 : i32
    %dma_wait3A_187 = arith.constant 0 : i32
    %dma_wait3A_188 = tpu.memref_slice %arg8[%dma_wait3A, %dma_wait3A_186, %dma_wait3A_187] : memref<3x64x128xf32, #tpu.memory_space<vmem>> -> memref<1x64x128xf32, #tpu.memory_space<vmem>>
    %dma_wait3A_189 = tpu.memref_squeeze %dma_wait3A_188 : memref<1x64x128xf32, #tpu.memory_space<vmem>> -> memref<64x128xf32, #tpu.memory_space<vmem>>
    %dma_wait3A_190 = arith.constant 0 : i32
    %dma_wait3A_191 = tpu.memref_slice %arg15[%add3A_185, %dma_wait3A_190] : memref<10240x128xf32, #tpu.memory_space<vmem_shared>> -> memref<64x128xf32, #tpu.memory_space<vmem_shared>>
    %dma_wait3A_192 = arith.constant 0 : i32
    %dma_wait3A_193 = tpu.memref_slice %arg15[%add3A_185, %dma_wait3A_192] : memref<10240x128xf32, #tpu.memory_space<vmem_shared>> -> memref<64x128xf32, #tpu.memory_space<vmem_shared>>
    %dma_wait3A_194 = arith.constant 0 : i32
    %dma_wait3A_195 = arith.constant 0 : i32
    %dma_wait3A_196 = tpu.memref_slice %arg8[%dma_wait3A, %dma_wait3A_194, %dma_wait3A_195] : memref<3x64x128xf32, #tpu.memory_space<vmem>> -> memref<1x64x128xf32, #tpu.memory_space<vmem>>
    %dma_wait3A_197 = tpu.memref_squeeze %dma_wait3A_196 : memref<1x64x128xf32, #tpu.memory_space<vmem>> -> memref<64x128xf32, #tpu.memory_space<vmem>>
    tpu.wait_dma2 semaphore(%arg12 : memref<!tpu.dma_semaphore, #tpu.memory_space<semaphore_mem>>) src(%dma_wait3A_197 : memref<64x128xf32, #tpu.memory_space<vmem>>) dst(%dma_wait3A_193 : memref<64x128xf32, #tpu.memory_space<vmem_shared>>)
    %mul3A_198 = arith.constant 640 : i32
    %mul3A_199 = arith.muli %arg1, %mul3A_198 : i32
    %add3A_200 = arith.constant 64 : i32
    %add3A_201 = arith.addi %mul3A_199, %add3A_200 : i32
    %dma_wait3A_202 = arith.constant 0 : i32
    %dma_wait3A_203 = arith.constant 0 : i32
    %dma_wait3A_204 = arith.constant 0 : i32
    %dma_wait3A_205 = tpu.memref_slice %arg8[%dma_wait3A_202, %dma_wait3A_203, %dma_wait3A_204] : memref<3x64x128xf32, #tpu.memory_space<vmem>> -> memref<1x64x128xf32, #tpu.memory_space<vmem>>
    %dma_wait3A_206 = tpu.memref_squeeze %dma_wait3A_205 : memref<1x64x128xf32, #tpu.memory_space<vmem>> -> memref<64x128xf32, #tpu.memory_space<vmem>>
    %dma_wait3A_207 = arith.constant 0 : i32
    %dma_wait3A_208 = tpu.memref_slice %arg15[%add3A_201, %dma_wait3A_207] : memref<10240x128xf32, #tpu.memory_space<vmem_shared>> -> memref<64x128xf32, #tpu.memory_space<vmem_shared>>
    %dma_wait3A_209 = arith.constant 0 : i32
    %dma_wait3A_210 = tpu.memref_slice %arg15[%add3A_201, %dma_wait3A_209] : memref<10240x128xf32, #tpu.memory_space<vmem_shared>> -> memref<64x128xf32, #tpu.memory_space<vmem_shared>>
    %dma_wait3A_211 = arith.constant 0 : i32
    %dma_wait3A_212 = arith.constant 0 : i32
    %dma_wait3A_213 = tpu.memref_slice %arg8[%dma_wait3A_202, %dma_wait3A_211, %dma_wait3A_212] : memref<3x64x128xf32, #tpu.memory_space<vmem>> -> memref<1x64x128xf32, #tpu.memory_space<vmem>>
    %dma_wait3A_214 = tpu.memref_squeeze %dma_wait3A_213 : memref<1x64x128xf32, #tpu.memory_space<vmem>> -> memref<64x128xf32, #tpu.memory_space<vmem>>
    tpu.wait_dma2 semaphore(%arg12 : memref<!tpu.dma_semaphore, #tpu.memory_space<semaphore_mem>>) src(%dma_wait3A_214 : memref<64x128xf32, #tpu.memory_space<vmem>>) dst(%dma_wait3A_210 : memref<64x128xf32, #tpu.memory_space<vmem_shared>>)
    %mul3A_215 = arith.constant 640 : i32
    %mul3A_216 = arith.muli %arg1, %mul3A_215 : i32
    %add3A_217 = arith.constant 128 : i32
    %add3A_218 = arith.addi %mul3A_216, %add3A_217 : i32
    %dma_wait3A_219 = arith.constant 0 : i32
    %dma_wait3A_220 = arith.constant 0 : i32
    %dma_wait3A_221 = arith.constant 0 : i32
    %dma_wait3A_222 = tpu.memref_slice %arg8[%dma_wait3A_219, %dma_wait3A_220, %dma_wait3A_221] : memref<3x64x128xf32, #tpu.memory_space<vmem>> -> memref<1x64x128xf32, #tpu.memory_space<vmem>>
    %dma_wait3A_223 = tpu.memref_squeeze %dma_wait3A_222 : memref<1x64x128xf32, #tpu.memory_space<vmem>> -> memref<64x128xf32, #tpu.memory_space<vmem>>
    %dma_wait3A_224 = arith.constant 0 : i32
    %dma_wait3A_225 = tpu.memref_slice %arg15[%add3A_218, %dma_wait3A_224] : memref<10240x128xf32, #tpu.memory_space<vmem_shared>> -> memref<64x128xf32, #tpu.memory_space<vmem_shared>>
    %dma_wait3A_226 = arith.constant 0 : i32
    %dma_wait3A_227 = tpu.memref_slice %arg15[%add3A_218, %dma_wait3A_226] : memref<10240x128xf32, #tpu.memory_space<vmem_shared>> -> memref<64x128xf32, #tpu.memory_space<vmem_shared>>
    %dma_wait3A_228 = arith.constant 0 : i32
    %dma_wait3A_229 = arith.constant 0 : i32
    %dma_wait3A_230 = tpu.memref_slice %arg8[%dma_wait3A_219, %dma_wait3A_228, %dma_wait3A_229] : memref<3x64x128xf32, #tpu.memory_space<vmem>> -> memref<1x64x128xf32, #tpu.memory_space<vmem>>
    %dma_wait3A_231 = tpu.memref_squeeze %dma_wait3A_230 : memref<1x64x128xf32, #tpu.memory_space<vmem>> -> memref<64x128xf32, #tpu.memory_space<vmem>>
    tpu.wait_dma2 semaphore(%arg12 : memref<!tpu.dma_semaphore, #tpu.memory_space<semaphore_mem>>) src(%dma_wait3A_231 : memref<64x128xf32, #tpu.memory_space<vmem>>) dst(%dma_wait3A_227 : memref<64x128xf32, #tpu.memory_space<vmem_shared>>)
    %mul3A_232 = arith.constant 640 : i32
    %mul3A_233 = arith.muli %arg1, %mul3A_232 : i32
    %add3A_234 = arith.constant 192 : i32
    %add3A_235 = arith.addi %mul3A_233, %add3A_234 : i32
    %dma_wait3A_236 = arith.constant 0 : i32
    %dma_wait3A_237 = arith.constant 0 : i32
    %dma_wait3A_238 = arith.constant 0 : i32
    %dma_wait3A_239 = tpu.memref_slice %arg8[%dma_wait3A_236, %dma_wait3A_237, %dma_wait3A_238] : memref<3x64x128xf32, #tpu.memory_space<vmem>> -> memref<1x64x128xf32, #tpu.memory_space<vmem>>
    %dma_wait3A_240 = tpu.memref_squeeze %dma_wait3A_239 : memref<1x64x128xf32, #tpu.memory_space<vmem>> -> memref<64x128xf32, #tpu.memory_space<vmem>>
    %dma_wait3A_241 = arith.constant 0 : i32
    %dma_wait3A_242 = tpu.memref_slice %arg15[%add3A_235, %dma_wait3A_241] : memref<10240x128xf32, #tpu.memory_space<vmem_shared>> -> memref<64x128xf32, #tpu.memory_space<vmem_shared>>
    %dma_wait3A_243 = arith.constant 0 : i32
    %dma_wait3A_244 = tpu.memref_slice %arg15[%add3A_235, %dma_wait3A_243] : memref<10240x128xf32, #tpu.memory_space<vmem_shared>> -> memref<64x128xf32, #tpu.memory_space<vmem_shared>>
    %dma_wait3A_245 = arith.constant 0 : i32
    %dma_wait3A_246 = arith.constant 0 : i32
    %dma_wait3A_247 = tpu.memref_slice %arg8[%dma_wait3A_236, %dma_wait3A_245, %dma_wait3A_246] : memref<3x64x128xf32, #tpu.memory_space<vmem>> -> memref<1x64x128xf32, #tpu.memory_space<vmem>>
    %dma_wait3A_248 = tpu.memref_squeeze %dma_wait3A_247 : memref<1x64x128xf32, #tpu.memory_space<vmem>> -> memref<64x128xf32, #tpu.memory_space<vmem>>
    tpu.wait_dma2 semaphore(%arg12 : memref<!tpu.dma_semaphore, #tpu.memory_space<semaphore_mem>>) src(%dma_wait3A_248 : memref<64x128xf32, #tpu.memory_space<vmem>>) dst(%dma_wait3A_244 : memref<64x128xf32, #tpu.memory_space<vmem_shared>>)
    %mul3A_249 = arith.constant 640 : i32
    %mul3A_250 = arith.muli %arg1, %mul3A_249 : i32
    %add3A_251 = arith.constant 256 : i32
    %add3A_252 = arith.addi %mul3A_250, %add3A_251 : i32
    %dma_wait3A_253 = arith.constant 0 : i32
    %dma_wait3A_254 = arith.constant 0 : i32
    %dma_wait3A_255 = arith.constant 0 : i32
    %dma_wait3A_256 = tpu.memref_slice %arg8[%dma_wait3A_253, %dma_wait3A_254, %dma_wait3A_255] : memref<3x64x128xf32, #tpu.memory_space<vmem>> -> memref<1x64x128xf32, #tpu.memory_space<vmem>>
    %dma_wait3A_257 = tpu.memref_squeeze %dma_wait3A_256 : memref<1x64x128xf32, #tpu.memory_space<vmem>> -> memref<64x128xf32, #tpu.memory_space<vmem>>
    %dma_wait3A_258 = arith.constant 0 : i32
    %dma_wait3A_259 = tpu.memref_slice %arg15[%add3A_252, %dma_wait3A_258] : memref<10240x128xf32, #tpu.memory_space<vmem_shared>> -> memref<64x128xf32, #tpu.memory_space<vmem_shared>>
    %dma_wait3A_260 = arith.constant 0 : i32
    %dma_wait3A_261 = tpu.memref_slice %arg15[%add3A_252, %dma_wait3A_260] : memref<10240x128xf32, #tpu.memory_space<vmem_shared>> -> memref<64x128xf32, #tpu.memory_space<vmem_shared>>
    %dma_wait3A_262 = arith.constant 0 : i32
    %dma_wait3A_263 = arith.constant 0 : i32
    %dma_wait3A_264 = tpu.memref_slice %arg8[%dma_wait3A_253, %dma_wait3A_262, %dma_wait3A_263] : memref<3x64x128xf32, #tpu.memory_space<vmem>> -> memref<1x64x128xf32, #tpu.memory_space<vmem>>
    %dma_wait3A_265 = tpu.memref_squeeze %dma_wait3A_264 : memref<1x64x128xf32, #tpu.memory_space<vmem>> -> memref<64x128xf32, #tpu.memory_space<vmem>>
    tpu.wait_dma2 semaphore(%arg12 : memref<!tpu.dma_semaphore, #tpu.memory_space<semaphore_mem>>) src(%dma_wait3A_265 : memref<64x128xf32, #tpu.memory_space<vmem>>) dst(%dma_wait3A_261 : memref<64x128xf32, #tpu.memory_space<vmem_shared>>)
    %mul3A_266 = arith.constant 640 : i32
    %mul3A_267 = arith.muli %arg1, %mul3A_266 : i32
    %add3A_268 = arith.constant 320 : i32
    %add3A_269 = arith.addi %mul3A_267, %add3A_268 : i32
    %dma_wait3A_270 = arith.constant 0 : i32
    %dma_wait3A_271 = arith.constant 0 : i32
    %dma_wait3A_272 = arith.constant 0 : i32
    %dma_wait3A_273 = tpu.memref_slice %arg8[%dma_wait3A_270, %dma_wait3A_271, %dma_wait3A_272] : memref<3x64x128xf32, #tpu.memory_space<vmem>> -> memref<1x64x128xf32, #tpu.memory_space<vmem>>
    %dma_wait3A_274 = tpu.memref_squeeze %dma_wait3A_273 : memref<1x64x128xf32, #tpu.memory_space<vmem>> -> memref<64x128xf32, #tpu.memory_space<vmem>>
    %dma_wait3A_275 = arith.constant 0 : i32
    %dma_wait3A_276 = tpu.memref_slice %arg15[%add3A_269, %dma_wait3A_275] : memref<10240x128xf32, #tpu.memory_space<vmem_shared>> -> memref<64x128xf32, #tpu.memory_space<vmem_shared>>
    %dma_wait3A_277 = arith.constant 0 : i32
    %dma_wait3A_278 = tpu.memref_slice %arg15[%add3A_269, %dma_wait3A_277] : memref<10240x128xf32, #tpu.memory_space<vmem_shared>> -> memref<64x128xf32, #tpu.memory_space<vmem_shared>>
    %dma_wait3A_279 = arith.constant 0 : i32
    %dma_wait3A_280 = arith.constant 0 : i32
    %dma_wait3A_281 = tpu.memref_slice %arg8[%dma_wait3A_270, %dma_wait3A_279, %dma_wait3A_280] : memref<3x64x128xf32, #tpu.memory_space<vmem>> -> memref<1x64x128xf32, #tpu.memory_space<vmem>>
    %dma_wait3A_282 = tpu.memref_squeeze %dma_wait3A_281 : memref<1x64x128xf32, #tpu.memory_space<vmem>> -> memref<64x128xf32, #tpu.memory_space<vmem>>
    tpu.wait_dma2 semaphore(%arg12 : memref<!tpu.dma_semaphore, #tpu.memory_space<semaphore_mem>>) src(%dma_wait3A_282 : memref<64x128xf32, #tpu.memory_space<vmem>>) dst(%dma_wait3A_278 : memref<64x128xf32, #tpu.memory_space<vmem_shared>>)
    %mul3A_283 = arith.constant 640 : i32
    %mul3A_284 = arith.muli %arg1, %mul3A_283 : i32
    %add3A_285 = arith.constant 384 : i32
    %add3A_286 = arith.addi %mul3A_284, %add3A_285 : i32
    %dma_wait3A_287 = arith.constant 0 : i32
    %dma_wait3A_288 = arith.constant 0 : i32
    %dma_wait3A_289 = arith.constant 0 : i32
    %dma_wait3A_290 = tpu.memref_slice %arg8[%dma_wait3A_287, %dma_wait3A_288, %dma_wait3A_289] : memref<3x64x128xf32, #tpu.memory_space<vmem>> -> memref<1x64x128xf32, #tpu.memory_space<vmem>>
    %dma_wait3A_291 = tpu.memref_squeeze %dma_wait3A_290 : memref<1x64x128xf32, #tpu.memory_space<vmem>> -> memref<64x128xf32, #tpu.memory_space<vmem>>
    %dma_wait3A_292 = arith.constant 0 : i32
    %dma_wait3A_293 = tpu.memref_slice %arg15[%add3A_286, %dma_wait3A_292] : memref<10240x128xf32, #tpu.memory_space<vmem_shared>> -> memref<64x128xf32, #tpu.memory_space<vmem_shared>>
    %dma_wait3A_294 = arith.constant 0 : i32
    %dma_wait3A_295 = tpu.memref_slice %arg15[%add3A_286, %dma_wait3A_294] : memref<10240x128xf32, #tpu.memory_space<vmem_shared>> -> memref<64x128xf32, #tpu.memory_space<vmem_shared>>
    %dma_wait3A_296 = arith.constant 0 : i32
    %dma_wait3A_297 = arith.constant 0 : i32
    %dma_wait3A_298 = tpu.memref_slice %arg8[%dma_wait3A_287, %dma_wait3A_296, %dma_wait3A_297] : memref<3x64x128xf32, #tpu.memory_space<vmem>> -> memref<1x64x128xf32, #tpu.memory_space<vmem>>
    %dma_wait3A_299 = tpu.memref_squeeze %dma_wait3A_298 : memref<1x64x128xf32, #tpu.memory_space<vmem>> -> memref<64x128xf32, #tpu.memory_space<vmem>>
    tpu.wait_dma2 semaphore(%arg12 : memref<!tpu.dma_semaphore, #tpu.memory_space<semaphore_mem>>) src(%dma_wait3A_299 : memref<64x128xf32, #tpu.memory_space<vmem>>) dst(%dma_wait3A_295 : memref<64x128xf32, #tpu.memory_space<vmem_shared>>)
    %mul3A_300 = arith.constant 640 : i32
    %mul3A_301 = arith.muli %arg1, %mul3A_300 : i32
    %add3A_302 = arith.constant 448 : i32
    %add3A_303 = arith.addi %mul3A_301, %add3A_302 : i32
    %dma_wait3A_304 = arith.constant 0 : i32
    %dma_wait3A_305 = arith.constant 0 : i32
    %dma_wait3A_306 = arith.constant 0 : i32
    %dma_wait3A_307 = tpu.memref_slice %arg8[%dma_wait3A_304, %dma_wait3A_305, %dma_wait3A_306] : memref<3x64x128xf32, #tpu.memory_space<vmem>> -> memref<1x64x128xf32, #tpu.memory_space<vmem>>
    %dma_wait3A_308 = tpu.memref_squeeze %dma_wait3A_307 : memref<1x64x128xf32, #tpu.memory_space<vmem>> -> memref<64x128xf32, #tpu.memory_space<vmem>>
    %dma_wait3A_309 = arith.constant 0 : i32
    %dma_wait3A_310 = tpu.memref_slice %arg15[%add3A_303, %dma_wait3A_309] : memref<10240x128xf32, #tpu.memory_space<vmem_shared>> -> memref<64x128xf32, #tpu.memory_space<vmem_shared>>
    %dma_wait3A_311 = arith.constant 0 : i32
    %dma_wait3A_312 = tpu.memref_slice %arg15[%add3A_303, %dma_wait3A_311] : memref<10240x128xf32, #tpu.memory_space<vmem_shared>> -> memref<64x128xf32, #tpu.memory_space<vmem_shared>>
    %dma_wait3A_313 = arith.constant 0 : i32
    %dma_wait3A_314 = arith.constant 0 : i32
    %dma_wait3A_315 = tpu.memref_slice %arg8[%dma_wait3A_304, %dma_wait3A_313, %dma_wait3A_314] : memref<3x64x128xf32, #tpu.memory_space<vmem>> -> memref<1x64x128xf32, #tpu.memory_space<vmem>>
    %dma_wait3A_316 = tpu.memref_squeeze %dma_wait3A_315 : memref<1x64x128xf32, #tpu.memory_space<vmem>> -> memref<64x128xf32, #tpu.memory_space<vmem>>
    tpu.wait_dma2 semaphore(%arg12 : memref<!tpu.dma_semaphore, #tpu.memory_space<semaphore_mem>>) src(%dma_wait3A_316 : memref<64x128xf32, #tpu.memory_space<vmem>>) dst(%dma_wait3A_312 : memref<64x128xf32, #tpu.memory_space<vmem_shared>>)
    %mul3A_317 = arith.constant 640 : i32
    %mul3A_318 = arith.muli %arg1, %mul3A_317 : i32
    %add3A_319 = arith.constant 512 : i32
    %add3A_320 = arith.addi %mul3A_318, %add3A_319 : i32
    %dma_wait3A_321 = arith.constant 0 : i32
    %dma_wait3A_322 = arith.constant 0 : i32
    %dma_wait3A_323 = arith.constant 0 : i32
    %dma_wait3A_324 = tpu.memref_slice %arg8[%dma_wait3A_321, %dma_wait3A_322, %dma_wait3A_323] : memref<3x64x128xf32, #tpu.memory_space<vmem>> -> memref<1x64x128xf32, #tpu.memory_space<vmem>>
    %dma_wait3A_325 = tpu.memref_squeeze %dma_wait3A_324 : memref<1x64x128xf32, #tpu.memory_space<vmem>> -> memref<64x128xf32, #tpu.memory_space<vmem>>
    %dma_wait3A_326 = arith.constant 0 : i32
    %dma_wait3A_327 = tpu.memref_slice %arg15[%add3A_320, %dma_wait3A_326] : memref<10240x128xf32, #tpu.memory_space<vmem_shared>> -> memref<64x128xf32, #tpu.memory_space<vmem_shared>>
    %dma_wait3A_328 = arith.constant 0 : i32
    %dma_wait3A_329 = tpu.memref_slice %arg15[%add3A_320, %dma_wait3A_328] : memref<10240x128xf32, #tpu.memory_space<vmem_shared>> -> memref<64x128xf32, #tpu.memory_space<vmem_shared>>
    %dma_wait3A_330 = arith.constant 0 : i32
    %dma_wait3A_331 = arith.constant 0 : i32
    %dma_wait3A_332 = tpu.memref_slice %arg8[%dma_wait3A_321, %dma_wait3A_330, %dma_wait3A_331] : memref<3x64x128xf32, #tpu.memory_space<vmem>> -> memref<1x64x128xf32, #tpu.memory_space<vmem>>
    %dma_wait3A_333 = tpu.memref_squeeze %dma_wait3A_332 : memref<1x64x128xf32, #tpu.memory_space<vmem>> -> memref<64x128xf32, #tpu.memory_space<vmem>>
    tpu.wait_dma2 semaphore(%arg12 : memref<!tpu.dma_semaphore, #tpu.memory_space<semaphore_mem>>) src(%dma_wait3A_333 : memref<64x128xf32, #tpu.memory_space<vmem>>) dst(%dma_wait3A_329 : memref<64x128xf32, #tpu.memory_space<vmem_shared>>)
    %mul3A_334 = arith.constant 640 : i32
    %mul3A_335 = arith.muli %arg1, %mul3A_334 : i32
    %add3A_336 = arith.constant 576 : i32
    %add3A_337 = arith.addi %mul3A_335, %add3A_336 : i32
    %dma_wait3A_338 = arith.constant 0 : i32
    %dma_wait3A_339 = arith.constant 0 : i32
    %dma_wait3A_340 = arith.constant 0 : i32
    %dma_wait3A_341 = tpu.memref_slice %arg8[%dma_wait3A_338, %dma_wait3A_339, %dma_wait3A_340] : memref<3x64x128xf32, #tpu.memory_space<vmem>> -> memref<1x64x128xf32, #tpu.memory_space<vmem>>
    %dma_wait3A_342 = tpu.memref_squeeze %dma_wait3A_341 : memref<1x64x128xf32, #tpu.memory_space<vmem>> -> memref<64x128xf32, #tpu.memory_space<vmem>>
    %dma_wait3A_343 = arith.constant 0 : i32
    %dma_wait3A_344 = tpu.memref_slice %arg15[%add3A_337, %dma_wait3A_343] : memref<10240x128xf32, #tpu.memory_space<vmem_shared>> -> memref<64x128xf32, #tpu.memory_space<vmem_shared>>
    %dma_wait3A_345 = arith.constant 0 : i32
    %dma_wait3A_346 = tpu.memref_slice %arg15[%add3A_337, %dma_wait3A_345] : memref<10240x128xf32, #tpu.memory_space<vmem_shared>> -> memref<64x128xf32, #tpu.memory_space<vmem_shared>>
    %dma_wait3A_347 = arith.constant 0 : i32
    %dma_wait3A_348 = arith.constant 0 : i32
    %dma_wait3A_349 = tpu.memref_slice %arg8[%dma_wait3A_338, %dma_wait3A_347, %dma_wait3A_348] : memref<3x64x128xf32, #tpu.memory_space<vmem>> -> memref<1x64x128xf32, #tpu.memory_space<vmem>>
    %dma_wait3A_350 = tpu.memref_squeeze %dma_wait3A_349 : memref<1x64x128xf32, #tpu.memory_space<vmem>> -> memref<64x128xf32, #tpu.memory_space<vmem>>
    tpu.wait_dma2 semaphore(%arg12 : memref<!tpu.dma_semaphore, #tpu.memory_space<semaphore_mem>>) src(%dma_wait3A_350 : memref<64x128xf32, #tpu.memory_space<vmem>>) dst(%dma_wait3A_346 : memref<64x128xf32, #tpu.memory_space<vmem_shared>>)
    %dma_wait3A_351 = arith.constant 0 : i32
    %dma_wait3A_352 = arith.constant 0 : i32
    %dma_wait3A_353 = tpu.memref_slice %arg3[%add3A, %dma_wait3A_351, %dma_wait3A_352] : memref<32x160x64xi32, #tpu.memory_space<hbm>> -> memref<1x160x64xi32, #tpu.memory_space<hbm>>
    %dma_wait3A_354 = tpu.memref_squeeze %dma_wait3A_353 : memref<1x160x64xi32, #tpu.memory_space<hbm>> -> memref<160x64xi32, #tpu.memory_space<hbm>>
    %dma_wait3A_355 = arith.constant 0 : i32
    %dma_wait3A_356 = arith.constant 0 : i32
    %dma_wait3A_357 = tpu.memref_slice %arg3[%add3A, %dma_wait3A_355, %dma_wait3A_356] : memref<32x160x64xi32, #tpu.memory_space<hbm>> -> memref<1x160x64xi32, #tpu.memory_space<hbm>>
    %dma_wait3A_358 = tpu.memref_squeeze %dma_wait3A_357 : memref<1x160x64xi32, #tpu.memory_space<hbm>> -> memref<160x64xi32, #tpu.memory_space<hbm>>
    tpu.wait_dma2 semaphore(%arg9 : memref<!tpu.dma_semaphore, #tpu.memory_space<semaphore_mem>>) src(%dma_wait3A_358 : memref<160x64xi32, #tpu.memory_space<hbm>>) dst(%arg5 : memref<160x64xi32, #tpu.memory_space<vmem>>)
    %barrier3A = arith.constant 0 : index
    tpu.barrier barrier_id(%barrier3A)
    %get3A = arith.constant 0 : i32
    %get3A_359 = arith.index_cast %get3A : i32 to index
    %get3A_360 = arith.constant 0 : index
    %get3A_361 = tpu.vector_load %arg5[%get3A_359, %get3A_360] {strides = array<i32>} : memref<160x64xi32, #tpu.memory_space<vmem>>, vector<1x16xi32>,
    %get3A_362 = vector.shape_cast %get3A_361 : vector<1x16xi32> to vector<16xi32>
    %and3A = arith.constant 65535 : i32
    %and3A_363 = vector.broadcast %and3A : i32 to vector<16xi32>
    %and3A_364 = arith.andi %get3A_362, %and3A_363 : vector<16xi32>
    %swap3A = arith.constant 0 : i32
    %swap3A_365 = arith.index_cast %swap3A : i32 to index
    %swap3A_366 = arith.constant 0 : index
    %swap3A_367 = tpu.vector_load %arg6[%swap3A_365, %swap3A_366] {strides = array<i32>} : memref<3x64xi32, #tpu.memory_space<vmem>>, vector<1x16xi32>,
    %swap3A_368 = vector.shape_cast %swap3A_367 : vector<1x16xi32> to vector<16xi32>
    %swap3A_369 = vector.shape_cast %and3A_364 : vector<16xi32> to vector<1x16xi32>
    tpu.vector_store %arg6[%swap3A_365, %swap3A_366], %swap3A_369 {strides = array<i32>} : memref<3x64xi32, #tpu.memory_space<vmem>>, vector<1x16xi32>,
    %shift_right_logical3A = arith.constant 16 : i32
    %shift_right_logical3A_370 = vector.broadcast %shift_right_logical3A : i32 to vector<16xi32>
    %shift_right_logical3A_371 = arith.shrui %get3A_362, %shift_right_logical3A_370 : vector<16xi32>
    %swap3A_372 = arith.constant 0 : i32
    %swap3A_373 = arith.index_cast %swap3A_372 : i32 to index
    %swap3A_374 = arith.constant 0 : index
    %swap3A_375 = tpu.vector_load %arg7[%swap3A_373, %swap3A_374] {strides = array<i32>} : memref<3x64xi32, #tpu.memory_space<vmem>>, vector<1x16xi32>,
    %swap3A_376 = vector.shape_cast %swap3A_375 : vector<1x16xi32> to vector<16xi32>
    %swap3A_377 = vector.shape_cast %shift_right_logical3A_371 : vector<16xi32> to vector<1x16xi32>
    tpu.vector_store %arg7[%swap3A_373, %swap3A_374], %swap3A_377 {strides = array<i32>} : memref<3x64xi32, #tpu.memory_space<vmem>>, vector<1x16xi32>,
    %get3A_378 = arith.constant 0 : i32
    %get3A_379 = arith.index_cast %get3A_378 : i32 to index
    %get3A_380 = arith.constant 16 : index
    %get3A_381 = tpu.vector_load %arg5[%get3A_379, %get3A_380] {strides = array<i32>} : memref<160x64xi32, #tpu.memory_space<vmem>>, vector<1x16xi32>,
    %get3A_382 = vector.shape_cast %get3A_381 : vector<1x16xi32> to vector<16xi32>
    %and3A_383 = arith.constant 65535 : i32
    %and3A_384 = vector.broadcast %and3A_383 : i32 to vector<16xi32>
    %and3A_385 = arith.andi %get3A_382, %and3A_384 : vector<16xi32>
    %swap3A_386 = arith.constant 0 : i32
    %swap3A_387 = arith.index_cast %swap3A_386 : i32 to index
    %swap3A_388 = arith.constant 16 : index
    %swap3A_389 = tpu.vector_load %arg6[%swap3A_387, %swap3A_388] {strides = array<i32>} : memref<3x64xi32, #tpu.memory_space<vmem>>, vector<1x16xi32>,
    %swap3A_390 = vector.shape_cast %swap3A_389 : vector<1x16xi32> to vector<16xi32>
    %swap3A_391 = vector.shape_cast %and3A_385 : vector<16xi32> to vector<1x16xi32>
    tpu.vector_store %arg6[%swap3A_387, %swap3A_388], %swap3A_391 {strides = array<i32>} : memref<3x64xi32, #tpu.memory_space<vmem>>, vector<1x16xi32>,
    %shift_right_logical3A_392 = arith.constant 16 : i32
    %shift_right_logical3A_393 = vector.broadcast %shift_right_logical3A_392 : i32 to vector<16xi32>
    %shift_right_logical3A_394 = arith.shrui %get3A_382, %shift_right_logical3A_393 : vector<16xi32>
    %swap3A_395 = arith.constant 0 : i32
    %swap3A_396 = arith.index_cast %swap3A_395 : i32 to index
    %swap3A_397 = arith.constant 16 : index
    %swap3A_398 = tpu.vector_load %arg7[%swap3A_396, %swap3A_397] {strides = array<i32>} : memref<3x64xi32, #tpu.memory_space<vmem>>, vector<1x16xi32>,
    %swap3A_399 = vector.shape_cast %swap3A_398 : vector<1x16xi32> to vector<16xi32>
    %swap3A_400 = vector.shape_cast %shift_right_logical3A_394 : vector<16xi32> to vector<1x16xi32>
    tpu.vector_store %arg7[%swap3A_396, %swap3A_397], %swap3A_400 {strides = array<i32>} : memref<3x64xi32, #tpu.memory_space<vmem>>, vector<1x16xi32>,
    %get3A_401 = arith.constant 0 : i32
    %get3A_402 = arith.index_cast %get3A_401 : i32 to index
    %get3A_403 = arith.constant 32 : index
    %get3A_404 = tpu.vector_load %arg5[%get3A_402, %get3A_403] {strides = array<i32>} : memref<160x64xi32, #tpu.memory_space<vmem>>, vector<1x16xi32>,
    %get3A_405 = vector.shape_cast %get3A_404 : vector<1x16xi32> to vector<16xi32>
    %and3A_406 = arith.constant 65535 : i32
    %and3A_407 = vector.broadcast %and3A_406 : i32 to vector<16xi32>
    %and3A_408 = arith.andi %get3A_405, %and3A_407 : vector<16xi32>
    %swap3A_409 = arith.constant 0 : i32
    %swap3A_410 = arith.index_cast %swap3A_409 : i32 to index
    %swap3A_411 = arith.constant 32 : index
    %swap3A_412 = tpu.vector_load %arg6[%swap3A_410, %swap3A_411] {strides = array<i32>} : memref<3x64xi32, #tpu.memory_space<vmem>>, vector<1x16xi32>,
    %swap3A_413 = vector.shape_cast %swap3A_412 : vector<1x16xi32> to vector<16xi32>
    %swap3A_414 = vector.shape_cast %and3A_408 : vector<16xi32> to vector<1x16xi32>
    tpu.vector_store %arg6[%swap3A_410, %swap3A_411], %swap3A_414 {strides = array<i32>} : memref<3x64xi32, #tpu.memory_space<vmem>>, vector<1x16xi32>,
    %shift_right_logical3A_415 = arith.constant 16 : i32
    %shift_right_logical3A_416 = vector.broadcast %shift_right_logical3A_415 : i32 to vector<16xi32>
    %shift_right_logical3A_417 = arith.shrui %get3A_405, %shift_right_logical3A_416 : vector<16xi32>
    %swap3A_418 = arith.constant 0 : i32
    %swap3A_419 = arith.index_cast %swap3A_418 : i32 to index
    %swap3A_420 = arith.constant 32 : index
    %swap3A_421 = tpu.vector_load %arg7[%swap3A_419, %swap3A_420] {strides = array<i32>} : memref<3x64xi32, #tpu.memory_space<vmem>>, vector<1x16xi32>,
    %swap3A_422 = vector.shape_cast %swap3A_421 : vector<1x16xi32> to vector<16xi32>
    %swap3A_423 = vector.shape_cast %shift_right_logical3A_417 : vector<16xi32> to vector<1x16xi32>
    tpu.vector_store %arg7[%swap3A_419, %swap3A_420], %swap3A_423 {strides = array<i32>} : memref<3x64xi32, #tpu.memory_space<vmem>>, vector<1x16xi32>,
    %get3A_424 = arith.constant 0 : i32
    %get3A_425 = arith.index_cast %get3A_424 : i32 to index
    %get3A_426 = arith.constant 48 : index
    %get3A_427 = tpu.vector_load %arg5[%get3A_425, %get3A_426] {strides = array<i32>} : memref<160x64xi32, #tpu.memory_space<vmem>>, vector<1x16xi32>,
    %get3A_428 = vector.shape_cast %get3A_427 : vector<1x16xi32> to vector<16xi32>
    %and3A_429 = arith.constant 65535 : i32
    %and3A_430 = vector.broadcast %and3A_429 : i32 to vector<16xi32>
    %and3A_431 = arith.andi %get3A_428, %and3A_430 : vector<16xi32>
    %swap3A_432 = arith.constant 0 : i32
    %swap3A_433 = arith.index_cast %swap3A_432 : i32 to index
    %swap3A_434 = arith.constant 48 : index
    %swap3A_435 = tpu.vector_load %arg6[%swap3A_433, %swap3A_434] {strides = array<i32>} : memref<3x64xi32, #tpu.memory_space<vmem>>, vector<1x16xi32>,
    %swap3A_436 = vector.shape_cast %swap3A_435 : vector<1x16xi32> to vector<16xi32>
    %swap3A_437 = vector.shape_cast %and3A_431 : vector<16xi32> to vector<1x16xi32>
    tpu.vector_store %arg6[%swap3A_433, %swap3A_434], %swap3A_437 {strides = array<i32>} : memref<3x64xi32, #tpu.memory_space<vmem>>, vector<1x16xi32>,
    %shift_right_logical3A_438 = arith.constant 16 : i32
    %shift_right_logical3A_439 = vector.broadcast %shift_right_logical3A_438 : i32 to vector<16xi32>
    %shift_right_logical3A_440 = arith.shrui %get3A_428, %shift_right_logical3A_439 : vector<16xi32>
    %swap3A_441 = arith.constant 0 : i32
    %swap3A_442 = arith.index_cast %swap3A_441 : i32 to index
    %swap3A_443 = arith.constant 48 : index
    %swap3A_444 = tpu.vector_load %arg7[%swap3A_442, %swap3A_443] {strides = array<i32>} : memref<3x64xi32, #tpu.memory_space<vmem>>, vector<1x16xi32>,
    %swap3A_445 = vector.shape_cast %swap3A_444 : vector<1x16xi32> to vector<16xi32>
    %swap3A_446 = vector.shape_cast %shift_right_logical3A_440 : vector<16xi32> to vector<1x16xi32>
    tpu.vector_store %arg7[%swap3A_442, %swap3A_443], %swap3A_446 {strides = array<i32>} : memref<3x64xi32, #tpu.memory_space<vmem>>, vector<1x16xi32>,
    %dma_start3A_447 = arith.constant 0 : i32
    %dma_start3A_448 = arith.constant 0 : i32
    %dma_start3A_449 = arith.constant 0 : i32
    %dma_start3A_450 = arith.constant 0 : i32
    %dma_start3A_451 = tpu.memref_slice %arg8[%dma_start3A_448, %dma_start3A_449, %dma_start3A_450] : memref<3x64x128xf32, #tpu.memory_space<vmem>> -> memref<1x64x128xf32, #tpu.memory_space<vmem>>
    %dma_start3A_452 = tpu.memref_squeeze %dma_start3A_451 : memref<1x64x128xf32, #tpu.memory_space<vmem>> -> memref<64x128xf32, #tpu.memory_space<vmem>>
    %dma_start3A_453 = arith.constant 0 : i32
    %dma_start3A_454 = tpu.memref_slice %arg6[%dma_start3A_447, %dma_start3A_453] : memref<3x64xi32, #tpu.memory_space<vmem>> -> memref<1x64xi32, #tpu.memory_space<vmem>>
    %dma_start3A_455 = tpu.memref_squeeze %dma_start3A_454 : memref<1x64xi32, #tpu.memory_space<vmem>> -> memref<64xi32, #tpu.memory_space<vmem>>
    %dma_start3A_456 = arith.constant 0 : i32
    %dma_start3A_457 = arith.constant 0 : i32
    %dma_start3A_458 = tpu.memref_slice %arg2[%dma_start3A_456, %dma_start3A_457] : memref<10000x128xf32, #tpu.memory_space<hbm>> -> memref<10000x128xf32, #tpu.memory_space<hbm>>
    tpu.enqueue_indirect_dma source(%dma_start3A_458 : memref<10000x128xf32, #tpu.memory_space<hbm>>) target(%dma_start3A_452 : memref<64x128xf32, #tpu.memory_space<vmem>>) offsets(%dma_start3A_455 : memref<64xi32, #tpu.memory_space<vmem>>) semaphore(%arg9 : memref<!tpu.dma_semaphore, #tpu.memory_space<semaphore_mem>>)
    %get3A_459 = arith.constant 1 : i32
    %get3A_460 = arith.index_cast %get3A_459 : i32 to index
    %get3A_461 = arith.constant 0 : index
    %get3A_462 = tpu.vector_load %arg5[%get3A_460, %get3A_461] {strides = array<i32>} : memref<160x64xi32, #tpu.memory_space<vmem>>, vector<1x16xi32>,
    %get3A_463 = vector.shape_cast %get3A_462 : vector<1x16xi32> to vector<16xi32>
    %and3A_464 = arith.constant 65535 : i32
    %and3A_465 = vector.broadcast %and3A_464 : i32 to vector<16xi32>
    %and3A_466 = arith.andi %get3A_463, %and3A_465 : vector<16xi32>
    %swap3A_467 = arith.constant 1 : i32
    %swap3A_468 = arith.index_cast %swap3A_467 : i32 to index
    %swap3A_469 = arith.constant 0 : index
    %swap3A_470 = tpu.vector_load %arg6[%swap3A_468, %swap3A_469] {strides = array<i32>} : memref<3x64xi32, #tpu.memory_space<vmem>>, vector<1x16xi32>,
    %swap3A_471 = vector.shape_cast %swap3A_470 : vector<1x16xi32> to vector<16xi32>
    %swap3A_472 = vector.shape_cast %and3A_466 : vector<16xi32> to vector<1x16xi32>
    tpu.vector_store %arg6[%swap3A_468, %swap3A_469], %swap3A_472 {strides = array<i32>} : memref<3x64xi32, #tpu.memory_space<vmem>>, vector<1x16xi32>,
    %shift_right_logical3A_473 = arith.constant 16 : i32
    %shift_right_logical3A_474 = vector.broadcast %shift_right_logical3A_473 : i32 to vector<16xi32>
    %shift_right_logical3A_475 = arith.shrui %get3A_463, %shift_right_logical3A_474 : vector<16xi32>
    %swap3A_476 = arith.constant 1 : i32
    %swap3A_477 = arith.index_cast %swap3A_476 : i32 to index
    %swap3A_478 = arith.constant 0 : index
    %swap3A_479 = tpu.vector_load %arg7[%swap3A_477, %swap3A_478] {strides = array<i32>} : memref<3x64xi32, #tpu.memory_space<vmem>>, vector<1x16xi32>,
    %swap3A_480 = vector.shape_cast %swap3A_479 : vector<1x16xi32> to vector<16xi32>
    %swap3A_481 = vector.shape_cast %shift_right_logical3A_475 : vector<16xi32> to vector<1x16xi32>
    tpu.vector_store %arg7[%swap3A_477, %swap3A_478], %swap3A_481 {strides = array<i32>} : memref<3x64xi32, #tpu.memory_space<vmem>>, vector<1x16xi32>,
    %get3A_482 = arith.constant 1 : i32
    %get3A_483 = arith.index_cast %get3A_482 : i32 to index
    %get3A_484 = arith.constant 16 : index
    %get3A_485 = tpu.vector_load %arg5[%get3A_483, %get3A_484] {strides = array<i32>} : memref<160x64xi32, #tpu.memory_space<vmem>>, vector<1x16xi32>,
    %get3A_486 = vector.shape_cast %get3A_485 : vector<1x16xi32> to vector<16xi32>
    %and3A_487 = arith.constant 65535 : i32
    %and3A_488 = vector.broadcast %and3A_487 : i32 to vector<16xi32>
    %and3A_489 = arith.andi %get3A_486, %and3A_488 : vector<16xi32>
    %swap3A_490 = arith.constant 1 : i32
    %swap3A_491 = arith.index_cast %swap3A_490 : i32 to index
    %swap3A_492 = arith.constant 16 : index
    %swap3A_493 = tpu.vector_load %arg6[%swap3A_491, %swap3A_492] {strides = array<i32>} : memref<3x64xi32, #tpu.memory_space<vmem>>, vector<1x16xi32>,
    %swap3A_494 = vector.shape_cast %swap3A_493 : vector<1x16xi32> to vector<16xi32>
    %swap3A_495 = vector.shape_cast %and3A_489 : vector<16xi32> to vector<1x16xi32>
    tpu.vector_store %arg6[%swap3A_491, %swap3A_492], %swap3A_495 {strides = array<i32>} : memref<3x64xi32, #tpu.memory_space<vmem>>, vector<1x16xi32>,
    %shift_right_logical3A_496 = arith.constant 16 : i32
    %shift_right_logical3A_497 = vector.broadcast %shift_right_logical3A_496 : i32 to vector<16xi32>
    %shift_right_logical3A_498 = arith.shrui %get3A_486, %shift_right_logical3A_497 : vector<16xi32>
    %swap3A_499 = arith.constant 1 : i32
    %swap3A_500 = arith.index_cast %swap3A_499 : i32 to index
    %swap3A_501 = arith.constant 16 : index
    %swap3A_502 = tpu.vector_load %arg7[%swap3A_500, %swap3A_501] {strides = array<i32>} : memref<3x64xi32, #tpu.memory_space<vmem>>, vector<1x16xi32>,
    %swap3A_503 = vector.shape_cast %swap3A_502 : vector<1x16xi32> to vector<16xi32>
    %swap3A_504 = vector.shape_cast %shift_right_logical3A_498 : vector<16xi32> to vector<1x16xi32>
    tpu.vector_store %arg7[%swap3A_500, %swap3A_501], %swap3A_504 {strides = array<i32>} : memref<3x64xi32, #tpu.memory_space<vmem>>, vector<1x16xi32>,
    %get3A_505 = arith.constant 1 : i32
    %get3A_506 = arith.index_cast %get3A_505 : i32 to index
    %get3A_507 = arith.constant 32 : index
    %get3A_508 = tpu.vector_load %arg5[%get3A_506, %get3A_507] {strides = array<i32>} : memref<160x64xi32, #tpu.memory_space<vmem>>, vector<1x16xi32>,
    %get3A_509 = vector.shape_cast %get3A_508 : vector<1x16xi32> to vector<16xi32>
    %and3A_510 = arith.constant 65535 : i32
    %and3A_511 = vector.broadcast %and3A_510 : i32 to vector<16xi32>
    %and3A_512 = arith.andi %get3A_509, %and3A_511 : vector<16xi32>
    %swap3A_513 = arith.constant 1 : i32
    %swap3A_514 = arith.index_cast %swap3A_513 : i32 to index
    %swap3A_515 = arith.constant 32 : index
    %swap3A_516 = tpu.vector_load %arg6[%swap3A_514, %swap3A_515] {strides = array<i32>} : memref<3x64xi32, #tpu.memory_space<vmem>>, vector<1x16xi32>,
    %swap3A_517 = vector.shape_cast %swap3A_516 : vector<1x16xi32> to vector<16xi32>
    %swap3A_518 = vector.shape_cast %and3A_512 : vector<16xi32> to vector<1x16xi32>
    tpu.vector_store %arg6[%swap3A_514, %swap3A_515], %swap3A_518 {strides = array<i32>} : memref<3x64xi32, #tpu.memory_space<vmem>>, vector<1x16xi32>,
    %shift_right_logical3A_519 = arith.constant 16 : i32
    %shift_right_logical3A_520 = vector.broadcast %shift_right_logical3A_519 : i32 to vector<16xi32>
    %shift_right_logical3A_521 = arith.shrui %get3A_509, %shift_right_logical3A_520 : vector<16xi32>
    %swap3A_522 = arith.constant 1 : i32
    %swap3A_523 = arith.index_cast %swap3A_522 : i32 to index
    %swap3A_524 = arith.constant 32 : index
    %swap3A_525 = tpu.vector_load %arg7[%swap3A_523, %swap3A_524] {strides = array<i32>} : memref<3x64xi32, #tpu.memory_space<vmem>>, vector<1x16xi32>,
    %swap3A_526 = vector.shape_cast %swap3A_525 : vector<1x16xi32> to vector<16xi32>
    %swap3A_527 = vector.shape_cast %shift_right_logical3A_521 : vector<16xi32> to vector<1x16xi32>
    tpu.vector_store %arg7[%swap3A_523, %swap3A_524], %swap3A_527 {strides = array<i32>} : memref<3x64xi32, #tpu.memory_space<vmem>>, vector<1x16xi32>,
    %get3A_528 = arith.constant 1 : i32
    %get3A_529 = arith.index_cast %get3A_528 : i32 to index
    %get3A_530 = arith.constant 48 : index
    %get3A_531 = tpu.vector_load %arg5[%get3A_529, %get3A_530] {strides = array<i32>} : memref<160x64xi32, #tpu.memory_space<vmem>>, vector<1x16xi32>,
    %get3A_532 = vector.shape_cast %get3A_531 : vector<1x16xi32> to vector<16xi32>
    %and3A_533 = arith.constant 65535 : i32
    %and3A_534 = vector.broadcast %and3A_533 : i32 to vector<16xi32>
    %and3A_535 = arith.andi %get3A_532, %and3A_534 : vector<16xi32>
    %swap3A_536 = arith.constant 1 : i32
    %swap3A_537 = arith.index_cast %swap3A_536 : i32 to index
    %swap3A_538 = arith.constant 48 : index
    %swap3A_539 = tpu.vector_load %arg6[%swap3A_537, %swap3A_538] {strides = array<i32>} : memref<3x64xi32, #tpu.memory_space<vmem>>, vector<1x16xi32>,
    %swap3A_540 = vector.shape_cast %swap3A_539 : vector<1x16xi32> to vector<16xi32>
    %swap3A_541 = vector.shape_cast %and3A_535 : vector<16xi32> to vector<1x16xi32>
    tpu.vector_store %arg6[%swap3A_537, %swap3A_538], %swap3A_541 {strides = array<i32>} : memref<3x64xi32, #tpu.memory_space<vmem>>, vector<1x16xi32>,
    %shift_right_logical3A_542 = arith.constant 16 : i32
    %shift_right_logical3A_543 = vector.broadcast %shift_right_logical3A_542 : i32 to vector<16xi32>
    %shift_right_logical3A_544 = arith.shrui %get3A_532, %shift_right_logical3A_543 : vector<16xi32>
    %swap3A_545 = arith.constant 1 : i32
    %swap3A_546 = arith.index_cast %swap3A_545 : i32 to index
    %swap3A_547 = arith.constant 48 : index
    %swap3A_548 = tpu.vector_load %arg7[%swap3A_546, %swap3A_547] {strides = array<i32>} : memref<3x64xi32, #tpu.memory_space<vmem>>, vector<1x16xi32>,
    %swap3A_549 = vector.shape_cast %swap3A_548 : vector<1x16xi32> to vector<16xi32>
    %swap3A_550 = vector.shape_cast %shift_right_logical3A_544 : vector<16xi32> to vector<1x16xi32>
    tpu.vector_store %arg7[%swap3A_546, %swap3A_547], %swap3A_550 {strides = array<i32>} : memref<3x64xi32, #tpu.memory_space<vmem>>, vector<1x16xi32>,
    %dma_start3A_551 = arith.constant 1 : i32
    %dma_start3A_552 = arith.constant 1 : i32
    %dma_start3A_553 = arith.constant 0 : i32
    %dma_start3A_554 = arith.constant 0 : i32
    %dma_start3A_555 = tpu.memref_slice %arg8[%dma_start3A_552, %dma_start3A_553, %dma_start3A_554] : memref<3x64x128xf32, #tpu.memory_space<vmem>> -> memref<1x64x128xf32, #tpu.memory_space<vmem>>
    %dma_start3A_556 = tpu.memref_squeeze %dma_start3A_555 : memref<1x64x128xf32, #tpu.memory_space<vmem>> -> memref<64x128xf32, #tpu.memory_space<vmem>>
    %dma_start3A_557 = arith.constant 0 : i32
    %dma_start3A_558 = tpu.memref_slice %arg6[%dma_start3A_551, %dma_start3A_557] : memref<3x64xi32, #tpu.memory_space<vmem>> -> memref<1x64xi32, #tpu.memory_space<vmem>>
    %dma_start3A_559 = tpu.memref_squeeze %dma_start3A_558 : memref<1x64xi32, #tpu.memory_space<vmem>> -> memref<64xi32, #tpu.memory_space<vmem>>
    %dma_start3A_560 = arith.constant 0 : i32
    %dma_start3A_561 = arith.constant 0 : i32
    %dma_start3A_562 = tpu.memref_slice %arg2[%dma_start3A_560, %dma_start3A_561] : memref<10000x128xf32, #tpu.memory_space<hbm>> -> memref<10000x128xf32, #tpu.memory_space<hbm>>
    tpu.enqueue_indirect_dma source(%dma_start3A_562 : memref<10000x128xf32, #tpu.memory_space<hbm>>) target(%dma_start3A_556 : memref<64x128xf32, #tpu.memory_space<vmem>>) offsets(%dma_start3A_559 : memref<64xi32, #tpu.memory_space<vmem>>) semaphore(%arg10 : memref<!tpu.dma_semaphore, #tpu.memory_space<semaphore_mem>>)
    %get3A_563 = arith.constant 2 : i32
    %get3A_564 = arith.index_cast %get3A_563 : i32 to index
    %get3A_565 = arith.constant 0 : index
    %get3A_566 = tpu.vector_load %arg5[%get3A_564, %get3A_565] {strides = array<i32>} : memref<160x64xi32, #tpu.memory_space<vmem>>, vector<1x16xi32>,
    %get3A_567 = vector.shape_cast %get3A_566 : vector<1x16xi32> to vector<16xi32>
    %and3A_568 = arith.constant 65535 : i32
    %and3A_569 = vector.broadcast %and3A_568 : i32 to vector<16xi32>
    %and3A_570 = arith.andi %get3A_567, %and3A_569 : vector<16xi32>
    %swap3A_571 = arith.constant 2 : i32
    %swap3A_572 = arith.index_cast %swap3A_571 : i32 to index
    %swap3A_573 = arith.constant 0 : index
    %swap3A_574 = tpu.vector_load %arg6[%swap3A_572, %swap3A_573] {strides = array<i32>} : memref<3x64xi32, #tpu.memory_space<vmem>>, vector<1x16xi32>,
    %swap3A_575 = vector.shape_cast %swap3A_574 : vector<1x16xi32> to vector<16xi32>
    %swap3A_576 = vector.shape_cast %and3A_570 : vector<16xi32> to vector<1x16xi32>
    tpu.vector_store %arg6[%swap3A_572, %swap3A_573], %swap3A_576 {strides = array<i32>} : memref<3x64xi32, #tpu.memory_space<vmem>>, vector<1x16xi32>,
    %shift_right_logical3A_577 = arith.constant 16 : i32
    %shift_right_logical3A_578 = vector.broadcast %shift_right_logical3A_577 : i32 to vector<16xi32>
    %shift_right_logical3A_579 = arith.shrui %get3A_567, %shift_right_logical3A_578 : vector<16xi32>
    %swap3A_580 = arith.constant 2 : i32
    %swap3A_581 = arith.index_cast %swap3A_580 : i32 to index
    %swap3A_582 = arith.constant 0 : index
    %swap3A_583 = tpu.vector_load %arg7[%swap3A_581, %swap3A_582] {strides = array<i32>} : memref<3x64xi32, #tpu.memory_space<vmem>>, vector<1x16xi32>,
    %swap3A_584 = vector.shape_cast %swap3A_583 : vector<1x16xi32> to vector<16xi32>
    %swap3A_585 = vector.shape_cast %shift_right_logical3A_579 : vector<16xi32> to vector<1x16xi32>
    tpu.vector_store %arg7[%swap3A_581, %swap3A_582], %swap3A_585 {strides = array<i32>} : memref<3x64xi32, #tpu.memory_space<vmem>>, vector<1x16xi32>,
    %get3A_586 = arith.constant 2 : i32
    %get3A_587 = arith.index_cast %get3A_586 : i32 to index
    %get3A_588 = arith.constant 16 : index
    %get3A_589 = tpu.vector_load %arg5[%get3A_587, %get3A_588] {strides = array<i32>} : memref<160x64xi32, #tpu.memory_space<vmem>>, vector<1x16xi32>,
    %get3A_590 = vector.shape_cast %get3A_589 : vector<1x16xi32> to vector<16xi32>
    %and3A_591 = arith.constant 65535 : i32
    %and3A_592 = vector.broadcast %and3A_591 : i32 to vector<16xi32>
    %and3A_593 = arith.andi %get3A_590, %and3A_592 : vector<16xi32>
    %swap3A_594 = arith.constant 2 : i32
    %swap3A_595 = arith.index_cast %swap3A_594 : i32 to index
    %swap3A_596 = arith.constant 16 : index
    %swap3A_597 = tpu.vector_load %arg6[%swap3A_595, %swap3A_596] {strides = array<i32>} : memref<3x64xi32, #tpu.memory_space<vmem>>, vector<1x16xi32>,
    %swap3A_598 = vector.shape_cast %swap3A_597 : vector<1x16xi32> to vector<16xi32>
    %swap3A_599 = vector.shape_cast %and3A_593 : vector<16xi32> to vector<1x16xi32>
    tpu.vector_store %arg6[%swap3A_595, %swap3A_596], %swap3A_599 {strides = array<i32>} : memref<3x64xi32, #tpu.memory_space<vmem>>, vector<1x16xi32>,
    %shift_right_logical3A_600 = arith.constant 16 : i32
    %shift_right_logical3A_601 = vector.broadcast %shift_right_logical3A_600 : i32 to vector<16xi32>
    %shift_right_logical3A_602 = arith.shrui %get3A_590, %shift_right_logical3A_601 : vector<16xi32>
    %swap3A_603 = arith.constant 2 : i32
    %swap3A_604 = arith.index_cast %swap3A_603 : i32 to index
    %swap3A_605 = arith.constant 16 : index
    %swap3A_606 = tpu.vector_load %arg7[%swap3A_604, %swap3A_605] {strides = array<i32>} : memref<3x64xi32, #tpu.memory_space<vmem>>, vector<1x16xi32>,
    %swap3A_607 = vector.shape_cast %swap3A_606 : vector<1x16xi32> to vector<16xi32>
    %swap3A_608 = vector.shape_cast %shift_right_logical3A_602 : vector<16xi32> to vector<1x16xi32>
    tpu.vector_store %arg7[%swap3A_604, %swap3A_605], %swap3A_608 {strides = array<i32>} : memref<3x64xi32, #tpu.memory_space<vmem>>, vector<1x16xi32>,
    %get3A_609 = arith.constant 2 : i32
    %get3A_610 = arith.index_cast %get3A_609 : i32 to index
    %get3A_611 = arith.constant 32 : index
    %get3A_612 = tpu.vector_load %arg5[%get3A_610, %get3A_611] {strides = array<i32>} : memref<160x64xi32, #tpu.memory_space<vmem>>, vector<1x16xi32>,
    %get3A_613 = vector.shape_cast %get3A_612 : vector<1x16xi32> to vector<16xi32>
    %and3A_614 = arith.constant 65535 : i32
    %and3A_615 = vector.broadcast %and3A_614 : i32 to vector<16xi32>
    %and3A_616 = arith.andi %get3A_613, %and3A_615 : vector<16xi32>
    %swap3A_617 = arith.constant 2 : i32
    %swap3A_618 = arith.index_cast %swap3A_617 : i32 to index
    %swap3A_619 = arith.constant 32 : index
    %swap3A_620 = tpu.vector_load %arg6[%swap3A_618, %swap3A_619] {strides = array<i32>} : memref<3x64xi32, #tpu.memory_space<vmem>>, vector<1x16xi32>,
    %swap3A_621 = vector.shape_cast %swap3A_620 : vector<1x16xi32> to vector<16xi32>
    %swap3A_622 = vector.shape_cast %and3A_616 : vector<16xi32> to vector<1x16xi32>
    tpu.vector_store %arg6[%swap3A_618, %swap3A_619], %swap3A_622 {strides = array<i32>} : memref<3x64xi32, #tpu.memory_space<vmem>>, vector<1x16xi32>,
    %shift_right_logical3A_623 = arith.constant 16 : i32
    %shift_right_logical3A_624 = vector.broadcast %shift_right_logical3A_623 : i32 to vector<16xi32>
    %shift_right_logical3A_625 = arith.shrui %get3A_613, %shift_right_logical3A_624 : vector<16xi32>
    %swap3A_626 = arith.constant 2 : i32
    %swap3A_627 = arith.index_cast %swap3A_626 : i32 to index
    %swap3A_628 = arith.constant 32 : index
    %swap3A_629 = tpu.vector_load %arg7[%swap3A_627, %swap3A_628] {strides = array<i32>} : memref<3x64xi32, #tpu.memory_space<vmem>>, vector<1x16xi32>,
    %swap3A_630 = vector.shape_cast %swap3A_629 : vector<1x16xi32> to vector<16xi32>
    %swap3A_631 = vector.shape_cast %shift_right_logical3A_625 : vector<16xi32> to vector<1x16xi32>
    tpu.vector_store %arg7[%swap3A_627, %swap3A_628], %swap3A_631 {strides = array<i32>} : memref<3x64xi32, #tpu.memory_space<vmem>>, vector<1x16xi32>,
    %get3A_632 = arith.constant 2 : i32
    %get3A_633 = arith.index_cast %get3A_632 : i32 to index
    %get3A_634 = arith.constant 48 : index
    %get3A_635 = tpu.vector_load %arg5[%get3A_633, %get3A_634] {strides = array<i32>} : memref<160x64xi32, #tpu.memory_space<vmem>>, vector<1x16xi32>,
    %get3A_636 = vector.shape_cast %get3A_635 : vector<1x16xi32> to vector<16xi32>
    %and3A_637 = arith.constant 65535 : i32
    %and3A_638 = vector.broadcast %and3A_637 : i32 to vector<16xi32>
    %and3A_639 = arith.andi %get3A_636, %and3A_638 : vector<16xi32>
    %swap3A_640 = arith.constant 2 : i32
    %swap3A_641 = arith.index_cast %swap3A_640 : i32 to index
    %swap3A_642 = arith.constant 48 : index
    %swap3A_643 = tpu.vector_load %arg6[%swap3A_641, %swap3A_642] {strides = array<i32>} : memref<3x64xi32, #tpu.memory_space<vmem>>, vector<1x16xi32>,
    %swap3A_644 = vector.shape_cast %swap3A_643 : vector<1x16xi32> to vector<16xi32>
    %swap3A_645 = vector.shape_cast %and3A_639 : vector<16xi32> to vector<1x16xi32>
    tpu.vector_store %arg6[%swap3A_641, %swap3A_642], %swap3A_645 {strides = array<i32>} : memref<3x64xi32, #tpu.memory_space<vmem>>, vector<1x16xi32>,
    %shift_right_logical3A_646 = arith.constant 16 : i32
    %shift_right_logical3A_647 = vector.broadcast %shift_right_logical3A_646 : i32 to vector<16xi32>
    %shift_right_logical3A_648 = arith.shrui %get3A_636, %shift_right_logical3A_647 : vector<16xi32>
    %swap3A_649 = arith.constant 2 : i32
    %swap3A_650 = arith.index_cast %swap3A_649 : i32 to index
    %swap3A_651 = arith.constant 48 : index
    %swap3A_652 = tpu.vector_load %arg7[%swap3A_650, %swap3A_651] {strides = array<i32>} : memref<3x64xi32, #tpu.memory_space<vmem>>, vector<1x16xi32>,
    %swap3A_653 = vector.shape_cast %swap3A_652 : vector<1x16xi32> to vector<16xi32>
    %swap3A_654 = vector.shape_cast %shift_right_logical3A_648 : vector<16xi32> to vector<1x16xi32>
    tpu.vector_store %arg7[%swap3A_650, %swap3A_651], %swap3A_654 {strides = array<i32>} : memref<3x64xi32, #tpu.memory_space<vmem>>, vector<1x16xi32>,
    %dma_start3A_655 = arith.constant 2 : i32
    %dma_start3A_656 = arith.constant 2 : i32
    %dma_start3A_657 = arith.constant 0 : i32
    %dma_start3A_658 = arith.constant 0 : i32
    %dma_start3A_659 = tpu.memref_slice %arg8[%dma_start3A_656, %dma_start3A_657, %dma_start3A_658] : memref<3x64x128xf32, #tpu.memory_space<vmem>> -> memref<1x64x128xf32, #tpu.memory_space<vmem>>
    %dma_start3A_660 = tpu.memref_squeeze %dma_start3A_659 : memref<1x64x128xf32, #tpu.memory_space<vmem>> -> memref<64x128xf32, #tpu.memory_space<vmem>>
    %dma_start3A_661 = arith.constant 0 : i32
    %dma_start3A_662 = tpu.memref_slice %arg6[%dma_start3A_655, %dma_start3A_661] : memref<3x64xi32, #tpu.memory_space<vmem>> -> memref<1x64xi32, #tpu.memory_space<vmem>>
    %dma_start3A_663 = tpu.memref_squeeze %dma_start3A_662 : memref<1x64xi32, #tpu.memory_space<vmem>> -> memref<64xi32, #tpu.memory_space<vmem>>
    %dma_start3A_664 = arith.constant 0 : i32
    %dma_start3A_665 = arith.constant 0 : i32
    %dma_start3A_666 = tpu.memref_slice %arg2[%dma_start3A_664, %dma_start3A_665] : memref<10000x128xf32, #tpu.memory_space<hbm>> -> memref<10000x128xf32, #tpu.memory_space<hbm>>
    tpu.enqueue_indirect_dma source(%dma_start3A_666 : memref<10000x128xf32, #tpu.memory_space<hbm>>) target(%dma_start3A_660 : memref<64x128xf32, #tpu.memory_space<vmem>>) offsets(%dma_start3A_663 : memref<64xi32, #tpu.memory_space<vmem>>) semaphore(%arg11 : memref<!tpu.dma_semaphore, #tpu.memory_space<semaphore_mem>>)
    %dma_wait3A_667 = arith.constant 0 : i32
    %dma_wait3A_668 = arith.constant 0 : i32
    %dma_wait3A_669 = arith.constant 0 : i32
    %dma_wait3A_670 = arith.constant 0 : i32
    %dma_wait3A_671 = tpu.memref_slice %arg8[%dma_wait3A_668, %dma_wait3A_669, %dma_wait3A_670] : memref<3x64x128xf32, #tpu.memory_space<vmem>> -> memref<1x64x128xf32, #tpu.memory_space<vmem>>
    %dma_wait3A_672 = tpu.memref_squeeze %dma_wait3A_671 : memref<1x64x128xf32, #tpu.memory_space<vmem>> -> memref<64x128xf32, #tpu.memory_space<vmem>>
    %dma_wait3A_673 = arith.constant 0 : i32
    %dma_wait3A_674 = tpu.memref_slice %arg6[%dma_wait3A_667, %dma_wait3A_673] : memref<3x64xi32, #tpu.memory_space<vmem>> -> memref<1x64xi32, #tpu.memory_space<vmem>>
    %dma_wait3A_675 = tpu.memref_squeeze %dma_wait3A_674 : memref<1x64xi32, #tpu.memory_space<vmem>> -> memref<64xi32, #tpu.memory_space<vmem>>
    %dma_wait3A_676 = arith.constant 0 : i32
    %dma_wait3A_677 = arith.constant 0 : i32
    %dma_wait3A_678 = tpu.memref_slice %arg2[%dma_wait3A_676, %dma_wait3A_677] : memref<10000x128xf32, #tpu.memory_space<hbm>> -> memref<10000x128xf32, #tpu.memory_space<hbm>>
    tpu.wait_indirect_dma semaphore(%arg9 : memref<!tpu.dma_semaphore, #tpu.memory_space<semaphore_mem>>) src(%dma_wait3A_678 : memref<10000x128xf32, #tpu.memory_space<hbm>>) dst(%dma_wait3A_672 : memref<64x128xf32, #tpu.memory_space<vmem>>)
    %dma_start3A_679 = arith.constant 0 : i32
    %dma_start3A_680 = arith.constant 0 : i32
    %dma_start3A_681 = arith.constant 0 : i32
    %dma_start3A_682 = arith.constant 0 : i32
    %dma_start3A_683 = tpu.memref_slice %arg8[%dma_start3A_679, %dma_start3A_681, %dma_start3A_682] : memref<3x64x128xf32, #tpu.memory_space<vmem>> -> memref<1x64x128xf32, #tpu.memory_space<vmem>>
    %dma_start3A_684 = tpu.memref_squeeze %dma_start3A_683 : memref<1x64x128xf32, #tpu.memory_space<vmem>> -> memref<64x128xf32, #tpu.memory_space<vmem>>
    %dma_start3A_685 = arith.constant 0 : i32
    %dma_start3A_686 = tpu.memref_slice %arg7[%dma_start3A_680, %dma_start3A_685] : memref<3x64xi32, #tpu.memory_space<vmem>> -> memref<1x64xi32, #tpu.memory_space<vmem>>
    %dma_start3A_687 = tpu.memref_squeeze %dma_start3A_686 : memref<1x64xi32, #tpu.memory_space<vmem>> -> memref<64xi32, #tpu.memory_space<vmem>>
    %dma_start3A_688 = arith.constant 0 : i32
    %dma_start3A_689 = arith.constant 0 : i32
    %dma_start3A_690 = tpu.memref_slice %arg15[%dma_start3A_688, %dma_start3A_689] : memref<10240x128xf32, #tpu.memory_space<vmem_shared>> -> memref<10240x128xf32, #tpu.memory_space<vmem_shared>>
    tpu.enqueue_indirect_dma source(%dma_start3A_684 : memref<64x128xf32, #tpu.memory_space<vmem>>) target(%dma_start3A_690 : memref<10240x128xf32, #tpu.memory_space<vmem_shared>>) offsets(%dma_start3A_687 : memref<64xi32, #tpu.memory_space<vmem>>) semaphore(%arg12 : memref<!tpu.dma_semaphore, #tpu.memory_space<semaphore_mem>>) {add = true}
    %dma_wait3A_691 = arith.constant 0 : i32
    %dma_wait3A_692 = arith.constant 0 : i32
    %dma_wait3A_693 = arith.constant 0 : i32
    %dma_wait3A_694 = arith.constant 0 : i32
    %dma_wait3A_695 = tpu.memref_slice %arg8[%dma_wait3A_691, %dma_wait3A_693, %dma_wait3A_694] : memref<3x64x128xf32, #tpu.memory_space<vmem>> -> memref<1x64x128xf32, #tpu.memory_space<vmem>>
    %dma_wait3A_696 = tpu.memref_squeeze %dma_wait3A_695 : memref<1x64x128xf32, #tpu.memory_space<vmem>> -> memref<64x128xf32, #tpu.memory_space<vmem>>
    %dma_wait3A_697 = arith.constant 0 : i32
    %dma_wait3A_698 = tpu.memref_slice %arg7[%dma_wait3A_692, %dma_wait3A_697] : memref<3x64xi32, #tpu.memory_space<vmem>> -> memref<1x64xi32, #tpu.memory_space<vmem>>
    %dma_wait3A_699 = tpu.memref_squeeze %dma_wait3A_698 : memref<1x64xi32, #tpu.memory_space<vmem>> -> memref<64xi32, #tpu.memory_space<vmem>>
    %dma_wait3A_700 = arith.constant 0 : i32
    %dma_wait3A_701 = arith.constant 0 : i32
    %dma_wait3A_702 = tpu.memref_slice %arg15[%dma_wait3A_700, %dma_wait3A_701] : memref<10240x128xf32, #tpu.memory_space<vmem_shared>> -> memref<10240x128xf32, #tpu.memory_space<vmem_shared>>
    tpu.wait_indirect_dma semaphore(%arg12 : memref<!tpu.dma_semaphore, #tpu.memory_space<semaphore_mem>>) src(%dma_wait3A_696 : memref<64x128xf32, #tpu.memory_space<vmem>>) dst(%dma_wait3A_702 : memref<10240x128xf32, #tpu.memory_space<vmem_shared>>)
    %get3A_703 = arith.constant 3 : i32
    %get3A_704 = arith.index_cast %get3A_703 : i32 to index
    %get3A_705 = arith.constant 0 : index
    %get3A_706 = tpu.vector_load %arg5[%get3A_704, %get3A_705] {strides = array<i32>} : memref<160x64xi32, #tpu.memory_space<vmem>>, vector<1x16xi32>,
    %get3A_707 = vector.shape_cast %get3A_706 : vector<1x16xi32> to vector<16xi32>
    %and3A_708 = arith.constant 65535 : i32
    %and3A_709 = vector.broadcast %and3A_708 : i32 to vector<16xi32>
    %and3A_710 = arith.andi %get3A_707, %and3A_709 : vector<16xi32>
    %swap3A_711 = arith.constant 0 : i32
    %swap3A_712 = arith.index_cast %swap3A_711 : i32 to index
    %swap3A_713 = arith.constant 0 : index
    %swap3A_714 = tpu.vector_load %arg6[%swap3A_712, %swap3A_713] {strides = array<i32>} : memref<3x64xi32, #tpu.memory_space<vmem>>, vector<1x16xi32>,
    %swap3A_715 = vector.shape_cast %swap3A_714 : vector<1x16xi32> to vector<16xi32>
    %swap3A_716 = vector.shape_cast %and3A_710 : vector<16xi32> to vector<1x16xi32>
    tpu.vector_store %arg6[%swap3A_712, %swap3A_713], %swap3A_716 {strides = array<i32>} : memref<3x64xi32, #tpu.memory_space<vmem>>, vector<1x16xi32>,
    %shift_right_logical3A_717 = arith.constant 16 : i32
    %shift_right_logical3A_718 = vector.broadcast %shift_right_logical3A_717 : i32 to vector<16xi32>
    %shift_right_logical3A_719 = arith.shrui %get3A_707, %shift_right_logical3A_718 : vector<16xi32>
    %swap3A_720 = arith.constant 0 : i32
    %swap3A_721 = arith.index_cast %swap3A_720 : i32 to index
    %swap3A_722 = arith.constant 0 : index
    %swap3A_723 = tpu.vector_load %arg7[%swap3A_721, %swap3A_722] {strides = array<i32>} : memref<3x64xi32, #tpu.memory_space<vmem>>, vector<1x16xi32>,
    %swap3A_724 = vector.shape_cast %swap3A_723 : vector<1x16xi32> to vector<16xi32>
    %swap3A_725 = vector.shape_cast %shift_right_logical3A_719 : vector<16xi32> to vector<1x16xi32>
    tpu.vector_store %arg7[%swap3A_721, %swap3A_722], %swap3A_725 {strides = array<i32>} : memref<3x64xi32, #tpu.memory_space<vmem>>, vector<1x16xi32>,
    %get3A_726 = arith.constant 3 : i32
    %get3A_727 = arith.index_cast %get3A_726 : i32 to index
    %get3A_728 = arith.constant 16 : index
    %get3A_729 = tpu.vector_load %arg5[%get3A_727, %get3A_728] {strides = array<i32>} : memref<160x64xi32, #tpu.memory_space<vmem>>, vector<1x16xi32>,
    %get3A_730 = vector.shape_cast %get3A_729 : vector<1x16xi32> to vector<16xi32>
    %and3A_731 = arith.constant 65535 : i32
    %and3A_732 = vector.broadcast %and3A_731 : i32 to vector<16xi32>
    %and3A_733 = arith.andi %get3A_730, %and3A_732 : vector<16xi32>
    %swap3A_734 = arith.constant 0 : i32
    %swap3A_735 = arith.index_cast %swap3A_734 : i32 to index
    %swap3A_736 = arith.constant 16 : index
    %swap3A_737 = tpu.vector_load %arg6[%swap3A_735, %swap3A_736] {strides = array<i32>} : memref<3x64xi32, #tpu.memory_space<vmem>>, vector<1x16xi32>,
    %swap3A_738 = vector.shape_cast %swap3A_737 : vector<1x16xi32> to vector<16xi32>
    %swap3A_739 = vector.shape_cast %and3A_733 : vector<16xi32> to vector<1x16xi32>
    tpu.vector_store %arg6[%swap3A_735, %swap3A_736], %swap3A_739 {strides = array<i32>} : memref<3x64xi32, #tpu.memory_space<vmem>>, vector<1x16xi32>,
    %shift_right_logical3A_740 = arith.constant 16 : i32
    %shift_right_logical3A_741 = vector.broadcast %shift_right_logical3A_740 : i32 to vector<16xi32>
    %shift_right_logical3A_742 = arith.shrui %get3A_730, %shift_right_logical3A_741 : vector<16xi32>
    %swap3A_743 = arith.constant 0 : i32
    %swap3A_744 = arith.index_cast %swap3A_743 : i32 to index
    %swap3A_745 = arith.constant 16 : index
    %swap3A_746 = tpu.vector_load %arg7[%swap3A_744, %swap3A_745] {strides = array<i32>} : memref<3x64xi32, #tpu.memory_space<vmem>>, vector<1x16xi32>,
    %swap3A_747 = vector.shape_cast %swap3A_746 : vector<1x16xi32> to vector<16xi32>
    %swap3A_748 = vector.shape_cast %shift_right_logical3A_742 : vector<16xi32> to vector<1x16xi32>
    tpu.vector_store %arg7[%swap3A_744, %swap3A_745], %swap3A_748 {strides = array<i32>} : memref<3x64xi32, #tpu.memory_space<vmem>>, vector<1x16xi32>,
    %get3A_749 = arith.constant 3 : i32
    %get3A_750 = arith.index_cast %get3A_749 : i32 to index
    %get3A_751 = arith.constant 32 : index
    %get3A_752 = tpu.vector_load %arg5[%get3A_750, %get3A_751] {strides = array<i32>} : memref<160x64xi32, #tpu.memory_space<vmem>>, vector<1x16xi32>,
    %get3A_753 = vector.shape_cast %get3A_752 : vector<1x16xi32> to vector<16xi32>
    %and3A_754 = arith.constant 65535 : i32
    %and3A_755 = vector.broadcast %and3A_754 : i32 to vector<16xi32>
    %and3A_756 = arith.andi %get3A_753, %and3A_755 : vector<16xi32>
    %swap3A_757 = arith.constant 0 : i32
    %swap3A_758 = arith.index_cast %swap3A_757 : i32 to index
    %swap3A_759 = arith.constant 32 : index
    %swap3A_760 = tpu.vector_load %arg6[%swap3A_758, %swap3A_759] {strides = array<i32>} : memref<3x64xi32, #tpu.memory_space<vmem>>, vector<1x16xi32>,
    %swap3A_761 = vector.shape_cast %swap3A_760 : vector<1x16xi32> to vector<16xi32>
    %swap3A_762 = vector.shape_cast %and3A_756 : vector<16xi32> to vector<1x16xi32>
    tpu.vector_store %arg6[%swap3A_758, %swap3A_759], %swap3A_762 {strides = array<i32>} : memref<3x64xi32, #tpu.memory_space<vmem>>, vector<1x16xi32>,
    %shift_right_logical3A_763 = arith.constant 16 : i32
    %shift_right_logical3A_764 = vector.broadcast %shift_right_logical3A_763 : i32 to vector<16xi32>
    %shift_right_logical3A_765 = arith.shrui %get3A_753, %shift_right_logical3A_764 : vector<16xi32>
    %swap3A_766 = arith.constant 0 : i32
    %swap3A_767 = arith.index_cast %swap3A_766 : i32 to index
    %swap3A_768 = arith.constant 32 : index
    %swap3A_769 = tpu.vector_load %arg7[%swap3A_767, %swap3A_768] {strides = array<i32>} : memref<3x64xi32, #tpu.memory_space<vmem>>, vector<1x16xi32>,
    %swap3A_770 = vector.shape_cast %swap3A_769 : vector<1x16xi32> to vector<16xi32>
    %swap3A_771 = vector.shape_cast %shift_right_logical3A_765 : vector<16xi32> to vector<1x16xi32>
    tpu.vector_store %arg7[%swap3A_767, %swap3A_768], %swap3A_771 {strides = array<i32>} : memref<3x64xi32, #tpu.memory_space<vmem>>, vector<1x16xi32>,
    %get3A_772 = arith.constant 3 : i32
    %get3A_773 = arith.index_cast %get3A_772 : i32 to index
    %get3A_774 = arith.constant 48 : index
    %get3A_775 = tpu.vector_load %arg5[%get3A_773, %get3A_774] {strides = array<i32>} : memref<160x64xi32, #tpu.memory_space<vmem>>, vector<1x16xi32>,
    %get3A_776 = vector.shape_cast %get3A_775 : vector<1x16xi32> to vector<16xi32>
    %and3A_777 = arith.constant 65535 : i32
    %and3A_778 = vector.broadcast %and3A_777 : i32 to vector<16xi32>
    %and3A_779 = arith.andi %get3A_776, %and3A_778 : vector<16xi32>
    %swap3A_780 = arith.constant 0 : i32
    %swap3A_781 = arith.index_cast %swap3A_780 : i32 to index
    %swap3A_782 = arith.constant 48 : index
    %swap3A_783 = tpu.vector_load %arg6[%swap3A_781, %swap3A_782] {strides = array<i32>} : memref<3x64xi32, #tpu.memory_space<vmem>>, vector<1x16xi32>,
    %swap3A_784 = vector.shape_cast %swap3A_783 : vector<1x16xi32> to vector<16xi32>
    %swap3A_785 = vector.shape_cast %and3A_779 : vector<16xi32> to vector<1x16xi32>
    tpu.vector_store %arg6[%swap3A_781, %swap3A_782], %swap3A_785 {strides = array<i32>} : memref<3x64xi32, #tpu.memory_space<vmem>>, vector<1x16xi32>,
    %shift_right_logical3A_786 = arith.constant 16 : i32
    %shift_right_logical3A_787 = vector.broadcast %shift_right_logical3A_786 : i32 to vector<16xi32>
    %shift_right_logical3A_788 = arith.shrui %get3A_776, %shift_right_logical3A_787 : vector<16xi32>
    %swap3A_789 = arith.constant 0 : i32
    %swap3A_790 = arith.index_cast %swap3A_789 : i32 to index
    %swap3A_791 = arith.constant 48 : index
    %swap3A_792 = tpu.vector_load %arg7[%swap3A_790, %swap3A_791] {strides = array<i32>} : memref<3x64xi32, #tpu.memory_space<vmem>>, vector<1x16xi32>,
    %swap3A_793 = vector.shape_cast %swap3A_792 : vector<1x16xi32> to vector<16xi32>
    %swap3A_794 = vector.shape_cast %shift_right_logical3A_788 : vector<16xi32> to vector<1x16xi32>
    tpu.vector_store %arg7[%swap3A_790, %swap3A_791], %swap3A_794 {strides = array<i32>} : memref<3x64xi32, #tpu.memory_space<vmem>>, vector<1x16xi32>,
    %dma_start3A_795 = arith.constant 0 : i32
    %dma_start3A_796 = arith.constant 0 : i32
    %dma_start3A_797 = arith.constant 0 : i32
    %dma_start3A_798 = arith.constant 0 : i32
    %dma_start3A_799 = tpu.memref_slice %arg8[%dma_start3A_796, %dma_start3A_797, %dma_start3A_798] : memref<3x64x128xf32, #tpu.memory_space<vmem>> -> memref<1x64x128xf32, #tpu.memory_space<vmem>>
    %dma_start3A_800 = tpu.memref_squeeze %dma_start3A_799 : memref<1x64x128xf32, #tpu.memory_space<vmem>> -> memref<64x128xf32, #tpu.memory_space<vmem>>
    %dma_start3A_801 = arith.constant 0 : i32
    %dma_start3A_802 = tpu.memref_slice %arg6[%dma_start3A_795, %dma_start3A_801] : memref<3x64xi32, #tpu.memory_space<vmem>> -> memref<1x64xi32, #tpu.memory_space<vmem>>
    %dma_start3A_803 = tpu.memref_squeeze %dma_start3A_802 : memref<1x64xi32, #tpu.memory_space<vmem>> -> memref<64xi32, #tpu.memory_space<vmem>>
    %dma_start3A_804 = arith.constant 0 : i32
    %dma_start3A_805 = arith.constant 0 : i32
    %dma_start3A_806 = tpu.memref_slice %arg2[%dma_start3A_804, %dma_start3A_805] : memref<10000x128xf32, #tpu.memory_space<hbm>> -> memref<10000x128xf32, #tpu.memory_space<hbm>>
    tpu.enqueue_indirect_dma source(%dma_start3A_806 : memref<10000x128xf32, #tpu.memory_space<hbm>>) target(%dma_start3A_800 : memref<64x128xf32, #tpu.memory_space<vmem>>) offsets(%dma_start3A_803 : memref<64xi32, #tpu.memory_space<vmem>>) semaphore(%arg9 : memref<!tpu.dma_semaphore, #tpu.memory_space<semaphore_mem>>)
    %dma_wait3A_807 = arith.constant 1 : i32
    %dma_wait3A_808 = arith.constant 1 : i32
    %dma_wait3A_809 = arith.constant 0 : i32
    %dma_wait3A_810 = arith.constant 0 : i32
    %dma_wait3A_811 = tpu.memref_slice %arg8[%dma_wait3A_808, %dma_wait3A_809, %dma_wait3A_810] : memref<3x64x128xf32, #tpu.memory_space<vmem>> -> memref<1x64x128xf32, #tpu.memory_space<vmem>>
    %dma_wait3A_812 = tpu.memref_squeeze %dma_wait3A_811 : memref<1x64x128xf32, #tpu.memory_space<vmem>> -> memref<64x128xf32, #tpu.memory_space<vmem>>
    %dma_wait3A_813 = arith.constant 0 : i32
    %dma_wait3A_814 = tpu.memref_slice %arg6[%dma_wait3A_807, %dma_wait3A_813] : memref<3x64xi32, #tpu.memory_space<vmem>> -> memref<1x64xi32, #tpu.memory_space<vmem>>
    %dma_wait3A_815 = tpu.memref_squeeze %dma_wait3A_814 : memref<1x64xi32, #tpu.memory_space<vmem>> -> memref<64xi32, #tpu.memory_space<vmem>>
    %dma_wait3A_816 = arith.constant 0 : i32
    %dma_wait3A_817 = arith.constant 0 : i32
    %dma_wait3A_818 = tpu.memref_slice %arg2[%dma_wait3A_816, %dma_wait3A_817] : memref<10000x128xf32, #tpu.memory_space<hbm>> -> memref<10000x128xf32, #tpu.memory_space<hbm>>
    tpu.wait_indirect_dma semaphore(%arg10 : memref<!tpu.dma_semaphore, #tpu.memory_space<semaphore_mem>>) src(%dma_wait3A_818 : memref<10000x128xf32, #tpu.memory_space<hbm>>) dst(%dma_wait3A_812 : memref<64x128xf32, #tpu.memory_space<vmem>>)
    %dma_start3A_819 = arith.constant 1 : i32
    %dma_start3A_820 = arith.constant 1 : i32
    %dma_start3A_821 = arith.constant 0 : i32
    %dma_start3A_822 = arith.constant 0 : i32
    %dma_start3A_823 = tpu.memref_slice %arg8[%dma_start3A_819, %dma_start3A_821, %dma_start3A_822] : memref<3x64x128xf32, #tpu.memory_space<vmem>> -> memref<1x64x128xf32, #tpu.memory_space<vmem>>
    %dma_start3A_824 = tpu.memref_squeeze %dma_start3A_823 : memref<1x64x128xf32, #tpu.memory_space<vmem>> -> memref<64x128xf32, #tpu.memory_space<vmem>>
    %dma_start3A_825 = arith.constant 0 : i32
    %dma_start3A_826 = tpu.memref_slice %arg7[%dma_start3A_820, %dma_start3A_825] : memref<3x64xi32, #tpu.memory_space<vmem>> -> memref<1x64xi32, #tpu.memory_space<vmem>>
    %dma_start3A_827 = tpu.memref_squeeze %dma_start3A_826 : memref<1x64xi32, #tpu.memory_space<vmem>> -> memref<64xi32, #tpu.memory_space<vmem>>
    %dma_start3A_828 = arith.constant 0 : i32
    %dma_start3A_829 = arith.constant 0 : i32
    %dma_start3A_830 = tpu.memref_slice %arg15[%dma_start3A_828, %dma_start3A_829] : memref<10240x128xf32, #tpu.memory_space<vmem_shared>> -> memref<10240x128xf32, #tpu.memory_space<vmem_shared>>
    tpu.enqueue_indirect_dma source(%dma_start3A_824 : memref<64x128xf32, #tpu.memory_space<vmem>>) target(%dma_start3A_830 : memref<10240x128xf32, #tpu.memory_space<vmem_shared>>) offsets(%dma_start3A_827 : memref<64xi32, #tpu.memory_space<vmem>>) semaphore(%arg13 : memref<!tpu.dma_semaphore, #tpu.memory_space<semaphore_mem>>) {add = true}
    %scan3A_831 = arith.constant 0 : i32
    %scan3A_832 = arith.constant 52 : i32
    %scan3A_833 = arith.addi %scan3A_831, %scan3A_832 : i32
    %scan3A_834 = arith.constant 1 : i32
    scf.for %scan3A_1051 = %scan3A_831 to %scan3A_833 step %scan3A_834  : i32 {
      %mul3A_1052 = arith.constant 3 : i32
      %mul3A_1053 = arith.muli %mul3A_1052, %scan3A_1051 : i32
      %add3A_1054 = arith.constant 2 : i32
      %add3A_1055 = arith.addi %mul3A_1053, %add3A_1054 : i32
      %add3A_1056 = arith.constant 0 : i32
      %add3A_1057 = arith.addi %add3A_1055, %add3A_1056 : i32
      %dma_wait3A_1058 = arith.constant 1 : i32
      %dma_wait3A_1059 = arith.constant 1 : i32
      %dma_wait3A_1060 = arith.constant 0 : i32
      %dma_wait3A_1061 = arith.constant 0 : i32
      %dma_wait3A_1062 = tpu.memref_slice %arg8[%dma_wait3A_1058, %dma_wait3A_1060, %dma_wait3A_1061] : memref<3x64x128xf32, #tpu.memory_space<vmem>> -> memref<1x64x128xf32, #tpu.memory_space<vmem>>
      %dma_wait3A_1063 = tpu.memref_squeeze %dma_wait3A_1062 : memref<1x64x128xf32, #tpu.memory_space<vmem>> -> memref<64x128xf32, #tpu.memory_space<vmem>>
      %dma_wait3A_1064 = arith.constant 0 : i32
      %dma_wait3A_1065 = tpu.memref_slice %arg7[%dma_wait3A_1059, %dma_wait3A_1064] : memref<3x64xi32, #tpu.memory_space<vmem>> -> memref<1x64xi32, #tpu.memory_space<vmem>>
      %dma_wait3A_1066 = tpu.memref_squeeze %dma_wait3A_1065 : memref<1x64xi32, #tpu.memory_space<vmem>> -> memref<64xi32, #tpu.memory_space<vmem>>
      %dma_wait3A_1067 = arith.constant 0 : i32
      %dma_wait3A_1068 = arith.constant 0 : i32
      %dma_wait3A_1069 = tpu.memref_slice %arg15[%dma_wait3A_1067, %dma_wait3A_1068] : memref<10240x128xf32, #tpu.memory_space<vmem_shared>> -> memref<10240x128xf32, #tpu.memory_space<vmem_shared>>
      tpu.wait_indirect_dma semaphore(%arg13 : memref<!tpu.dma_semaphore, #tpu.memory_space<semaphore_mem>>) src(%dma_wait3A_1063 : memref<64x128xf32, #tpu.memory_space<vmem>>) dst(%dma_wait3A_1069 : memref<10240x128xf32, #tpu.memory_space<vmem_shared>>)
      %add3A_1070 = arith.constant 2 : i32
      %add3A_1071 = arith.addi %add3A_1057, %add3A_1070 : i32
      %get3A_1072 = arith.index_cast %add3A_1071 : i32 to index
      %get3A_1073 = arith.constant 0 : index
      %get3A_1074 = tpu.vector_load %arg5[%get3A_1072, %get3A_1073] {strides = array<i32>} : memref<160x64xi32, #tpu.memory_space<vmem>>, vector<1x16xi32>,
      %get3A_1075 = vector.shape_cast %get3A_1074 : vector<1x16xi32> to vector<16xi32>
      %and3A_1076 = arith.constant 65535 : i32
      %and3A_1077 = vector.broadcast %and3A_1076 : i32 to vector<16xi32>
      %and3A_1078 = arith.andi %get3A_1075, %and3A_1077 : vector<16xi32>
      %swap3A_1079 = arith.constant 1 : i32
      %swap3A_1080 = arith.index_cast %swap3A_1079 : i32 to index
      %swap3A_1081 = arith.constant 0 : index
      %swap3A_1082 = tpu.vector_load %arg6[%swap3A_1080, %swap3A_1081] {strides = array<i32>} : memref<3x64xi32, #tpu.memory_space<vmem>>, vector<1x16xi32>,
      %swap3A_1083 = vector.shape_cast %swap3A_1082 : vector<1x16xi32> to vector<16xi32>
      %swap3A_1084 = vector.shape_cast %and3A_1078 : vector<16xi32> to vector<1x16xi32>
      tpu.vector_store %arg6[%swap3A_1080, %swap3A_1081], %swap3A_1084 {strides = array<i32>} : memref<3x64xi32, #tpu.memory_space<vmem>>, vector<1x16xi32>,
      %shift_right_logical3A_1085 = arith.constant 16 : i32
      %shift_right_logical3A_1086 = vector.broadcast %shift_right_logical3A_1085 : i32 to vector<16xi32>
      %shift_right_logical3A_1087 = arith.shrui %get3A_1075, %shift_right_logical3A_1086 : vector<16xi32>
      %swap3A_1088 = arith.constant 1 : i32
      %swap3A_1089 = arith.index_cast %swap3A_1088 : i32 to index
      %swap3A_1090 = arith.constant 0 : index
      %swap3A_1091 = tpu.vector_load %arg7[%swap3A_1089, %swap3A_1090] {strides = array<i32>} : memref<3x64xi32, #tpu.memory_space<vmem>>, vector<1x16xi32>,
      %swap3A_1092 = vector.shape_cast %swap3A_1091 : vector<1x16xi32> to vector<16xi32>
      %swap3A_1093 = vector.shape_cast %shift_right_logical3A_1087 : vector<16xi32> to vector<1x16xi32>
      tpu.vector_store %arg7[%swap3A_1089, %swap3A_1090], %swap3A_1093 {strides = array<i32>} : memref<3x64xi32, #tpu.memory_space<vmem>>, vector<1x16xi32>,
      %get3A_1094 = arith.index_cast %add3A_1071 : i32 to index
      %get3A_1095 = arith.constant 16 : index
      %get3A_1096 = tpu.vector_load %arg5[%get3A_1094, %get3A_1095] {strides = array<i32>} : memref<160x64xi32, #tpu.memory_space<vmem>>, vector<1x16xi32>,
      %get3A_1097 = vector.shape_cast %get3A_1096 : vector<1x16xi32> to vector<16xi32>
      %and3A_1098 = arith.constant 65535 : i32
      %and3A_1099 = vector.broadcast %and3A_1098 : i32 to vector<16xi32>
      %and3A_1100 = arith.andi %get3A_1097, %and3A_1099 : vector<16xi32>
      %swap3A_1101 = arith.constant 1 : i32
      %swap3A_1102 = arith.index_cast %swap3A_1101 : i32 to index
      %swap3A_1103 = arith.constant 16 : index
      %swap3A_1104 = tpu.vector_load %arg6[%swap3A_1102, %swap3A_1103] {strides = array<i32>} : memref<3x64xi32, #tpu.memory_space<vmem>>, vector<1x16xi32>,
      %swap3A_1105 = vector.shape_cast %swap3A_1104 : vector<1x16xi32> to vector<16xi32>
      %swap3A_1106 = vector.shape_cast %and3A_1100 : vector<16xi32> to vector<1x16xi32>
      tpu.vector_store %arg6[%swap3A_1102, %swap3A_1103], %swap3A_1106 {strides = array<i32>} : memref<3x64xi32, #tpu.memory_space<vmem>>, vector<1x16xi32>,
      %shift_right_logical3A_1107 = arith.constant 16 : i32
      %shift_right_logical3A_1108 = vector.broadcast %shift_right_logical3A_1107 : i32 to vector<16xi32>
      %shift_right_logical3A_1109 = arith.shrui %get3A_1097, %shift_right_logical3A_1108 : vector<16xi32>
      %swap3A_1110 = arith.constant 1 : i32
      %swap3A_1111 = arith.index_cast %swap3A_1110 : i32 to index
      %swap3A_1112 = arith.constant 16 : index
      %swap3A_1113 = tpu.vector_load %arg7[%swap3A_1111, %swap3A_1112] {strides = array<i32>} : memref<3x64xi32, #tpu.memory_space<vmem>>, vector<1x16xi32>,
      %swap3A_1114 = vector.shape_cast %swap3A_1113 : vector<1x16xi32> to vector<16xi32>
      %swap3A_1115 = vector.shape_cast %shift_right_logical3A_1109 : vector<16xi32> to vector<1x16xi32>
      tpu.vector_store %arg7[%swap3A_1111, %swap3A_1112], %swap3A_1115 {strides = array<i32>} : memref<3x64xi32, #tpu.memory_space<vmem>>, vector<1x16xi32>,
      %get3A_1116 = arith.index_cast %add3A_1071 : i32 to index
      %get3A_1117 = arith.constant 32 : index
      %get3A_1118 = tpu.vector_load %arg5[%get3A_1116, %get3A_1117] {strides = array<i32>} : memref<160x64xi32, #tpu.memory_space<vmem>>, vector<1x16xi32>,
      %get3A_1119 = vector.shape_cast %get3A_1118 : vector<1x16xi32> to vector<16xi32>
      %and3A_1120 = arith.constant 65535 : i32
      %and3A_1121 = vector.broadcast %and3A_1120 : i32 to vector<16xi32>
      %and3A_1122 = arith.andi %get3A_1119, %and3A_1121 : vector<16xi32>
      %swap3A_1123 = arith.constant 1 : i32
      %swap3A_1124 = arith.index_cast %swap3A_1123 : i32 to index
      %swap3A_1125 = arith.constant 32 : index
      %swap3A_1126 = tpu.vector_load %arg6[%swap3A_1124, %swap3A_1125] {strides = array<i32>} : memref<3x64xi32, #tpu.memory_space<vmem>>, vector<1x16xi32>,
      %swap3A_1127 = vector.shape_cast %swap3A_1126 : vector<1x16xi32> to vector<16xi32>
      %swap3A_1128 = vector.shape_cast %and3A_1122 : vector<16xi32> to vector<1x16xi32>
      tpu.vector_store %arg6[%swap3A_1124, %swap3A_1125], %swap3A_1128 {strides = array<i32>} : memref<3x64xi32, #tpu.memory_space<vmem>>, vector<1x16xi32>,
      %shift_right_logical3A_1129 = arith.constant 16 : i32
      %shift_right_logical3A_1130 = vector.broadcast %shift_right_logical3A_1129 : i32 to vector<16xi32>
      %shift_right_logical3A_1131 = arith.shrui %get3A_1119, %shift_right_logical3A_1130 : vector<16xi32>
      %swap3A_1132 = arith.constant 1 : i32
      %swap3A_1133 = arith.index_cast %swap3A_1132 : i32 to index
      %swap3A_1134 = arith.constant 32 : index
      %swap3A_1135 = tpu.vector_load %arg7[%swap3A_1133, %swap3A_1134] {strides = array<i32>} : memref<3x64xi32, #tpu.memory_space<vmem>>, vector<1x16xi32>,
      %swap3A_1136 = vector.shape_cast %swap3A_1135 : vector<1x16xi32> to vector<16xi32>
      %swap3A_1137 = vector.shape_cast %shift_right_logical3A_1131 : vector<16xi32> to vector<1x16xi32>
      tpu.vector_store %arg7[%swap3A_1133, %swap3A_1134], %swap3A_1137 {strides = array<i32>} : memref<3x64xi32, #tpu.memory_space<vmem>>, vector<1x16xi32>,
      %get3A_1138 = arith.index_cast %add3A_1071 : i32 to index
      %get3A_1139 = arith.constant 48 : index
      %get3A_1140 = tpu.vector_load %arg5[%get3A_1138, %get3A_1139] {strides = array<i32>} : memref<160x64xi32, #tpu.memory_space<vmem>>, vector<1x16xi32>,
      %get3A_1141 = vector.shape_cast %get3A_1140 : vector<1x16xi32> to vector<16xi32>
      %and3A_1142 = arith.constant 65535 : i32
      %and3A_1143 = vector.broadcast %and3A_1142 : i32 to vector<16xi32>
      %and3A_1144 = arith.andi %get3A_1141, %and3A_1143 : vector<16xi32>
      %swap3A_1145 = arith.constant 1 : i32
      %swap3A_1146 = arith.index_cast %swap3A_1145 : i32 to index
      %swap3A_1147 = arith.constant 48 : index
      %swap3A_1148 = tpu.vector_load %arg6[%swap3A_1146, %swap3A_1147] {strides = array<i32>} : memref<3x64xi32, #tpu.memory_space<vmem>>, vector<1x16xi32>,
      %swap3A_1149 = vector.shape_cast %swap3A_1148 : vector<1x16xi32> to vector<16xi32>
      %swap3A_1150 = vector.shape_cast %and3A_1144 : vector<16xi32> to vector<1x16xi32>
      tpu.vector_store %arg6[%swap3A_1146, %swap3A_1147], %swap3A_1150 {strides = array<i32>} : memref<3x64xi32, #tpu.memory_space<vmem>>, vector<1x16xi32>,
      %shift_right_logical3A_1151 = arith.constant 16 : i32
      %shift_right_logical3A_1152 = vector.broadcast %shift_right_logical3A_1151 : i32 to vector<16xi32>
      %shift_right_logical3A_1153 = arith.shrui %get3A_1141, %shift_right_logical3A_1152 : vector<16xi32>
      %swap3A_1154 = arith.constant 1 : i32
      %swap3A_1155 = arith.index_cast %swap3A_1154 : i32 to index
      %swap3A_1156 = arith.constant 48 : index
      %swap3A_1157 = tpu.vector_load %arg7[%swap3A_1155, %swap3A_1156] {strides = array<i32>} : memref<3x64xi32, #tpu.memory_space<vmem>>, vector<1x16xi32>,
      %swap3A_1158 = vector.shape_cast %swap3A_1157 : vector<1x16xi32> to vector<16xi32>
      %swap3A_1159 = vector.shape_cast %shift_right_logical3A_1153 : vector<16xi32> to vector<1x16xi32>
      tpu.vector_store %arg7[%swap3A_1155, %swap3A_1156], %swap3A_1159 {strides = array<i32>} : memref<3x64xi32, #tpu.memory_space<vmem>>, vector<1x16xi32>,
      %dma_start3A_1160 = arith.constant 1 : i32
      %dma_start3A_1161 = arith.constant 1 : i32
      %dma_start3A_1162 = arith.constant 0 : i32
      %dma_start3A_1163 = arith.constant 0 : i32
      %dma_start3A_1164 = tpu.memref_slice %arg8[%dma_start3A_1161, %dma_start3A_1162, %dma_start3A_1163] : memref<3x64x128xf32, #tpu.memory_space<vmem>> -> memref<1x64x128xf32, #tpu.memory_space<vmem>>
      %dma_start3A_1165 = tpu.memref_squeeze %dma_start3A_1164 : memref<1x64x128xf32, #tpu.memory_space<vmem>> -> memref<64x128xf32, #tpu.memory_space<vmem>>
      %dma_start3A_1166 = arith.constant 0 : i32
      %dma_start3A_1167 = tpu.memref_slice %arg6[%dma_start3A_1160, %dma_start3A_1166] : memref<3x64xi32, #tpu.memory_space<vmem>> -> memref<1x64xi32, #tpu.memory_space<vmem>>
      %dma_start3A_1168 = tpu.memref_squeeze %dma_start3A_1167 : memref<1x64xi32, #tpu.memory_space<vmem>> -> memref<64xi32, #tpu.memory_space<vmem>>
      %dma_start3A_1169 = arith.constant 0 : i32
      %dma_start3A_1170 = arith.constant 0 : i32
      %dma_start3A_1171 = tpu.memref_slice %arg2[%dma_start3A_1169, %dma_start3A_1170] : memref<10000x128xf32, #tpu.memory_space<hbm>> -> memref<10000x128xf32, #tpu.memory_space<hbm>>
      tpu.enqueue_indirect_dma source(%dma_start3A_1171 : memref<10000x128xf32, #tpu.memory_space<hbm>>) target(%dma_start3A_1165 : memref<64x128xf32, #tpu.memory_space<vmem>>) offsets(%dma_start3A_1168 : memref<64xi32, #tpu.memory_space<vmem>>) semaphore(%arg10 : memref<!tpu.dma_semaphore, #tpu.memory_space<semaphore_mem>>)
      %dma_wait3A_1172 = arith.constant 2 : i32
      %dma_wait3A_1173 = arith.constant 2 : i32
      %dma_wait3A_1174 = arith.constant 0 : i32
      %dma_wait3A_1175 = arith.constant 0 : i32
      %dma_wait3A_1176 = tpu.memref_slice %arg8[%dma_wait3A_1173, %dma_wait3A_1174, %dma_wait3A_1175] : memref<3x64x128xf32, #tpu.memory_space<vmem>> -> memref<1x64x128xf32, #tpu.memory_space<vmem>>
      %dma_wait3A_1177 = tpu.memref_squeeze %dma_wait3A_1176 : memref<1x64x128xf32, #tpu.memory_space<vmem>> -> memref<64x128xf32, #tpu.memory_space<vmem>>
      %dma_wait3A_1178 = arith.constant 0 : i32
      %dma_wait3A_1179 = tpu.memref_slice %arg6[%dma_wait3A_1172, %dma_wait3A_1178] : memref<3x64xi32, #tpu.memory_space<vmem>> -> memref<1x64xi32, #tpu.memory_space<vmem>>
      %dma_wait3A_1180 = tpu.memref_squeeze %dma_wait3A_1179 : memref<1x64xi32, #tpu.memory_space<vmem>> -> memref<64xi32, #tpu.memory_space<vmem>>
      %dma_wait3A_1181 = arith.constant 0 : i32
      %dma_wait3A_1182 = arith.constant 0 : i32
      %dma_wait3A_1183 = tpu.memref_slice %arg2[%dma_wait3A_1181, %dma_wait3A_1182] : memref<10000x128xf32, #tpu.memory_space<hbm>> -> memref<10000x128xf32, #tpu.memory_space<hbm>>
      tpu.wait_indirect_dma semaphore(%arg11 : memref<!tpu.dma_semaphore, #tpu.memory_space<semaphore_mem>>) src(%dma_wait3A_1183 : memref<10000x128xf32, #tpu.memory_space<hbm>>) dst(%dma_wait3A_1177 : memref<64x128xf32, #tpu.memory_space<vmem>>)
      %dma_start3A_1184 = arith.constant 2 : i32
      %dma_start3A_1185 = arith.constant 2 : i32
      %dma_start3A_1186 = arith.constant 0 : i32
      %dma_start3A_1187 = arith.constant 0 : i32
      %dma_start3A_1188 = tpu.memref_slice %arg8[%dma_start3A_1184, %dma_start3A_1186, %dma_start3A_1187] : memref<3x64x128xf32, #tpu.memory_space<vmem>> -> memref<1x64x128xf32, #tpu.memory_space<vmem>>
      %dma_start3A_1189 = tpu.memref_squeeze %dma_start3A_1188 : memref<1x64x128xf32, #tpu.memory_space<vmem>> -> memref<64x128xf32, #tpu.memory_space<vmem>>
      %dma_start3A_1190 = arith.constant 0 : i32
      %dma_start3A_1191 = tpu.memref_slice %arg7[%dma_start3A_1185, %dma_start3A_1190] : memref<3x64xi32, #tpu.memory_space<vmem>> -> memref<1x64xi32, #tpu.memory_space<vmem>>
      %dma_start3A_1192 = tpu.memref_squeeze %dma_start3A_1191 : memref<1x64xi32, #tpu.memory_space<vmem>> -> memref<64xi32, #tpu.memory_space<vmem>>
      %dma_start3A_1193 = arith.constant 0 : i32
      %dma_start3A_1194 = arith.constant 0 : i32
      %dma_start3A_1195 = tpu.memref_slice %arg15[%dma_start3A_1193, %dma_start3A_1194] : memref<10240x128xf32, #tpu.memory_space<vmem_shared>> -> memref<10240x128xf32, #tpu.memory_space<vmem_shared>>
      tpu.enqueue_indirect_dma source(%dma_start3A_1189 : memref<64x128xf32, #tpu.memory_space<vmem>>) target(%dma_start3A_1195 : memref<10240x128xf32, #tpu.memory_space<vmem_shared>>) offsets(%dma_start3A_1192 : memref<64xi32, #tpu.memory_space<vmem>>) semaphore(%arg14 : memref<!tpu.dma_semaphore, #tpu.memory_space<semaphore_mem>>) {add = true}
      %mul3A_1196 = arith.constant 3 : i32
      %mul3A_1197 = arith.muli %mul3A_1196, %scan3A_1051 : i32
      %add3A_1198 = arith.constant 2 : i32
      %add3A_1199 = arith.addi %mul3A_1197, %add3A_1198 : i32
      %add3A_1200 = arith.constant 1 : i32
      %add3A_1201 = arith.addi %add3A_1199, %add3A_1200 : i32
      %dma_wait3A_1202 = arith.constant 2 : i32
      %dma_wait3A_1203 = arith.constant 2 : i32
      %dma_wait3A_1204 = arith.constant 0 : i32
      %dma_wait3A_1205 = arith.constant 0 : i32
      %dma_wait3A_1206 = tpu.memref_slice %arg8[%dma_wait3A_1202, %dma_wait3A_1204, %dma_wait3A_1205] : memref<3x64x128xf32, #tpu.memory_space<vmem>> -> memref<1x64x128xf32, #tpu.memory_space<vmem>>
      %dma_wait3A_1207 = tpu.memref_squeeze %dma_wait3A_1206 : memref<1x64x128xf32, #tpu.memory_space<vmem>> -> memref<64x128xf32, #tpu.memory_space<vmem>>
      %dma_wait3A_1208 = arith.constant 0 : i32
      %dma_wait3A_1209 = tpu.memref_slice %arg7[%dma_wait3A_1203, %dma_wait3A_1208] : memref<3x64xi32, #tpu.memory_space<vmem>> -> memref<1x64xi32, #tpu.memory_space<vmem>>
      %dma_wait3A_1210 = tpu.memref_squeeze %dma_wait3A_1209 : memref<1x64xi32, #tpu.memory_space<vmem>> -> memref<64xi32, #tpu.memory_space<vmem>>
      %dma_wait3A_1211 = arith.constant 0 : i32
      %dma_wait3A_1212 = arith.constant 0 : i32
      %dma_wait3A_1213 = tpu.memref_slice %arg15[%dma_wait3A_1211, %dma_wait3A_1212] : memref<10240x128xf32, #tpu.memory_space<vmem_shared>> -> memref<10240x128xf32, #tpu.memory_space<vmem_shared>>
      tpu.wait_indirect_dma semaphore(%arg14 : memref<!tpu.dma_semaphore, #tpu.memory_space<semaphore_mem>>) src(%dma_wait3A_1207 : memref<64x128xf32, #tpu.memory_space<vmem>>) dst(%dma_wait3A_1213 : memref<10240x128xf32, #tpu.memory_space<vmem_shared>>)
      %add3A_1214 = arith.constant 2 : i32
      %add3A_1215 = arith.addi %add3A_1201, %add3A_1214 : i32
      %get3A_1216 = arith.index_cast %add3A_1215 : i32 to index
      %get3A_1217 = arith.constant 0 : index
      %get3A_1218 = tpu.vector_load %arg5[%get3A_1216, %get3A_1217] {strides = array<i32>} : memref<160x64xi32, #tpu.memory_space<vmem>>, vector<1x16xi32>,
      %get3A_1219 = vector.shape_cast %get3A_1218 : vector<1x16xi32> to vector<16xi32>
      %and3A_1220 = arith.constant 65535 : i32
      %and3A_1221 = vector.broadcast %and3A_1220 : i32 to vector<16xi32>
      %and3A_1222 = arith.andi %get3A_1219, %and3A_1221 : vector<16xi32>
      %swap3A_1223 = arith.constant 2 : i32
      %swap3A_1224 = arith.index_cast %swap3A_1223 : i32 to index
      %swap3A_1225 = arith.constant 0 : index
      %swap3A_1226 = tpu.vector_load %arg6[%swap3A_1224, %swap3A_1225] {strides = array<i32>} : memref<3x64xi32, #tpu.memory_space<vmem>>, vector<1x16xi32>,
      %swap3A_1227 = vector.shape_cast %swap3A_1226 : vector<1x16xi32> to vector<16xi32>
      %swap3A_1228 = vector.shape_cast %and3A_1222 : vector<16xi32> to vector<1x16xi32>
      tpu.vector_store %arg6[%swap3A_1224, %swap3A_1225], %swap3A_1228 {strides = array<i32>} : memref<3x64xi32, #tpu.memory_space<vmem>>, vector<1x16xi32>,
      %shift_right_logical3A_1229 = arith.constant 16 : i32
      %shift_right_logical3A_1230 = vector.broadcast %shift_right_logical3A_1229 : i32 to vector<16xi32>
      %shift_right_logical3A_1231 = arith.shrui %get3A_1219, %shift_right_logical3A_1230 : vector<16xi32>
      %swap3A_1232 = arith.constant 2 : i32
      %swap3A_1233 = arith.index_cast %swap3A_1232 : i32 to index
      %swap3A_1234 = arith.constant 0 : index
      %swap3A_1235 = tpu.vector_load %arg7[%swap3A_1233, %swap3A_1234] {strides = array<i32>} : memref<3x64xi32, #tpu.memory_space<vmem>>, vector<1x16xi32>,
      %swap3A_1236 = vector.shape_cast %swap3A_1235 : vector<1x16xi32> to vector<16xi32>
      %swap3A_1237 = vector.shape_cast %shift_right_logical3A_1231 : vector<16xi32> to vector<1x16xi32>
      tpu.vector_store %arg7[%swap3A_1233, %swap3A_1234], %swap3A_1237 {strides = array<i32>} : memref<3x64xi32, #tpu.memory_space<vmem>>, vector<1x16xi32>,
      %get3A_1238 = arith.index_cast %add3A_1215 : i32 to index
      %get3A_1239 = arith.constant 16 : index
      %get3A_1240 = tpu.vector_load %arg5[%get3A_1238, %get3A_1239] {strides = array<i32>} : memref<160x64xi32, #tpu.memory_space<vmem>>, vector<1x16xi32>,
      %get3A_1241 = vector.shape_cast %get3A_1240 : vector<1x16xi32> to vector<16xi32>
      %and3A_1242 = arith.constant 65535 : i32
      %and3A_1243 = vector.broadcast %and3A_1242 : i32 to vector<16xi32>
      %and3A_1244 = arith.andi %get3A_1241, %and3A_1243 : vector<16xi32>
      %swap3A_1245 = arith.constant 2 : i32
      %swap3A_1246 = arith.index_cast %swap3A_1245 : i32 to index
      %swap3A_1247 = arith.constant 16 : index
      %swap3A_1248 = tpu.vector_load %arg6[%swap3A_1246, %swap3A_1247] {strides = array<i32>} : memref<3x64xi32, #tpu.memory_space<vmem>>, vector<1x16xi32>,
      %swap3A_1249 = vector.shape_cast %swap3A_1248 : vector<1x16xi32> to vector<16xi32>
      %swap3A_1250 = vector.shape_cast %and3A_1244 : vector<16xi32> to vector<1x16xi32>
      tpu.vector_store %arg6[%swap3A_1246, %swap3A_1247], %swap3A_1250 {strides = array<i32>} : memref<3x64xi32, #tpu.memory_space<vmem>>, vector<1x16xi32>,
      %shift_right_logical3A_1251 = arith.constant 16 : i32
      %shift_right_logical3A_1252 = vector.broadcast %shift_right_logical3A_1251 : i32 to vector<16xi32>
      %shift_right_logical3A_1253 = arith.shrui %get3A_1241, %shift_right_logical3A_1252 : vector<16xi32>
      %swap3A_1254 = arith.constant 2 : i32
      %swap3A_1255 = arith.index_cast %swap3A_1254 : i32 to index
      %swap3A_1256 = arith.constant 16 : index
      %swap3A_1257 = tpu.vector_load %arg7[%swap3A_1255, %swap3A_1256] {strides = array<i32>} : memref<3x64xi32, #tpu.memory_space<vmem>>, vector<1x16xi32>,
      %swap3A_1258 = vector.shape_cast %swap3A_1257 : vector<1x16xi32> to vector<16xi32>
      %swap3A_1259 = vector.shape_cast %shift_right_logical3A_1253 : vector<16xi32> to vector<1x16xi32>
      tpu.vector_store %arg7[%swap3A_1255, %swap3A_1256], %swap3A_1259 {strides = array<i32>} : memref<3x64xi32, #tpu.memory_space<vmem>>, vector<1x16xi32>,
      %get3A_1260 = arith.index_cast %add3A_1215 : i32 to index
      %get3A_1261 = arith.constant 32 : index
      %get3A_1262 = tpu.vector_load %arg5[%get3A_1260, %get3A_1261] {strides = array<i32>} : memref<160x64xi32, #tpu.memory_space<vmem>>, vector<1x16xi32>,
      %get3A_1263 = vector.shape_cast %get3A_1262 : vector<1x16xi32> to vector<16xi32>
      %and3A_1264 = arith.constant 65535 : i32
      %and3A_1265 = vector.broadcast %and3A_1264 : i32 to vector<16xi32>
      %and3A_1266 = arith.andi %get3A_1263, %and3A_1265 : vector<16xi32>
      %swap3A_1267 = arith.constant 2 : i32
      %swap3A_1268 = arith.index_cast %swap3A_1267 : i32 to index
      %swap3A_1269 = arith.constant 32 : index
      %swap3A_1270 = tpu.vector_load %arg6[%swap3A_1268, %swap3A_1269] {strides = array<i32>} : memref<3x64xi32, #tpu.memory_space<vmem>>, vector<1x16xi32>,
      %swap3A_1271 = vector.shape_cast %swap3A_1270 : vector<1x16xi32> to vector<16xi32>
      %swap3A_1272 = vector.shape_cast %and3A_1266 : vector<16xi32> to vector<1x16xi32>
      tpu.vector_store %arg6[%swap3A_1268, %swap3A_1269], %swap3A_1272 {strides = array<i32>} : memref<3x64xi32, #tpu.memory_space<vmem>>, vector<1x16xi32>,
      %shift_right_logical3A_1273 = arith.constant 16 : i32
      %shift_right_logical3A_1274 = vector.broadcast %shift_right_logical3A_1273 : i32 to vector<16xi32>
      %shift_right_logical3A_1275 = arith.shrui %get3A_1263, %shift_right_logical3A_1274 : vector<16xi32>
      %swap3A_1276 = arith.constant 2 : i32
      %swap3A_1277 = arith.index_cast %swap3A_1276 : i32 to index
      %swap3A_1278 = arith.constant 32 : index
      %swap3A_1279 = tpu.vector_load %arg7[%swap3A_1277, %swap3A_1278] {strides = array<i32>} : memref<3x64xi32, #tpu.memory_space<vmem>>, vector<1x16xi32>,
      %swap3A_1280 = vector.shape_cast %swap3A_1279 : vector<1x16xi32> to vector<16xi32>
      %swap3A_1281 = vector.shape_cast %shift_right_logical3A_1275 : vector<16xi32> to vector<1x16xi32>
      tpu.vector_store %arg7[%swap3A_1277, %swap3A_1278], %swap3A_1281 {strides = array<i32>} : memref<3x64xi32, #tpu.memory_space<vmem>>, vector<1x16xi32>,
      %get3A_1282 = arith.index_cast %add3A_1215 : i32 to index
      %get3A_1283 = arith.constant 48 : index
      %get3A_1284 = tpu.vector_load %arg5[%get3A_1282, %get3A_1283] {strides = array<i32>} : memref<160x64xi32, #tpu.memory_space<vmem>>, vector<1x16xi32>,
      %get3A_1285 = vector.shape_cast %get3A_1284 : vector<1x16xi32> to vector<16xi32>
      %and3A_1286 = arith.constant 65535 : i32
      %and3A_1287 = vector.broadcast %and3A_1286 : i32 to vector<16xi32>
      %and3A_1288 = arith.andi %get3A_1285, %and3A_1287 : vector<16xi32>
      %swap3A_1289 = arith.constant 2 : i32
      %swap3A_1290 = arith.index_cast %swap3A_1289 : i32 to index
      %swap3A_1291 = arith.constant 48 : index
      %swap3A_1292 = tpu.vector_load %arg6[%swap3A_1290, %swap3A_1291] {strides = array<i32>} : memref<3x64xi32, #tpu.memory_space<vmem>>, vector<1x16xi32>,
      %swap3A_1293 = vector.shape_cast %swap3A_1292 : vector<1x16xi32> to vector<16xi32>
      %swap3A_1294 = vector.shape_cast %and3A_1288 : vector<16xi32> to vector<1x16xi32>
      tpu.vector_store %arg6[%swap3A_1290, %swap3A_1291], %swap3A_1294 {strides = array<i32>} : memref<3x64xi32, #tpu.memory_space<vmem>>, vector<1x16xi32>,
      %shift_right_logical3A_1295 = arith.constant 16 : i32
      %shift_right_logical3A_1296 = vector.broadcast %shift_right_logical3A_1295 : i32 to vector<16xi32>
      %shift_right_logical3A_1297 = arith.shrui %get3A_1285, %shift_right_logical3A_1296 : vector<16xi32>
      %swap3A_1298 = arith.constant 2 : i32
      %swap3A_1299 = arith.index_cast %swap3A_1298 : i32 to index
      %swap3A_1300 = arith.constant 48 : index
      %swap3A_1301 = tpu.vector_load %arg7[%swap3A_1299, %swap3A_1300] {strides = array<i32>} : memref<3x64xi32, #tpu.memory_space<vmem>>, vector<1x16xi32>,
      %swap3A_1302 = vector.shape_cast %swap3A_1301 : vector<1x16xi32> to vector<16xi32>
      %swap3A_1303 = vector.shape_cast %shift_right_logical3A_1297 : vector<16xi32> to vector<1x16xi32>
      tpu.vector_store %arg7[%swap3A_1299, %swap3A_1300], %swap3A_1303 {strides = array<i32>} : memref<3x64xi32, #tpu.memory_space<vmem>>, vector<1x16xi32>,
      %dma_start3A_1304 = arith.constant 2 : i32
      %dma_start3A_1305 = arith.constant 2 : i32
      %dma_start3A_1306 = arith.constant 0 : i32
      %dma_start3A_1307 = arith.constant 0 : i32
      %dma_start3A_1308 = tpu.memref_slice %arg8[%dma_start3A_1305, %dma_start3A_1306, %dma_start3A_1307] : memref<3x64x128xf32, #tpu.memory_space<vmem>> -> memref<1x64x128xf32, #tpu.memory_space<vmem>>
      %dma_start3A_1309 = tpu.memref_squeeze %dma_start3A_1308 : memref<1x64x128xf32, #tpu.memory_space<vmem>> -> memref<64x128xf32, #tpu.memory_space<vmem>>
      %dma_start3A_1310 = arith.constant 0 : i32
      %dma_start3A_1311 = tpu.memref_slice %arg6[%dma_start3A_1304, %dma_start3A_1310] : memref<3x64xi32, #tpu.memory_space<vmem>> -> memref<1x64xi32, #tpu.memory_space<vmem>>
      %dma_start3A_1312 = tpu.memref_squeeze %dma_start3A_1311 : memref<1x64xi32, #tpu.memory_space<vmem>> -> memref<64xi32, #tpu.memory_space<vmem>>
      %dma_start3A_1313 = arith.constant 0 : i32
      %dma_start3A_1314 = arith.constant 0 : i32
      %dma_start3A_1315 = tpu.memref_slice %arg2[%dma_start3A_1313, %dma_start3A_1314] : memref<10000x128xf32, #tpu.memory_space<hbm>> -> memref<10000x128xf32, #tpu.memory_space<hbm>>
      tpu.enqueue_indirect_dma source(%dma_start3A_1315 : memref<10000x128xf32, #tpu.memory_space<hbm>>) target(%dma_start3A_1309 : memref<64x128xf32, #tpu.memory_space<vmem>>) offsets(%dma_start3A_1312 : memref<64xi32, #tpu.memory_space<vmem>>) semaphore(%arg11 : memref<!tpu.dma_semaphore, #tpu.memory_space<semaphore_mem>>)
      %dma_wait3A_1316 = arith.constant 0 : i32
      %dma_wait3A_1317 = arith.constant 0 : i32
      %dma_wait3A_1318 = arith.constant 0 : i32
      %dma_wait3A_1319 = arith.constant 0 : i32
      %dma_wait3A_1320 = tpu.memref_slice %arg8[%dma_wait3A_1317, %dma_wait3A_1318, %dma_wait3A_1319] : memref<3x64x128xf32, #tpu.memory_space<vmem>> -> memref<1x64x128xf32, #tpu.memory_space<vmem>>
      %dma_wait3A_1321 = tpu.memref_squeeze %dma_wait3A_1320 : memref<1x64x128xf32, #tpu.memory_space<vmem>> -> memref<64x128xf32, #tpu.memory_space<vmem>>
      %dma_wait3A_1322 = arith.constant 0 : i32
      %dma_wait3A_1323 = tpu.memref_slice %arg6[%dma_wait3A_1316, %dma_wait3A_1322] : memref<3x64xi32, #tpu.memory_space<vmem>> -> memref<1x64xi32, #tpu.memory_space<vmem>>
      %dma_wait3A_1324 = tpu.memref_squeeze %dma_wait3A_1323 : memref<1x64xi32, #tpu.memory_space<vmem>> -> memref<64xi32, #tpu.memory_space<vmem>>
      %dma_wait3A_1325 = arith.constant 0 : i32
      %dma_wait3A_1326 = arith.constant 0 : i32
      %dma_wait3A_1327 = tpu.memref_slice %arg2[%dma_wait3A_1325, %dma_wait3A_1326] : memref<10000x128xf32, #tpu.memory_space<hbm>> -> memref<10000x128xf32, #tpu.memory_space<hbm>>
      tpu.wait_indirect_dma semaphore(%arg9 : memref<!tpu.dma_semaphore, #tpu.memory_space<semaphore_mem>>) src(%dma_wait3A_1327 : memref<10000x128xf32, #tpu.memory_space<hbm>>) dst(%dma_wait3A_1321 : memref<64x128xf32, #tpu.memory_space<vmem>>)
      %dma_start3A_1328 = arith.constant 0 : i32
      %dma_start3A_1329 = arith.constant 0 : i32
      %dma_start3A_1330 = arith.constant 0 : i32
      %dma_start3A_1331 = arith.constant 0 : i32
      %dma_start3A_1332 = tpu.memref_slice %arg8[%dma_start3A_1328, %dma_start3A_1330, %dma_start3A_1331] : memref<3x64x128xf32, #tpu.memory_space<vmem>> -> memref<1x64x128xf32, #tpu.memory_space<vmem>>
      %dma_start3A_1333 = tpu.memref_squeeze %dma_start3A_1332 : memref<1x64x128xf32, #tpu.memory_space<vmem>> -> memref<64x128xf32, #tpu.memory_space<vmem>>
      %dma_start3A_1334 = arith.constant 0 : i32
      %dma_start3A_1335 = tpu.memref_slice %arg7[%dma_start3A_1329, %dma_start3A_1334] : memref<3x64xi32, #tpu.memory_space<vmem>> -> memref<1x64xi32, #tpu.memory_space<vmem>>
      %dma_start3A_1336 = tpu.memref_squeeze %dma_start3A_1335 : memref<1x64xi32, #tpu.memory_space<vmem>> -> memref<64xi32, #tpu.memory_space<vmem>>
      %dma_start3A_1337 = arith.constant 0 : i32
      %dma_start3A_1338 = arith.constant 0 : i32
      %dma_start3A_1339 = tpu.memref_slice %arg15[%dma_start3A_1337, %dma_start3A_1338] : memref<10240x128xf32, #tpu.memory_space<vmem_shared>> -> memref<10240x128xf32, #tpu.memory_space<vmem_shared>>
      tpu.enqueue_indirect_dma source(%dma_start3A_1333 : memref<64x128xf32, #tpu.memory_space<vmem>>) target(%dma_start3A_1339 : memref<10240x128xf32, #tpu.memory_space<vmem_shared>>) offsets(%dma_start3A_1336 : memref<64xi32, #tpu.memory_space<vmem>>) semaphore(%arg12 : memref<!tpu.dma_semaphore, #tpu.memory_space<semaphore_mem>>) {add = true}
      %mul3A_1340 = arith.constant 3 : i32
      %mul3A_1341 = arith.muli %mul3A_1340, %scan3A_1051 : i32
      %add3A_1342 = arith.constant 2 : i32
      %add3A_1343 = arith.addi %mul3A_1341, %add3A_1342 : i32
      %add3A_1344 = arith.constant 2 : i32
      %add3A_1345 = arith.addi %add3A_1343, %add3A_1344 : i32
      %dma_wait3A_1346 = arith.constant 0 : i32
      %dma_wait3A_1347 = arith.constant 0 : i32
      %dma_wait3A_1348 = arith.constant 0 : i32
      %dma_wait3A_1349 = arith.constant 0 : i32
      %dma_wait3A_1350 = tpu.memref_slice %arg8[%dma_wait3A_1346, %dma_wait3A_1348, %dma_wait3A_1349] : memref<3x64x128xf32, #tpu.memory_space<vmem>> -> memref<1x64x128xf32, #tpu.memory_space<vmem>>
      %dma_wait3A_1351 = tpu.memref_squeeze %dma_wait3A_1350 : memref<1x64x128xf32, #tpu.memory_space<vmem>> -> memref<64x128xf32, #tpu.memory_space<vmem>>
      %dma_wait3A_1352 = arith.constant 0 : i32
      %dma_wait3A_1353 = tpu.memref_slice %arg7[%dma_wait3A_1347, %dma_wait3A_1352] : memref<3x64xi32, #tpu.memory_space<vmem>> -> memref<1x64xi32, #tpu.memory_space<vmem>>
      %dma_wait3A_1354 = tpu.memref_squeeze %dma_wait3A_1353 : memref<1x64xi32, #tpu.memory_space<vmem>> -> memref<64xi32, #tpu.memory_space<vmem>>
      %dma_wait3A_1355 = arith.constant 0 : i32
      %dma_wait3A_1356 = arith.constant 0 : i32
      %dma_wait3A_1357 = tpu.memref_slice %arg15[%dma_wait3A_1355, %dma_wait3A_1356] : memref<10240x128xf32, #tpu.memory_space<vmem_shared>> -> memref<10240x128xf32, #tpu.memory_space<vmem_shared>>
      tpu.wait_indirect_dma semaphore(%arg12 : memref<!tpu.dma_semaphore, #tpu.memory_space<semaphore_mem>>) src(%dma_wait3A_1351 : memref<64x128xf32, #tpu.memory_space<vmem>>) dst(%dma_wait3A_1357 : memref<10240x128xf32, #tpu.memory_space<vmem_shared>>)
      %add3A_1358 = arith.constant 2 : i32
      %add3A_1359 = arith.addi %add3A_1345, %add3A_1358 : i32
      %get3A_1360 = arith.index_cast %add3A_1359 : i32 to index
      %get3A_1361 = arith.constant 0 : index
      %get3A_1362 = tpu.vector_load %arg5[%get3A_1360, %get3A_1361] {strides = array<i32>} : memref<160x64xi32, #tpu.memory_space<vmem>>, vector<1x16xi32>,
      %get3A_1363 = vector.shape_cast %get3A_1362 : vector<1x16xi32> to vector<16xi32>
      %and3A_1364 = arith.constant 65535 : i32
      %and3A_1365 = vector.broadcast %and3A_1364 : i32 to vector<16xi32>
      %and3A_1366 = arith.andi %get3A_1363, %and3A_1365 : vector<16xi32>
      %swap3A_1367 = arith.constant 0 : i32
      %swap3A_1368 = arith.index_cast %swap3A_1367 : i32 to index
      %swap3A_1369 = arith.constant 0 : index
      %swap3A_1370 = tpu.vector_load %arg6[%swap3A_1368, %swap3A_1369] {strides = array<i32>} : memref<3x64xi32, #tpu.memory_space<vmem>>, vector<1x16xi32>,
      %swap3A_1371 = vector.shape_cast %swap3A_1370 : vector<1x16xi32> to vector<16xi32>
      %swap3A_1372 = vector.shape_cast %and3A_1366 : vector<16xi32> to vector<1x16xi32>
      tpu.vector_store %arg6[%swap3A_1368, %swap3A_1369], %swap3A_1372 {strides = array<i32>} : memref<3x64xi32, #tpu.memory_space<vmem>>, vector<1x16xi32>,
      %shift_right_logical3A_1373 = arith.constant 16 : i32
      %shift_right_logical3A_1374 = vector.broadcast %shift_right_logical3A_1373 : i32 to vector<16xi32>
      %shift_right_logical3A_1375 = arith.shrui %get3A_1363, %shift_right_logical3A_1374 : vector<16xi32>
      %swap3A_1376 = arith.constant 0 : i32
      %swap3A_1377 = arith.index_cast %swap3A_1376 : i32 to index
      %swap3A_1378 = arith.constant 0 : index
      %swap3A_1379 = tpu.vector_load %arg7[%swap3A_1377, %swap3A_1378] {strides = array<i32>} : memref<3x64xi32, #tpu.memory_space<vmem>>, vector<1x16xi32>,
      %swap3A_1380 = vector.shape_cast %swap3A_1379 : vector<1x16xi32> to vector<16xi32>
      %swap3A_1381 = vector.shape_cast %shift_right_logical3A_1375 : vector<16xi32> to vector<1x16xi32>
      tpu.vector_store %arg7[%swap3A_1377, %swap3A_1378], %swap3A_1381 {strides = array<i32>} : memref<3x64xi32, #tpu.memory_space<vmem>>, vector<1x16xi32>,
      %get3A_1382 = arith.index_cast %add3A_1359 : i32 to index
      %get3A_1383 = arith.constant 16 : index
      %get3A_1384 = tpu.vector_load %arg5[%get3A_1382, %get3A_1383] {strides = array<i32>} : memref<160x64xi32, #tpu.memory_space<vmem>>, vector<1x16xi32>,
      %get3A_1385 = vector.shape_cast %get3A_1384 : vector<1x16xi32> to vector<16xi32>
      %and3A_1386 = arith.constant 65535 : i32
      %and3A_1387 = vector.broadcast %and3A_1386 : i32 to vector<16xi32>
      %and3A_1388 = arith.andi %get3A_1385, %and3A_1387 : vector<16xi32>
      %swap3A_1389 = arith.constant 0 : i32
      %swap3A_1390 = arith.index_cast %swap3A_1389 : i32 to index
      %swap3A_1391 = arith.constant 16 : index
      %swap3A_1392 = tpu.vector_load %arg6[%swap3A_1390, %swap3A_1391] {strides = array<i32>} : memref<3x64xi32, #tpu.memory_space<vmem>>, vector<1x16xi32>,
      %swap3A_1393 = vector.shape_cast %swap3A_1392 : vector<1x16xi32> to vector<16xi32>
      %swap3A_1394 = vector.shape_cast %and3A_1388 : vector<16xi32> to vector<1x16xi32>
      tpu.vector_store %arg6[%swap3A_1390, %swap3A_1391], %swap3A_1394 {strides = array<i32>} : memref<3x64xi32, #tpu.memory_space<vmem>>, vector<1x16xi32>,
      %shift_right_logical3A_1395 = arith.constant 16 : i32
      %shift_right_logical3A_1396 = vector.broadcast %shift_right_logical3A_1395 : i32 to vector<16xi32>
      %shift_right_logical3A_1397 = arith.shrui %get3A_1385, %shift_right_logical3A_1396 : vector<16xi32>
      %swap3A_1398 = arith.constant 0 : i32
      %swap3A_1399 = arith.index_cast %swap3A_1398 : i32 to index
      %swap3A_1400 = arith.constant 16 : index
      %swap3A_1401 = tpu.vector_load %arg7[%swap3A_1399, %swap3A_1400] {strides = array<i32>} : memref<3x64xi32, #tpu.memory_space<vmem>>, vector<1x16xi32>,
      %swap3A_1402 = vector.shape_cast %swap3A_1401 : vector<1x16xi32> to vector<16xi32>
      %swap3A_1403 = vector.shape_cast %shift_right_logical3A_1397 : vector<16xi32> to vector<1x16xi32>
      tpu.vector_store %arg7[%swap3A_1399, %swap3A_1400], %swap3A_1403 {strides = array<i32>} : memref<3x64xi32, #tpu.memory_space<vmem>>, vector<1x16xi32>,
      %get3A_1404 = arith.index_cast %add3A_1359 : i32 to index
      %get3A_1405 = arith.constant 32 : index
      %get3A_1406 = tpu.vector_load %arg5[%get3A_1404, %get3A_1405] {strides = array<i32>} : memref<160x64xi32, #tpu.memory_space<vmem>>, vector<1x16xi32>,
      %get3A_1407 = vector.shape_cast %get3A_1406 : vector<1x16xi32> to vector<16xi32>
      %and3A_1408 = arith.constant 65535 : i32
      %and3A_1409 = vector.broadcast %and3A_1408 : i32 to vector<16xi32>
      %and3A_1410 = arith.andi %get3A_1407, %and3A_1409 : vector<16xi32>
      %swap3A_1411 = arith.constant 0 : i32
      %swap3A_1412 = arith.index_cast %swap3A_1411 : i32 to index
      %swap3A_1413 = arith.constant 32 : index
      %swap3A_1414 = tpu.vector_load %arg6[%swap3A_1412, %swap3A_1413] {strides = array<i32>} : memref<3x64xi32, #tpu.memory_space<vmem>>, vector<1x16xi32>,
      %swap3A_1415 = vector.shape_cast %swap3A_1414 : vector<1x16xi32> to vector<16xi32>
      %swap3A_1416 = vector.shape_cast %and3A_1410 : vector<16xi32> to vector<1x16xi32>
      tpu.vector_store %arg6[%swap3A_1412, %swap3A_1413], %swap3A_1416 {strides = array<i32>} : memref<3x64xi32, #tpu.memory_space<vmem>>, vector<1x16xi32>,
      %shift_right_logical3A_1417 = arith.constant 16 : i32
      %shift_right_logical3A_1418 = vector.broadcast %shift_right_logical3A_1417 : i32 to vector<16xi32>
      %shift_right_logical3A_1419 = arith.shrui %get3A_1407, %shift_right_logical3A_1418 : vector<16xi32>
      %swap3A_1420 = arith.constant 0 : i32
      %swap3A_1421 = arith.index_cast %swap3A_1420 : i32 to index
      %swap3A_1422 = arith.constant 32 : index
      %swap3A_1423 = tpu.vector_load %arg7[%swap3A_1421, %swap3A_1422] {strides = array<i32>} : memref<3x64xi32, #tpu.memory_space<vmem>>, vector<1x16xi32>,
      %swap3A_1424 = vector.shape_cast %swap3A_1423 : vector<1x16xi32> to vector<16xi32>
      %swap3A_1425 = vector.shape_cast %shift_right_logical3A_1419 : vector<16xi32> to vector<1x16xi32>
      tpu.vector_store %arg7[%swap3A_1421, %swap3A_1422], %swap3A_1425 {strides = array<i32>} : memref<3x64xi32, #tpu.memory_space<vmem>>, vector<1x16xi32>,
      %get3A_1426 = arith.index_cast %add3A_1359 : i32 to index
      %get3A_1427 = arith.constant 48 : index
      %get3A_1428 = tpu.vector_load %arg5[%get3A_1426, %get3A_1427] {strides = array<i32>} : memref<160x64xi32, #tpu.memory_space<vmem>>, vector<1x16xi32>,
      %get3A_1429 = vector.shape_cast %get3A_1428 : vector<1x16xi32> to vector<16xi32>
      %and3A_1430 = arith.constant 65535 : i32
      %and3A_1431 = vector.broadcast %and3A_1430 : i32 to vector<16xi32>
      %and3A_1432 = arith.andi %get3A_1429, %and3A_1431 : vector<16xi32>
      %swap3A_1433 = arith.constant 0 : i32
      %swap3A_1434 = arith.index_cast %swap3A_1433 : i32 to index
      %swap3A_1435 = arith.constant 48 : index
      %swap3A_1436 = tpu.vector_load %arg6[%swap3A_1434, %swap3A_1435] {strides = array<i32>} : memref<3x64xi32, #tpu.memory_space<vmem>>, vector<1x16xi32>,
      %swap3A_1437 = vector.shape_cast %swap3A_1436 : vector<1x16xi32> to vector<16xi32>
      %swap3A_1438 = vector.shape_cast %and3A_1432 : vector<16xi32> to vector<1x16xi32>
      tpu.vector_store %arg6[%swap3A_1434, %swap3A_1435], %swap3A_1438 {strides = array<i32>} : memref<3x64xi32, #tpu.memory_space<vmem>>, vector<1x16xi32>,
      %shift_right_logical3A_1439 = arith.constant 16 : i32
      %shift_right_logical3A_1440 = vector.broadcast %shift_right_logical3A_1439 : i32 to vector<16xi32>
      %shift_right_logical3A_1441 = arith.shrui %get3A_1429, %shift_right_logical3A_1440 : vector<16xi32>
      %swap3A_1442 = arith.constant 0 : i32
      %swap3A_1443 = arith.index_cast %swap3A_1442 : i32 to index
      %swap3A_1444 = arith.constant 48 : index
      %swap3A_1445 = tpu.vector_load %arg7[%swap3A_1443, %swap3A_1444] {strides = array<i32>} : memref<3x64xi32, #tpu.memory_space<vmem>>, vector<1x16xi32>,
      %swap3A_1446 = vector.shape_cast %swap3A_1445 : vector<1x16xi32> to vector<16xi32>
      %swap3A_1447 = vector.shape_cast %shift_right_logical3A_1441 : vector<16xi32> to vector<1x16xi32>
      tpu.vector_store %arg7[%swap3A_1443, %swap3A_1444], %swap3A_1447 {strides = array<i32>} : memref<3x64xi32, #tpu.memory_space<vmem>>, vector<1x16xi32>,
      %dma_start3A_1448 = arith.constant 0 : i32
      %dma_start3A_1449 = arith.constant 0 : i32
      %dma_start3A_1450 = arith.constant 0 : i32
      %dma_start3A_1451 = arith.constant 0 : i32
      %dma_start3A_1452 = tpu.memref_slice %arg8[%dma_start3A_1449, %dma_start3A_1450, %dma_start3A_1451] : memref<3x64x128xf32, #tpu.memory_space<vmem>> -> memref<1x64x128xf32, #tpu.memory_space<vmem>>
      %dma_start3A_1453 = tpu.memref_squeeze %dma_start3A_1452 : memref<1x64x128xf32, #tpu.memory_space<vmem>> -> memref<64x128xf32, #tpu.memory_space<vmem>>
      %dma_start3A_1454 = arith.constant 0 : i32
      %dma_start3A_1455 = tpu.memref_slice %arg6[%dma_start3A_1448, %dma_start3A_1454] : memref<3x64xi32, #tpu.memory_space<vmem>> -> memref<1x64xi32, #tpu.memory_space<vmem>>
      %dma_start3A_1456 = tpu.memref_squeeze %dma_start3A_1455 : memref<1x64xi32, #tpu.memory_space<vmem>> -> memref<64xi32, #tpu.memory_space<vmem>>
      %dma_start3A_1457 = arith.constant 0 : i32
      %dma_start3A_1458 = arith.constant 0 : i32
      %dma_start3A_1459 = tpu.memref_slice %arg2[%dma_start3A_1457, %dma_start3A_1458] : memref<10000x128xf32, #tpu.memory_space<hbm>> -> memref<10000x128xf32, #tpu.memory_space<hbm>>
      tpu.enqueue_indirect_dma source(%dma_start3A_1459 : memref<10000x128xf32, #tpu.memory_space<hbm>>) target(%dma_start3A_1453 : memref<64x128xf32, #tpu.memory_space<vmem>>) offsets(%dma_start3A_1456 : memref<64xi32, #tpu.memory_space<vmem>>) semaphore(%arg9 : memref<!tpu.dma_semaphore, #tpu.memory_space<semaphore_mem>>)
      %dma_wait3A_1460 = arith.constant 1 : i32
      %dma_wait3A_1461 = arith.constant 1 : i32
      %dma_wait3A_1462 = arith.constant 0 : i32
      %dma_wait3A_1463 = arith.constant 0 : i32
      %dma_wait3A_1464 = tpu.memref_slice %arg8[%dma_wait3A_1461, %dma_wait3A_1462, %dma_wait3A_1463] : memref<3x64x128xf32, #tpu.memory_space<vmem>> -> memref<1x64x128xf32, #tpu.memory_space<vmem>>
      %dma_wait3A_1465 = tpu.memref_squeeze %dma_wait3A_1464 : memref<1x64x128xf32, #tpu.memory_space<vmem>> -> memref<64x128xf32, #tpu.memory_space<vmem>>
      %dma_wait3A_1466 = arith.constant 0 : i32
      %dma_wait3A_1467 = tpu.memref_slice %arg6[%dma_wait3A_1460, %dma_wait3A_1466] : memref<3x64xi32, #tpu.memory_space<vmem>> -> memref<1x64xi32, #tpu.memory_space<vmem>>
      %dma_wait3A_1468 = tpu.memref_squeeze %dma_wait3A_1467 : memref<1x64xi32, #tpu.memory_space<vmem>> -> memref<64xi32, #tpu.memory_space<vmem>>
      %dma_wait3A_1469 = arith.constant 0 : i32
      %dma_wait3A_1470 = arith.constant 0 : i32
      %dma_wait3A_1471 = tpu.memref_slice %arg2[%dma_wait3A_1469, %dma_wait3A_1470] : memref<10000x128xf32, #tpu.memory_space<hbm>> -> memref<10000x128xf32, #tpu.memory_space<hbm>>
      tpu.wait_indirect_dma semaphore(%arg10 : memref<!tpu.dma_semaphore, #tpu.memory_space<semaphore_mem>>) src(%dma_wait3A_1471 : memref<10000x128xf32, #tpu.memory_space<hbm>>) dst(%dma_wait3A_1465 : memref<64x128xf32, #tpu.memory_space<vmem>>)
      %dma_start3A_1472 = arith.constant 1 : i32
      %dma_start3A_1473 = arith.constant 1 : i32
      %dma_start3A_1474 = arith.constant 0 : i32
      %dma_start3A_1475 = arith.constant 0 : i32
      %dma_start3A_1476 = tpu.memref_slice %arg8[%dma_start3A_1472, %dma_start3A_1474, %dma_start3A_1475] : memref<3x64x128xf32, #tpu.memory_space<vmem>> -> memref<1x64x128xf32, #tpu.memory_space<vmem>>
      %dma_start3A_1477 = tpu.memref_squeeze %dma_start3A_1476 : memref<1x64x128xf32, #tpu.memory_space<vmem>> -> memref<64x128xf32, #tpu.memory_space<vmem>>
      %dma_start3A_1478 = arith.constant 0 : i32
      %dma_start3A_1479 = tpu.memref_slice %arg7[%dma_start3A_1473, %dma_start3A_1478] : memref<3x64xi32, #tpu.memory_space<vmem>> -> memref<1x64xi32, #tpu.memory_space<vmem>>
      %dma_start3A_1480 = tpu.memref_squeeze %dma_start3A_1479 : memref<1x64xi32, #tpu.memory_space<vmem>> -> memref<64xi32, #tpu.memory_space<vmem>>
      %dma_start3A_1481 = arith.constant 0 : i32
      %dma_start3A_1482 = arith.constant 0 : i32
      %dma_start3A_1483 = tpu.memref_slice %arg15[%dma_start3A_1481, %dma_start3A_1482] : memref<10240x128xf32, #tpu.memory_space<vmem_shared>> -> memref<10240x128xf32, #tpu.memory_space<vmem_shared>>
      tpu.enqueue_indirect_dma source(%dma_start3A_1477 : memref<64x128xf32, #tpu.memory_space<vmem>>) target(%dma_start3A_1483 : memref<10240x128xf32, #tpu.memory_space<vmem_shared>>) offsets(%dma_start3A_1480 : memref<64xi32, #tpu.memory_space<vmem>>) semaphore(%arg13 : memref<!tpu.dma_semaphore, #tpu.memory_space<semaphore_mem>>) {add = true}
    }
    %scan3A_835 = arith.constant 52 : i32
    %dma_wait3A_836 = arith.constant 1 : i32
    %dma_wait3A_837 = arith.constant 1 : i32
    %dma_wait3A_838 = arith.constant 0 : i32
    %dma_wait3A_839 = arith.constant 0 : i32
    %dma_wait3A_840 = tpu.memref_slice %arg8[%dma_wait3A_836, %dma_wait3A_838, %dma_wait3A_839] : memref<3x64x128xf32, #tpu.memory_space<vmem>> -> memref<1x64x128xf32, #tpu.memory_space<vmem>>
    %dma_wait3A_841 = tpu.memref_squeeze %dma_wait3A_840 : memref<1x64x128xf32, #tpu.memory_space<vmem>> -> memref<64x128xf32, #tpu.memory_space<vmem>>
    %dma_wait3A_842 = arith.constant 0 : i32
    %dma_wait3A_843 = tpu.memref_slice %arg7[%dma_wait3A_837, %dma_wait3A_842] : memref<3x64xi32, #tpu.memory_space<vmem>> -> memref<1x64xi32, #tpu.memory_space<vmem>>
    %dma_wait3A_844 = tpu.memref_squeeze %dma_wait3A_843 : memref<1x64xi32, #tpu.memory_space<vmem>> -> memref<64xi32, #tpu.memory_space<vmem>>
    %dma_wait3A_845 = arith.constant 0 : i32
    %dma_wait3A_846 = arith.constant 0 : i32
    %dma_wait3A_847 = tpu.memref_slice %arg15[%dma_wait3A_845, %dma_wait3A_846] : memref<10240x128xf32, #tpu.memory_space<vmem_shared>> -> memref<10240x128xf32, #tpu.memory_space<vmem_shared>>
    tpu.wait_indirect_dma semaphore(%arg13 : memref<!tpu.dma_semaphore, #tpu.memory_space<semaphore_mem>>) src(%dma_wait3A_841 : memref<64x128xf32, #tpu.memory_space<vmem>>) dst(%dma_wait3A_847 : memref<10240x128xf32, #tpu.memory_space<vmem_shared>>)
    %dma_wait3A_848 = arith.constant 2 : i32
    %dma_wait3A_849 = arith.constant 2 : i32
    %dma_wait3A_850 = arith.constant 0 : i32
    %dma_wait3A_851 = arith.constant 0 : i32
    %dma_wait3A_852 = tpu.memref_slice %arg8[%dma_wait3A_849, %dma_wait3A_850, %dma_wait3A_851] : memref<3x64x128xf32, #tpu.memory_space<vmem>> -> memref<1x64x128xf32, #tpu.memory_space<vmem>>
    %dma_wait3A_853 = tpu.memref_squeeze %dma_wait3A_852 : memref<1x64x128xf32, #tpu.memory_space<vmem>> -> memref<64x128xf32, #tpu.memory_space<vmem>>
    %dma_wait3A_854 = arith.constant 0 : i32
    %dma_wait3A_855 = tpu.memref_slice %arg6[%dma_wait3A_848, %dma_wait3A_854] : memref<3x64xi32, #tpu.memory_space<vmem>> -> memref<1x64xi32, #tpu.memory_space<vmem>>
    %dma_wait3A_856 = tpu.memref_squeeze %dma_wait3A_855 : memref<1x64xi32, #tpu.memory_space<vmem>> -> memref<64xi32, #tpu.memory_space<vmem>>
    %dma_wait3A_857 = arith.constant 0 : i32
    %dma_wait3A_858 = arith.constant 0 : i32
    %dma_wait3A_859 = tpu.memref_slice %arg2[%dma_wait3A_857, %dma_wait3A_858] : memref<10000x128xf32, #tpu.memory_space<hbm>> -> memref<10000x128xf32, #tpu.memory_space<hbm>>
    tpu.wait_indirect_dma semaphore(%arg11 : memref<!tpu.dma_semaphore, #tpu.memory_space<semaphore_mem>>) src(%dma_wait3A_859 : memref<10000x128xf32, #tpu.memory_space<hbm>>) dst(%dma_wait3A_853 : memref<64x128xf32, #tpu.memory_space<vmem>>)
    %dma_start3A_860 = arith.constant 2 : i32
    %dma_start3A_861 = arith.constant 2 : i32
    %dma_start3A_862 = arith.constant 0 : i32
    %dma_start3A_863 = arith.constant 0 : i32
    %dma_start3A_864 = tpu.memref_slice %arg8[%dma_start3A_860, %dma_start3A_862, %dma_start3A_863] : memref<3x64x128xf32, #tpu.memory_space<vmem>> -> memref<1x64x128xf32, #tpu.memory_space<vmem>>
    %dma_start3A_865 = tpu.memref_squeeze %dma_start3A_864 : memref<1x64x128xf32, #tpu.memory_space<vmem>> -> memref<64x128xf32, #tpu.memory_space<vmem>>
    %dma_start3A_866 = arith.constant 0 : i32
    %dma_start3A_867 = tpu.memref_slice %arg7[%dma_start3A_861, %dma_start3A_866] : memref<3x64xi32, #tpu.memory_space<vmem>> -> memref<1x64xi32, #tpu.memory_space<vmem>>
    %dma_start3A_868 = tpu.memref_squeeze %dma_start3A_867 : memref<1x64xi32, #tpu.memory_space<vmem>> -> memref<64xi32, #tpu.memory_space<vmem>>
    %dma_start3A_869 = arith.constant 0 : i32
    %dma_start3A_870 = arith.constant 0 : i32
    %dma_start3A_871 = tpu.memref_slice %arg15[%dma_start3A_869, %dma_start3A_870] : memref<10240x128xf32, #tpu.memory_space<vmem_shared>> -> memref<10240x128xf32, #tpu.memory_space<vmem_shared>>
    tpu.enqueue_indirect_dma source(%dma_start3A_865 : memref<64x128xf32, #tpu.memory_space<vmem>>) target(%dma_start3A_871 : memref<10240x128xf32, #tpu.memory_space<vmem_shared>>) offsets(%dma_start3A_868 : memref<64xi32, #tpu.memory_space<vmem>>) semaphore(%arg14 : memref<!tpu.dma_semaphore, #tpu.memory_space<semaphore_mem>>) {add = true}
    %dma_wait3A_872 = arith.constant 2 : i32
    %dma_wait3A_873 = arith.constant 2 : i32
    %dma_wait3A_874 = arith.constant 0 : i32
    %dma_wait3A_875 = arith.constant 0 : i32
    %dma_wait3A_876 = tpu.memref_slice %arg8[%dma_wait3A_872, %dma_wait3A_874, %dma_wait3A_875] : memref<3x64x128xf32, #tpu.memory_space<vmem>> -> memref<1x64x128xf32, #tpu.memory_space<vmem>>
    %dma_wait3A_877 = tpu.memref_squeeze %dma_wait3A_876 : memref<1x64x128xf32, #tpu.memory_space<vmem>> -> memref<64x128xf32, #tpu.memory_space<vmem>>
    %dma_wait3A_878 = arith.constant 0 : i32
    %dma_wait3A_879 = tpu.memref_slice %arg7[%dma_wait3A_873, %dma_wait3A_878] : memref<3x64xi32, #tpu.memory_space<vmem>> -> memref<1x64xi32, #tpu.memory_space<vmem>>
    %dma_wait3A_880 = tpu.memref_squeeze %dma_wait3A_879 : memref<1x64xi32, #tpu.memory_space<vmem>> -> memref<64xi32, #tpu.memory_space<vmem>>
    %dma_wait3A_881 = arith.constant 0 : i32
    %dma_wait3A_882 = arith.constant 0 : i32
    %dma_wait3A_883 = tpu.memref_slice %arg15[%dma_wait3A_881, %dma_wait3A_882] : memref<10240x128xf32, #tpu.memory_space<vmem_shared>> -> memref<10240x128xf32, #tpu.memory_space<vmem_shared>>
    tpu.wait_indirect_dma semaphore(%arg14 : memref<!tpu.dma_semaphore, #tpu.memory_space<semaphore_mem>>) src(%dma_wait3A_877 : memref<64x128xf32, #tpu.memory_space<vmem>>) dst(%dma_wait3A_883 : memref<10240x128xf32, #tpu.memory_space<vmem_shared>>)
    %dma_wait3A_884 = arith.constant 0 : i32
    %dma_wait3A_885 = arith.constant 0 : i32
    %dma_wait3A_886 = arith.constant 0 : i32
    %dma_wait3A_887 = arith.constant 0 : i32
    %dma_wait3A_888 = tpu.memref_slice %arg8[%dma_wait3A_885, %dma_wait3A_886, %dma_wait3A_887] : memref<3x64x128xf32, #tpu.memory_space<vmem>> -> memref<1x64x128xf32, #tpu.memory_space<vmem>>
    %dma_wait3A_889 = tpu.memref_squeeze %dma_wait3A_888 : memref<1x64x128xf32, #tpu.memory_space<vmem>> -> memref<64x128xf32, #tpu.memory_space<vmem>>
    %dma_wait3A_890 = arith.constant 0 : i32
    %dma_wait3A_891 = tpu.memref_slice %arg6[%dma_wait3A_884, %dma_wait3A_890] : memref<3x64xi32, #tpu.memory_space<vmem>> -> memref<1x64xi32, #tpu.memory_space<vmem>>
    %dma_wait3A_892 = tpu.memref_squeeze %dma_wait3A_891 : memref<1x64xi32, #tpu.memory_space<vmem>> -> memref<64xi32, #tpu.memory_space<vmem>>
    %dma_wait3A_893 = arith.constant 0 : i32
    %dma_wait3A_894 = arith.constant 0 : i32
    %dma_wait3A_895 = tpu.memref_slice %arg2[%dma_wait3A_893, %dma_wait3A_894] : memref<10000x128xf32, #tpu.memory_space<hbm>> -> memref<10000x128xf32, #tpu.memory_space<hbm>>
    tpu.wait_indirect_dma semaphore(%arg9 : memref<!tpu.dma_semaphore, #tpu.memory_space<semaphore_mem>>) src(%dma_wait3A_895 : memref<10000x128xf32, #tpu.memory_space<hbm>>) dst(%dma_wait3A_889 : memref<64x128xf32, #tpu.memory_space<vmem>>)
    %dma_start3A_896 = arith.constant 0 : i32
    %dma_start3A_897 = arith.constant 0 : i32
    %dma_start3A_898 = arith.constant 0 : i32
    %dma_start3A_899 = arith.constant 0 : i32
    %dma_start3A_900 = tpu.memref_slice %arg8[%dma_start3A_896, %dma_start3A_898, %dma_start3A_899] : memref<3x64x128xf32, #tpu.memory_space<vmem>> -> memref<1x64x128xf32, #tpu.memory_space<vmem>>
    %dma_start3A_901 = tpu.memref_squeeze %dma_start3A_900 : memref<1x64x128xf32, #tpu.memory_space<vmem>> -> memref<64x128xf32, #tpu.memory_space<vmem>>
    %dma_start3A_902 = arith.constant 0 : i32
    %dma_start3A_903 = tpu.memref_slice %arg7[%dma_start3A_897, %dma_start3A_902] : memref<3x64xi32, #tpu.memory_space<vmem>> -> memref<1x64xi32, #tpu.memory_space<vmem>>
    %dma_start3A_904 = tpu.memref_squeeze %dma_start3A_903 : memref<1x64xi32, #tpu.memory_space<vmem>> -> memref<64xi32, #tpu.memory_space<vmem>>
    %dma_start3A_905 = arith.constant 0 : i32
    %dma_start3A_906 = arith.constant 0 : i32
    %dma_start3A_907 = tpu.memref_slice %arg15[%dma_start3A_905, %dma_start3A_906] : memref<10240x128xf32, #tpu.memory_space<vmem_shared>> -> memref<10240x128xf32, #tpu.memory_space<vmem_shared>>
    tpu.enqueue_indirect_dma source(%dma_start3A_901 : memref<64x128xf32, #tpu.memory_space<vmem>>) target(%dma_start3A_907 : memref<10240x128xf32, #tpu.memory_space<vmem_shared>>) offsets(%dma_start3A_904 : memref<64xi32, #tpu.memory_space<vmem>>) semaphore(%arg12 : memref<!tpu.dma_semaphore, #tpu.memory_space<semaphore_mem>>) {add = true}
    %dma_wait3A_908 = arith.constant 0 : i32
    %dma_wait3A_909 = arith.constant 0 : i32
    %dma_wait3A_910 = arith.constant 0 : i32
    %dma_wait3A_911 = arith.constant 0 : i32
    %dma_wait3A_912 = tpu.memref_slice %arg8[%dma_wait3A_908, %dma_wait3A_910, %dma_wait3A_911] : memref<3x64x128xf32, #tpu.memory_space<vmem>> -> memref<1x64x128xf32, #tpu.memory_space<vmem>>
    %dma_wait3A_913 = tpu.memref_squeeze %dma_wait3A_912 : memref<1x64x128xf32, #tpu.memory_space<vmem>> -> memref<64x128xf32, #tpu.memory_space<vmem>>
    %dma_wait3A_914 = arith.constant 0 : i32
    %dma_wait3A_915 = tpu.memref_slice %arg7[%dma_wait3A_909, %dma_wait3A_914] : memref<3x64xi32, #tpu.memory_space<vmem>> -> memref<1x64xi32, #tpu.memory_space<vmem>>
    %dma_wait3A_916 = tpu.memref_squeeze %dma_wait3A_915 : memref<1x64xi32, #tpu.memory_space<vmem>> -> memref<64xi32, #tpu.memory_space<vmem>>
    %dma_wait3A_917 = arith.constant 0 : i32
    %dma_wait3A_918 = arith.constant 0 : i32
    %dma_wait3A_919 = tpu.memref_slice %arg15[%dma_wait3A_917, %dma_wait3A_918] : memref<10240x128xf32, #tpu.memory_space<vmem_shared>> -> memref<10240x128xf32, #tpu.memory_space<vmem_shared>>
    tpu.wait_indirect_dma semaphore(%arg12 : memref<!tpu.dma_semaphore, #tpu.memory_space<semaphore_mem>>) src(%dma_wait3A_913 : memref<64x128xf32, #tpu.memory_space<vmem>>) dst(%dma_wait3A_919 : memref<10240x128xf32, #tpu.memory_space<vmem_shared>>)
    %barrier3A_920 = arith.constant 0 : index
    tpu.barrier barrier_id(%barrier3A_920)
    %mul3A_921 = arith.constant 640 : i32
    %mul3A_922 = arith.muli %arg1, %mul3A_921 : i32
    %add3A_923 = arith.constant 0 : i32
    %add3A_924 = arith.addi %mul3A_922, %add3A_923 : i32
    %mul3A_925 = arith.constant 640 : i32
    %mul3A_926 = arith.muli %arg1, %mul3A_925 : i32
    %add3A_927 = arith.constant 0 : i32
    %add3A_928 = arith.addi %mul3A_926, %add3A_927 : i32
    %dma_start3A_929 = arith.constant 0 : i32
    %dma_start3A_930 = tpu.memref_slice %arg4[%arg0, %add3A_928, %dma_start3A_929] : memref<2x10240x128xf32, #tpu.memory_space<hbm>> -> memref<1x128x128xf32, #tpu.memory_space<hbm>>
    %dma_start3A_931 = tpu.memref_squeeze %dma_start3A_930 : memref<1x128x128xf32, #tpu.memory_space<hbm>> -> memref<128x128xf32, #tpu.memory_space<hbm>>
    %dma_start3A_932 = arith.constant 0 : i32
    %dma_start3A_933 = tpu.memref_slice %arg15[%add3A_924, %dma_start3A_932] : memref<10240x128xf32, #tpu.memory_space<vmem_shared>> -> memref<128x128xf32, #tpu.memory_space<vmem_shared>>
    tpu.enqueue_dma source(%dma_start3A_933 : memref<128x128xf32, #tpu.memory_space<vmem_shared>>) target(%dma_start3A_931 : memref<128x128xf32, #tpu.memory_space<hbm>>) target_semaphore(%arg12 : memref<!tpu.dma_semaphore, #tpu.memory_space<semaphore_mem>>)
    %mul3A_934 = arith.constant 640 : i32
    %mul3A_935 = arith.muli %arg1, %mul3A_934 : i32
    %add3A_936 = arith.constant 128 : i32
    %add3A_937 = arith.addi %mul3A_935, %add3A_936 : i32
    %mul3A_938 = arith.constant 640 : i32
    %mul3A_939 = arith.muli %arg1, %mul3A_938 : i32
    %add3A_940 = arith.constant 128 : i32
    %add3A_941 = arith.addi %mul3A_939, %add3A_940 : i32
    %dma_start3A_942 = arith.constant 0 : i32
    %dma_start3A_943 = tpu.memref_slice %arg4[%arg0, %add3A_941, %dma_start3A_942] : memref<2x10240x128xf32, #tpu.memory_space<hbm>> -> memref<1x128x128xf32, #tpu.memory_space<hbm>>
    %dma_start3A_944 = tpu.memref_squeeze %dma_start3A_943 : memref<1x128x128xf32, #tpu.memory_space<hbm>> -> memref<128x128xf32, #tpu.memory_space<hbm>>
    %dma_start3A_945 = arith.constant 0 : i32
    %dma_start3A_946 = tpu.memref_slice %arg15[%add3A_937, %dma_start3A_945] : memref<10240x128xf32, #tpu.memory_space<vmem_shared>> -> memref<128x128xf32, #tpu.memory_space<vmem_shared>>
    tpu.enqueue_dma source(%dma_start3A_946 : memref<128x128xf32, #tpu.memory_space<vmem_shared>>) target(%dma_start3A_944 : memref<128x128xf32, #tpu.memory_space<hbm>>) target_semaphore(%arg12 : memref<!tpu.dma_semaphore, #tpu.memory_space<semaphore_mem>>)
    %mul3A_947 = arith.constant 640 : i32
    %mul3A_948 = arith.muli %arg1, %mul3A_947 : i32
    %add3A_949 = arith.constant 256 : i32
    %add3A_950 = arith.addi %mul3A_948, %add3A_949 : i32
    %mul3A_951 = arith.constant 640 : i32
    %mul3A_952 = arith.muli %arg1, %mul3A_951 : i32
    %add3A_953 = arith.constant 256 : i32
    %add3A_954 = arith.addi %mul3A_952, %add3A_953 : i32
    %dma_start3A_955 = arith.constant 0 : i32
    %dma_start3A_956 = tpu.memref_slice %arg4[%arg0, %add3A_954, %dma_start3A_955] : memref<2x10240x128xf32, #tpu.memory_space<hbm>> -> memref<1x128x128xf32, #tpu.memory_space<hbm>>
    %dma_start3A_957 = tpu.memref_squeeze %dma_start3A_956 : memref<1x128x128xf32, #tpu.memory_space<hbm>> -> memref<128x128xf32, #tpu.memory_space<hbm>>
    %dma_start3A_958 = arith.constant 0 : i32
    %dma_start3A_959 = tpu.memref_slice %arg15[%add3A_950, %dma_start3A_958] : memref<10240x128xf32, #tpu.memory_space<vmem_shared>> -> memref<128x128xf32, #tpu.memory_space<vmem_shared>>
    tpu.enqueue_dma source(%dma_start3A_959 : memref<128x128xf32, #tpu.memory_space<vmem_shared>>) target(%dma_start3A_957 : memref<128x128xf32, #tpu.memory_space<hbm>>) target_semaphore(%arg12 : memref<!tpu.dma_semaphore, #tpu.memory_space<semaphore_mem>>)
    %mul3A_960 = arith.constant 640 : i32
    %mul3A_961 = arith.muli %arg1, %mul3A_960 : i32
    %add3A_962 = arith.constant 384 : i32
    %add3A_963 = arith.addi %mul3A_961, %add3A_962 : i32
    %mul3A_964 = arith.constant 640 : i32
    %mul3A_965 = arith.muli %arg1, %mul3A_964 : i32
    %add3A_966 = arith.constant 384 : i32
    %add3A_967 = arith.addi %mul3A_965, %add3A_966 : i32
    %dma_start3A_968 = arith.constant 0 : i32
    %dma_start3A_969 = tpu.memref_slice %arg4[%arg0, %add3A_967, %dma_start3A_968] : memref<2x10240x128xf32, #tpu.memory_space<hbm>> -> memref<1x128x128xf32, #tpu.memory_space<hbm>>
    %dma_start3A_970 = tpu.memref_squeeze %dma_start3A_969 : memref<1x128x128xf32, #tpu.memory_space<hbm>> -> memref<128x128xf32, #tpu.memory_space<hbm>>
    %dma_start3A_971 = arith.constant 0 : i32
    %dma_start3A_972 = tpu.memref_slice %arg15[%add3A_963, %dma_start3A_971] : memref<10240x128xf32, #tpu.memory_space<vmem_shared>> -> memref<128x128xf32, #tpu.memory_space<vmem_shared>>
    tpu.enqueue_dma source(%dma_start3A_972 : memref<128x128xf32, #tpu.memory_space<vmem_shared>>) target(%dma_start3A_970 : memref<128x128xf32, #tpu.memory_space<hbm>>) target_semaphore(%arg12 : memref<!tpu.dma_semaphore, #tpu.memory_space<semaphore_mem>>)
    %mul3A_973 = arith.constant 640 : i32
    %mul3A_974 = arith.muli %arg1, %mul3A_973 : i32
    %add3A_975 = arith.constant 512 : i32
    %add3A_976 = arith.addi %mul3A_974, %add3A_975 : i32
    %mul3A_977 = arith.constant 640 : i32
    %mul3A_978 = arith.muli %arg1, %mul3A_977 : i32
    %add3A_979 = arith.constant 512 : i32
    %add3A_980 = arith.addi %mul3A_978, %add3A_979 : i32
    %dma_start3A_981 = arith.constant 0 : i32
    %dma_start3A_982 = tpu.memref_slice %arg4[%arg0, %add3A_980, %dma_start3A_981] : memref<2x10240x128xf32, #tpu.memory_space<hbm>> -> memref<1x128x128xf32, #tpu.memory_space<hbm>>
    %dma_start3A_983 = tpu.memref_squeeze %dma_start3A_982 : memref<1x128x128xf32, #tpu.memory_space<hbm>> -> memref<128x128xf32, #tpu.memory_space<hbm>>
    %dma_start3A_984 = arith.constant 0 : i32
    %dma_start3A_985 = tpu.memref_slice %arg15[%add3A_976, %dma_start3A_984] : memref<10240x128xf32, #tpu.memory_space<vmem_shared>> -> memref<128x128xf32, #tpu.memory_space<vmem_shared>>
    tpu.enqueue_dma source(%dma_start3A_985 : memref<128x128xf32, #tpu.memory_space<vmem_shared>>) target(%dma_start3A_983 : memref<128x128xf32, #tpu.memory_space<hbm>>) target_semaphore(%arg12 : memref<!tpu.dma_semaphore, #tpu.memory_space<semaphore_mem>>)
    %mul3A_986 = arith.constant 640 : i32
    %mul3A_987 = arith.muli %arg1, %mul3A_986 : i32
    %add3A_988 = arith.constant 0 : i32
    %add3A_989 = arith.addi %mul3A_987, %add3A_988 : i32
    %mul3A_990 = arith.constant 640 : i32
    %mul3A_991 = arith.muli %arg1, %mul3A_990 : i32
    %add3A_992 = arith.constant 0 : i32
    %add3A_993 = arith.addi %mul3A_991, %add3A_992 : i32
    %dma_wait3A_994 = arith.constant 0 : i32
    %dma_wait3A_995 = tpu.memref_slice %arg4[%arg0, %add3A_993, %dma_wait3A_994] : memref<2x10240x128xf32, #tpu.memory_space<hbm>> -> memref<1x128x128xf32, #tpu.memory_space<hbm>>
    %dma_wait3A_996 = tpu.memref_squeeze %dma_wait3A_995 : memref<1x128x128xf32, #tpu.memory_space<hbm>> -> memref<128x128xf32, #tpu.memory_space<hbm>>
    %dma_wait3A_997 = arith.constant 0 : i32
    %dma_wait3A_998 = tpu.memref_slice %arg15[%add3A_989, %dma_wait3A_997] : memref<10240x128xf32, #tpu.memory_space<vmem_shared>> -> memref<128x128xf32, #tpu.memory_space<vmem_shared>>
    tpu.wait_dma2 semaphore(%arg12 : memref<!tpu.dma_semaphore, #tpu.memory_space<semaphore_mem>>) src(%dma_wait3A_998 : memref<128x128xf32, #tpu.memory_space<vmem_shared>>) dst(%dma_wait3A_996 : memref<128x128xf32, #tpu.memory_space<hbm>>)
    %mul3A_999 = arith.constant 640 : i32
    %mul3A_1000 = arith.muli %arg1, %mul3A_999 : i32
    %add3A_1001 = arith.constant 128 : i32
    %add3A_1002 = arith.addi %mul3A_1000, %add3A_1001 : i32
    %mul3A_1003 = arith.constant 640 : i32
    %mul3A_1004 = arith.muli %arg1, %mul3A_1003 : i32
    %add3A_1005 = arith.constant 128 : i32
    %add3A_1006 = arith.addi %mul3A_1004, %add3A_1005 : i32
    %dma_wait3A_1007 = arith.constant 0 : i32
    %dma_wait3A_1008 = tpu.memref_slice %arg4[%arg0, %add3A_1006, %dma_wait3A_1007] : memref<2x10240x128xf32, #tpu.memory_space<hbm>> -> memref<1x128x128xf32, #tpu.memory_space<hbm>>
    %dma_wait3A_1009 = tpu.memref_squeeze %dma_wait3A_1008 : memref<1x128x128xf32, #tpu.memory_space<hbm>> -> memref<128x128xf32, #tpu.memory_space<hbm>>
    %dma_wait3A_1010 = arith.constant 0 : i32
    %dma_wait3A_1011 = tpu.memref_slice %arg15[%add3A_1002, %dma_wait3A_1010] : memref<10240x128xf32, #tpu.memory_space<vmem_shared>> -> memref<128x128xf32, #tpu.memory_space<vmem_shared>>
    tpu.wait_dma2 semaphore(%arg12 : memref<!tpu.dma_semaphore, #tpu.memory_space<semaphore_mem>>) src(%dma_wait3A_1011 : memref<128x128xf32, #tpu.memory_space<vmem_shared>>) dst(%dma_wait3A_1009 : memref<128x128xf32, #tpu.memory_space<hbm>>)
    %mul3A_1012 = arith.constant 640 : i32
    %mul3A_1013 = arith.muli %arg1, %mul3A_1012 : i32
    %add3A_1014 = arith.constant 256 : i32
    %add3A_1015 = arith.addi %mul3A_1013, %add3A_1014 : i32
    %mul3A_1016 = arith.constant 640 : i32
    %mul3A_1017 = arith.muli %arg1, %mul3A_1016 : i32
    %add3A_1018 = arith.constant 256 : i32
    %add3A_1019 = arith.addi %mul3A_1017, %add3A_1018 : i32
    %dma_wait3A_1020 = arith.constant 0 : i32
    %dma_wait3A_1021 = tpu.memref_slice %arg4[%arg0, %add3A_1019, %dma_wait3A_1020] : memref<2x10240x128xf32, #tpu.memory_space<hbm>> -> memref<1x128x128xf32, #tpu.memory_space<hbm>>
    %dma_wait3A_1022 = tpu.memref_squeeze %dma_wait3A_1021 : memref<1x128x128xf32, #tpu.memory_space<hbm>> -> memref<128x128xf32, #tpu.memory_space<hbm>>
    %dma_wait3A_1023 = arith.constant 0 : i32
    %dma_wait3A_1024 = tpu.memref_slice %arg15[%add3A_1015, %dma_wait3A_1023] : memref<10240x128xf32, #tpu.memory_space<vmem_shared>> -> memref<128x128xf32, #tpu.memory_space<vmem_shared>>
    tpu.wait_dma2 semaphore(%arg12 : memref<!tpu.dma_semaphore, #tpu.memory_space<semaphore_mem>>) src(%dma_wait3A_1024 : memref<128x128xf32, #tpu.memory_space<vmem_shared>>) dst(%dma_wait3A_1022 : memref<128x128xf32, #tpu.memory_space<hbm>>)
    %mul3A_1025 = arith.constant 640 : i32
    %mul3A_1026 = arith.muli %arg1, %mul3A_1025 : i32
    %add3A_1027 = arith.constant 384 : i32
    %add3A_1028 = arith.addi %mul3A_1026, %add3A_1027 : i32
    %mul3A_1029 = arith.constant 640 : i32
    %mul3A_1030 = arith.muli %arg1, %mul3A_1029 : i32
    %add3A_1031 = arith.constant 384 : i32
    %add3A_1032 = arith.addi %mul3A_1030, %add3A_1031 : i32
    %dma_wait3A_1033 = arith.constant 0 : i32
    %dma_wait3A_1034 = tpu.memref_slice %arg4[%arg0, %add3A_1032, %dma_wait3A_1033] : memref<2x10240x128xf32, #tpu.memory_space<hbm>> -> memref<1x128x128xf32, #tpu.memory_space<hbm>>
    %dma_wait3A_1035 = tpu.memref_squeeze %dma_wait3A_1034 : memref<1x128x128xf32, #tpu.memory_space<hbm>> -> memref<128x128xf32, #tpu.memory_space<hbm>>
    %dma_wait3A_1036 = arith.constant 0 : i32
    %dma_wait3A_1037 = tpu.memref_slice %arg15[%add3A_1028, %dma_wait3A_1036] : memref<10240x128xf32, #tpu.memory_space<vmem_shared>> -> memref<128x128xf32, #tpu.memory_space<vmem_shared>>
    tpu.wait_dma2 semaphore(%arg12 : memref<!tpu.dma_semaphore, #tpu.memory_space<semaphore_mem>>) src(%dma_wait3A_1037 : memref<128x128xf32, #tpu.memory_space<vmem_shared>>) dst(%dma_wait3A_1035 : memref<128x128xf32, #tpu.memory_space<hbm>>)
    %mul3A_1038 = arith.constant 640 : i32
    %mul3A_1039 = arith.muli %arg1, %mul3A_1038 : i32
    %add3A_1040 = arith.constant 512 : i32
    %add3A_1041 = arith.addi %mul3A_1039, %add3A_1040 : i32
    %mul3A_1042 = arith.constant 640 : i32
    %mul3A_1043 = arith.muli %arg1, %mul3A_1042 : i32
    %add3A_1044 = arith.constant 512 : i32
    %add3A_1045 = arith.addi %mul3A_1043, %add3A_1044 : i32
    %dma_wait3A_1046 = arith.constant 0 : i32
    %dma_wait3A_1047 = tpu.memref_slice %arg4[%arg0, %add3A_1045, %dma_wait3A_1046] : memref<2x10240x128xf32, #tpu.memory_space<hbm>> -> memref<1x128x128xf32, #tpu.memory_space<hbm>>
    %dma_wait3A_1048 = tpu.memref_squeeze %dma_wait3A_1047 : memref<1x128x128xf32, #tpu.memory_space<hbm>> -> memref<128x128xf32, #tpu.memory_space<hbm>>
    %dma_wait3A_1049 = arith.constant 0 : i32
    %dma_wait3A_1050 = tpu.memref_slice %arg15[%add3A_1041, %dma_wait3A_1049] : memref<10240x128xf32, #tpu.memory_space<vmem_shared>> -> memref<128x128xf32, #tpu.memory_space<vmem_shared>>
    tpu.wait_dma2 semaphore(%arg12 : memref<!tpu.dma_semaphore, #tpu.memory_space<semaphore_mem>>) src(%dma_wait3A_1050 : memref<128x128xf32, #tpu.memory_space<vmem_shared>>) dst(%dma_wait3A_1048 : memref<128x128xf32, #tpu.memory_space<hbm>>)
    return
  }
}

#map = affine_map<(d0, d1) -> (0, 0)>
#map1 = affine_map<(d0, d1) -> (0, 0, 0)>
module attributes {stable_mosaic.version = 14 : i64} {
  func.func @_scat_body(%arg0: i32, %arg1: i32, %arg2: memref<10000x128xf32, #tpu.memory_space<hbm>>, %arg3: memref<32x160x64xi32, #tpu.memory_space<hbm>>, %arg4: memref<2x10240x128xf32, #tpu.memory_space<hbm>>, %arg5: memref<160x64xi32, #tpu.memory_space<vmem>>, %arg6: memref<3x64xi32, #tpu.memory_space<vmem>>, %arg7: memref<3x64xi32, #tpu.memory_space<vmem>>, %arg8: memref<3x64x128xf32, #tpu.memory_space<vmem>>, %arg9: memref<!tpu.dma_semaphore, #tpu.memory_space<semaphore_mem>>, %arg10: memref<!tpu.dma_semaphore, #tpu.memory_space<semaphore_mem>>, %arg11: memref<!tpu.dma_semaphore, #tpu.memory_space<semaphore_mem>>, %arg12: memref<!tpu.dma_semaphore, #tpu.memory_space<semaphore_mem>>, %arg13: memref<!tpu.dma_semaphore, #tpu.memory_space<semaphore_mem>>, %arg14: memref<!tpu.dma_semaphore, #tpu.memory_space<semaphore_mem>>, %arg15: memref<10240x128xf32, #tpu.memory_space<vmem_shared>>) attributes {dimension_semantics = [#tpu.dimension_semantics<core_parallel>, #tpu.dimension_semantics<subcore_parallel>], iteration_bounds = array<i64: 2, 16>, scalar_prefetch = 0 : i64, scratch_operands = 11 : i64, tpu.core_type = #tpu.core_type<sc_vector_subcore>, window_params = [{transform_indices = #map}, {transform_indices = #map1}, {transform_indices = #map1}]} {
    %mul3A = arith.constant 16 : i32
    %mul3A_0 = arith.muli %arg0, %mul3A : i32
    %add3A = arith.addi %mul3A_0, %arg1 : i32
    %dma_start3A = arith.constant 0 : i32
    %dma_start3A_1 = arith.constant 0 : i32
    %dma_start3A_2 = tpu.memref_slice %arg3[%add3A, %dma_start3A, %dma_start3A_1] : memref<32x160x64xi32, #tpu.memory_space<hbm>> -> memref<1x160x64xi32, #tpu.memory_space<hbm>>
    %dma_start3A_3 = tpu.memref_squeeze %dma_start3A_2 : memref<1x160x64xi32, #tpu.memory_space<hbm>> -> memref<160x64xi32, #tpu.memory_space<hbm>>
    %dma_start3A_4 = arith.constant 0 : i32
    %dma_start3A_5 = arith.constant 0 : i32
    %dma_start3A_6 = tpu.memref_slice %arg3[%add3A, %dma_start3A_4, %dma_start3A_5] : memref<32x160x64xi32, #tpu.memory_space<hbm>> -> memref<1x160x64xi32, #tpu.memory_space<hbm>>
    %dma_start3A_7 = tpu.memref_squeeze %dma_start3A_6 : memref<1x160x64xi32, #tpu.memory_space<hbm>> -> memref<160x64xi32, #tpu.memory_space<hbm>>
    tpu.enqueue_dma source(%dma_start3A_7 : memref<160x64xi32, #tpu.memory_space<hbm>>) target(%arg5 : memref<160x64xi32, #tpu.memory_space<vmem>>) target_semaphore(%arg9 : memref<!tpu.dma_semaphore, #tpu.memory_space<semaphore_mem>>)
    %scan3A = arith.constant 0 : i32
    %scan3A_8 = arith.constant 64 : i32
    %scan3A_9 = arith.addi %scan3A, %scan3A_8 : i32
    %scan3A_10 = arith.constant 1 : i32
    scf.for %scan3A_1051 = %scan3A to %scan3A_9 step %scan3A_10  : i32 {
      %broadcast_in_dim3A = arith.constant 0.000000e+00 : f32
      %broadcast_in_dim3A_1052 = vector.broadcast %broadcast_in_dim3A : f32 to vector<16xf32>
      %swap3A_1053 = arith.constant 0 : i32
      %swap3A_1054 = arith.index_cast %swap3A_1053 : i32 to index
      %swap3A_1055 = arith.index_cast %scan3A_1051 : i32 to index
      %swap3A_1056 = arith.constant 0 : index
      %swap3A_1057 = tpu.vector_load %arg8[%swap3A_1054, %swap3A_1055, %swap3A_1056] {strides = array<i32>} : memref<3x64x128xf32, #tpu.memory_space<vmem>>, vector<1x1x16xf32>,
      %swap3A_1058 = vector.shape_cast %swap3A_1057 : vector<1x1x16xf32> to vector<16xf32>
      %swap3A_1059 = vector.shape_cast %broadcast_in_dim3A_1052 : vector<16xf32> to vector<1x1x16xf32>
      tpu.vector_store %arg8[%swap3A_1054, %swap3A_1055, %swap3A_1056], %swap3A_1059 {strides = array<i32>} : memref<3x64x128xf32, #tpu.memory_space<vmem>>, vector<1x1x16xf32>,
      %broadcast_in_dim3A_1060 = arith.constant 0.000000e+00 : f32
      %broadcast_in_dim3A_1061 = vector.broadcast %broadcast_in_dim3A_1060 : f32 to vector<16xf32>
      %swap3A_1062 = arith.constant 0 : i32
      %swap3A_1063 = arith.index_cast %swap3A_1062 : i32 to index
      %swap3A_1064 = arith.index_cast %scan3A_1051 : i32 to index
      %swap3A_1065 = arith.constant 16 : index
      %swap3A_1066 = tpu.vector_load %arg8[%swap3A_1063, %swap3A_1064, %swap3A_1065] {strides = array<i32>} : memref<3x64x128xf32, #tpu.memory_space<vmem>>, vector<1x1x16xf32>,
      %swap3A_1067 = vector.shape_cast %swap3A_1066 : vector<1x1x16xf32> to vector<16xf32>
      %swap3A_1068 = vector.shape_cast %broadcast_in_dim3A_1061 : vector<16xf32> to vector<1x1x16xf32>
      tpu.vector_store %arg8[%swap3A_1063, %swap3A_1064, %swap3A_1065], %swap3A_1068 {strides = array<i32>} : memref<3x64x128xf32, #tpu.memory_space<vmem>>, vector<1x1x16xf32>,
      %broadcast_in_dim3A_1069 = arith.constant 0.000000e+00 : f32
      %broadcast_in_dim3A_1070 = vector.broadcast %broadcast_in_dim3A_1069 : f32 to vector<16xf32>
      %swap3A_1071 = arith.constant 0 : i32
      %swap3A_1072 = arith.index_cast %swap3A_1071 : i32 to index
      %swap3A_1073 = arith.index_cast %scan3A_1051 : i32 to index
      %swap3A_1074 = arith.constant 32 : index
      %swap3A_1075 = tpu.vector_load %arg8[%swap3A_1072, %swap3A_1073, %swap3A_1074] {strides = array<i32>} : memref<3x64x128xf32, #tpu.memory_space<vmem>>, vector<1x1x16xf32>,
      %swap3A_1076 = vector.shape_cast %swap3A_1075 : vector<1x1x16xf32> to vector<16xf32>
      %swap3A_1077 = vector.shape_cast %broadcast_in_dim3A_1070 : vector<16xf32> to vector<1x1x16xf32>
      tpu.vector_store %arg8[%swap3A_1072, %swap3A_1073, %swap3A_1074], %swap3A_1077 {strides = array<i32>} : memref<3x64x128xf32, #tpu.memory_space<vmem>>, vector<1x1x16xf32>,
      %broadcast_in_dim3A_1078 = arith.constant 0.000000e+00 : f32
      %broadcast_in_dim3A_1079 = vector.broadcast %broadcast_in_dim3A_1078 : f32 to vector<16xf32>
      %swap3A_1080 = arith.constant 0 : i32
      %swap3A_1081 = arith.index_cast %swap3A_1080 : i32 to index
      %swap3A_1082 = arith.index_cast %scan3A_1051 : i32 to index
      %swap3A_1083 = arith.constant 48 : index
      %swap3A_1084 = tpu.vector_load %arg8[%swap3A_1081, %swap3A_1082, %swap3A_1083] {strides = array<i32>} : memref<3x64x128xf32, #tpu.memory_space<vmem>>, vector<1x1x16xf32>,
      %swap3A_1085 = vector.shape_cast %swap3A_1084 : vector<1x1x16xf32> to vector<16xf32>
      %swap3A_1086 = vector.shape_cast %broadcast_in_dim3A_1079 : vector<16xf32> to vector<1x1x16xf32>
      tpu.vector_store %arg8[%swap3A_1081, %swap3A_1082, %swap3A_1083], %swap3A_1086 {strides = array<i32>} : memref<3x64x128xf32, #tpu.memory_space<vmem>>, vector<1x1x16xf32>,
      %broadcast_in_dim3A_1087 = arith.constant 0.000000e+00 : f32
      %broadcast_in_dim3A_1088 = vector.broadcast %broadcast_in_dim3A_1087 : f32 to vector<16xf32>
      %swap3A_1089 = arith.constant 0 : i32
      %swap3A_1090 = arith.index_cast %swap3A_1089 : i32 to index
      %swap3A_1091 = arith.index_cast %scan3A_1051 : i32 to index
      %swap3A_1092 = arith.constant 64 : index
      %swap3A_1093 = tpu.vector_load %arg8[%swap3A_1090, %swap3A_1091, %swap3A_1092] {strides = array<i32>} : memref<3x64x128xf32, #tpu.memory_space<vmem>>, vector<1x1x16xf32>,
      %swap3A_1094 = vector.shape_cast %swap3A_1093 : vector<1x1x16xf32> to vector<16xf32>
      %swap3A_1095 = vector.shape_cast %broadcast_in_dim3A_1088 : vector<16xf32> to vector<1x1x16xf32>
      tpu.vector_store %arg8[%swap3A_1090, %swap3A_1091, %swap3A_1092], %swap3A_1095 {strides = array<i32>} : memref<3x64x128xf32, #tpu.memory_space<vmem>>, vector<1x1x16xf32>,
      %broadcast_in_dim3A_1096 = arith.constant 0.000000e+00 : f32
      %broadcast_in_dim3A_1097 = vector.broadcast %broadcast_in_dim3A_1096 : f32 to vector<16xf32>
      %swap3A_1098 = arith.constant 0 : i32
      %swap3A_1099 = arith.index_cast %swap3A_1098 : i32 to index
      %swap3A_1100 = arith.index_cast %scan3A_1051 : i32 to index
      %swap3A_1101 = arith.constant 80 : index
      %swap3A_1102 = tpu.vector_load %arg8[%swap3A_1099, %swap3A_1100, %swap3A_1101] {strides = array<i32>} : memref<3x64x128xf32, #tpu.memory_space<vmem>>, vector<1x1x16xf32>,
      %swap3A_1103 = vector.shape_cast %swap3A_1102 : vector<1x1x16xf32> to vector<16xf32>
      %swap3A_1104 = vector.shape_cast %broadcast_in_dim3A_1097 : vector<16xf32> to vector<1x1x16xf32>
      tpu.vector_store %arg8[%swap3A_1099, %swap3A_1100, %swap3A_1101], %swap3A_1104 {strides = array<i32>} : memref<3x64x128xf32, #tpu.memory_space<vmem>>, vector<1x1x16xf32>,
      %broadcast_in_dim3A_1105 = arith.constant 0.000000e+00 : f32
      %broadcast_in_dim3A_1106 = vector.broadcast %broadcast_in_dim3A_1105 : f32 to vector<16xf32>
      %swap3A_1107 = arith.constant 0 : i32
      %swap3A_1108 = arith.index_cast %swap3A_1107 : i32 to index
      %swap3A_1109 = arith.index_cast %scan3A_1051 : i32 to index
      %swap3A_1110 = arith.constant 96 : index
      %swap3A_1111 = tpu.vector_load %arg8[%swap3A_1108, %swap3A_1109, %swap3A_1110] {strides = array<i32>} : memref<3x64x128xf32, #tpu.memory_space<vmem>>, vector<1x1x16xf32>,
      %swap3A_1112 = vector.shape_cast %swap3A_1111 : vector<1x1x16xf32> to vector<16xf32>
      %swap3A_1113 = vector.shape_cast %broadcast_in_dim3A_1106 : vector<16xf32> to vector<1x1x16xf32>
      tpu.vector_store %arg8[%swap3A_1108, %swap3A_1109, %swap3A_1110], %swap3A_1113 {strides = array<i32>} : memref<3x64x128xf32, #tpu.memory_space<vmem>>, vector<1x1x16xf32>,
      %broadcast_in_dim3A_1114 = arith.constant 0.000000e+00 : f32
      %broadcast_in_dim3A_1115 = vector.broadcast %broadcast_in_dim3A_1114 : f32 to vector<16xf32>
      %swap3A_1116 = arith.constant 0 : i32
      %swap3A_1117 = arith.index_cast %swap3A_1116 : i32 to index
      %swap3A_1118 = arith.index_cast %scan3A_1051 : i32 to index
      %swap3A_1119 = arith.constant 112 : index
      %swap3A_1120 = tpu.vector_load %arg8[%swap3A_1117, %swap3A_1118, %swap3A_1119] {strides = array<i32>} : memref<3x64x128xf32, #tpu.memory_space<vmem>>, vector<1x1x16xf32>,
      %swap3A_1121 = vector.shape_cast %swap3A_1120 : vector<1x1x16xf32> to vector<16xf32>
      %swap3A_1122 = vector.shape_cast %broadcast_in_dim3A_1115 : vector<16xf32> to vector<1x1x16xf32>
      tpu.vector_store %arg8[%swap3A_1117, %swap3A_1118, %swap3A_1119], %swap3A_1122 {strides = array<i32>} : memref<3x64x128xf32, #tpu.memory_space<vmem>>, vector<1x1x16xf32>,
    }
    %scan3A_11 = arith.constant 64 : i32
    %mul3A_12 = arith.constant 640 : i32
    %mul3A_13 = arith.muli %arg1, %mul3A_12 : i32
    %add3A_14 = arith.constant 0 : i32
    %add3A_15 = arith.addi %mul3A_13, %add3A_14 : i32
    %dma_start3A_16 = arith.constant 0 : i32
    %dma_start3A_17 = arith.constant 0 : i32
    %dma_start3A_18 = arith.constant 0 : i32
    %dma_start3A_19 = tpu.memref_slice %arg8[%dma_start3A_16, %dma_start3A_17, %dma_start3A_18] : memref<3x64x128xf32, #tpu.memory_space<vmem>> -> memref<1x64x128xf32, #tpu.memory_space<vmem>>
    %dma_start3A_20 = tpu.memref_squeeze %dma_start3A_19 : memref<1x64x128xf32, #tpu.memory_space<vmem>> -> memref<64x128xf32, #tpu.memory_space<vmem>>
    %dma_start3A_21 = arith.constant 0 : i32
    %dma_start3A_22 = tpu.memref_slice %arg15[%add3A_15, %dma_start3A_21] : memref<10240x128xf32, #tpu.memory_space<vmem_shared>> -> memref<64x128xf32, #tpu.memory_space<vmem_shared>>
    %dma_start3A_23 = arith.constant 0 : i32
    %dma_start3A_24 = tpu.memref_slice %arg15[%add3A_15, %dma_start3A_23] : memref<10240x128xf32, #tpu.memory_space<vmem_shared>> -> memref<64x128xf32, #tpu.memory_space<vmem_shared>>
    %dma_start3A_25 = arith.constant 0 : i32
    %dma_start3A_26 = arith.constant 0 : i32
    %dma_start3A_27 = tpu.memref_slice %arg8[%dma_start3A_16, %dma_start3A_25, %dma_start3A_26] : memref<3x64x128xf32, #tpu.memory_space<vmem>> -> memref<1x64x128xf32, #tpu.memory_space<vmem>>
    %dma_start3A_28 = tpu.memref_squeeze %dma_start3A_27 : memref<1x64x128xf32, #tpu.memory_space<vmem>> -> memref<64x128xf32, #tpu.memory_space<vmem>>
    tpu.enqueue_dma source(%dma_start3A_28 : memref<64x128xf32, #tpu.memory_space<vmem>>) target(%dma_start3A_24 : memref<64x128xf32, #tpu.memory_space<vmem_shared>>) target_semaphore(%arg12 : memref<!tpu.dma_semaphore, #tpu.memory_space<semaphore_mem>>)
    %mul3A_29 = arith.constant 640 : i32
    %mul3A_30 = arith.muli %arg1, %mul3A_29 : i32
    %add3A_31 = arith.constant 64 : i32
    %add3A_32 = arith.addi %mul3A_30, %add3A_31 : i32
    %dma_start3A_33 = arith.constant 0 : i32
    %dma_start3A_34 = arith.constant 0 : i32
    %dma_start3A_35 = arith.constant 0 : i32
    %dma_start3A_36 = tpu.memref_slice %arg8[%dma_start3A_33, %dma_start3A_34, %dma_start3A_35] : memref<3x64x128xf32, #tpu.memory_space<vmem>> -> memref<1x64x128xf32, #tpu.memory_space<vmem>>
    %dma_start3A_37 = tpu.memref_squeeze %dma_start3A_36 : memref<1x64x128xf32, #tpu.memory_space<vmem>> -> memref<64x128xf32, #tpu.memory_space<vmem>>
    %dma_start3A_38 = arith.constant 0 : i32
    %dma_start3A_39 = tpu.memref_slice %arg15[%add3A_32, %dma_start3A_38] : memref<10240x128xf32, #tpu.memory_space<vmem_shared>> -> memref<64x128xf32, #tpu.memory_space<vmem_shared>>
    %dma_start3A_40 = arith.constant 0 : i32
    %dma_start3A_41 = tpu.memref_slice %arg15[%add3A_32, %dma_start3A_40] : memref<10240x128xf32, #tpu.memory_space<vmem_shared>> -> memref<64x128xf32, #tpu.memory_space<vmem_shared>>
    %dma_start3A_42 = arith.constant 0 : i32
    %dma_start3A_43 = arith.constant 0 : i32
    %dma_start3A_44 = tpu.memref_slice %arg8[%dma_start3A_33, %dma_start3A_42, %dma_start3A_43] : memref<3x64x128xf32, #tpu.memory_space<vmem>> -> memref<1x64x128xf32, #tpu.memory_space<vmem>>
    %dma_start3A_45 = tpu.memref_squeeze %dma_start3A_44 : memref<1x64x128xf32, #tpu.memory_space<vmem>> -> memref<64x128xf32, #tpu.memory_space<vmem>>
    tpu.enqueue_dma source(%dma_start3A_45 : memref<64x128xf32, #tpu.memory_space<vmem>>) target(%dma_start3A_41 : memref<64x128xf32, #tpu.memory_space<vmem_shared>>) target_semaphore(%arg12 : memref<!tpu.dma_semaphore, #tpu.memory_space<semaphore_mem>>)
    %mul3A_46 = arith.constant 640 : i32
    %mul3A_47 = arith.muli %arg1, %mul3A_46 : i32
    %add3A_48 = arith.constant 128 : i32
    %add3A_49 = arith.addi %mul3A_47, %add3A_48 : i32
    %dma_start3A_50 = arith.constant 0 : i32
    %dma_start3A_51 = arith.constant 0 : i32
    %dma_start3A_52 = arith.constant 0 : i32
    %dma_start3A_53 = tpu.memref_slice %arg8[%dma_start3A_50, %dma_start3A_51, %dma_start3A_52] : memref<3x64x128xf32, #tpu.memory_space<vmem>> -> memref<1x64x128xf32, #tpu.memory_space<vmem>>
    %dma_start3A_54 = tpu.memref_squeeze %dma_start3A_53 : memref<1x64x128xf32, #tpu.memory_space<vmem>> -> memref<64x128xf32, #tpu.memory_space<vmem>>
    %dma_start3A_55 = arith.constant 0 : i32
    %dma_start3A_56 = tpu.memref_slice %arg15[%add3A_49, %dma_start3A_55] : memref<10240x128xf32, #tpu.memory_space<vmem_shared>> -> memref<64x128xf32, #tpu.memory_space<vmem_shared>>
    %dma_start3A_57 = arith.constant 0 : i32
    %dma_start3A_58 = tpu.memref_slice %arg15[%add3A_49, %dma_start3A_57] : memref<10240x128xf32, #tpu.memory_space<vmem_shared>> -> memref<64x128xf32, #tpu.memory_space<vmem_shared>>
    %dma_start3A_59 = arith.constant 0 : i32
    %dma_start3A_60 = arith.constant 0 : i32
    %dma_start3A_61 = tpu.memref_slice %arg8[%dma_start3A_50, %dma_start3A_59, %dma_start3A_60] : memref<3x64x128xf32, #tpu.memory_space<vmem>> -> memref<1x64x128xf32, #tpu.memory_space<vmem>>
    %dma_start3A_62 = tpu.memref_squeeze %dma_start3A_61 : memref<1x64x128xf32, #tpu.memory_space<vmem>> -> memref<64x128xf32, #tpu.memory_space<vmem>>
    tpu.enqueue_dma source(%dma_start3A_62 : memref<64x128xf32, #tpu.memory_space<vmem>>) target(%dma_start3A_58 : memref<64x128xf32, #tpu.memory_space<vmem_shared>>) target_semaphore(%arg12 : memref<!tpu.dma_semaphore, #tpu.memory_space<semaphore_mem>>)
    %mul3A_63 = arith.constant 640 : i32
    %mul3A_64 = arith.muli %arg1, %mul3A_63 : i32
    %add3A_65 = arith.constant 192 : i32
    %add3A_66 = arith.addi %mul3A_64, %add3A_65 : i32
    %dma_start3A_67 = arith.constant 0 : i32
    %dma_start3A_68 = arith.constant 0 : i32
    %dma_start3A_69 = arith.constant 0 : i32
    %dma_start3A_70 = tpu.memref_slice %arg8[%dma_start3A_67, %dma_start3A_68, %dma_start3A_69] : memref<3x64x128xf32, #tpu.memory_space<vmem>> -> memref<1x64x128xf32, #tpu.memory_space<vmem>>
    %dma_start3A_71 = tpu.memref_squeeze %dma_start3A_70 : memref<1x64x128xf32, #tpu.memory_space<vmem>> -> memref<64x128xf32, #tpu.memory_space<vmem>>
    %dma_start3A_72 = arith.constant 0 : i32
    %dma_start3A_73 = tpu.memref_slice %arg15[%add3A_66, %dma_start3A_72] : memref<10240x128xf32, #tpu.memory_space<vmem_shared>> -> memref<64x128xf32, #tpu.memory_space<vmem_shared>>
    %dma_start3A_74 = arith.constant 0 : i32
    %dma_start3A_75 = tpu.memref_slice %arg15[%add3A_66, %dma_start3A_74] : memref<10240x128xf32, #tpu.memory_space<vmem_shared>> -> memref<64x128xf32, #tpu.memory_space<vmem_shared>>
    %dma_start3A_76 = arith.constant 0 : i32
    %dma_start3A_77 = arith.constant 0 : i32
    %dma_start3A_78 = tpu.memref_slice %arg8[%dma_start3A_67, %dma_start3A_76, %dma_start3A_77] : memref<3x64x128xf32, #tpu.memory_space<vmem>> -> memref<1x64x128xf32, #tpu.memory_space<vmem>>
    %dma_start3A_79 = tpu.memref_squeeze %dma_start3A_78 : memref<1x64x128xf32, #tpu.memory_space<vmem>> -> memref<64x128xf32, #tpu.memory_space<vmem>>
    tpu.enqueue_dma source(%dma_start3A_79 : memref<64x128xf32, #tpu.memory_space<vmem>>) target(%dma_start3A_75 : memref<64x128xf32, #tpu.memory_space<vmem_shared>>) target_semaphore(%arg12 : memref<!tpu.dma_semaphore, #tpu.memory_space<semaphore_mem>>)
    %mul3A_80 = arith.constant 640 : i32
    %mul3A_81 = arith.muli %arg1, %mul3A_80 : i32
    %add3A_82 = arith.constant 256 : i32
    %add3A_83 = arith.addi %mul3A_81, %add3A_82 : i32
    %dma_start3A_84 = arith.constant 0 : i32
    %dma_start3A_85 = arith.constant 0 : i32
    %dma_start3A_86 = arith.constant 0 : i32
    %dma_start3A_87 = tpu.memref_slice %arg8[%dma_start3A_84, %dma_start3A_85, %dma_start3A_86] : memref<3x64x128xf32, #tpu.memory_space<vmem>> -> memref<1x64x128xf32, #tpu.memory_space<vmem>>
    %dma_start3A_88 = tpu.memref_squeeze %dma_start3A_87 : memref<1x64x128xf32, #tpu.memory_space<vmem>> -> memref<64x128xf32, #tpu.memory_space<vmem>>
    %dma_start3A_89 = arith.constant 0 : i32
    %dma_start3A_90 = tpu.memref_slice %arg15[%add3A_83, %dma_start3A_89] : memref<10240x128xf32, #tpu.memory_space<vmem_shared>> -> memref<64x128xf32, #tpu.memory_space<vmem_shared>>
    %dma_start3A_91 = arith.constant 0 : i32
    %dma_start3A_92 = tpu.memref_slice %arg15[%add3A_83, %dma_start3A_91] : memref<10240x128xf32, #tpu.memory_space<vmem_shared>> -> memref<64x128xf32, #tpu.memory_space<vmem_shared>>
    %dma_start3A_93 = arith.constant 0 : i32
    %dma_start3A_94 = arith.constant 0 : i32
    %dma_start3A_95 = tpu.memref_slice %arg8[%dma_start3A_84, %dma_start3A_93, %dma_start3A_94] : memref<3x64x128xf32, #tpu.memory_space<vmem>> -> memref<1x64x128xf32, #tpu.memory_space<vmem>>
    %dma_start3A_96 = tpu.memref_squeeze %dma_start3A_95 : memref<1x64x128xf32, #tpu.memory_space<vmem>> -> memref<64x128xf32, #tpu.memory_space<vmem>>
    tpu.enqueue_dma source(%dma_start3A_96 : memref<64x128xf32, #tpu.memory_space<vmem>>) target(%dma_start3A_92 : memref<64x128xf32, #tpu.memory_space<vmem_shared>>) target_semaphore(%arg12 : memref<!tpu.dma_semaphore, #tpu.memory_space<semaphore_mem>>)
    %mul3A_97 = arith.constant 640 : i32
    %mul3A_98 = arith.muli %arg1, %mul3A_97 : i32
    %add3A_99 = arith.constant 320 : i32
    %add3A_100 = arith.addi %mul3A_98, %add3A_99 : i32
    %dma_start3A_101 = arith.constant 0 : i32
    %dma_start3A_102 = arith.constant 0 : i32
    %dma_start3A_103 = arith.constant 0 : i32
    %dma_start3A_104 = tpu.memref_slice %arg8[%dma_start3A_101, %dma_start3A_102, %dma_start3A_103] : memref<3x64x128xf32, #tpu.memory_space<vmem>> -> memref<1x64x128xf32, #tpu.memory_space<vmem>>
    %dma_start3A_105 = tpu.memref_squeeze %dma_start3A_104 : memref<1x64x128xf32, #tpu.memory_space<vmem>> -> memref<64x128xf32, #tpu.memory_space<vmem>>
    %dma_start3A_106 = arith.constant 0 : i32
    %dma_start3A_107 = tpu.memref_slice %arg15[%add3A_100, %dma_start3A_106] : memref<10240x128xf32, #tpu.memory_space<vmem_shared>> -> memref<64x128xf32, #tpu.memory_space<vmem_shared>>
    %dma_start3A_108 = arith.constant 0 : i32
    %dma_start3A_109 = tpu.memref_slice %arg15[%add3A_100, %dma_start3A_108] : memref<10240x128xf32, #tpu.memory_space<vmem_shared>> -> memref<64x128xf32, #tpu.memory_space<vmem_shared>>
    %dma_start3A_110 = arith.constant 0 : i32
    %dma_start3A_111 = arith.constant 0 : i32
    %dma_start3A_112 = tpu.memref_slice %arg8[%dma_start3A_101, %dma_start3A_110, %dma_start3A_111] : memref<3x64x128xf32, #tpu.memory_space<vmem>> -> memref<1x64x128xf32, #tpu.memory_space<vmem>>
    %dma_start3A_113 = tpu.memref_squeeze %dma_start3A_112 : memref<1x64x128xf32, #tpu.memory_space<vmem>> -> memref<64x128xf32, #tpu.memory_space<vmem>>
    tpu.enqueue_dma source(%dma_start3A_113 : memref<64x128xf32, #tpu.memory_space<vmem>>) target(%dma_start3A_109 : memref<64x128xf32, #tpu.memory_space<vmem_shared>>) target_semaphore(%arg12 : memref<!tpu.dma_semaphore, #tpu.memory_space<semaphore_mem>>)
    %mul3A_114 = arith.constant 640 : i32
    %mul3A_115 = arith.muli %arg1, %mul3A_114 : i32
    %add3A_116 = arith.constant 384 : i32
    %add3A_117 = arith.addi %mul3A_115, %add3A_116 : i32
    %dma_start3A_118 = arith.constant 0 : i32
    %dma_start3A_119 = arith.constant 0 : i32
    %dma_start3A_120 = arith.constant 0 : i32
    %dma_start3A_121 = tpu.memref_slice %arg8[%dma_start3A_118, %dma_start3A_119, %dma_start3A_120] : memref<3x64x128xf32, #tpu.memory_space<vmem>> -> memref<1x64x128xf32, #tpu.memory_space<vmem>>
    %dma_start3A_122 = tpu.memref_squeeze %dma_start3A_121 : memref<1x64x128xf32, #tpu.memory_space<vmem>> -> memref<64x128xf32, #tpu.memory_space<vmem>>
    %dma_start3A_123 = arith.constant 0 : i32
    %dma_start3A_124 = tpu.memref_slice %arg15[%add3A_117, %dma_start3A_123] : memref<10240x128xf32, #tpu.memory_space<vmem_shared>> -> memref<64x128xf32, #tpu.memory_space<vmem_shared>>
    %dma_start3A_125 = arith.constant 0 : i32
    %dma_start3A_126 = tpu.memref_slice %arg15[%add3A_117, %dma_start3A_125] : memref<10240x128xf32, #tpu.memory_space<vmem_shared>> -> memref<64x128xf32, #tpu.memory_space<vmem_shared>>
    %dma_start3A_127 = arith.constant 0 : i32
    %dma_start3A_128 = arith.constant 0 : i32
    %dma_start3A_129 = tpu.memref_slice %arg8[%dma_start3A_118, %dma_start3A_127, %dma_start3A_128] : memref<3x64x128xf32, #tpu.memory_space<vmem>> -> memref<1x64x128xf32, #tpu.memory_space<vmem>>
    %dma_start3A_130 = tpu.memref_squeeze %dma_start3A_129 : memref<1x64x128xf32, #tpu.memory_space<vmem>> -> memref<64x128xf32, #tpu.memory_space<vmem>>
    tpu.enqueue_dma source(%dma_start3A_130 : memref<64x128xf32, #tpu.memory_space<vmem>>) target(%dma_start3A_126 : memref<64x128xf32, #tpu.memory_space<vmem_shared>>) target_semaphore(%arg12 : memref<!tpu.dma_semaphore, #tpu.memory_space<semaphore_mem>>)
    %mul3A_131 = arith.constant 640 : i32
    %mul3A_132 = arith.muli %arg1, %mul3A_131 : i32
    %add3A_133 = arith.constant 448 : i32
    %add3A_134 = arith.addi %mul3A_132, %add3A_133 : i32
    %dma_start3A_135 = arith.constant 0 : i32
    %dma_start3A_136 = arith.constant 0 : i32
    %dma_start3A_137 = arith.constant 0 : i32
    %dma_start3A_138 = tpu.memref_slice %arg8[%dma_start3A_135, %dma_start3A_136, %dma_start3A_137] : memref<3x64x128xf32, #tpu.memory_space<vmem>> -> memref<1x64x128xf32, #tpu.memory_space<vmem>>
    %dma_start3A_139 = tpu.memref_squeeze %dma_start3A_138 : memref<1x64x128xf32, #tpu.memory_space<vmem>> -> memref<64x128xf32, #tpu.memory_space<vmem>>
    %dma_start3A_140 = arith.constant 0 : i32
    %dma_start3A_141 = tpu.memref_slice %arg15[%add3A_134, %dma_start3A_140] : memref<10240x128xf32, #tpu.memory_space<vmem_shared>> -> memref<64x128xf32, #tpu.memory_space<vmem_shared>>
    %dma_start3A_142 = arith.constant 0 : i32
    %dma_start3A_143 = tpu.memref_slice %arg15[%add3A_134, %dma_start3A_142] : memref<10240x128xf32, #tpu.memory_space<vmem_shared>> -> memref<64x128xf32, #tpu.memory_space<vmem_shared>>
    %dma_start3A_144 = arith.constant 0 : i32
    %dma_start3A_145 = arith.constant 0 : i32
    %dma_start3A_146 = tpu.memref_slice %arg8[%dma_start3A_135, %dma_start3A_144, %dma_start3A_145] : memref<3x64x128xf32, #tpu.memory_space<vmem>> -> memref<1x64x128xf32, #tpu.memory_space<vmem>>
    %dma_start3A_147 = tpu.memref_squeeze %dma_start3A_146 : memref<1x64x128xf32, #tpu.memory_space<vmem>> -> memref<64x128xf32, #tpu.memory_space<vmem>>
    tpu.enqueue_dma source(%dma_start3A_147 : memref<64x128xf32, #tpu.memory_space<vmem>>) target(%dma_start3A_143 : memref<64x128xf32, #tpu.memory_space<vmem_shared>>) target_semaphore(%arg12 : memref<!tpu.dma_semaphore, #tpu.memory_space<semaphore_mem>>)
    %mul3A_148 = arith.constant 640 : i32
    %mul3A_149 = arith.muli %arg1, %mul3A_148 : i32
    %add3A_150 = arith.constant 512 : i32
    %add3A_151 = arith.addi %mul3A_149, %add3A_150 : i32
    %dma_start3A_152 = arith.constant 0 : i32
    %dma_start3A_153 = arith.constant 0 : i32
    %dma_start3A_154 = arith.constant 0 : i32
    %dma_start3A_155 = tpu.memref_slice %arg8[%dma_start3A_152, %dma_start3A_153, %dma_start3A_154] : memref<3x64x128xf32, #tpu.memory_space<vmem>> -> memref<1x64x128xf32, #tpu.memory_space<vmem>>
    %dma_start3A_156 = tpu.memref_squeeze %dma_start3A_155 : memref<1x64x128xf32, #tpu.memory_space<vmem>> -> memref<64x128xf32, #tpu.memory_space<vmem>>
    %dma_start3A_157 = arith.constant 0 : i32
    %dma_start3A_158 = tpu.memref_slice %arg15[%add3A_151, %dma_start3A_157] : memref<10240x128xf32, #tpu.memory_space<vmem_shared>> -> memref<64x128xf32, #tpu.memory_space<vmem_shared>>
    %dma_start3A_159 = arith.constant 0 : i32
    %dma_start3A_160 = tpu.memref_slice %arg15[%add3A_151, %dma_start3A_159] : memref<10240x128xf32, #tpu.memory_space<vmem_shared>> -> memref<64x128xf32, #tpu.memory_space<vmem_shared>>
    %dma_start3A_161 = arith.constant 0 : i32
    %dma_start3A_162 = arith.constant 0 : i32
    %dma_start3A_163 = tpu.memref_slice %arg8[%dma_start3A_152, %dma_start3A_161, %dma_start3A_162] : memref<3x64x128xf32, #tpu.memory_space<vmem>> -> memref<1x64x128xf32, #tpu.memory_space<vmem>>
    %dma_start3A_164 = tpu.memref_squeeze %dma_start3A_163 : memref<1x64x128xf32, #tpu.memory_space<vmem>> -> memref<64x128xf32, #tpu.memory_space<vmem>>
    tpu.enqueue_dma source(%dma_start3A_164 : memref<64x128xf32, #tpu.memory_space<vmem>>) target(%dma_start3A_160 : memref<64x128xf32, #tpu.memory_space<vmem_shared>>) target_semaphore(%arg12 : memref<!tpu.dma_semaphore, #tpu.memory_space<semaphore_mem>>)
    %mul3A_165 = arith.constant 640 : i32
    %mul3A_166 = arith.muli %arg1, %mul3A_165 : i32
    %add3A_167 = arith.constant 576 : i32
    %add3A_168 = arith.addi %mul3A_166, %add3A_167 : i32
    %dma_start3A_169 = arith.constant 0 : i32
    %dma_start3A_170 = arith.constant 0 : i32
    %dma_start3A_171 = arith.constant 0 : i32
    %dma_start3A_172 = tpu.memref_slice %arg8[%dma_start3A_169, %dma_start3A_170, %dma_start3A_171] : memref<3x64x128xf32, #tpu.memory_space<vmem>> -> memref<1x64x128xf32, #tpu.memory_space<vmem>>
    %dma_start3A_173 = tpu.memref_squeeze %dma_start3A_172 : memref<1x64x128xf32, #tpu.memory_space<vmem>> -> memref<64x128xf32, #tpu.memory_space<vmem>>
    %dma_start3A_174 = arith.constant 0 : i32
    %dma_start3A_175 = tpu.memref_slice %arg15[%add3A_168, %dma_start3A_174] : memref<10240x128xf32, #tpu.memory_space<vmem_shared>> -> memref<64x128xf32, #tpu.memory_space<vmem_shared>>
    %dma_start3A_176 = arith.constant 0 : i32
    %dma_start3A_177 = tpu.memref_slice %arg15[%add3A_168, %dma_start3A_176] : memref<10240x128xf32, #tpu.memory_space<vmem_shared>> -> memref<64x128xf32, #tpu.memory_space<vmem_shared>>
    %dma_start3A_178 = arith.constant 0 : i32
    %dma_start3A_179 = arith.constant 0 : i32
    %dma_start3A_180 = tpu.memref_slice %arg8[%dma_start3A_169, %dma_start3A_178, %dma_start3A_179] : memref<3x64x128xf32, #tpu.memory_space<vmem>> -> memref<1x64x128xf32, #tpu.memory_space<vmem>>
    %dma_start3A_181 = tpu.memref_squeeze %dma_start3A_180 : memref<1x64x128xf32, #tpu.memory_space<vmem>> -> memref<64x128xf32, #tpu.memory_space<vmem>>
    tpu.enqueue_dma source(%dma_start3A_181 : memref<64x128xf32, #tpu.memory_space<vmem>>) target(%dma_start3A_177 : memref<64x128xf32, #tpu.memory_space<vmem_shared>>) target_semaphore(%arg12 : memref<!tpu.dma_semaphore, #tpu.memory_space<semaphore_mem>>)
    %mul3A_182 = arith.constant 640 : i32
    %mul3A_183 = arith.muli %arg1, %mul3A_182 : i32
    %add3A_184 = arith.constant 0 : i32
    %add3A_185 = arith.addi %mul3A_183, %add3A_184 : i32
    %dma_wait3A = arith.constant 0 : i32
    %dma_wait3A_186 = arith.constant 0 : i32
    %dma_wait3A_187 = arith.constant 0 : i32
    %dma_wait3A_188 = tpu.memref_slice %arg8[%dma_wait3A, %dma_wait3A_186, %dma_wait3A_187] : memref<3x64x128xf32, #tpu.memory_space<vmem>> -> memref<1x64x128xf32, #tpu.memory_space<vmem>>
    %dma_wait3A_189 = tpu.memref_squeeze %dma_wait3A_188 : memref<1x64x128xf32, #tpu.memory_space<vmem>> -> memref<64x128xf32, #tpu.memory_space<vmem>>
    %dma_wait3A_190 = arith.constant 0 : i32
    %dma_wait3A_191 = tpu.memref_slice %arg15[%add3A_185, %dma_wait3A_190] : memref<10240x128xf32, #tpu.memory_space<vmem_shared>> -> memref<64x128xf32, #tpu.memory_space<vmem_shared>>
    %dma_wait3A_192 = arith.constant 0 : i32
    %dma_wait3A_193 = tpu.memref_slice %arg15[%add3A_185, %dma_wait3A_192] : memref<10240x128xf32, #tpu.memory_space<vmem_shared>> -> memref<64x128xf32, #tpu.memory_space<vmem_shared>>
    %dma_wait3A_194 = arith.constant 0 : i32
    %dma_wait3A_195 = arith.constant 0 : i32
    %dma_wait3A_196 = tpu.memref_slice %arg8[%dma_wait3A, %dma_wait3A_194, %dma_wait3A_195] : memref<3x64x128xf32, #tpu.memory_space<vmem>> -> memref<1x64x128xf32, #tpu.memory_space<vmem>>
    %dma_wait3A_197 = tpu.memref_squeeze %dma_wait3A_196 : memref<1x64x128xf32, #tpu.memory_space<vmem>> -> memref<64x128xf32, #tpu.memory_space<vmem>>
    tpu.wait_dma2 semaphore(%arg12 : memref<!tpu.dma_semaphore, #tpu.memory_space<semaphore_mem>>) src(%dma_wait3A_197 : memref<64x128xf32, #tpu.memory_space<vmem>>) dst(%dma_wait3A_193 : memref<64x128xf32, #tpu.memory_space<vmem_shared>>)
    %mul3A_198 = arith.constant 640 : i32
    %mul3A_199 = arith.muli %arg1, %mul3A_198 : i32
    %add3A_200 = arith.constant 64 : i32
    %add3A_201 = arith.addi %mul3A_199, %add3A_200 : i32
    %dma_wait3A_202 = arith.constant 0 : i32
    %dma_wait3A_203 = arith.constant 0 : i32
    %dma_wait3A_204 = arith.constant 0 : i32
    %dma_wait3A_205 = tpu.memref_slice %arg8[%dma_wait3A_202, %dma_wait3A_203, %dma_wait3A_204] : memref<3x64x128xf32, #tpu.memory_space<vmem>> -> memref<1x64x128xf32, #tpu.memory_space<vmem>>
    %dma_wait3A_206 = tpu.memref_squeeze %dma_wait3A_205 : memref<1x64x128xf32, #tpu.memory_space<vmem>> -> memref<64x128xf32, #tpu.memory_space<vmem>>
    %dma_wait3A_207 = arith.constant 0 : i32
    %dma_wait3A_208 = tpu.memref_slice %arg15[%add3A_201, %dma_wait3A_207] : memref<10240x128xf32, #tpu.memory_space<vmem_shared>> -> memref<64x128xf32, #tpu.memory_space<vmem_shared>>
    %dma_wait3A_209 = arith.constant 0 : i32
    %dma_wait3A_210 = tpu.memref_slice %arg15[%add3A_201, %dma_wait3A_209] : memref<10240x128xf32, #tpu.memory_space<vmem_shared>> -> memref<64x128xf32, #tpu.memory_space<vmem_shared>>
    %dma_wait3A_211 = arith.constant 0 : i32
    %dma_wait3A_212 = arith.constant 0 : i32
    %dma_wait3A_213 = tpu.memref_slice %arg8[%dma_wait3A_202, %dma_wait3A_211, %dma_wait3A_212] : memref<3x64x128xf32, #tpu.memory_space<vmem>> -> memref<1x64x128xf32, #tpu.memory_space<vmem>>
    %dma_wait3A_214 = tpu.memref_squeeze %dma_wait3A_213 : memref<1x64x128xf32, #tpu.memory_space<vmem>> -> memref<64x128xf32, #tpu.memory_space<vmem>>
    tpu.wait_dma2 semaphore(%arg12 : memref<!tpu.dma_semaphore, #tpu.memory_space<semaphore_mem>>) src(%dma_wait3A_214 : memref<64x128xf32, #tpu.memory_space<vmem>>) dst(%dma_wait3A_210 : memref<64x128xf32, #tpu.memory_space<vmem_shared>>)
    %mul3A_215 = arith.constant 640 : i32
    %mul3A_216 = arith.muli %arg1, %mul3A_215 : i32
    %add3A_217 = arith.constant 128 : i32
    %add3A_218 = arith.addi %mul3A_216, %add3A_217 : i32
    %dma_wait3A_219 = arith.constant 0 : i32
    %dma_wait3A_220 = arith.constant 0 : i32
    %dma_wait3A_221 = arith.constant 0 : i32
    %dma_wait3A_222 = tpu.memref_slice %arg8[%dma_wait3A_219, %dma_wait3A_220, %dma_wait3A_221] : memref<3x64x128xf32, #tpu.memory_space<vmem>> -> memref<1x64x128xf32, #tpu.memory_space<vmem>>
    %dma_wait3A_223 = tpu.memref_squeeze %dma_wait3A_222 : memref<1x64x128xf32, #tpu.memory_space<vmem>> -> memref<64x128xf32, #tpu.memory_space<vmem>>
    %dma_wait3A_224 = arith.constant 0 : i32
    %dma_wait3A_225 = tpu.memref_slice %arg15[%add3A_218, %dma_wait3A_224] : memref<10240x128xf32, #tpu.memory_space<vmem_shared>> -> memref<64x128xf32, #tpu.memory_space<vmem_shared>>
    %dma_wait3A_226 = arith.constant 0 : i32
    %dma_wait3A_227 = tpu.memref_slice %arg15[%add3A_218, %dma_wait3A_226] : memref<10240x128xf32, #tpu.memory_space<vmem_shared>> -> memref<64x128xf32, #tpu.memory_space<vmem_shared>>
    %dma_wait3A_228 = arith.constant 0 : i32
    %dma_wait3A_229 = arith.constant 0 : i32
    %dma_wait3A_230 = tpu.memref_slice %arg8[%dma_wait3A_219, %dma_wait3A_228, %dma_wait3A_229] : memref<3x64x128xf32, #tpu.memory_space<vmem>> -> memref<1x64x128xf32, #tpu.memory_space<vmem>>
    %dma_wait3A_231 = tpu.memref_squeeze %dma_wait3A_230 : memref<1x64x128xf32, #tpu.memory_space<vmem>> -> memref<64x128xf32, #tpu.memory_space<vmem>>
    tpu.wait_dma2 semaphore(%arg12 : memref<!tpu.dma_semaphore, #tpu.memory_space<semaphore_mem>>) src(%dma_wait3A_231 : memref<64x128xf32, #tpu.memory_space<vmem>>) dst(%dma_wait3A_227 : memref<64x128xf32, #tpu.memory_space<vmem_shared>>)
    %mul3A_232 = arith.constant 640 : i32
    %mul3A_233 = arith.muli %arg1, %mul3A_232 : i32
    %add3A_234 = arith.constant 192 : i32
    %add3A_235 = arith.addi %mul3A_233, %add3A_234 : i32
    %dma_wait3A_236 = arith.constant 0 : i32
    %dma_wait3A_237 = arith.constant 0 : i32
    %dma_wait3A_238 = arith.constant 0 : i32
    %dma_wait3A_239 = tpu.memref_slice %arg8[%dma_wait3A_236, %dma_wait3A_237, %dma_wait3A_238] : memref<3x64x128xf32, #tpu.memory_space<vmem>> -> memref<1x64x128xf32, #tpu.memory_space<vmem>>
    %dma_wait3A_240 = tpu.memref_squeeze %dma_wait3A_239 : memref<1x64x128xf32, #tpu.memory_space<vmem>> -> memref<64x128xf32, #tpu.memory_space<vmem>>
    %dma_wait3A_241 = arith.constant 0 : i32
    %dma_wait3A_242 = tpu.memref_slice %arg15[%add3A_235, %dma_wait3A_241] : memref<10240x128xf32, #tpu.memory_space<vmem_shared>> -> memref<64x128xf32, #tpu.memory_space<vmem_shared>>
    %dma_wait3A_243 = arith.constant 0 : i32
    %dma_wait3A_244 = tpu.memref_slice %arg15[%add3A_235, %dma_wait3A_243] : memref<10240x128xf32, #tpu.memory_space<vmem_shared>> -> memref<64x128xf32, #tpu.memory_space<vmem_shared>>
    %dma_wait3A_245 = arith.constant 0 : i32
    %dma_wait3A_246 = arith.constant 0 : i32
    %dma_wait3A_247 = tpu.memref_slice %arg8[%dma_wait3A_236, %dma_wait3A_245, %dma_wait3A_246] : memref<3x64x128xf32, #tpu.memory_space<vmem>> -> memref<1x64x128xf32, #tpu.memory_space<vmem>>
    %dma_wait3A_248 = tpu.memref_squeeze %dma_wait3A_247 : memref<1x64x128xf32, #tpu.memory_space<vmem>> -> memref<64x128xf32, #tpu.memory_space<vmem>>
    tpu.wait_dma2 semaphore(%arg12 : memref<!tpu.dma_semaphore, #tpu.memory_space<semaphore_mem>>) src(%dma_wait3A_248 : memref<64x128xf32, #tpu.memory_space<vmem>>) dst(%dma_wait3A_244 : memref<64x128xf32, #tpu.memory_space<vmem_shared>>)
    %mul3A_249 = arith.constant 640 : i32
    %mul3A_250 = arith.muli %arg1, %mul3A_249 : i32
    %add3A_251 = arith.constant 256 : i32
    %add3A_252 = arith.addi %mul3A_250, %add3A_251 : i32
    %dma_wait3A_253 = arith.constant 0 : i32
    %dma_wait3A_254 = arith.constant 0 : i32
    %dma_wait3A_255 = arith.constant 0 : i32
    %dma_wait3A_256 = tpu.memref_slice %arg8[%dma_wait3A_253, %dma_wait3A_254, %dma_wait3A_255] : memref<3x64x128xf32, #tpu.memory_space<vmem>> -> memref<1x64x128xf32, #tpu.memory_space<vmem>>
    %dma_wait3A_257 = tpu.memref_squeeze %dma_wait3A_256 : memref<1x64x128xf32, #tpu.memory_space<vmem>> -> memref<64x128xf32, #tpu.memory_space<vmem>>
    %dma_wait3A_258 = arith.constant 0 : i32
    %dma_wait3A_259 = tpu.memref_slice %arg15[%add3A_252, %dma_wait3A_258] : memref<10240x128xf32, #tpu.memory_space<vmem_shared>> -> memref<64x128xf32, #tpu.memory_space<vmem_shared>>
    %dma_wait3A_260 = arith.constant 0 : i32
    %dma_wait3A_261 = tpu.memref_slice %arg15[%add3A_252, %dma_wait3A_260] : memref<10240x128xf32, #tpu.memory_space<vmem_shared>> -> memref<64x128xf32, #tpu.memory_space<vmem_shared>>
    %dma_wait3A_262 = arith.constant 0 : i32
    %dma_wait3A_263 = arith.constant 0 : i32
    %dma_wait3A_264 = tpu.memref_slice %arg8[%dma_wait3A_253, %dma_wait3A_262, %dma_wait3A_263] : memref<3x64x128xf32, #tpu.memory_space<vmem>> -> memref<1x64x128xf32, #tpu.memory_space<vmem>>
    %dma_wait3A_265 = tpu.memref_squeeze %dma_wait3A_264 : memref<1x64x128xf32, #tpu.memory_space<vmem>> -> memref<64x128xf32, #tpu.memory_space<vmem>>
    tpu.wait_dma2 semaphore(%arg12 : memref<!tpu.dma_semaphore, #tpu.memory_space<semaphore_mem>>) src(%dma_wait3A_265 : memref<64x128xf32, #tpu.memory_space<vmem>>) dst(%dma_wait3A_261 : memref<64x128xf32, #tpu.memory_space<vmem_shared>>)
    %mul3A_266 = arith.constant 640 : i32
    %mul3A_267 = arith.muli %arg1, %mul3A_266 : i32
    %add3A_268 = arith.constant 320 : i32
    %add3A_269 = arith.addi %mul3A_267, %add3A_268 : i32
    %dma_wait3A_270 = arith.constant 0 : i32
    %dma_wait3A_271 = arith.constant 0 : i32
    %dma_wait3A_272 = arith.constant 0 : i32
    %dma_wait3A_273 = tpu.memref_slice %arg8[%dma_wait3A_270, %dma_wait3A_271, %dma_wait3A_272] : memref<3x64x128xf32, #tpu.memory_space<vmem>> -> memref<1x64x128xf32, #tpu.memory_space<vmem>>
    %dma_wait3A_274 = tpu.memref_squeeze %dma_wait3A_273 : memref<1x64x128xf32, #tpu.memory_space<vmem>> -> memref<64x128xf32, #tpu.memory_space<vmem>>
    %dma_wait3A_275 = arith.constant 0 : i32
    %dma_wait3A_276 = tpu.memref_slice %arg15[%add3A_269, %dma_wait3A_275] : memref<10240x128xf32, #tpu.memory_space<vmem_shared>> -> memref<64x128xf32, #tpu.memory_space<vmem_shared>>
    %dma_wait3A_277 = arith.constant 0 : i32
    %dma_wait3A_278 = tpu.memref_slice %arg15[%add3A_269, %dma_wait3A_277] : memref<10240x128xf32, #tpu.memory_space<vmem_shared>> -> memref<64x128xf32, #tpu.memory_space<vmem_shared>>
    %dma_wait3A_279 = arith.constant 0 : i32
    %dma_wait3A_280 = arith.constant 0 : i32
    %dma_wait3A_281 = tpu.memref_slice %arg8[%dma_wait3A_270, %dma_wait3A_279, %dma_wait3A_280] : memref<3x64x128xf32, #tpu.memory_space<vmem>> -> memref<1x64x128xf32, #tpu.memory_space<vmem>>
    %dma_wait3A_282 = tpu.memref_squeeze %dma_wait3A_281 : memref<1x64x128xf32, #tpu.memory_space<vmem>> -> memref<64x128xf32, #tpu.memory_space<vmem>>
    tpu.wait_dma2 semaphore(%arg12 : memref<!tpu.dma_semaphore, #tpu.memory_space<semaphore_mem>>) src(%dma_wait3A_282 : memref<64x128xf32, #tpu.memory_space<vmem>>) dst(%dma_wait3A_278 : memref<64x128xf32, #tpu.memory_space<vmem_shared>>)
    %mul3A_283 = arith.constant 640 : i32
    %mul3A_284 = arith.muli %arg1, %mul3A_283 : i32
    %add3A_285 = arith.constant 384 : i32
    %add3A_286 = arith.addi %mul3A_284, %add3A_285 : i32
    %dma_wait3A_287 = arith.constant 0 : i32
    %dma_wait3A_288 = arith.constant 0 : i32
    %dma_wait3A_289 = arith.constant 0 : i32
    %dma_wait3A_290 = tpu.memref_slice %arg8[%dma_wait3A_287, %dma_wait3A_288, %dma_wait3A_289] : memref<3x64x128xf32, #tpu.memory_space<vmem>> -> memref<1x64x128xf32, #tpu.memory_space<vmem>>
    %dma_wait3A_291 = tpu.memref_squeeze %dma_wait3A_290 : memref<1x64x128xf32, #tpu.memory_space<vmem>> -> memref<64x128xf32, #tpu.memory_space<vmem>>
    %dma_wait3A_292 = arith.constant 0 : i32
    %dma_wait3A_293 = tpu.memref_slice %arg15[%add3A_286, %dma_wait3A_292] : memref<10240x128xf32, #tpu.memory_space<vmem_shared>> -> memref<64x128xf32, #tpu.memory_space<vmem_shared>>
    %dma_wait3A_294 = arith.constant 0 : i32
    %dma_wait3A_295 = tpu.memref_slice %arg15[%add3A_286, %dma_wait3A_294] : memref<10240x128xf32, #tpu.memory_space<vmem_shared>> -> memref<64x128xf32, #tpu.memory_space<vmem_shared>>
    %dma_wait3A_296 = arith.constant 0 : i32
    %dma_wait3A_297 = arith.constant 0 : i32
    %dma_wait3A_298 = tpu.memref_slice %arg8[%dma_wait3A_287, %dma_wait3A_296, %dma_wait3A_297] : memref<3x64x128xf32, #tpu.memory_space<vmem>> -> memref<1x64x128xf32, #tpu.memory_space<vmem>>
    %dma_wait3A_299 = tpu.memref_squeeze %dma_wait3A_298 : memref<1x64x128xf32, #tpu.memory_space<vmem>> -> memref<64x128xf32, #tpu.memory_space<vmem>>
    tpu.wait_dma2 semaphore(%arg12 : memref<!tpu.dma_semaphore, #tpu.memory_space<semaphore_mem>>) src(%dma_wait3A_299 : memref<64x128xf32, #tpu.memory_space<vmem>>) dst(%dma_wait3A_295 : memref<64x128xf32, #tpu.memory_space<vmem_shared>>)
    %mul3A_300 = arith.constant 640 : i32
    %mul3A_301 = arith.muli %arg1, %mul3A_300 : i32
    %add3A_302 = arith.constant 448 : i32
    %add3A_303 = arith.addi %mul3A_301, %add3A_302 : i32
    %dma_wait3A_304 = arith.constant 0 : i32
    %dma_wait3A_305 = arith.constant 0 : i32
    %dma_wait3A_306 = arith.constant 0 : i32
    %dma_wait3A_307 = tpu.memref_slice %arg8[%dma_wait3A_304, %dma_wait3A_305, %dma_wait3A_306] : memref<3x64x128xf32, #tpu.memory_space<vmem>> -> memref<1x64x128xf32, #tpu.memory_space<vmem>>
    %dma_wait3A_308 = tpu.memref_squeeze %dma_wait3A_307 : memref<1x64x128xf32, #tpu.memory_space<vmem>> -> memref<64x128xf32, #tpu.memory_space<vmem>>
    %dma_wait3A_309 = arith.constant 0 : i32
    %dma_wait3A_310 = tpu.memref_slice %arg15[%add3A_303, %dma_wait3A_309] : memref<10240x128xf32, #tpu.memory_space<vmem_shared>> -> memref<64x128xf32, #tpu.memory_space<vmem_shared>>
    %dma_wait3A_311 = arith.constant 0 : i32
    %dma_wait3A_312 = tpu.memref_slice %arg15[%add3A_303, %dma_wait3A_311] : memref<10240x128xf32, #tpu.memory_space<vmem_shared>> -> memref<64x128xf32, #tpu.memory_space<vmem_shared>>
    %dma_wait3A_313 = arith.constant 0 : i32
    %dma_wait3A_314 = arith.constant 0 : i32
    %dma_wait3A_315 = tpu.memref_slice %arg8[%dma_wait3A_304, %dma_wait3A_313, %dma_wait3A_314] : memref<3x64x128xf32, #tpu.memory_space<vmem>> -> memref<1x64x128xf32, #tpu.memory_space<vmem>>
    %dma_wait3A_316 = tpu.memref_squeeze %dma_wait3A_315 : memref<1x64x128xf32, #tpu.memory_space<vmem>> -> memref<64x128xf32, #tpu.memory_space<vmem>>
    tpu.wait_dma2 semaphore(%arg12 : memref<!tpu.dma_semaphore, #tpu.memory_space<semaphore_mem>>) src(%dma_wait3A_316 : memref<64x128xf32, #tpu.memory_space<vmem>>) dst(%dma_wait3A_312 : memref<64x128xf32, #tpu.memory_space<vmem_shared>>)
    %mul3A_317 = arith.constant 640 : i32
    %mul3A_318 = arith.muli %arg1, %mul3A_317 : i32
    %add3A_319 = arith.constant 512 : i32
    %add3A_320 = arith.addi %mul3A_318, %add3A_319 : i32
    %dma_wait3A_321 = arith.constant 0 : i32
    %dma_wait3A_322 = arith.constant 0 : i32
    %dma_wait3A_323 = arith.constant 0 : i32
    %dma_wait3A_324 = tpu.memref_slice %arg8[%dma_wait3A_321, %dma_wait3A_322, %dma_wait3A_323] : memref<3x64x128xf32, #tpu.memory_space<vmem>> -> memref<1x64x128xf32, #tpu.memory_space<vmem>>
    %dma_wait3A_325 = tpu.memref_squeeze %dma_wait3A_324 : memref<1x64x128xf32, #tpu.memory_space<vmem>> -> memref<64x128xf32, #tpu.memory_space<vmem>>
    %dma_wait3A_326 = arith.constant 0 : i32
    %dma_wait3A_327 = tpu.memref_slice %arg15[%add3A_320, %dma_wait3A_326] : memref<10240x128xf32, #tpu.memory_space<vmem_shared>> -> memref<64x128xf32, #tpu.memory_space<vmem_shared>>
    %dma_wait3A_328 = arith.constant 0 : i32
    %dma_wait3A_329 = tpu.memref_slice %arg15[%add3A_320, %dma_wait3A_328] : memref<10240x128xf32, #tpu.memory_space<vmem_shared>> -> memref<64x128xf32, #tpu.memory_space<vmem_shared>>
    %dma_wait3A_330 = arith.constant 0 : i32
    %dma_wait3A_331 = arith.constant 0 : i32
    %dma_wait3A_332 = tpu.memref_slice %arg8[%dma_wait3A_321, %dma_wait3A_330, %dma_wait3A_331] : memref<3x64x128xf32, #tpu.memory_space<vmem>> -> memref<1x64x128xf32, #tpu.memory_space<vmem>>
    %dma_wait3A_333 = tpu.memref_squeeze %dma_wait3A_332 : memref<1x64x128xf32, #tpu.memory_space<vmem>> -> memref<64x128xf32, #tpu.memory_space<vmem>>
    tpu.wait_dma2 semaphore(%arg12 : memref<!tpu.dma_semaphore, #tpu.memory_space<semaphore_mem>>) src(%dma_wait3A_333 : memref<64x128xf32, #tpu.memory_space<vmem>>) dst(%dma_wait3A_329 : memref<64x128xf32, #tpu.memory_space<vmem_shared>>)
    %mul3A_334 = arith.constant 640 : i32
    %mul3A_335 = arith.muli %arg1, %mul3A_334 : i32
    %add3A_336 = arith.constant 576 : i32
    %add3A_337 = arith.addi %mul3A_335, %add3A_336 : i32
    %dma_wait3A_338 = arith.constant 0 : i32
    %dma_wait3A_339 = arith.constant 0 : i32
    %dma_wait3A_340 = arith.constant 0 : i32
    %dma_wait3A_341 = tpu.memref_slice %arg8[%dma_wait3A_338, %dma_wait3A_339, %dma_wait3A_340] : memref<3x64x128xf32, #tpu.memory_space<vmem>> -> memref<1x64x128xf32, #tpu.memory_space<vmem>>
    %dma_wait3A_342 = tpu.memref_squeeze %dma_wait3A_341 : memref<1x64x128xf32, #tpu.memory_space<vmem>> -> memref<64x128xf32, #tpu.memory_space<vmem>>
    %dma_wait3A_343 = arith.constant 0 : i32
    %dma_wait3A_344 = tpu.memref_slice %arg15[%add3A_337, %dma_wait3A_343] : memref<10240x128xf32, #tpu.memory_space<vmem_shared>> -> memref<64x128xf32, #tpu.memory_space<vmem_shared>>
    %dma_wait3A_345 = arith.constant 0 : i32
    %dma_wait3A_346 = tpu.memref_slice %arg15[%add3A_337, %dma_wait3A_345] : memref<10240x128xf32, #tpu.memory_space<vmem_shared>> -> memref<64x128xf32, #tpu.memory_space<vmem_shared>>
    %dma_wait3A_347 = arith.constant 0 : i32
    %dma_wait3A_348 = arith.constant 0 : i32
    %dma_wait3A_349 = tpu.memref_slice %arg8[%dma_wait3A_338, %dma_wait3A_347, %dma_wait3A_348] : memref<3x64x128xf32, #tpu.memory_space<vmem>> -> memref<1x64x128xf32, #tpu.memory_space<vmem>>
    %dma_wait3A_350 = tpu.memref_squeeze %dma_wait3A_349 : memref<1x64x128xf32, #tpu.memory_space<vmem>> -> memref<64x128xf32, #tpu.memory_space<vmem>>
    tpu.wait_dma2 semaphore(%arg12 : memref<!tpu.dma_semaphore, #tpu.memory_space<semaphore_mem>>) src(%dma_wait3A_350 : memref<64x128xf32, #tpu.memory_space<vmem>>) dst(%dma_wait3A_346 : memref<64x128xf32, #tpu.memory_space<vmem_shared>>)
    %dma_wait3A_351 = arith.constant 0 : i32
    %dma_wait3A_352 = arith.constant 0 : i32
    %dma_wait3A_353 = tpu.memref_slice %arg3[%add3A, %dma_wait3A_351, %dma_wait3A_352] : memref<32x160x64xi32, #tpu.memory_space<hbm>> -> memref<1x160x64xi32, #tpu.memory_space<hbm>>
    %dma_wait3A_354 = tpu.memref_squeeze %dma_wait3A_353 : memref<1x160x64xi32, #tpu.memory_space<hbm>> -> memref<160x64xi32, #tpu.memory_space<hbm>>
    %dma_wait3A_355 = arith.constant 0 : i32
    %dma_wait3A_356 = arith.constant 0 : i32
    %dma_wait3A_357 = tpu.memref_slice %arg3[%add3A, %dma_wait3A_355, %dma_wait3A_356] : memref<32x160x64xi32, #tpu.memory_space<hbm>> -> memref<1x160x64xi32, #tpu.memory_space<hbm>>
    %dma_wait3A_358 = tpu.memref_squeeze %dma_wait3A_357 : memref<1x160x64xi32, #tpu.memory_space<hbm>> -> memref<160x64xi32, #tpu.memory_space<hbm>>
    tpu.wait_dma2 semaphore(%arg9 : memref<!tpu.dma_semaphore, #tpu.memory_space<semaphore_mem>>) src(%dma_wait3A_358 : memref<160x64xi32, #tpu.memory_space<hbm>>) dst(%arg5 : memref<160x64xi32, #tpu.memory_space<vmem>>)
    %barrier3A = arith.constant 0 : index
    tpu.barrier barrier_id(%barrier3A)
    %get3A = arith.constant 0 : i32
    %get3A_359 = arith.index_cast %get3A : i32 to index
    %get3A_360 = arith.constant 0 : index
    %get3A_361 = tpu.vector_load %arg5[%get3A_359, %get3A_360] {strides = array<i32>} : memref<160x64xi32, #tpu.memory_space<vmem>>, vector<1x16xi32>,
    %get3A_362 = vector.shape_cast %get3A_361 : vector<1x16xi32> to vector<16xi32>
    %and3A = arith.constant 65535 : i32
    %and3A_363 = vector.broadcast %and3A : i32 to vector<16xi32>
    %and3A_364 = arith.andi %get3A_362, %and3A_363 : vector<16xi32>
    %swap3A = arith.constant 0 : i32
    %swap3A_365 = arith.index_cast %swap3A : i32 to index
    %swap3A_366 = arith.constant 0 : index
    %swap3A_367 = tpu.vector_load %arg6[%swap3A_365, %swap3A_366] {strides = array<i32>} : memref<3x64xi32, #tpu.memory_space<vmem>>, vector<1x16xi32>,
    %swap3A_368 = vector.shape_cast %swap3A_367 : vector<1x16xi32> to vector<16xi32>
    %swap3A_369 = vector.shape_cast %and3A_364 : vector<16xi32> to vector<1x16xi32>
    tpu.vector_store %arg6[%swap3A_365, %swap3A_366], %swap3A_369 {strides = array<i32>} : memref<3x64xi32, #tpu.memory_space<vmem>>, vector<1x16xi32>,
    %shift_right_logical3A = arith.constant 16 : i32
    %shift_right_logical3A_370 = vector.broadcast %shift_right_logical3A : i32 to vector<16xi32>
    %shift_right_logical3A_371 = arith.shrui %get3A_362, %shift_right_logical3A_370 : vector<16xi32>
    %swap3A_372 = arith.constant 0 : i32
    %swap3A_373 = arith.index_cast %swap3A_372 : i32 to index
    %swap3A_374 = arith.constant 0 : index
    %swap3A_375 = tpu.vector_load %arg7[%swap3A_373, %swap3A_374] {strides = array<i32>} : memref<3x64xi32, #tpu.memory_space<vmem>>, vector<1x16xi32>,
    %swap3A_376 = vector.shape_cast %swap3A_375 : vector<1x16xi32> to vector<16xi32>
    %swap3A_377 = vector.shape_cast %shift_right_logical3A_371 : vector<16xi32> to vector<1x16xi32>
    tpu.vector_store %arg7[%swap3A_373, %swap3A_374], %swap3A_377 {strides = array<i32>} : memref<3x64xi32, #tpu.memory_space<vmem>>, vector<1x16xi32>,
    %get3A_378 = arith.constant 0 : i32
    %get3A_379 = arith.index_cast %get3A_378 : i32 to index
    %get3A_380 = arith.constant 16 : index
    %get3A_381 = tpu.vector_load %arg5[%get3A_379, %get3A_380] {strides = array<i32>} : memref<160x64xi32, #tpu.memory_space<vmem>>, vector<1x16xi32>,
    %get3A_382 = vector.shape_cast %get3A_381 : vector<1x16xi32> to vector<16xi32>
    %and3A_383 = arith.constant 65535 : i32
    %and3A_384 = vector.broadcast %and3A_383 : i32 to vector<16xi32>
    %and3A_385 = arith.andi %get3A_382, %and3A_384 : vector<16xi32>
    %swap3A_386 = arith.constant 0 : i32
    %swap3A_387 = arith.index_cast %swap3A_386 : i32 to index
    %swap3A_388 = arith.constant 16 : index
    %swap3A_389 = tpu.vector_load %arg6[%swap3A_387, %swap3A_388] {strides = array<i32>} : memref<3x64xi32, #tpu.memory_space<vmem>>, vector<1x16xi32>,
    %swap3A_390 = vector.shape_cast %swap3A_389 : vector<1x16xi32> to vector<16xi32>
    %swap3A_391 = vector.shape_cast %and3A_385 : vector<16xi32> to vector<1x16xi32>
    tpu.vector_store %arg6[%swap3A_387, %swap3A_388], %swap3A_391 {strides = array<i32>} : memref<3x64xi32, #tpu.memory_space<vmem>>, vector<1x16xi32>,
    %shift_right_logical3A_392 = arith.constant 16 : i32
    %shift_right_logical3A_393 = vector.broadcast %shift_right_logical3A_392 : i32 to vector<16xi32>
    %shift_right_logical3A_394 = arith.shrui %get3A_382, %shift_right_logical3A_393 : vector<16xi32>
    %swap3A_395 = arith.constant 0 : i32
    %swap3A_396 = arith.index_cast %swap3A_395 : i32 to index
    %swap3A_397 = arith.constant 16 : index
    %swap3A_398 = tpu.vector_load %arg7[%swap3A_396, %swap3A_397] {strides = array<i32>} : memref<3x64xi32, #tpu.memory_space<vmem>>, vector<1x16xi32>,
    %swap3A_399 = vector.shape_cast %swap3A_398 : vector<1x16xi32> to vector<16xi32>
    %swap3A_400 = vector.shape_cast %shift_right_logical3A_394 : vector<16xi32> to vector<1x16xi32>
    tpu.vector_store %arg7[%swap3A_396, %swap3A_397], %swap3A_400 {strides = array<i32>} : memref<3x64xi32, #tpu.memory_space<vmem>>, vector<1x16xi32>,
    %get3A_401 = arith.constant 0 : i32
    %get3A_402 = arith.index_cast %get3A_401 : i32 to index
    %get3A_403 = arith.constant 32 : index
    %get3A_404 = tpu.vector_load %arg5[%get3A_402, %get3A_403] {strides = array<i32>} : memref<160x64xi32, #tpu.memory_space<vmem>>, vector<1x16xi32>,
    %get3A_405 = vector.shape_cast %get3A_404 : vector<1x16xi32> to vector<16xi32>
    %and3A_406 = arith.constant 65535 : i32
    %and3A_407 = vector.broadcast %and3A_406 : i32 to vector<16xi32>
    %and3A_408 = arith.andi %get3A_405, %and3A_407 : vector<16xi32>
    %swap3A_409 = arith.constant 0 : i32
    %swap3A_410 = arith.index_cast %swap3A_409 : i32 to index
    %swap3A_411 = arith.constant 32 : index
    %swap3A_412 = tpu.vector_load %arg6[%swap3A_410, %swap3A_411] {strides = array<i32>} : memref<3x64xi32, #tpu.memory_space<vmem>>, vector<1x16xi32>,
    %swap3A_413 = vector.shape_cast %swap3A_412 : vector<1x16xi32> to vector<16xi32>
    %swap3A_414 = vector.shape_cast %and3A_408 : vector<16xi32> to vector<1x16xi32>
    tpu.vector_store %arg6[%swap3A_410, %swap3A_411], %swap3A_414 {strides = array<i32>} : memref<3x64xi32, #tpu.memory_space<vmem>>, vector<1x16xi32>,
    %shift_right_logical3A_415 = arith.constant 16 : i32
    %shift_right_logical3A_416 = vector.broadcast %shift_right_logical3A_415 : i32 to vector<16xi32>
    %shift_right_logical3A_417 = arith.shrui %get3A_405, %shift_right_logical3A_416 : vector<16xi32>
    %swap3A_418 = arith.constant 0 : i32
    %swap3A_419 = arith.index_cast %swap3A_418 : i32 to index
    %swap3A_420 = arith.constant 32 : index
    %swap3A_421 = tpu.vector_load %arg7[%swap3A_419, %swap3A_420] {strides = array<i32>} : memref<3x64xi32, #tpu.memory_space<vmem>>, vector<1x16xi32>,
    %swap3A_422 = vector.shape_cast %swap3A_421 : vector<1x16xi32> to vector<16xi32>
    %swap3A_423 = vector.shape_cast %shift_right_logical3A_417 : vector<16xi32> to vector<1x16xi32>
    tpu.vector_store %arg7[%swap3A_419, %swap3A_420], %swap3A_423 {strides = array<i32>} : memref<3x64xi32, #tpu.memory_space<vmem>>, vector<1x16xi32>,
    %get3A_424 = arith.constant 0 : i32
    %get3A_425 = arith.index_cast %get3A_424 : i32 to index
    %get3A_426 = arith.constant 48 : index
    %get3A_427 = tpu.vector_load %arg5[%get3A_425, %get3A_426] {strides = array<i32>} : memref<160x64xi32, #tpu.memory_space<vmem>>, vector<1x16xi32>,
    %get3A_428 = vector.shape_cast %get3A_427 : vector<1x16xi32> to vector<16xi32>
    %and3A_429 = arith.constant 65535 : i32
    %and3A_430 = vector.broadcast %and3A_429 : i32 to vector<16xi32>
    %and3A_431 = arith.andi %get3A_428, %and3A_430 : vector<16xi32>
    %swap3A_432 = arith.constant 0 : i32
    %swap3A_433 = arith.index_cast %swap3A_432 : i32 to index
    %swap3A_434 = arith.constant 48 : index
    %swap3A_435 = tpu.vector_load %arg6[%swap3A_433, %swap3A_434] {strides = array<i32>} : memref<3x64xi32, #tpu.memory_space<vmem>>, vector<1x16xi32>,
    %swap3A_436 = vector.shape_cast %swap3A_435 : vector<1x16xi32> to vector<16xi32>
    %swap3A_437 = vector.shape_cast %and3A_431 : vector<16xi32> to vector<1x16xi32>
    tpu.vector_store %arg6[%swap3A_433, %swap3A_434], %swap3A_437 {strides = array<i32>} : memref<3x64xi32, #tpu.memory_space<vmem>>, vector<1x16xi32>,
    %shift_right_logical3A_438 = arith.constant 16 : i32
    %shift_right_logical3A_439 = vector.broadcast %shift_right_logical3A_438 : i32 to vector<16xi32>
    %shift_right_logical3A_440 = arith.shrui %get3A_428, %shift_right_logical3A_439 : vector<16xi32>
    %swap3A_441 = arith.constant 0 : i32
    %swap3A_442 = arith.index_cast %swap3A_441 : i32 to index
    %swap3A_443 = arith.constant 48 : index
    %swap3A_444 = tpu.vector_load %arg7[%swap3A_442, %swap3A_443] {strides = array<i32>} : memref<3x64xi32, #tpu.memory_space<vmem>>, vector<1x16xi32>,
    %swap3A_445 = vector.shape_cast %swap3A_444 : vector<1x16xi32> to vector<16xi32>
    %swap3A_446 = vector.shape_cast %shift_right_logical3A_440 : vector<16xi32> to vector<1x16xi32>
    tpu.vector_store %arg7[%swap3A_442, %swap3A_443], %swap3A_446 {strides = array<i32>} : memref<3x64xi32, #tpu.memory_space<vmem>>, vector<1x16xi32>,
    %dma_start3A_447 = arith.constant 0 : i32
    %dma_start3A_448 = arith.constant 0 : i32
    %dma_start3A_449 = arith.constant 0 : i32
    %dma_start3A_450 = arith.constant 0 : i32
    %dma_start3A_451 = tpu.memref_slice %arg8[%dma_start3A_448, %dma_start3A_449, %dma_start3A_450] : memref<3x64x128xf32, #tpu.memory_space<vmem>> -> memref<1x64x128xf32, #tpu.memory_space<vmem>>
    %dma_start3A_452 = tpu.memref_squeeze %dma_start3A_451 : memref<1x64x128xf32, #tpu.memory_space<vmem>> -> memref<64x128xf32, #tpu.memory_space<vmem>>
    %dma_start3A_453 = arith.constant 0 : i32
    %dma_start3A_454 = tpu.memref_slice %arg6[%dma_start3A_447, %dma_start3A_453] : memref<3x64xi32, #tpu.memory_space<vmem>> -> memref<1x64xi32, #tpu.memory_space<vmem>>
    %dma_start3A_455 = tpu.memref_squeeze %dma_start3A_454 : memref<1x64xi32, #tpu.memory_space<vmem>> -> memref<64xi32, #tpu.memory_space<vmem>>
    %dma_start3A_456 = arith.constant 0 : i32
    %dma_start3A_457 = arith.constant 0 : i32
    %dma_start3A_458 = tpu.memref_slice %arg2[%dma_start3A_456, %dma_start3A_457] : memref<10000x128xf32, #tpu.memory_space<hbm>> -> memref<10000x128xf32, #tpu.memory_space<hbm>>
    tpu.enqueue_indirect_dma source(%dma_start3A_458 : memref<10000x128xf32, #tpu.memory_space<hbm>>) target(%dma_start3A_452 : memref<64x128xf32, #tpu.memory_space<vmem>>) offsets(%dma_start3A_455 : memref<64xi32, #tpu.memory_space<vmem>>) semaphore(%arg9 : memref<!tpu.dma_semaphore, #tpu.memory_space<semaphore_mem>>)
    %get3A_459 = arith.constant 1 : i32
    %get3A_460 = arith.index_cast %get3A_459 : i32 to index
    %get3A_461 = arith.constant 0 : index
    %get3A_462 = tpu.vector_load %arg5[%get3A_460, %get3A_461] {strides = array<i32>} : memref<160x64xi32, #tpu.memory_space<vmem>>, vector<1x16xi32>,
    %get3A_463 = vector.shape_cast %get3A_462 : vector<1x16xi32> to vector<16xi32>
    %and3A_464 = arith.constant 65535 : i32
    %and3A_465 = vector.broadcast %and3A_464 : i32 to vector<16xi32>
    %and3A_466 = arith.andi %get3A_463, %and3A_465 : vector<16xi32>
    %swap3A_467 = arith.constant 1 : i32
    %swap3A_468 = arith.index_cast %swap3A_467 : i32 to index
    %swap3A_469 = arith.constant 0 : index
    %swap3A_470 = tpu.vector_load %arg6[%swap3A_468, %swap3A_469] {strides = array<i32>} : memref<3x64xi32, #tpu.memory_space<vmem>>, vector<1x16xi32>,
    %swap3A_471 = vector.shape_cast %swap3A_470 : vector<1x16xi32> to vector<16xi32>
    %swap3A_472 = vector.shape_cast %and3A_466 : vector<16xi32> to vector<1x16xi32>
    tpu.vector_store %arg6[%swap3A_468, %swap3A_469], %swap3A_472 {strides = array<i32>} : memref<3x64xi32, #tpu.memory_space<vmem>>, vector<1x16xi32>,
    %shift_right_logical3A_473 = arith.constant 16 : i32
    %shift_right_logical3A_474 = vector.broadcast %shift_right_logical3A_473 : i32 to vector<16xi32>
    %shift_right_logical3A_475 = arith.shrui %get3A_463, %shift_right_logical3A_474 : vector<16xi32>
    %swap3A_476 = arith.constant 1 : i32
    %swap3A_477 = arith.index_cast %swap3A_476 : i32 to index
    %swap3A_478 = arith.constant 0 : index
    %swap3A_479 = tpu.vector_load %arg7[%swap3A_477, %swap3A_478] {strides = array<i32>} : memref<3x64xi32, #tpu.memory_space<vmem>>, vector<1x16xi32>,
    %swap3A_480 = vector.shape_cast %swap3A_479 : vector<1x16xi32> to vector<16xi32>
    %swap3A_481 = vector.shape_cast %shift_right_logical3A_475 : vector<16xi32> to vector<1x16xi32>
    tpu.vector_store %arg7[%swap3A_477, %swap3A_478], %swap3A_481 {strides = array<i32>} : memref<3x64xi32, #tpu.memory_space<vmem>>, vector<1x16xi32>,
    %get3A_482 = arith.constant 1 : i32
    %get3A_483 = arith.index_cast %get3A_482 : i32 to index
    %get3A_484 = arith.constant 16 : index
    %get3A_485 = tpu.vector_load %arg5[%get3A_483, %get3A_484] {strides = array<i32>} : memref<160x64xi32, #tpu.memory_space<vmem>>, vector<1x16xi32>,
    %get3A_486 = vector.shape_cast %get3A_485 : vector<1x16xi32> to vector<16xi32>
    %and3A_487 = arith.constant 65535 : i32
    %and3A_488 = vector.broadcast %and3A_487 : i32 to vector<16xi32>
    %and3A_489 = arith.andi %get3A_486, %and3A_488 : vector<16xi32>
    %swap3A_490 = arith.constant 1 : i32
    %swap3A_491 = arith.index_cast %swap3A_490 : i32 to index
    %swap3A_492 = arith.constant 16 : index
    %swap3A_493 = tpu.vector_load %arg6[%swap3A_491, %swap3A_492] {strides = array<i32>} : memref<3x64xi32, #tpu.memory_space<vmem>>, vector<1x16xi32>,
    %swap3A_494 = vector.shape_cast %swap3A_493 : vector<1x16xi32> to vector<16xi32>
    %swap3A_495 = vector.shape_cast %and3A_489 : vector<16xi32> to vector<1x16xi32>
    tpu.vector_store %arg6[%swap3A_491, %swap3A_492], %swap3A_495 {strides = array<i32>} : memref<3x64xi32, #tpu.memory_space<vmem>>, vector<1x16xi32>,
    %shift_right_logical3A_496 = arith.constant 16 : i32
    %shift_right_logical3A_497 = vector.broadcast %shift_right_logical3A_496 : i32 to vector<16xi32>
    %shift_right_logical3A_498 = arith.shrui %get3A_486, %shift_right_logical3A_497 : vector<16xi32>
    %swap3A_499 = arith.constant 1 : i32
    %swap3A_500 = arith.index_cast %swap3A_499 : i32 to index
    %swap3A_501 = arith.constant 16 : index
    %swap3A_502 = tpu.vector_load %arg7[%swap3A_500, %swap3A_501] {strides = array<i32>} : memref<3x64xi32, #tpu.memory_space<vmem>>, vector<1x16xi32>,
    %swap3A_503 = vector.shape_cast %swap3A_502 : vector<1x16xi32> to vector<16xi32>
    %swap3A_504 = vector.shape_cast %shift_right_logical3A_498 : vector<16xi32> to vector<1x16xi32>
    tpu.vector_store %arg7[%swap3A_500, %swap3A_501], %swap3A_504 {strides = array<i32>} : memref<3x64xi32, #tpu.memory_space<vmem>>, vector<1x16xi32>,
    %get3A_505 = arith.constant 1 : i32
    %get3A_506 = arith.index_cast %get3A_505 : i32 to index
    %get3A_507 = arith.constant 32 : index
    %get3A_508 = tpu.vector_load %arg5[%get3A_506, %get3A_507] {strides = array<i32>} : memref<160x64xi32, #tpu.memory_space<vmem>>, vector<1x16xi32>,
    %get3A_509 = vector.shape_cast %get3A_508 : vector<1x16xi32> to vector<16xi32>
    %and3A_510 = arith.constant 65535 : i32
    %and3A_511 = vector.broadcast %and3A_510 : i32 to vector<16xi32>
    %and3A_512 = arith.andi %get3A_509, %and3A_511 : vector<16xi32>
    %swap3A_513 = arith.constant 1 : i32
    %swap3A_514 = arith.index_cast %swap3A_513 : i32 to index
    %swap3A_515 = arith.constant 32 : index
    %swap3A_516 = tpu.vector_load %arg6[%swap3A_514, %swap3A_515] {strides = array<i32>} : memref<3x64xi32, #tpu.memory_space<vmem>>, vector<1x16xi32>,
    %swap3A_517 = vector.shape_cast %swap3A_516 : vector<1x16xi32> to vector<16xi32>
    %swap3A_518 = vector.shape_cast %and3A_512 : vector<16xi32> to vector<1x16xi32>
    tpu.vector_store %arg6[%swap3A_514, %swap3A_515], %swap3A_518 {strides = array<i32>} : memref<3x64xi32, #tpu.memory_space<vmem>>, vector<1x16xi32>,
    %shift_right_logical3A_519 = arith.constant 16 : i32
    %shift_right_logical3A_520 = vector.broadcast %shift_right_logical3A_519 : i32 to vector<16xi32>
    %shift_right_logical3A_521 = arith.shrui %get3A_509, %shift_right_logical3A_520 : vector<16xi32>
    %swap3A_522 = arith.constant 1 : i32
    %swap3A_523 = arith.index_cast %swap3A_522 : i32 to index
    %swap3A_524 = arith.constant 32 : index
    %swap3A_525 = tpu.vector_load %arg7[%swap3A_523, %swap3A_524] {strides = array<i32>} : memref<3x64xi32, #tpu.memory_space<vmem>>, vector<1x16xi32>,
    %swap3A_526 = vector.shape_cast %swap3A_525 : vector<1x16xi32> to vector<16xi32>
    %swap3A_527 = vector.shape_cast %shift_right_logical3A_521 : vector<16xi32> to vector<1x16xi32>
    tpu.vector_store %arg7[%swap3A_523, %swap3A_524], %swap3A_527 {strides = array<i32>} : memref<3x64xi32, #tpu.memory_space<vmem>>, vector<1x16xi32>,
    %get3A_528 = arith.constant 1 : i32
    %get3A_529 = arith.index_cast %get3A_528 : i32 to index
    %get3A_530 = arith.constant 48 : index
    %get3A_531 = tpu.vector_load %arg5[%get3A_529, %get3A_530] {strides = array<i32>} : memref<160x64xi32, #tpu.memory_space<vmem>>, vector<1x16xi32>,
    %get3A_532 = vector.shape_cast %get3A_531 : vector<1x16xi32> to vector<16xi32>
    %and3A_533 = arith.constant 65535 : i32
    %and3A_534 = vector.broadcast %and3A_533 : i32 to vector<16xi32>
    %and3A_535 = arith.andi %get3A_532, %and3A_534 : vector<16xi32>
    %swap3A_536 = arith.constant 1 : i32
    %swap3A_537 = arith.index_cast %swap3A_536 : i32 to index
    %swap3A_538 = arith.constant 48 : index
    %swap3A_539 = tpu.vector_load %arg6[%swap3A_537, %swap3A_538] {strides = array<i32>} : memref<3x64xi32, #tpu.memory_space<vmem>>, vector<1x16xi32>,
    %swap3A_540 = vector.shape_cast %swap3A_539 : vector<1x16xi32> to vector<16xi32>
    %swap3A_541 = vector.shape_cast %and3A_535 : vector<16xi32> to vector<1x16xi32>
    tpu.vector_store %arg6[%swap3A_537, %swap3A_538], %swap3A_541 {strides = array<i32>} : memref<3x64xi32, #tpu.memory_space<vmem>>, vector<1x16xi32>,
    %shift_right_logical3A_542 = arith.constant 16 : i32
    %shift_right_logical3A_543 = vector.broadcast %shift_right_logical3A_542 : i32 to vector<16xi32>
    %shift_right_logical3A_544 = arith.shrui %get3A_532, %shift_right_logical3A_543 : vector<16xi32>
    %swap3A_545 = arith.constant 1 : i32
    %swap3A_546 = arith.index_cast %swap3A_545 : i32 to index
    %swap3A_547 = arith.constant 48 : index
    %swap3A_548 = tpu.vector_load %arg7[%swap3A_546, %swap3A_547] {strides = array<i32>} : memref<3x64xi32, #tpu.memory_space<vmem>>, vector<1x16xi32>,
    %swap3A_549 = vector.shape_cast %swap3A_548 : vector<1x16xi32> to vector<16xi32>
    %swap3A_550 = vector.shape_cast %shift_right_logical3A_544 : vector<16xi32> to vector<1x16xi32>
    tpu.vector_store %arg7[%swap3A_546, %swap3A_547], %swap3A_550 {strides = array<i32>} : memref<3x64xi32, #tpu.memory_space<vmem>>, vector<1x16xi32>,
    %dma_start3A_551 = arith.constant 1 : i32
    %dma_start3A_552 = arith.constant 1 : i32
    %dma_start3A_553 = arith.constant 0 : i32
    %dma_start3A_554 = arith.constant 0 : i32
    %dma_start3A_555 = tpu.memref_slice %arg8[%dma_start3A_552, %dma_start3A_553, %dma_start3A_554] : memref<3x64x128xf32, #tpu.memory_space<vmem>> -> memref<1x64x128xf32, #tpu.memory_space<vmem>>
    %dma_start3A_556 = tpu.memref_squeeze %dma_start3A_555 : memref<1x64x128xf32, #tpu.memory_space<vmem>> -> memref<64x128xf32, #tpu.memory_space<vmem>>
    %dma_start3A_557 = arith.constant 0 : i32
    %dma_start3A_558 = tpu.memref_slice %arg6[%dma_start3A_551, %dma_start3A_557] : memref<3x64xi32, #tpu.memory_space<vmem>> -> memref<1x64xi32, #tpu.memory_space<vmem>>
    %dma_start3A_559 = tpu.memref_squeeze %dma_start3A_558 : memref<1x64xi32, #tpu.memory_space<vmem>> -> memref<64xi32, #tpu.memory_space<vmem>>
    %dma_start3A_560 = arith.constant 0 : i32
    %dma_start3A_561 = arith.constant 0 : i32
    %dma_start3A_562 = tpu.memref_slice %arg2[%dma_start3A_560, %dma_start3A_561] : memref<10000x128xf32, #tpu.memory_space<hbm>> -> memref<10000x128xf32, #tpu.memory_space<hbm>>
    tpu.enqueue_indirect_dma source(%dma_start3A_562 : memref<10000x128xf32, #tpu.memory_space<hbm>>) target(%dma_start3A_556 : memref<64x128xf32, #tpu.memory_space<vmem>>) offsets(%dma_start3A_559 : memref<64xi32, #tpu.memory_space<vmem>>) semaphore(%arg10 : memref<!tpu.dma_semaphore, #tpu.memory_space<semaphore_mem>>)
    %get3A_563 = arith.constant 2 : i32
    %get3A_564 = arith.index_cast %get3A_563 : i32 to index
    %get3A_565 = arith.constant 0 : index
    %get3A_566 = tpu.vector_load %arg5[%get3A_564, %get3A_565] {strides = array<i32>} : memref<160x64xi32, #tpu.memory_space<vmem>>, vector<1x16xi32>,
    %get3A_567 = vector.shape_cast %get3A_566 : vector<1x16xi32> to vector<16xi32>
    %and3A_568 = arith.constant 65535 : i32
    %and3A_569 = vector.broadcast %and3A_568 : i32 to vector<16xi32>
    %and3A_570 = arith.andi %get3A_567, %and3A_569 : vector<16xi32>
    %swap3A_571 = arith.constant 2 : i32
    %swap3A_572 = arith.index_cast %swap3A_571 : i32 to index
    %swap3A_573 = arith.constant 0 : index
    %swap3A_574 = tpu.vector_load %arg6[%swap3A_572, %swap3A_573] {strides = array<i32>} : memref<3x64xi32, #tpu.memory_space<vmem>>, vector<1x16xi32>,
    %swap3A_575 = vector.shape_cast %swap3A_574 : vector<1x16xi32> to vector<16xi32>
    %swap3A_576 = vector.shape_cast %and3A_570 : vector<16xi32> to vector<1x16xi32>
    tpu.vector_store %arg6[%swap3A_572, %swap3A_573], %swap3A_576 {strides = array<i32>} : memref<3x64xi32, #tpu.memory_space<vmem>>, vector<1x16xi32>,
    %shift_right_logical3A_577 = arith.constant 16 : i32
    %shift_right_logical3A_578 = vector.broadcast %shift_right_logical3A_577 : i32 to vector<16xi32>
    %shift_right_logical3A_579 = arith.shrui %get3A_567, %shift_right_logical3A_578 : vector<16xi32>
    %swap3A_580 = arith.constant 2 : i32
    %swap3A_581 = arith.index_cast %swap3A_580 : i32 to index
    %swap3A_582 = arith.constant 0 : index
    %swap3A_583 = tpu.vector_load %arg7[%swap3A_581, %swap3A_582] {strides = array<i32>} : memref<3x64xi32, #tpu.memory_space<vmem>>, vector<1x16xi32>,
    %swap3A_584 = vector.shape_cast %swap3A_583 : vector<1x16xi32> to vector<16xi32>
    %swap3A_585 = vector.shape_cast %shift_right_logical3A_579 : vector<16xi32> to vector<1x16xi32>
    tpu.vector_store %arg7[%swap3A_581, %swap3A_582], %swap3A_585 {strides = array<i32>} : memref<3x64xi32, #tpu.memory_space<vmem>>, vector<1x16xi32>,
    %get3A_586 = arith.constant 2 : i32
    %get3A_587 = arith.index_cast %get3A_586 : i32 to index
    %get3A_588 = arith.constant 16 : index
    %get3A_589 = tpu.vector_load %arg5[%get3A_587, %get3A_588] {strides = array<i32>} : memref<160x64xi32, #tpu.memory_space<vmem>>, vector<1x16xi32>,
    %get3A_590 = vector.shape_cast %get3A_589 : vector<1x16xi32> to vector<16xi32>
    %and3A_591 = arith.constant 65535 : i32
    %and3A_592 = vector.broadcast %and3A_591 : i32 to vector<16xi32>
    %and3A_593 = arith.andi %get3A_590, %and3A_592 : vector<16xi32>
    %swap3A_594 = arith.constant 2 : i32
    %swap3A_595 = arith.index_cast %swap3A_594 : i32 to index
    %swap3A_596 = arith.constant 16 : index
    %swap3A_597 = tpu.vector_load %arg6[%swap3A_595, %swap3A_596] {strides = array<i32>} : memref<3x64xi32, #tpu.memory_space<vmem>>, vector<1x16xi32>,
    %swap3A_598 = vector.shape_cast %swap3A_597 : vector<1x16xi32> to vector<16xi32>
    %swap3A_599 = vector.shape_cast %and3A_593 : vector<16xi32> to vector<1x16xi32>
    tpu.vector_store %arg6[%swap3A_595, %swap3A_596], %swap3A_599 {strides = array<i32>} : memref<3x64xi32, #tpu.memory_space<vmem>>, vector<1x16xi32>,
    %shift_right_logical3A_600 = arith.constant 16 : i32
    %shift_right_logical3A_601 = vector.broadcast %shift_right_logical3A_600 : i32 to vector<16xi32>
    %shift_right_logical3A_602 = arith.shrui %get3A_590, %shift_right_logical3A_601 : vector<16xi32>
    %swap3A_603 = arith.constant 2 : i32
    %swap3A_604 = arith.index_cast %swap3A_603 : i32 to index
    %swap3A_605 = arith.constant 16 : index
    %swap3A_606 = tpu.vector_load %arg7[%swap3A_604, %swap3A_605] {strides = array<i32>} : memref<3x64xi32, #tpu.memory_space<vmem>>, vector<1x16xi32>,
    %swap3A_607 = vector.shape_cast %swap3A_606 : vector<1x16xi32> to vector<16xi32>
    %swap3A_608 = vector.shape_cast %shift_right_logical3A_602 : vector<16xi32> to vector<1x16xi32>
    tpu.vector_store %arg7[%swap3A_604, %swap3A_605], %swap3A_608 {strides = array<i32>} : memref<3x64xi32, #tpu.memory_space<vmem>>, vector<1x16xi32>,
    %get3A_609 = arith.constant 2 : i32
    %get3A_610 = arith.index_cast %get3A_609 : i32 to index
    %get3A_611 = arith.constant 32 : index
    %get3A_612 = tpu.vector_load %arg5[%get3A_610, %get3A_611] {strides = array<i32>} : memref<160x64xi32, #tpu.memory_space<vmem>>, vector<1x16xi32>,
    %get3A_613 = vector.shape_cast %get3A_612 : vector<1x16xi32> to vector<16xi32>
    %and3A_614 = arith.constant 65535 : i32
    %and3A_615 = vector.broadcast %and3A_614 : i32 to vector<16xi32>
    %and3A_616 = arith.andi %get3A_613, %and3A_615 : vector<16xi32>
    %swap3A_617 = arith.constant 2 : i32
    %swap3A_618 = arith.index_cast %swap3A_617 : i32 to index
    %swap3A_619 = arith.constant 32 : index
    %swap3A_620 = tpu.vector_load %arg6[%swap3A_618, %swap3A_619] {strides = array<i32>} : memref<3x64xi32, #tpu.memory_space<vmem>>, vector<1x16xi32>,
    %swap3A_621 = vector.shape_cast %swap3A_620 : vector<1x16xi32> to vector<16xi32>
    %swap3A_622 = vector.shape_cast %and3A_616 : vector<16xi32> to vector<1x16xi32>
    tpu.vector_store %arg6[%swap3A_618, %swap3A_619], %swap3A_622 {strides = array<i32>} : memref<3x64xi32, #tpu.memory_space<vmem>>, vector<1x16xi32>,
    %shift_right_logical3A_623 = arith.constant 16 : i32
    %shift_right_logical3A_624 = vector.broadcast %shift_right_logical3A_623 : i32 to vector<16xi32>
    %shift_right_logical3A_625 = arith.shrui %get3A_613, %shift_right_logical3A_624 : vector<16xi32>
    %swap3A_626 = arith.constant 2 : i32
    %swap3A_627 = arith.index_cast %swap3A_626 : i32 to index
    %swap3A_628 = arith.constant 32 : index
    %swap3A_629 = tpu.vector_load %arg7[%swap3A_627, %swap3A_628] {strides = array<i32>} : memref<3x64xi32, #tpu.memory_space<vmem>>, vector<1x16xi32>,
    %swap3A_630 = vector.shape_cast %swap3A_629 : vector<1x16xi32> to vector<16xi32>
    %swap3A_631 = vector.shape_cast %shift_right_logical3A_625 : vector<16xi32> to vector<1x16xi32>
    tpu.vector_store %arg7[%swap3A_627, %swap3A_628], %swap3A_631 {strides = array<i32>} : memref<3x64xi32, #tpu.memory_space<vmem>>, vector<1x16xi32>,
    %get3A_632 = arith.constant 2 : i32
    %get3A_633 = arith.index_cast %get3A_632 : i32 to index
    %get3A_634 = arith.constant 48 : index
    %get3A_635 = tpu.vector_load %arg5[%get3A_633, %get3A_634] {strides = array<i32>} : memref<160x64xi32, #tpu.memory_space<vmem>>, vector<1x16xi32>,
    %get3A_636 = vector.shape_cast %get3A_635 : vector<1x16xi32> to vector<16xi32>
    %and3A_637 = arith.constant 65535 : i32
    %and3A_638 = vector.broadcast %and3A_637 : i32 to vector<16xi32>
    %and3A_639 = arith.andi %get3A_636, %and3A_638 : vector<16xi32>
    %swap3A_640 = arith.constant 2 : i32
    %swap3A_641 = arith.index_cast %swap3A_640 : i32 to index
    %swap3A_642 = arith.constant 48 : index
    %swap3A_643 = tpu.vector_load %arg6[%swap3A_641, %swap3A_642] {strides = array<i32>} : memref<3x64xi32, #tpu.memory_space<vmem>>, vector<1x16xi32>,
    %swap3A_644 = vector.shape_cast %swap3A_643 : vector<1x16xi32> to vector<16xi32>
    %swap3A_645 = vector.shape_cast %and3A_639 : vector<16xi32> to vector<1x16xi32>
    tpu.vector_store %arg6[%swap3A_641, %swap3A_642], %swap3A_645 {strides = array<i32>} : memref<3x64xi32, #tpu.memory_space<vmem>>, vector<1x16xi32>,
    %shift_right_logical3A_646 = arith.constant 16 : i32
    %shift_right_logical3A_647 = vector.broadcast %shift_right_logical3A_646 : i32 to vector<16xi32>
    %shift_right_logical3A_648 = arith.shrui %get3A_636, %shift_right_logical3A_647 : vector<16xi32>
    %swap3A_649 = arith.constant 2 : i32
    %swap3A_650 = arith.index_cast %swap3A_649 : i32 to index
    %swap3A_651 = arith.constant 48 : index
    %swap3A_652 = tpu.vector_load %arg7[%swap3A_650, %swap3A_651] {strides = array<i32>} : memref<3x64xi32, #tpu.memory_space<vmem>>, vector<1x16xi32>,
    %swap3A_653 = vector.shape_cast %swap3A_652 : vector<1x16xi32> to vector<16xi32>
    %swap3A_654 = vector.shape_cast %shift_right_logical3A_648 : vector<16xi32> to vector<1x16xi32>
    tpu.vector_store %arg7[%swap3A_650, %swap3A_651], %swap3A_654 {strides = array<i32>} : memref<3x64xi32, #tpu.memory_space<vmem>>, vector<1x16xi32>,
    %dma_start3A_655 = arith.constant 2 : i32
    %dma_start3A_656 = arith.constant 2 : i32
    %dma_start3A_657 = arith.constant 0 : i32
    %dma_start3A_658 = arith.constant 0 : i32
    %dma_start3A_659 = tpu.memref_slice %arg8[%dma_start3A_656, %dma_start3A_657, %dma_start3A_658] : memref<3x64x128xf32, #tpu.memory_space<vmem>> -> memref<1x64x128xf32, #tpu.memory_space<vmem>>
    %dma_start3A_660 = tpu.memref_squeeze %dma_start3A_659 : memref<1x64x128xf32, #tpu.memory_space<vmem>> -> memref<64x128xf32, #tpu.memory_space<vmem>>
    %dma_start3A_661 = arith.constant 0 : i32
    %dma_start3A_662 = tpu.memref_slice %arg6[%dma_start3A_655, %dma_start3A_661] : memref<3x64xi32, #tpu.memory_space<vmem>> -> memref<1x64xi32, #tpu.memory_space<vmem>>
    %dma_start3A_663 = tpu.memref_squeeze %dma_start3A_662 : memref<1x64xi32, #tpu.memory_space<vmem>> -> memref<64xi32, #tpu.memory_space<vmem>>
    %dma_start3A_664 = arith.constant 0 : i32
    %dma_start3A_665 = arith.constant 0 : i32
    %dma_start3A_666 = tpu.memref_slice %arg2[%dma_start3A_664, %dma_start3A_665] : memref<10000x128xf32, #tpu.memory_space<hbm>> -> memref<10000x128xf32, #tpu.memory_space<hbm>>
    tpu.enqueue_indirect_dma source(%dma_start3A_666 : memref<10000x128xf32, #tpu.memory_space<hbm>>) target(%dma_start3A_660 : memref<64x128xf32, #tpu.memory_space<vmem>>) offsets(%dma_start3A_663 : memref<64xi32, #tpu.memory_space<vmem>>) semaphore(%arg11 : memref<!tpu.dma_semaphore, #tpu.memory_space<semaphore_mem>>)
    %dma_wait3A_667 = arith.constant 0 : i32
    %dma_wait3A_668 = arith.constant 0 : i32
    %dma_wait3A_669 = arith.constant 0 : i32
    %dma_wait3A_670 = arith.constant 0 : i32
    %dma_wait3A_671 = tpu.memref_slice %arg8[%dma_wait3A_668, %dma_wait3A_669, %dma_wait3A_670] : memref<3x64x128xf32, #tpu.memory_space<vmem>> -> memref<1x64x128xf32, #tpu.memory_space<vmem>>
    %dma_wait3A_672 = tpu.memref_squeeze %dma_wait3A_671 : memref<1x64x128xf32, #tpu.memory_space<vmem>> -> memref<64x128xf32, #tpu.memory_space<vmem>>
    %dma_wait3A_673 = arith.constant 0 : i32
    %dma_wait3A_674 = tpu.memref_slice %arg6[%dma_wait3A_667, %dma_wait3A_673] : memref<3x64xi32, #tpu.memory_space<vmem>> -> memref<1x64xi32, #tpu.memory_space<vmem>>
    %dma_wait3A_675 = tpu.memref_squeeze %dma_wait3A_674 : memref<1x64xi32, #tpu.memory_space<vmem>> -> memref<64xi32, #tpu.memory_space<vmem>>
    %dma_wait3A_676 = arith.constant 0 : i32
    %dma_wait3A_677 = arith.constant 0 : i32
    %dma_wait3A_678 = tpu.memref_slice %arg2[%dma_wait3A_676, %dma_wait3A_677] : memref<10000x128xf32, #tpu.memory_space<hbm>> -> memref<10000x128xf32, #tpu.memory_space<hbm>>
    tpu.wait_indirect_dma semaphore(%arg9 : memref<!tpu.dma_semaphore, #tpu.memory_space<semaphore_mem>>) src(%dma_wait3A_678 : memref<10000x128xf32, #tpu.memory_space<hbm>>) dst(%dma_wait3A_672 : memref<64x128xf32, #tpu.memory_space<vmem>>)
    %dma_start3A_679 = arith.constant 0 : i32
    %dma_start3A_680 = arith.constant 0 : i32
    %dma_start3A_681 = arith.constant 0 : i32
    %dma_start3A_682 = arith.constant 0 : i32
    %dma_start3A_683 = tpu.memref_slice %arg8[%dma_start3A_679, %dma_start3A_681, %dma_start3A_682] : memref<3x64x128xf32, #tpu.memory_space<vmem>> -> memref<1x64x128xf32, #tpu.memory_space<vmem>>
    %dma_start3A_684 = tpu.memref_squeeze %dma_start3A_683 : memref<1x64x128xf32, #tpu.memory_space<vmem>> -> memref<64x128xf32, #tpu.memory_space<vmem>>
    %dma_start3A_685 = arith.constant 0 : i32
    %dma_start3A_686 = tpu.memref_slice %arg7[%dma_start3A_680, %dma_start3A_685] : memref<3x64xi32, #tpu.memory_space<vmem>> -> memref<1x64xi32, #tpu.memory_space<vmem>>
    %dma_start3A_687 = tpu.memref_squeeze %dma_start3A_686 : memref<1x64xi32, #tpu.memory_space<vmem>> -> memref<64xi32, #tpu.memory_space<vmem>>
    %dma_start3A_688 = arith.constant 0 : i32
    %dma_start3A_689 = arith.constant 0 : i32
    %dma_start3A_690 = tpu.memref_slice %arg15[%dma_start3A_688, %dma_start3A_689] : memref<10240x128xf32, #tpu.memory_space<vmem_shared>> -> memref<10240x128xf32, #tpu.memory_space<vmem_shared>>
    tpu.enqueue_indirect_dma source(%dma_start3A_684 : memref<64x128xf32, #tpu.memory_space<vmem>>) target(%dma_start3A_690 : memref<10240x128xf32, #tpu.memory_space<vmem_shared>>) offsets(%dma_start3A_687 : memref<64xi32, #tpu.memory_space<vmem>>) semaphore(%arg12 : memref<!tpu.dma_semaphore, #tpu.memory_space<semaphore_mem>>) {add = true}
    %dma_wait3A_691 = arith.constant 0 : i32
    %dma_wait3A_692 = arith.constant 0 : i32
    %dma_wait3A_693 = arith.constant 0 : i32
    %dma_wait3A_694 = arith.constant 0 : i32
    %dma_wait3A_695 = tpu.memref_slice %arg8[%dma_wait3A_691, %dma_wait3A_693, %dma_wait3A_694] : memref<3x64x128xf32, #tpu.memory_space<vmem>> -> memref<1x64x128xf32, #tpu.memory_space<vmem>>
    %dma_wait3A_696 = tpu.memref_squeeze %dma_wait3A_695 : memref<1x64x128xf32, #tpu.memory_space<vmem>> -> memref<64x128xf32, #tpu.memory_space<vmem>>
    %dma_wait3A_697 = arith.constant 0 : i32
    %dma_wait3A_698 = tpu.memref_slice %arg7[%dma_wait3A_692, %dma_wait3A_697] : memref<3x64xi32, #tpu.memory_space<vmem>> -> memref<1x64xi32, #tpu.memory_space<vmem>>
    %dma_wait3A_699 = tpu.memref_squeeze %dma_wait3A_698 : memref<1x64xi32, #tpu.memory_space<vmem>> -> memref<64xi32, #tpu.memory_space<vmem>>
    %dma_wait3A_700 = arith.constant 0 : i32
    %dma_wait3A_701 = arith.constant 0 : i32
    %dma_wait3A_702 = tpu.memref_slice %arg15[%dma_wait3A_700, %dma_wait3A_701] : memref<10240x128xf32, #tpu.memory_space<vmem_shared>> -> memref<10240x128xf32, #tpu.memory_space<vmem_shared>>
    tpu.wait_indirect_dma semaphore(%arg12 : memref<!tpu.dma_semaphore, #tpu.memory_space<semaphore_mem>>) src(%dma_wait3A_696 : memref<64x128xf32, #tpu.memory_space<vmem>>) dst(%dma_wait3A_702 : memref<10240x128xf32, #tpu.memory_space<vmem_shared>>)
    %get3A_703 = arith.constant 3 : i32
    %get3A_704 = arith.index_cast %get3A_703 : i32 to index
    %get3A_705 = arith.constant 0 : index
    %get3A_706 = tpu.vector_load %arg5[%get3A_704, %get3A_705] {strides = array<i32>} : memref<160x64xi32, #tpu.memory_space<vmem>>, vector<1x16xi32>,
    %get3A_707 = vector.shape_cast %get3A_706 : vector<1x16xi32> to vector<16xi32>
    %and3A_708 = arith.constant 65535 : i32
    %and3A_709 = vector.broadcast %and3A_708 : i32 to vector<16xi32>
    %and3A_710 = arith.andi %get3A_707, %and3A_709 : vector<16xi32>
    %swap3A_711 = arith.constant 0 : i32
    %swap3A_712 = arith.index_cast %swap3A_711 : i32 to index
    %swap3A_713 = arith.constant 0 : index
    %swap3A_714 = tpu.vector_load %arg6[%swap3A_712, %swap3A_713] {strides = array<i32>} : memref<3x64xi32, #tpu.memory_space<vmem>>, vector<1x16xi32>,
    %swap3A_715 = vector.shape_cast %swap3A_714 : vector<1x16xi32> to vector<16xi32>
    %swap3A_716 = vector.shape_cast %and3A_710 : vector<16xi32> to vector<1x16xi32>
    tpu.vector_store %arg6[%swap3A_712, %swap3A_713], %swap3A_716 {strides = array<i32>} : memref<3x64xi32, #tpu.memory_space<vmem>>, vector<1x16xi32>,
    %shift_right_logical3A_717 = arith.constant 16 : i32
    %shift_right_logical3A_718 = vector.broadcast %shift_right_logical3A_717 : i32 to vector<16xi32>
    %shift_right_logical3A_719 = arith.shrui %get3A_707, %shift_right_logical3A_718 : vector<16xi32>
    %swap3A_720 = arith.constant 0 : i32
    %swap3A_721 = arith.index_cast %swap3A_720 : i32 to index
    %swap3A_722 = arith.constant 0 : index
    %swap3A_723 = tpu.vector_load %arg7[%swap3A_721, %swap3A_722] {strides = array<i32>} : memref<3x64xi32, #tpu.memory_space<vmem>>, vector<1x16xi32>,
    %swap3A_724 = vector.shape_cast %swap3A_723 : vector<1x16xi32> to vector<16xi32>
    %swap3A_725 = vector.shape_cast %shift_right_logical3A_719 : vector<16xi32> to vector<1x16xi32>
    tpu.vector_store %arg7[%swap3A_721, %swap3A_722], %swap3A_725 {strides = array<i32>} : memref<3x64xi32, #tpu.memory_space<vmem>>, vector<1x16xi32>,
    %get3A_726 = arith.constant 3 : i32
    %get3A_727 = arith.index_cast %get3A_726 : i32 to index
    %get3A_728 = arith.constant 16 : index
    %get3A_729 = tpu.vector_load %arg5[%get3A_727, %get3A_728] {strides = array<i32>} : memref<160x64xi32, #tpu.memory_space<vmem>>, vector<1x16xi32>,
    %get3A_730 = vector.shape_cast %get3A_729 : vector<1x16xi32> to vector<16xi32>
    %and3A_731 = arith.constant 65535 : i32
    %and3A_732 = vector.broadcast %and3A_731 : i32 to vector<16xi32>
    %and3A_733 = arith.andi %get3A_730, %and3A_732 : vector<16xi32>
    %swap3A_734 = arith.constant 0 : i32
    %swap3A_735 = arith.index_cast %swap3A_734 : i32 to index
    %swap3A_736 = arith.constant 16 : index
    %swap3A_737 = tpu.vector_load %arg6[%swap3A_735, %swap3A_736] {strides = array<i32>} : memref<3x64xi32, #tpu.memory_space<vmem>>, vector<1x16xi32>,
    %swap3A_738 = vector.shape_cast %swap3A_737 : vector<1x16xi32> to vector<16xi32>
    %swap3A_739 = vector.shape_cast %and3A_733 : vector<16xi32> to vector<1x16xi32>
    tpu.vector_store %arg6[%swap3A_735, %swap3A_736], %swap3A_739 {strides = array<i32>} : memref<3x64xi32, #tpu.memory_space<vmem>>, vector<1x16xi32>,
    %shift_right_logical3A_740 = arith.constant 16 : i32
    %shift_right_logical3A_741 = vector.broadcast %shift_right_logical3A_740 : i32 to vector<16xi32>
    %shift_right_logical3A_742 = arith.shrui %get3A_730, %shift_right_logical3A_741 : vector<16xi32>
    %swap3A_743 = arith.constant 0 : i32
    %swap3A_744 = arith.index_cast %swap3A_743 : i32 to index
    %swap3A_745 = arith.constant 16 : index
    %swap3A_746 = tpu.vector_load %arg7[%swap3A_744, %swap3A_745] {strides = array<i32>} : memref<3x64xi32, #tpu.memory_space<vmem>>, vector<1x16xi32>,
    %swap3A_747 = vector.shape_cast %swap3A_746 : vector<1x16xi32> to vector<16xi32>
    %swap3A_748 = vector.shape_cast %shift_right_logical3A_742 : vector<16xi32> to vector<1x16xi32>
    tpu.vector_store %arg7[%swap3A_744, %swap3A_745], %swap3A_748 {strides = array<i32>} : memref<3x64xi32, #tpu.memory_space<vmem>>, vector<1x16xi32>,
    %get3A_749 = arith.constant 3 : i32
    %get3A_750 = arith.index_cast %get3A_749 : i32 to index
    %get3A_751 = arith.constant 32 : index
    %get3A_752 = tpu.vector_load %arg5[%get3A_750, %get3A_751] {strides = array<i32>} : memref<160x64xi32, #tpu.memory_space<vmem>>, vector<1x16xi32>,
    %get3A_753 = vector.shape_cast %get3A_752 : vector<1x16xi32> to vector<16xi32>
    %and3A_754 = arith.constant 65535 : i32
    %and3A_755 = vector.broadcast %and3A_754 : i32 to vector<16xi32>
    %and3A_756 = arith.andi %get3A_753, %and3A_755 : vector<16xi32>
    %swap3A_757 = arith.constant 0 : i32
    %swap3A_758 = arith.index_cast %swap3A_757 : i32 to index
    %swap3A_759 = arith.constant 32 : index
    %swap3A_760 = tpu.vector_load %arg6[%swap3A_758, %swap3A_759] {strides = array<i32>} : memref<3x64xi32, #tpu.memory_space<vmem>>, vector<1x16xi32>,
    %swap3A_761 = vector.shape_cast %swap3A_760 : vector<1x16xi32> to vector<16xi32>
    %swap3A_762 = vector.shape_cast %and3A_756 : vector<16xi32> to vector<1x16xi32>
    tpu.vector_store %arg6[%swap3A_758, %swap3A_759], %swap3A_762 {strides = array<i32>} : memref<3x64xi32, #tpu.memory_space<vmem>>, vector<1x16xi32>,
    %shift_right_logical3A_763 = arith.constant 16 : i32
    %shift_right_logical3A_764 = vector.broadcast %shift_right_logical3A_763 : i32 to vector<16xi32>
    %shift_right_logical3A_765 = arith.shrui %get3A_753, %shift_right_logical3A_764 : vector<16xi32>
    %swap3A_766 = arith.constant 0 : i32
    %swap3A_767 = arith.index_cast %swap3A_766 : i32 to index
    %swap3A_768 = arith.constant 32 : index
    %swap3A_769 = tpu.vector_load %arg7[%swap3A_767, %swap3A_768] {strides = array<i32>} : memref<3x64xi32, #tpu.memory_space<vmem>>, vector<1x16xi32>,
    %swap3A_770 = vector.shape_cast %swap3A_769 : vector<1x16xi32> to vector<16xi32>
    %swap3A_771 = vector.shape_cast %shift_right_logical3A_765 : vector<16xi32> to vector<1x16xi32>
    tpu.vector_store %arg7[%swap3A_767, %swap3A_768], %swap3A_771 {strides = array<i32>} : memref<3x64xi32, #tpu.memory_space<vmem>>, vector<1x16xi32>,
    %get3A_772 = arith.constant 3 : i32
    %get3A_773 = arith.index_cast %get3A_772 : i32 to index
    %get3A_774 = arith.constant 48 : index
    %get3A_775 = tpu.vector_load %arg5[%get3A_773, %get3A_774] {strides = array<i32>} : memref<160x64xi32, #tpu.memory_space<vmem>>, vector<1x16xi32>,
    %get3A_776 = vector.shape_cast %get3A_775 : vector<1x16xi32> to vector<16xi32>
    %and3A_777 = arith.constant 65535 : i32
    %and3A_778 = vector.broadcast %and3A_777 : i32 to vector<16xi32>
    %and3A_779 = arith.andi %get3A_776, %and3A_778 : vector<16xi32>
    %swap3A_780 = arith.constant 0 : i32
    %swap3A_781 = arith.index_cast %swap3A_780 : i32 to index
    %swap3A_782 = arith.constant 48 : index
    %swap3A_783 = tpu.vector_load %arg6[%swap3A_781, %swap3A_782] {strides = array<i32>} : memref<3x64xi32, #tpu.memory_space<vmem>>, vector<1x16xi32>,
    %swap3A_784 = vector.shape_cast %swap3A_783 : vector<1x16xi32> to vector<16xi32>
    %swap3A_785 = vector.shape_cast %and3A_779 : vector<16xi32> to vector<1x16xi32>
    tpu.vector_store %arg6[%swap3A_781, %swap3A_782], %swap3A_785 {strides = array<i32>} : memref<3x64xi32, #tpu.memory_space<vmem>>, vector<1x16xi32>,
    %shift_right_logical3A_786 = arith.constant 16 : i32
    %shift_right_logical3A_787 = vector.broadcast %shift_right_logical3A_786 : i32 to vector<16xi32>
    %shift_right_logical3A_788 = arith.shrui %get3A_776, %shift_right_logical3A_787 : vector<16xi32>
    %swap3A_789 = arith.constant 0 : i32
    %swap3A_790 = arith.index_cast %swap3A_789 : i32 to index
    %swap3A_791 = arith.constant 48 : index
    %swap3A_792 = tpu.vector_load %arg7[%swap3A_790, %swap3A_791] {strides = array<i32>} : memref<3x64xi32, #tpu.memory_space<vmem>>, vector<1x16xi32>,
    %swap3A_793 = vector.shape_cast %swap3A_792 : vector<1x16xi32> to vector<16xi32>
    %swap3A_794 = vector.shape_cast %shift_right_logical3A_788 : vector<16xi32> to vector<1x16xi32>
    tpu.vector_store %arg7[%swap3A_790, %swap3A_791], %swap3A_794 {strides = array<i32>} : memref<3x64xi32, #tpu.memory_space<vmem>>, vector<1x16xi32>,
    %dma_start3A_795 = arith.constant 0 : i32
    %dma_start3A_796 = arith.constant 0 : i32
    %dma_start3A_797 = arith.constant 0 : i32
    %dma_start3A_798 = arith.constant 0 : i32
    %dma_start3A_799 = tpu.memref_slice %arg8[%dma_start3A_796, %dma_start3A_797, %dma_start3A_798] : memref<3x64x128xf32, #tpu.memory_space<vmem>> -> memref<1x64x128xf32, #tpu.memory_space<vmem>>
    %dma_start3A_800 = tpu.memref_squeeze %dma_start3A_799 : memref<1x64x128xf32, #tpu.memory_space<vmem>> -> memref<64x128xf32, #tpu.memory_space<vmem>>
    %dma_start3A_801 = arith.constant 0 : i32
    %dma_start3A_802 = tpu.memref_slice %arg6[%dma_start3A_795, %dma_start3A_801] : memref<3x64xi32, #tpu.memory_space<vmem>> -> memref<1x64xi32, #tpu.memory_space<vmem>>
    %dma_start3A_803 = tpu.memref_squeeze %dma_start3A_802 : memref<1x64xi32, #tpu.memory_space<vmem>> -> memref<64xi32, #tpu.memory_space<vmem>>
    %dma_start3A_804 = arith.constant 0 : i32
    %dma_start3A_805 = arith.constant 0 : i32
    %dma_start3A_806 = tpu.memref_slice %arg2[%dma_start3A_804, %dma_start3A_805] : memref<10000x128xf32, #tpu.memory_space<hbm>> -> memref<10000x128xf32, #tpu.memory_space<hbm>>
    tpu.enqueue_indirect_dma source(%dma_start3A_806 : memref<10000x128xf32, #tpu.memory_space<hbm>>) target(%dma_start3A_800 : memref<64x128xf32, #tpu.memory_space<vmem>>) offsets(%dma_start3A_803 : memref<64xi32, #tpu.memory_space<vmem>>) semaphore(%arg9 : memref<!tpu.dma_semaphore, #tpu.memory_space<semaphore_mem>>)
    %dma_wait3A_807 = arith.constant 1 : i32
    %dma_wait3A_808 = arith.constant 1 : i32
    %dma_wait3A_809 = arith.constant 0 : i32
    %dma_wait3A_810 = arith.constant 0 : i32
    %dma_wait3A_811 = tpu.memref_slice %arg8[%dma_wait3A_808, %dma_wait3A_809, %dma_wait3A_810] : memref<3x64x128xf32, #tpu.memory_space<vmem>> -> memref<1x64x128xf32, #tpu.memory_space<vmem>>
    %dma_wait3A_812 = tpu.memref_squeeze %dma_wait3A_811 : memref<1x64x128xf32, #tpu.memory_space<vmem>> -> memref<64x128xf32, #tpu.memory_space<vmem>>
    %dma_wait3A_813 = arith.constant 0 : i32
    %dma_wait3A_814 = tpu.memref_slice %arg6[%dma_wait3A_807, %dma_wait3A_813] : memref<3x64xi32, #tpu.memory_space<vmem>> -> memref<1x64xi32, #tpu.memory_space<vmem>>
    %dma_wait3A_815 = tpu.memref_squeeze %dma_wait3A_814 : memref<1x64xi32, #tpu.memory_space<vmem>> -> memref<64xi32, #tpu.memory_space<vmem>>
    %dma_wait3A_816 = arith.constant 0 : i32
    %dma_wait3A_817 = arith.constant 0 : i32
    %dma_wait3A_818 = tpu.memref_slice %arg2[%dma_wait3A_816, %dma_wait3A_817] : memref<10000x128xf32, #tpu.memory_space<hbm>> -> memref<10000x128xf32, #tpu.memory_space<hbm>>
    tpu.wait_indirect_dma semaphore(%arg10 : memref<!tpu.dma_semaphore, #tpu.memory_space<semaphore_mem>>) src(%dma_wait3A_818 : memref<10000x128xf32, #tpu.memory_space<hbm>>) dst(%dma_wait3A_812 : memref<64x128xf32, #tpu.memory_space<vmem>>)
    %dma_start3A_819 = arith.constant 1 : i32
    %dma_start3A_820 = arith.constant 1 : i32
    %dma_start3A_821 = arith.constant 0 : i32
    %dma_start3A_822 = arith.constant 0 : i32
    %dma_start3A_823 = tpu.memref_slice %arg8[%dma_start3A_819, %dma_start3A_821, %dma_start3A_822] : memref<3x64x128xf32, #tpu.memory_space<vmem>> -> memref<1x64x128xf32, #tpu.memory_space<vmem>>
    %dma_start3A_824 = tpu.memref_squeeze %dma_start3A_823 : memref<1x64x128xf32, #tpu.memory_space<vmem>> -> memref<64x128xf32, #tpu.memory_space<vmem>>
    %dma_start3A_825 = arith.constant 0 : i32
    %dma_start3A_826 = tpu.memref_slice %arg7[%dma_start3A_820, %dma_start3A_825] : memref<3x64xi32, #tpu.memory_space<vmem>> -> memref<1x64xi32, #tpu.memory_space<vmem>>
    %dma_start3A_827 = tpu.memref_squeeze %dma_start3A_826 : memref<1x64xi32, #tpu.memory_space<vmem>> -> memref<64xi32, #tpu.memory_space<vmem>>
    %dma_start3A_828 = arith.constant 0 : i32
    %dma_start3A_829 = arith.constant 0 : i32
    %dma_start3A_830 = tpu.memref_slice %arg15[%dma_start3A_828, %dma_start3A_829] : memref<10240x128xf32, #tpu.memory_space<vmem_shared>> -> memref<10240x128xf32, #tpu.memory_space<vmem_shared>>
    tpu.enqueue_indirect_dma source(%dma_start3A_824 : memref<64x128xf32, #tpu.memory_space<vmem>>) target(%dma_start3A_830 : memref<10240x128xf32, #tpu.memory_space<vmem_shared>>) offsets(%dma_start3A_827 : memref<64xi32, #tpu.memory_space<vmem>>) semaphore(%arg13 : memref<!tpu.dma_semaphore, #tpu.memory_space<semaphore_mem>>) {add = true}
    %scan3A_831 = arith.constant 0 : i32
    %scan3A_832 = arith.constant 52 : i32
    %scan3A_833 = arith.addi %scan3A_831, %scan3A_832 : i32
    %scan3A_834 = arith.constant 1 : i32
    scf.for %scan3A_1051 = %scan3A_831 to %scan3A_833 step %scan3A_834  : i32 {
      %mul3A_1052 = arith.constant 3 : i32
      %mul3A_1053 = arith.muli %mul3A_1052, %scan3A_1051 : i32
      %add3A_1054 = arith.constant 2 : i32
      %add3A_1055 = arith.addi %mul3A_1053, %add3A_1054 : i32
      %add3A_1056 = arith.constant 0 : i32
      %add3A_1057 = arith.addi %add3A_1055, %add3A_1056 : i32
      %dma_wait3A_1058 = arith.constant 1 : i32
      %dma_wait3A_1059 = arith.constant 1 : i32
      %dma_wait3A_1060 = arith.constant 0 : i32
      %dma_wait3A_1061 = arith.constant 0 : i32
      %dma_wait3A_1062 = tpu.memref_slice %arg8[%dma_wait3A_1058, %dma_wait3A_1060, %dma_wait3A_1061] : memref<3x64x128xf32, #tpu.memory_space<vmem>> -> memref<1x64x128xf32, #tpu.memory_space<vmem>>
      %dma_wait3A_1063 = tpu.memref_squeeze %dma_wait3A_1062 : memref<1x64x128xf32, #tpu.memory_space<vmem>> -> memref<64x128xf32, #tpu.memory_space<vmem>>
      %dma_wait3A_1064 = arith.constant 0 : i32
      %dma_wait3A_1065 = tpu.memref_slice %arg7[%dma_wait3A_1059, %dma_wait3A_1064] : memref<3x64xi32, #tpu.memory_space<vmem>> -> memref<1x64xi32, #tpu.memory_space<vmem>>
      %dma_wait3A_1066 = tpu.memref_squeeze %dma_wait3A_1065 : memref<1x64xi32, #tpu.memory_space<vmem>> -> memref<64xi32, #tpu.memory_space<vmem>>
      %dma_wait3A_1067 = arith.constant 0 : i32
      %dma_wait3A_1068 = arith.constant 0 : i32
      %dma_wait3A_1069 = tpu.memref_slice %arg15[%dma_wait3A_1067, %dma_wait3A_1068] : memref<10240x128xf32, #tpu.memory_space<vmem_shared>> -> memref<10240x128xf32, #tpu.memory_space<vmem_shared>>
      tpu.wait_indirect_dma semaphore(%arg13 : memref<!tpu.dma_semaphore, #tpu.memory_space<semaphore_mem>>) src(%dma_wait3A_1063 : memref<64x128xf32, #tpu.memory_space<vmem>>) dst(%dma_wait3A_1069 : memref<10240x128xf32, #tpu.memory_space<vmem_shared>>)
      %add3A_1070 = arith.constant 2 : i32
      %add3A_1071 = arith.addi %add3A_1057, %add3A_1070 : i32
      %get3A_1072 = arith.index_cast %add3A_1071 : i32 to index
      %get3A_1073 = arith.constant 0 : index
      %get3A_1074 = tpu.vector_load %arg5[%get3A_1072, %get3A_1073] {strides = array<i32>} : memref<160x64xi32, #tpu.memory_space<vmem>>, vector<1x16xi32>,
      %get3A_1075 = vector.shape_cast %get3A_1074 : vector<1x16xi32> to vector<16xi32>
      %and3A_1076 = arith.constant 65535 : i32
      %and3A_1077 = vector.broadcast %and3A_1076 : i32 to vector<16xi32>
      %and3A_1078 = arith.andi %get3A_1075, %and3A_1077 : vector<16xi32>
      %swap3A_1079 = arith.constant 1 : i32
      %swap3A_1080 = arith.index_cast %swap3A_1079 : i32 to index
      %swap3A_1081 = arith.constant 0 : index
      %swap3A_1082 = tpu.vector_load %arg6[%swap3A_1080, %swap3A_1081] {strides = array<i32>} : memref<3x64xi32, #tpu.memory_space<vmem>>, vector<1x16xi32>,
      %swap3A_1083 = vector.shape_cast %swap3A_1082 : vector<1x16xi32> to vector<16xi32>
      %swap3A_1084 = vector.shape_cast %and3A_1078 : vector<16xi32> to vector<1x16xi32>
      tpu.vector_store %arg6[%swap3A_1080, %swap3A_1081], %swap3A_1084 {strides = array<i32>} : memref<3x64xi32, #tpu.memory_space<vmem>>, vector<1x16xi32>,
      %shift_right_logical3A_1085 = arith.constant 16 : i32
      %shift_right_logical3A_1086 = vector.broadcast %shift_right_logical3A_1085 : i32 to vector<16xi32>
      %shift_right_logical3A_1087 = arith.shrui %get3A_1075, %shift_right_logical3A_1086 : vector<16xi32>
      %swap3A_1088 = arith.constant 1 : i32
      %swap3A_1089 = arith.index_cast %swap3A_1088 : i32 to index
      %swap3A_1090 = arith.constant 0 : index
      %swap3A_1091 = tpu.vector_load %arg7[%swap3A_1089, %swap3A_1090] {strides = array<i32>} : memref<3x64xi32, #tpu.memory_space<vmem>>, vector<1x16xi32>,
      %swap3A_1092 = vector.shape_cast %swap3A_1091 : vector<1x16xi32> to vector<16xi32>
      %swap3A_1093 = vector.shape_cast %shift_right_logical3A_1087 : vector<16xi32> to vector<1x16xi32>
      tpu.vector_store %arg7[%swap3A_1089, %swap3A_1090], %swap3A_1093 {strides = array<i32>} : memref<3x64xi32, #tpu.memory_space<vmem>>, vector<1x16xi32>,
      %get3A_1094 = arith.index_cast %add3A_1071 : i32 to index
      %get3A_1095 = arith.constant 16 : index
      %get3A_1096 = tpu.vector_load %arg5[%get3A_1094, %get3A_1095] {strides = array<i32>} : memref<160x64xi32, #tpu.memory_space<vmem>>, vector<1x16xi32>,
      %get3A_1097 = vector.shape_cast %get3A_1096 : vector<1x16xi32> to vector<16xi32>
      %and3A_1098 = arith.constant 65535 : i32
      %and3A_1099 = vector.broadcast %and3A_1098 : i32 to vector<16xi32>
      %and3A_1100 = arith.andi %get3A_1097, %and3A_1099 : vector<16xi32>
      %swap3A_1101 = arith.constant 1 : i32
      %swap3A_1102 = arith.index_cast %swap3A_1101 : i32 to index
      %swap3A_1103 = arith.constant 16 : index
      %swap3A_1104 = tpu.vector_load %arg6[%swap3A_1102, %swap3A_1103] {strides = array<i32>} : memref<3x64xi32, #tpu.memory_space<vmem>>, vector<1x16xi32>,
      %swap3A_1105 = vector.shape_cast %swap3A_1104 : vector<1x16xi32> to vector<16xi32>
      %swap3A_1106 = vector.shape_cast %and3A_1100 : vector<16xi32> to vector<1x16xi32>
      tpu.vector_store %arg6[%swap3A_1102, %swap3A_1103], %swap3A_1106 {strides = array<i32>} : memref<3x64xi32, #tpu.memory_space<vmem>>, vector<1x16xi32>,
      %shift_right_logical3A_1107 = arith.constant 16 : i32
      %shift_right_logical3A_1108 = vector.broadcast %shift_right_logical3A_1107 : i32 to vector<16xi32>
      %shift_right_logical3A_1109 = arith.shrui %get3A_1097, %shift_right_logical3A_1108 : vector<16xi32>
      %swap3A_1110 = arith.constant 1 : i32
      %swap3A_1111 = arith.index_cast %swap3A_1110 : i32 to index
      %swap3A_1112 = arith.constant 16 : index
      %swap3A_1113 = tpu.vector_load %arg7[%swap3A_1111, %swap3A_1112] {strides = array<i32>} : memref<3x64xi32, #tpu.memory_space<vmem>>, vector<1x16xi32>,
      %swap3A_1114 = vector.shape_cast %swap3A_1113 : vector<1x16xi32> to vector<16xi32>
      %swap3A_1115 = vector.shape_cast %shift_right_logical3A_1109 : vector<16xi32> to vector<1x16xi32>
      tpu.vector_store %arg7[%swap3A_1111, %swap3A_1112], %swap3A_1115 {strides = array<i32>} : memref<3x64xi32, #tpu.memory_space<vmem>>, vector<1x16xi32>,
      %get3A_1116 = arith.index_cast %add3A_1071 : i32 to index
      %get3A_1117 = arith.constant 32 : index
      %get3A_1118 = tpu.vector_load %arg5[%get3A_1116, %get3A_1117] {strides = array<i32>} : memref<160x64xi32, #tpu.memory_space<vmem>>, vector<1x16xi32>,
      %get3A_1119 = vector.shape_cast %get3A_1118 : vector<1x16xi32> to vector<16xi32>
      %and3A_1120 = arith.constant 65535 : i32
      %and3A_1121 = vector.broadcast %and3A_1120 : i32 to vector<16xi32>
      %and3A_1122 = arith.andi %get3A_1119, %and3A_1121 : vector<16xi32>
      %swap3A_1123 = arith.constant 1 : i32
      %swap3A_1124 = arith.index_cast %swap3A_1123 : i32 to index
      %swap3A_1125 = arith.constant 32 : index
      %swap3A_1126 = tpu.vector_load %arg6[%swap3A_1124, %swap3A_1125] {strides = array<i32>} : memref<3x64xi32, #tpu.memory_space<vmem>>, vector<1x16xi32>,
      %swap3A_1127 = vector.shape_cast %swap3A_1126 : vector<1x16xi32> to vector<16xi32>
      %swap3A_1128 = vector.shape_cast %and3A_1122 : vector<16xi32> to vector<1x16xi32>
      tpu.vector_store %arg6[%swap3A_1124, %swap3A_1125], %swap3A_1128 {strides = array<i32>} : memref<3x64xi32, #tpu.memory_space<vmem>>, vector<1x16xi32>,
      %shift_right_logical3A_1129 = arith.constant 16 : i32
      %shift_right_logical3A_1130 = vector.broadcast %shift_right_logical3A_1129 : i32 to vector<16xi32>
      %shift_right_logical3A_1131 = arith.shrui %get3A_1119, %shift_right_logical3A_1130 : vector<16xi32>
      %swap3A_1132 = arith.constant 1 : i32
      %swap3A_1133 = arith.index_cast %swap3A_1132 : i32 to index
      %swap3A_1134 = arith.constant 32 : index
      %swap3A_1135 = tpu.vector_load %arg7[%swap3A_1133, %swap3A_1134] {strides = array<i32>} : memref<3x64xi32, #tpu.memory_space<vmem>>, vector<1x16xi32>,
      %swap3A_1136 = vector.shape_cast %swap3A_1135 : vector<1x16xi32> to vector<16xi32>
      %swap3A_1137 = vector.shape_cast %shift_right_logical3A_1131 : vector<16xi32> to vector<1x16xi32>
      tpu.vector_store %arg7[%swap3A_1133, %swap3A_1134], %swap3A_1137 {strides = array<i32>} : memref<3x64xi32, #tpu.memory_space<vmem>>, vector<1x16xi32>,
      %get3A_1138 = arith.index_cast %add3A_1071 : i32 to index
      %get3A_1139 = arith.constant 48 : index
      %get3A_1140 = tpu.vector_load %arg5[%get3A_1138, %get3A_1139] {strides = array<i32>} : memref<160x64xi32, #tpu.memory_space<vmem>>, vector<1x16xi32>,
      %get3A_1141 = vector.shape_cast %get3A_1140 : vector<1x16xi32> to vector<16xi32>
      %and3A_1142 = arith.constant 65535 : i32
      %and3A_1143 = vector.broadcast %and3A_1142 : i32 to vector<16xi32>
      %and3A_1144 = arith.andi %get3A_1141, %and3A_1143 : vector<16xi32>
      %swap3A_1145 = arith.constant 1 : i32
      %swap3A_1146 = arith.index_cast %swap3A_1145 : i32 to index
      %swap3A_1147 = arith.constant 48 : index
      %swap3A_1148 = tpu.vector_load %arg6[%swap3A_1146, %swap3A_1147] {strides = array<i32>} : memref<3x64xi32, #tpu.memory_space<vmem>>, vector<1x16xi32>,
      %swap3A_1149 = vector.shape_cast %swap3A_1148 : vector<1x16xi32> to vector<16xi32>
      %swap3A_1150 = vector.shape_cast %and3A_1144 : vector<16xi32> to vector<1x16xi32>
      tpu.vector_store %arg6[%swap3A_1146, %swap3A_1147], %swap3A_1150 {strides = array<i32>} : memref<3x64xi32, #tpu.memory_space<vmem>>, vector<1x16xi32>,
      %shift_right_logical3A_1151 = arith.constant 16 : i32
      %shift_right_logical3A_1152 = vector.broadcast %shift_right_logical3A_1151 : i32 to vector<16xi32>
      %shift_right_logical3A_1153 = arith.shrui %get3A_1141, %shift_right_logical3A_1152 : vector<16xi32>
      %swap3A_1154 = arith.constant 1 : i32
      %swap3A_1155 = arith.index_cast %swap3A_1154 : i32 to index
      %swap3A_1156 = arith.constant 48 : index
      %swap3A_1157 = tpu.vector_load %arg7[%swap3A_1155, %swap3A_1156] {strides = array<i32>} : memref<3x64xi32, #tpu.memory_space<vmem>>, vector<1x16xi32>,
      %swap3A_1158 = vector.shape_cast %swap3A_1157 : vector<1x16xi32> to vector<16xi32>
      %swap3A_1159 = vector.shape_cast %shift_right_logical3A_1153 : vector<16xi32> to vector<1x16xi32>
      tpu.vector_store %arg7[%swap3A_1155, %swap3A_1156], %swap3A_1159 {strides = array<i32>} : memref<3x64xi32, #tpu.memory_space<vmem>>, vector<1x16xi32>,
      %dma_start3A_1160 = arith.constant 1 : i32
      %dma_start3A_1161 = arith.constant 1 : i32
      %dma_start3A_1162 = arith.constant 0 : i32
      %dma_start3A_1163 = arith.constant 0 : i32
      %dma_start3A_1164 = tpu.memref_slice %arg8[%dma_start3A_1161, %dma_start3A_1162, %dma_start3A_1163] : memref<3x64x128xf32, #tpu.memory_space<vmem>> -> memref<1x64x128xf32, #tpu.memory_space<vmem>>
      %dma_start3A_1165 = tpu.memref_squeeze %dma_start3A_1164 : memref<1x64x128xf32, #tpu.memory_space<vmem>> -> memref<64x128xf32, #tpu.memory_space<vmem>>
      %dma_start3A_1166 = arith.constant 0 : i32
      %dma_start3A_1167 = tpu.memref_slice %arg6[%dma_start3A_1160, %dma_start3A_1166] : memref<3x64xi32, #tpu.memory_space<vmem>> -> memref<1x64xi32, #tpu.memory_space<vmem>>
      %dma_start3A_1168 = tpu.memref_squeeze %dma_start3A_1167 : memref<1x64xi32, #tpu.memory_space<vmem>> -> memref<64xi32, #tpu.memory_space<vmem>>
      %dma_start3A_1169 = arith.constant 0 : i32
      %dma_start3A_1170 = arith.constant 0 : i32
      %dma_start3A_1171 = tpu.memref_slice %arg2[%dma_start3A_1169, %dma_start3A_1170] : memref<10000x128xf32, #tpu.memory_space<hbm>> -> memref<10000x128xf32, #tpu.memory_space<hbm>>
      tpu.enqueue_indirect_dma source(%dma_start3A_1171 : memref<10000x128xf32, #tpu.memory_space<hbm>>) target(%dma_start3A_1165 : memref<64x128xf32, #tpu.memory_space<vmem>>) offsets(%dma_start3A_1168 : memref<64xi32, #tpu.memory_space<vmem>>) semaphore(%arg10 : memref<!tpu.dma_semaphore, #tpu.memory_space<semaphore_mem>>)
      %dma_wait3A_1172 = arith.constant 2 : i32
      %dma_wait3A_1173 = arith.constant 2 : i32
      %dma_wait3A_1174 = arith.constant 0 : i32
      %dma_wait3A_1175 = arith.constant 0 : i32
      %dma_wait3A_1176 = tpu.memref_slice %arg8[%dma_wait3A_1173, %dma_wait3A_1174, %dma_wait3A_1175] : memref<3x64x128xf32, #tpu.memory_space<vmem>> -> memref<1x64x128xf32, #tpu.memory_space<vmem>>
      %dma_wait3A_1177 = tpu.memref_squeeze %dma_wait3A_1176 : memref<1x64x128xf32, #tpu.memory_space<vmem>> -> memref<64x128xf32, #tpu.memory_space<vmem>>
      %dma_wait3A_1178 = arith.constant 0 : i32
      %dma_wait3A_1179 = tpu.memref_slice %arg6[%dma_wait3A_1172, %dma_wait3A_1178] : memref<3x64xi32, #tpu.memory_space<vmem>> -> memref<1x64xi32, #tpu.memory_space<vmem>>
      %dma_wait3A_1180 = tpu.memref_squeeze %dma_wait3A_1179 : memref<1x64xi32, #tpu.memory_space<vmem>> -> memref<64xi32, #tpu.memory_space<vmem>>
      %dma_wait3A_1181 = arith.constant 0 : i32
      %dma_wait3A_1182 = arith.constant 0 : i32
      %dma_wait3A_1183 = tpu.memref_slice %arg2[%dma_wait3A_1181, %dma_wait3A_1182] : memref<10000x128xf32, #tpu.memory_space<hbm>> -> memref<10000x128xf32, #tpu.memory_space<hbm>>
      tpu.wait_indirect_dma semaphore(%arg11 : memref<!tpu.dma_semaphore, #tpu.memory_space<semaphore_mem>>) src(%dma_wait3A_1183 : memref<10000x128xf32, #tpu.memory_space<hbm>>) dst(%dma_wait3A_1177 : memref<64x128xf32, #tpu.memory_space<vmem>>)
      %dma_start3A_1184 = arith.constant 2 : i32
      %dma_start3A_1185 = arith.constant 2 : i32
      %dma_start3A_1186 = arith.constant 0 : i32
      %dma_start3A_1187 = arith.constant 0 : i32
      %dma_start3A_1188 = tpu.memref_slice %arg8[%dma_start3A_1184, %dma_start3A_1186, %dma_start3A_1187] : memref<3x64x128xf32, #tpu.memory_space<vmem>> -> memref<1x64x128xf32, #tpu.memory_space<vmem>>
      %dma_start3A_1189 = tpu.memref_squeeze %dma_start3A_1188 : memref<1x64x128xf32, #tpu.memory_space<vmem>> -> memref<64x128xf32, #tpu.memory_space<vmem>>
      %dma_start3A_1190 = arith.constant 0 : i32
      %dma_start3A_1191 = tpu.memref_slice %arg7[%dma_start3A_1185, %dma_start3A_1190] : memref<3x64xi32, #tpu.memory_space<vmem>> -> memref<1x64xi32, #tpu.memory_space<vmem>>
      %dma_start3A_1192 = tpu.memref_squeeze %dma_start3A_1191 : memref<1x64xi32, #tpu.memory_space<vmem>> -> memref<64xi32, #tpu.memory_space<vmem>>
      %dma_start3A_1193 = arith.constant 0 : i32
      %dma_start3A_1194 = arith.constant 0 : i32
      %dma_start3A_1195 = tpu.memref_slice %arg15[%dma_start3A_1193, %dma_start3A_1194] : memref<10240x128xf32, #tpu.memory_space<vmem_shared>> -> memref<10240x128xf32, #tpu.memory_space<vmem_shared>>
      tpu.enqueue_indirect_dma source(%dma_start3A_1189 : memref<64x128xf32, #tpu.memory_space<vmem>>) target(%dma_start3A_1195 : memref<10240x128xf32, #tpu.memory_space<vmem_shared>>) offsets(%dma_start3A_1192 : memref<64xi32, #tpu.memory_space<vmem>>) semaphore(%arg14 : memref<!tpu.dma_semaphore, #tpu.memory_space<semaphore_mem>>) {add = true}
      %mul3A_1196 = arith.constant 3 : i32
      %mul3A_1197 = arith.muli %mul3A_1196, %scan3A_1051 : i32
      %add3A_1198 = arith.constant 2 : i32
      %add3A_1199 = arith.addi %mul3A_1197, %add3A_1198 : i32
      %add3A_1200 = arith.constant 1 : i32
      %add3A_1201 = arith.addi %add3A_1199, %add3A_1200 : i32
      %dma_wait3A_1202 = arith.constant 2 : i32
      %dma_wait3A_1203 = arith.constant 2 : i32
      %dma_wait3A_1204 = arith.constant 0 : i32
      %dma_wait3A_1205 = arith.constant 0 : i32
      %dma_wait3A_1206 = tpu.memref_slice %arg8[%dma_wait3A_1202, %dma_wait3A_1204, %dma_wait3A_1205] : memref<3x64x128xf32, #tpu.memory_space<vmem>> -> memref<1x64x128xf32, #tpu.memory_space<vmem>>
      %dma_wait3A_1207 = tpu.memref_squeeze %dma_wait3A_1206 : memref<1x64x128xf32, #tpu.memory_space<vmem>> -> memref<64x128xf32, #tpu.memory_space<vmem>>
      %dma_wait3A_1208 = arith.constant 0 : i32
      %dma_wait3A_1209 = tpu.memref_slice %arg7[%dma_wait3A_1203, %dma_wait3A_1208] : memref<3x64xi32, #tpu.memory_space<vmem>> -> memref<1x64xi32, #tpu.memory_space<vmem>>
      %dma_wait3A_1210 = tpu.memref_squeeze %dma_wait3A_1209 : memref<1x64xi32, #tpu.memory_space<vmem>> -> memref<64xi32, #tpu.memory_space<vmem>>
      %dma_wait3A_1211 = arith.constant 0 : i32
      %dma_wait3A_1212 = arith.constant 0 : i32
      %dma_wait3A_1213 = tpu.memref_slice %arg15[%dma_wait3A_1211, %dma_wait3A_1212] : memref<10240x128xf32, #tpu.memory_space<vmem_shared>> -> memref<10240x128xf32, #tpu.memory_space<vmem_shared>>
      tpu.wait_indirect_dma semaphore(%arg14 : memref<!tpu.dma_semaphore, #tpu.memory_space<semaphore_mem>>) src(%dma_wait3A_1207 : memref<64x128xf32, #tpu.memory_space<vmem>>) dst(%dma_wait3A_1213 : memref<10240x128xf32, #tpu.memory_space<vmem_shared>>)
      %add3A_1214 = arith.constant 2 : i32
      %add3A_1215 = arith.addi %add3A_1201, %add3A_1214 : i32
      %get3A_1216 = arith.index_cast %add3A_1215 : i32 to index
      %get3A_1217 = arith.constant 0 : index
      %get3A_1218 = tpu.vector_load %arg5[%get3A_1216, %get3A_1217] {strides = array<i32>} : memref<160x64xi32, #tpu.memory_space<vmem>>, vector<1x16xi32>,
      %get3A_1219 = vector.shape_cast %get3A_1218 : vector<1x16xi32> to vector<16xi32>
      %and3A_1220 = arith.constant 65535 : i32
      %and3A_1221 = vector.broadcast %and3A_1220 : i32 to vector<16xi32>
      %and3A_1222 = arith.andi %get3A_1219, %and3A_1221 : vector<16xi32>
      %swap3A_1223 = arith.constant 2 : i32
      %swap3A_1224 = arith.index_cast %swap3A_1223 : i32 to index
      %swap3A_1225 = arith.constant 0 : index
      %swap3A_1226 = tpu.vector_load %arg6[%swap3A_1224, %swap3A_1225] {strides = array<i32>} : memref<3x64xi32, #tpu.memory_space<vmem>>, vector<1x16xi32>,
      %swap3A_1227 = vector.shape_cast %swap3A_1226 : vector<1x16xi32> to vector<16xi32>
      %swap3A_1228 = vector.shape_cast %and3A_1222 : vector<16xi32> to vector<1x16xi32>
      tpu.vector_store %arg6[%swap3A_1224, %swap3A_1225], %swap3A_1228 {strides = array<i32>} : memref<3x64xi32, #tpu.memory_space<vmem>>, vector<1x16xi32>,
      %shift_right_logical3A_1229 = arith.constant 16 : i32
      %shift_right_logical3A_1230 = vector.broadcast %shift_right_logical3A_1229 : i32 to vector<16xi32>
      %shift_right_logical3A_1231 = arith.shrui %get3A_1219, %shift_right_logical3A_1230 : vector<16xi32>
      %swap3A_1232 = arith.constant 2 : i32
      %swap3A_1233 = arith.index_cast %swap3A_1232 : i32 to index
      %swap3A_1234 = arith.constant 0 : index
      %swap3A_1235 = tpu.vector_load %arg7[%swap3A_1233, %swap3A_1234] {strides = array<i32>} : memref<3x64xi32, #tpu.memory_space<vmem>>, vector<1x16xi32>,
      %swap3A_1236 = vector.shape_cast %swap3A_1235 : vector<1x16xi32> to vector<16xi32>
      %swap3A_1237 = vector.shape_cast %shift_right_logical3A_1231 : vector<16xi32> to vector<1x16xi32>
      tpu.vector_store %arg7[%swap3A_1233, %swap3A_1234], %swap3A_1237 {strides = array<i32>} : memref<3x64xi32, #tpu.memory_space<vmem>>, vector<1x16xi32>,
      %get3A_1238 = arith.index_cast %add3A_1215 : i32 to index
      %get3A_1239 = arith.constant 16 : index
      %get3A_1240 = tpu.vector_load %arg5[%get3A_1238, %get3A_1239] {strides = array<i32>} : memref<160x64xi32, #tpu.memory_space<vmem>>, vector<1x16xi32>,
      %get3A_1241 = vector.shape_cast %get3A_1240 : vector<1x16xi32> to vector<16xi32>
      %and3A_1242 = arith.constant 65535 : i32
      %and3A_1243 = vector.broadcast %and3A_1242 : i32 to vector<16xi32>
      %and3A_1244 = arith.andi %get3A_1241, %and3A_1243 : vector<16xi32>
      %swap3A_1245 = arith.constant 2 : i32
      %swap3A_1246 = arith.index_cast %swap3A_1245 : i32 to index
      %swap3A_1247 = arith.constant 16 : index
      %swap3A_1248 = tpu.vector_load %arg6[%swap3A_1246, %swap3A_1247] {strides = array<i32>} : memref<3x64xi32, #tpu.memory_space<vmem>>, vector<1x16xi32>,
      %swap3A_1249 = vector.shape_cast %swap3A_1248 : vector<1x16xi32> to vector<16xi32>
      %swap3A_1250 = vector.shape_cast %and3A_1244 : vector<16xi32> to vector<1x16xi32>
      tpu.vector_store %arg6[%swap3A_1246, %swap3A_1247], %swap3A_1250 {strides = array<i32>} : memref<3x64xi32, #tpu.memory_space<vmem>>, vector<1x16xi32>,
      %shift_right_logical3A_1251 = arith.constant 16 : i32
      %shift_right_logical3A_1252 = vector.broadcast %shift_right_logical3A_1251 : i32 to vector<16xi32>
      %shift_right_logical3A_1253 = arith.shrui %get3A_1241, %shift_right_logical3A_1252 : vector<16xi32>
      %swap3A_1254 = arith.constant 2 : i32
      %swap3A_1255 = arith.index_cast %swap3A_1254 : i32 to index
      %swap3A_1256 = arith.constant 16 : index
      %swap3A_1257 = tpu.vector_load %arg7[%swap3A_1255, %swap3A_1256] {strides = array<i32>} : memref<3x64xi32, #tpu.memory_space<vmem>>, vector<1x16xi32>,
      %swap3A_1258 = vector.shape_cast %swap3A_1257 : vector<1x16xi32> to vector<16xi32>
      %swap3A_1259 = vector.shape_cast %shift_right_logical3A_1253 : vector<16xi32> to vector<1x16xi32>
      tpu.vector_store %arg7[%swap3A_1255, %swap3A_1256], %swap3A_1259 {strides = array<i32>} : memref<3x64xi32, #tpu.memory_space<vmem>>, vector<1x16xi32>,
      %get3A_1260 = arith.index_cast %add3A_1215 : i32 to index
      %get3A_1261 = arith.constant 32 : index
      %get3A_1262 = tpu.vector_load %arg5[%get3A_1260, %get3A_1261] {strides = array<i32>} : memref<160x64xi32, #tpu.memory_space<vmem>>, vector<1x16xi32>,
      %get3A_1263 = vector.shape_cast %get3A_1262 : vector<1x16xi32> to vector<16xi32>
      %and3A_1264 = arith.constant 65535 : i32
      %and3A_1265 = vector.broadcast %and3A_1264 : i32 to vector<16xi32>
      %and3A_1266 = arith.andi %get3A_1263, %and3A_1265 : vector<16xi32>
      %swap3A_1267 = arith.constant 2 : i32
      %swap3A_1268 = arith.index_cast %swap3A_1267 : i32 to index
      %swap3A_1269 = arith.constant 32 : index
      %swap3A_1270 = tpu.vector_load %arg6[%swap3A_1268, %swap3A_1269] {strides = array<i32>} : memref<3x64xi32, #tpu.memory_space<vmem>>, vector<1x16xi32>,
      %swap3A_1271 = vector.shape_cast %swap3A_1270 : vector<1x16xi32> to vector<16xi32>
      %swap3A_1272 = vector.shape_cast %and3A_1266 : vector<16xi32> to vector<1x16xi32>
      tpu.vector_store %arg6[%swap3A_1268, %swap3A_1269], %swap3A_1272 {strides = array<i32>} : memref<3x64xi32, #tpu.memory_space<vmem>>, vector<1x16xi32>,
      %shift_right_logical3A_1273 = arith.constant 16 : i32
      %shift_right_logical3A_1274 = vector.broadcast %shift_right_logical3A_1273 : i32 to vector<16xi32>
      %shift_right_logical3A_1275 = arith.shrui %get3A_1263, %shift_right_logical3A_1274 : vector<16xi32>
      %swap3A_1276 = arith.constant 2 : i32
      %swap3A_1277 = arith.index_cast %swap3A_1276 : i32 to index
      %swap3A_1278 = arith.constant 32 : index
      %swap3A_1279 = tpu.vector_load %arg7[%swap3A_1277, %swap3A_1278] {strides = array<i32>} : memref<3x64xi32, #tpu.memory_space<vmem>>, vector<1x16xi32>,
      %swap3A_1280 = vector.shape_cast %swap3A_1279 : vector<1x16xi32> to vector<16xi32>
      %swap3A_1281 = vector.shape_cast %shift_right_logical3A_1275 : vector<16xi32> to vector<1x16xi32>
      tpu.vector_store %arg7[%swap3A_1277, %swap3A_1278], %swap3A_1281 {strides = array<i32>} : memref<3x64xi32, #tpu.memory_space<vmem>>, vector<1x16xi32>,
      %get3A_1282 = arith.index_cast %add3A_1215 : i32 to index
      %get3A_1283 = arith.constant 48 : index
      %get3A_1284 = tpu.vector_load %arg5[%get3A_1282, %get3A_1283] {strides = array<i32>} : memref<160x64xi32, #tpu.memory_space<vmem>>, vector<1x16xi32>,
      %get3A_1285 = vector.shape_cast %get3A_1284 : vector<1x16xi32> to vector<16xi32>
      %and3A_1286 = arith.constant 65535 : i32
      %and3A_1287 = vector.broadcast %and3A_1286 : i32 to vector<16xi32>
      %and3A_1288 = arith.andi %get3A_1285, %and3A_1287 : vector<16xi32>
      %swap3A_1289 = arith.constant 2 : i32
      %swap3A_1290 = arith.index_cast %swap3A_1289 : i32 to index
      %swap3A_1291 = arith.constant 48 : index
      %swap3A_1292 = tpu.vector_load %arg6[%swap3A_1290, %swap3A_1291] {strides = array<i32>} : memref<3x64xi32, #tpu.memory_space<vmem>>, vector<1x16xi32>,
      %swap3A_1293 = vector.shape_cast %swap3A_1292 : vector<1x16xi32> to vector<16xi32>
      %swap3A_1294 = vector.shape_cast %and3A_1288 : vector<16xi32> to vector<1x16xi32>
      tpu.vector_store %arg6[%swap3A_1290, %swap3A_1291], %swap3A_1294 {strides = array<i32>} : memref<3x64xi32, #tpu.memory_space<vmem>>, vector<1x16xi32>,
      %shift_right_logical3A_1295 = arith.constant 16 : i32
      %shift_right_logical3A_1296 = vector.broadcast %shift_right_logical3A_1295 : i32 to vector<16xi32>
      %shift_right_logical3A_1297 = arith.shrui %get3A_1285, %shift_right_logical3A_1296 : vector<16xi32>
      %swap3A_1298 = arith.constant 2 : i32
      %swap3A_1299 = arith.index_cast %swap3A_1298 : i32 to index
      %swap3A_1300 = arith.constant 48 : index
      %swap3A_1301 = tpu.vector_load %arg7[%swap3A_1299, %swap3A_1300] {strides = array<i32>} : memref<3x64xi32, #tpu.memory_space<vmem>>, vector<1x16xi32>,
      %swap3A_1302 = vector.shape_cast %swap3A_1301 : vector<1x16xi32> to vector<16xi32>
      %swap3A_1303 = vector.shape_cast %shift_right_logical3A_1297 : vector<16xi32> to vector<1x16xi32>
      tpu.vector_store %arg7[%swap3A_1299, %swap3A_1300], %swap3A_1303 {strides = array<i32>} : memref<3x64xi32, #tpu.memory_space<vmem>>, vector<1x16xi32>,
      %dma_start3A_1304 = arith.constant 2 : i32
      %dma_start3A_1305 = arith.constant 2 : i32
      %dma_start3A_1306 = arith.constant 0 : i32
      %dma_start3A_1307 = arith.constant 0 : i32
      %dma_start3A_1308 = tpu.memref_slice %arg8[%dma_start3A_1305, %dma_start3A_1306, %dma_start3A_1307] : memref<3x64x128xf32, #tpu.memory_space<vmem>> -> memref<1x64x128xf32, #tpu.memory_space<vmem>>
      %dma_start3A_1309 = tpu.memref_squeeze %dma_start3A_1308 : memref<1x64x128xf32, #tpu.memory_space<vmem>> -> memref<64x128xf32, #tpu.memory_space<vmem>>
      %dma_start3A_1310 = arith.constant 0 : i32
      %dma_start3A_1311 = tpu.memref_slice %arg6[%dma_start3A_1304, %dma_start3A_1310] : memref<3x64xi32, #tpu.memory_space<vmem>> -> memref<1x64xi32, #tpu.memory_space<vmem>>
      %dma_start3A_1312 = tpu.memref_squeeze %dma_start3A_1311 : memref<1x64xi32, #tpu.memory_space<vmem>> -> memref<64xi32, #tpu.memory_space<vmem>>
      %dma_start3A_1313 = arith.constant 0 : i32
      %dma_start3A_1314 = arith.constant 0 : i32
      %dma_start3A_1315 = tpu.memref_slice %arg2[%dma_start3A_1313, %dma_start3A_1314] : memref<10000x128xf32, #tpu.memory_space<hbm>> -> memref<10000x128xf32, #tpu.memory_space<hbm>>
      tpu.enqueue_indirect_dma source(%dma_start3A_1315 : memref<10000x128xf32, #tpu.memory_space<hbm>>) target(%dma_start3A_1309 : memref<64x128xf32, #tpu.memory_space<vmem>>) offsets(%dma_start3A_1312 : memref<64xi32, #tpu.memory_space<vmem>>) semaphore(%arg11 : memref<!tpu.dma_semaphore, #tpu.memory_space<semaphore_mem>>)
      %dma_wait3A_1316 = arith.constant 0 : i32
      %dma_wait3A_1317 = arith.constant 0 : i32
      %dma_wait3A_1318 = arith.constant 0 : i32
      %dma_wait3A_1319 = arith.constant 0 : i32
      %dma_wait3A_1320 = tpu.memref_slice %arg8[%dma_wait3A_1317, %dma_wait3A_1318, %dma_wait3A_1319] : memref<3x64x128xf32, #tpu.memory_space<vmem>> -> memref<1x64x128xf32, #tpu.memory_space<vmem>>
      %dma_wait3A_1321 = tpu.memref_squeeze %dma_wait3A_1320 : memref<1x64x128xf32, #tpu.memory_space<vmem>> -> memref<64x128xf32, #tpu.memory_space<vmem>>
      %dma_wait3A_1322 = arith.constant 0 : i32
      %dma_wait3A_1323 = tpu.memref_slice %arg6[%dma_wait3A_1316, %dma_wait3A_1322] : memref<3x64xi32, #tpu.memory_space<vmem>> -> memref<1x64xi32, #tpu.memory_space<vmem>>
      %dma_wait3A_1324 = tpu.memref_squeeze %dma_wait3A_1323 : memref<1x64xi32, #tpu.memory_space<vmem>> -> memref<64xi32, #tpu.memory_space<vmem>>
      %dma_wait3A_1325 = arith.constant 0 : i32
      %dma_wait3A_1326 = arith.constant 0 : i32
      %dma_wait3A_1327 = tpu.memref_slice %arg2[%dma_wait3A_1325, %dma_wait3A_1326] : memref<10000x128xf32, #tpu.memory_space<hbm>> -> memref<10000x128xf32, #tpu.memory_space<hbm>>
      tpu.wait_indirect_dma semaphore(%arg9 : memref<!tpu.dma_semaphore, #tpu.memory_space<semaphore_mem>>) src(%dma_wait3A_1327 : memref<10000x128xf32, #tpu.memory_space<hbm>>) dst(%dma_wait3A_1321 : memref<64x128xf32, #tpu.memory_space<vmem>>)
      %dma_start3A_1328 = arith.constant 0 : i32
      %dma_start3A_1329 = arith.constant 0 : i32
      %dma_start3A_1330 = arith.constant 0 : i32
      %dma_start3A_1331 = arith.constant 0 : i32
      %dma_start3A_1332 = tpu.memref_slice %arg8[%dma_start3A_1328, %dma_start3A_1330, %dma_start3A_1331] : memref<3x64x128xf32, #tpu.memory_space<vmem>> -> memref<1x64x128xf32, #tpu.memory_space<vmem>>
      %dma_start3A_1333 = tpu.memref_squeeze %dma_start3A_1332 : memref<1x64x128xf32, #tpu.memory_space<vmem>> -> memref<64x128xf32, #tpu.memory_space<vmem>>
      %dma_start3A_1334 = arith.constant 0 : i32
      %dma_start3A_1335 = tpu.memref_slice %arg7[%dma_start3A_1329, %dma_start3A_1334] : memref<3x64xi32, #tpu.memory_space<vmem>> -> memref<1x64xi32, #tpu.memory_space<vmem>>
      %dma_start3A_1336 = tpu.memref_squeeze %dma_start3A_1335 : memref<1x64xi32, #tpu.memory_space<vmem>> -> memref<64xi32, #tpu.memory_space<vmem>>
      %dma_start3A_1337 = arith.constant 0 : i32
      %dma_start3A_1338 = arith.constant 0 : i32
      %dma_start3A_1339 = tpu.memref_slice %arg15[%dma_start3A_1337, %dma_start3A_1338] : memref<10240x128xf32, #tpu.memory_space<vmem_shared>> -> memref<10240x128xf32, #tpu.memory_space<vmem_shared>>
      tpu.enqueue_indirect_dma source(%dma_start3A_1333 : memref<64x128xf32, #tpu.memory_space<vmem>>) target(%dma_start3A_1339 : memref<10240x128xf32, #tpu.memory_space<vmem_shared>>) offsets(%dma_start3A_1336 : memref<64xi32, #tpu.memory_space<vmem>>) semaphore(%arg12 : memref<!tpu.dma_semaphore, #tpu.memory_space<semaphore_mem>>) {add = true}
      %mul3A_1340 = arith.constant 3 : i32
      %mul3A_1341 = arith.muli %mul3A_1340, %scan3A_1051 : i32
      %add3A_1342 = arith.constant 2 : i32
      %add3A_1343 = arith.addi %mul3A_1341, %add3A_1342 : i32
      %add3A_1344 = arith.constant 2 : i32
      %add3A_1345 = arith.addi %add3A_1343, %add3A_1344 : i32
      %dma_wait3A_1346 = arith.constant 0 : i32
      %dma_wait3A_1347 = arith.constant 0 : i32
      %dma_wait3A_1348 = arith.constant 0 : i32
      %dma_wait3A_1349 = arith.constant 0 : i32
      %dma_wait3A_1350 = tpu.memref_slice %arg8[%dma_wait3A_1346, %dma_wait3A_1348, %dma_wait3A_1349] : memref<3x64x128xf32, #tpu.memory_space<vmem>> -> memref<1x64x128xf32, #tpu.memory_space<vmem>>
      %dma_wait3A_1351 = tpu.memref_squeeze %dma_wait3A_1350 : memref<1x64x128xf32, #tpu.memory_space<vmem>> -> memref<64x128xf32, #tpu.memory_space<vmem>>
      %dma_wait3A_1352 = arith.constant 0 : i32
      %dma_wait3A_1353 = tpu.memref_slice %arg7[%dma_wait3A_1347, %dma_wait3A_1352] : memref<3x64xi32, #tpu.memory_space<vmem>> -> memref<1x64xi32, #tpu.memory_space<vmem>>
      %dma_wait3A_1354 = tpu.memref_squeeze %dma_wait3A_1353 : memref<1x64xi32, #tpu.memory_space<vmem>> -> memref<64xi32, #tpu.memory_space<vmem>>
      %dma_wait3A_1355 = arith.constant 0 : i32
      %dma_wait3A_1356 = arith.constant 0 : i32
      %dma_wait3A_1357 = tpu.memref_slice %arg15[%dma_wait3A_1355, %dma_wait3A_1356] : memref<10240x128xf32, #tpu.memory_space<vmem_shared>> -> memref<10240x128xf32, #tpu.memory_space<vmem_shared>>
      tpu.wait_indirect_dma semaphore(%arg12 : memref<!tpu.dma_semaphore, #tpu.memory_space<semaphore_mem>>) src(%dma_wait3A_1351 : memref<64x128xf32, #tpu.memory_space<vmem>>) dst(%dma_wait3A_1357 : memref<10240x128xf32, #tpu.memory_space<vmem_shared>>)
      %add3A_1358 = arith.constant 2 : i32
      %add3A_1359 = arith.addi %add3A_1345, %add3A_1358 : i32
      %get3A_1360 = arith.index_cast %add3A_1359 : i32 to index
      %get3A_1361 = arith.constant 0 : index
      %get3A_1362 = tpu.vector_load %arg5[%get3A_1360, %get3A_1361] {strides = array<i32>} : memref<160x64xi32, #tpu.memory_space<vmem>>, vector<1x16xi32>,
      %get3A_1363 = vector.shape_cast %get3A_1362 : vector<1x16xi32> to vector<16xi32>
      %and3A_1364 = arith.constant 65535 : i32
      %and3A_1365 = vector.broadcast %and3A_1364 : i32 to vector<16xi32>
      %and3A_1366 = arith.andi %get3A_1363, %and3A_1365 : vector<16xi32>
      %swap3A_1367 = arith.constant 0 : i32
      %swap3A_1368 = arith.index_cast %swap3A_1367 : i32 to index
      %swap3A_1369 = arith.constant 0 : index
      %swap3A_1370 = tpu.vector_load %arg6[%swap3A_1368, %swap3A_1369] {strides = array<i32>} : memref<3x64xi32, #tpu.memory_space<vmem>>, vector<1x16xi32>,
      %swap3A_1371 = vector.shape_cast %swap3A_1370 : vector<1x16xi32> to vector<16xi32>
      %swap3A_1372 = vector.shape_cast %and3A_1366 : vector<16xi32> to vector<1x16xi32>
      tpu.vector_store %arg6[%swap3A_1368, %swap3A_1369], %swap3A_1372 {strides = array<i32>} : memref<3x64xi32, #tpu.memory_space<vmem>>, vector<1x16xi32>,
      %shift_right_logical3A_1373 = arith.constant 16 : i32
      %shift_right_logical3A_1374 = vector.broadcast %shift_right_logical3A_1373 : i32 to vector<16xi32>
      %shift_right_logical3A_1375 = arith.shrui %get3A_1363, %shift_right_logical3A_1374 : vector<16xi32>
      %swap3A_1376 = arith.constant 0 : i32
      %swap3A_1377 = arith.index_cast %swap3A_1376 : i32 to index
      %swap3A_1378 = arith.constant 0 : index
      %swap3A_1379 = tpu.vector_load %arg7[%swap3A_1377, %swap3A_1378] {strides = array<i32>} : memref<3x64xi32, #tpu.memory_space<vmem>>, vector<1x16xi32>,
      %swap3A_1380 = vector.shape_cast %swap3A_1379 : vector<1x16xi32> to vector<16xi32>
      %swap3A_1381 = vector.shape_cast %shift_right_logical3A_1375 : vector<16xi32> to vector<1x16xi32>
      tpu.vector_store %arg7[%swap3A_1377, %swap3A_1378], %swap3A_1381 {strides = array<i32>} : memref<3x64xi32, #tpu.memory_space<vmem>>, vector<1x16xi32>,
      %get3A_1382 = arith.index_cast %add3A_1359 : i32 to index
      %get3A_1383 = arith.constant 16 : index
      %get3A_1384 = tpu.vector_load %arg5[%get3A_1382, %get3A_1383] {strides = array<i32>} : memref<160x64xi32, #tpu.memory_space<vmem>>, vector<1x16xi32>,
      %get3A_1385 = vector.shape_cast %get3A_1384 : vector<1x16xi32> to vector<16xi32>
      %and3A_1386 = arith.constant 65535 : i32
      %and3A_1387 = vector.broadcast %and3A_1386 : i32 to vector<16xi32>
      %and3A_1388 = arith.andi %get3A_1385, %and3A_1387 : vector<16xi32>
      %swap3A_1389 = arith.constant 0 : i32
      %swap3A_1390 = arith.index_cast %swap3A_1389 : i32 to index
      %swap3A_1391 = arith.constant 16 : index
      %swap3A_1392 = tpu.vector_load %arg6[%swap3A_1390, %swap3A_1391] {strides = array<i32>} : memref<3x64xi32, #tpu.memory_space<vmem>>, vector<1x16xi32>,
      %swap3A_1393 = vector.shape_cast %swap3A_1392 : vector<1x16xi32> to vector<16xi32>
      %swap3A_1394 = vector.shape_cast %and3A_1388 : vector<16xi32> to vector<1x16xi32>
      tpu.vector_store %arg6[%swap3A_1390, %swap3A_1391], %swap3A_1394 {strides = array<i32>} : memref<3x64xi32, #tpu.memory_space<vmem>>, vector<1x16xi32>,
      %shift_right_logical3A_1395 = arith.constant 16 : i32
      %shift_right_logical3A_1396 = vector.broadcast %shift_right_logical3A_1395 : i32 to vector<16xi32>
      %shift_right_logical3A_1397 = arith.shrui %get3A_1385, %shift_right_logical3A_1396 : vector<16xi32>
      %swap3A_1398 = arith.constant 0 : i32
      %swap3A_1399 = arith.index_cast %swap3A_1398 : i32 to index
      %swap3A_1400 = arith.constant 16 : index
      %swap3A_1401 = tpu.vector_load %arg7[%swap3A_1399, %swap3A_1400] {strides = array<i32>} : memref<3x64xi32, #tpu.memory_space<vmem>>, vector<1x16xi32>,
      %swap3A_1402 = vector.shape_cast %swap3A_1401 : vector<1x16xi32> to vector<16xi32>
      %swap3A_1403 = vector.shape_cast %shift_right_logical3A_1397 : vector<16xi32> to vector<1x16xi32>
      tpu.vector_store %arg7[%swap3A_1399, %swap3A_1400], %swap3A_1403 {strides = array<i32>} : memref<3x64xi32, #tpu.memory_space<vmem>>, vector<1x16xi32>,
      %get3A_1404 = arith.index_cast %add3A_1359 : i32 to index
      %get3A_1405 = arith.constant 32 : index
      %get3A_1406 = tpu.vector_load %arg5[%get3A_1404, %get3A_1405] {strides = array<i32>} : memref<160x64xi32, #tpu.memory_space<vmem>>, vector<1x16xi32>,
      %get3A_1407 = vector.shape_cast %get3A_1406 : vector<1x16xi32> to vector<16xi32>
      %and3A_1408 = arith.constant 65535 : i32
      %and3A_1409 = vector.broadcast %and3A_1408 : i32 to vector<16xi32>
      %and3A_1410 = arith.andi %get3A_1407, %and3A_1409 : vector<16xi32>
      %swap3A_1411 = arith.constant 0 : i32
      %swap3A_1412 = arith.index_cast %swap3A_1411 : i32 to index
      %swap3A_1413 = arith.constant 32 : index
      %swap3A_1414 = tpu.vector_load %arg6[%swap3A_1412, %swap3A_1413] {strides = array<i32>} : memref<3x64xi32, #tpu.memory_space<vmem>>, vector<1x16xi32>,
      %swap3A_1415 = vector.shape_cast %swap3A_1414 : vector<1x16xi32> to vector<16xi32>
      %swap3A_1416 = vector.shape_cast %and3A_1410 : vector<16xi32> to vector<1x16xi32>
      tpu.vector_store %arg6[%swap3A_1412, %swap3A_1413], %swap3A_1416 {strides = array<i32>} : memref<3x64xi32, #tpu.memory_space<vmem>>, vector<1x16xi32>,
      %shift_right_logical3A_1417 = arith.constant 16 : i32
      %shift_right_logical3A_1418 = vector.broadcast %shift_right_logical3A_1417 : i32 to vector<16xi32>
      %shift_right_logical3A_1419 = arith.shrui %get3A_1407, %shift_right_logical3A_1418 : vector<16xi32>
      %swap3A_1420 = arith.constant 0 : i32
      %swap3A_1421 = arith.index_cast %swap3A_1420 : i32 to index
      %swap3A_1422 = arith.constant 32 : index
      %swap3A_1423 = tpu.vector_load %arg7[%swap3A_1421, %swap3A_1422] {strides = array<i32>} : memref<3x64xi32, #tpu.memory_space<vmem>>, vector<1x16xi32>,
      %swap3A_1424 = vector.shape_cast %swap3A_1423 : vector<1x16xi32> to vector<16xi32>
      %swap3A_1425 = vector.shape_cast %shift_right_logical3A_1419 : vector<16xi32> to vector<1x16xi32>
      tpu.vector_store %arg7[%swap3A_1421, %swap3A_1422], %swap3A_1425 {strides = array<i32>} : memref<3x64xi32, #tpu.memory_space<vmem>>, vector<1x16xi32>,
      %get3A_1426 = arith.index_cast %add3A_1359 : i32 to index
      %get3A_1427 = arith.constant 48 : index
      %get3A_1428 = tpu.vector_load %arg5[%get3A_1426, %get3A_1427] {strides = array<i32>} : memref<160x64xi32, #tpu.memory_space<vmem>>, vector<1x16xi32>,
      %get3A_1429 = vector.shape_cast %get3A_1428 : vector<1x16xi32> to vector<16xi32>
      %and3A_1430 = arith.constant 65535 : i32
      %and3A_1431 = vector.broadcast %and3A_1430 : i32 to vector<16xi32>
      %and3A_1432 = arith.andi %get3A_1429, %and3A_1431 : vector<16xi32>
      %swap3A_1433 = arith.constant 0 : i32
      %swap3A_1434 = arith.index_cast %swap3A_1433 : i32 to index
      %swap3A_1435 = arith.constant 48 : index
      %swap3A_1436 = tpu.vector_load %arg6[%swap3A_1434, %swap3A_1435] {strides = array<i32>} : memref<3x64xi32, #tpu.memory_space<vmem>>, vector<1x16xi32>,
      %swap3A_1437 = vector.shape_cast %swap3A_1436 : vector<1x16xi32> to vector<16xi32>
      %swap3A_1438 = vector.shape_cast %and3A_1432 : vector<16xi32> to vector<1x16xi32>
      tpu.vector_store %arg6[%swap3A_1434, %swap3A_1435], %swap3A_1438 {strides = array<i32>} : memref<3x64xi32, #tpu.memory_space<vmem>>, vector<1x16xi32>,
      %shift_right_logical3A_1439 = arith.constant 16 : i32
      %shift_right_logical3A_1440 = vector.broadcast %shift_right_logical3A_1439 : i32 to vector<16xi32>
      %shift_right_logical3A_1441 = arith.shrui %get3A_1429, %shift_right_logical3A_1440 : vector<16xi32>
      %swap3A_1442 = arith.constant 0 : i32
      %swap3A_1443 = arith.index_cast %swap3A_1442 : i32 to index
      %swap3A_1444 = arith.constant 48 : index
      %swap3A_1445 = tpu.vector_load %arg7[%swap3A_1443, %swap3A_1444] {strides = array<i32>} : memref<3x64xi32, #tpu.memory_space<vmem>>, vector<1x16xi32>,
      %swap3A_1446 = vector.shape_cast %swap3A_1445 : vector<1x16xi32> to vector<16xi32>
      %swap3A_1447 = vector.shape_cast %shift_right_logical3A_1441 : vector<16xi32> to vector<1x16xi32>
      tpu.vector_store %arg7[%swap3A_1443, %swap3A_1444], %swap3A_1447 {strides = array<i32>} : memref<3x64xi32, #tpu.memory_space<vmem>>, vector<1x16xi32>,
      %dma_start3A_1448 = arith.constant 0 : i32
      %dma_start3A_1449 = arith.constant 0 : i32
      %dma_start3A_1450 = arith.constant 0 : i32
      %dma_start3A_1451 = arith.constant 0 : i32
      %dma_start3A_1452 = tpu.memref_slice %arg8[%dma_start3A_1449, %dma_start3A_1450, %dma_start3A_1451] : memref<3x64x128xf32, #tpu.memory_space<vmem>> -> memref<1x64x128xf32, #tpu.memory_space<vmem>>
      %dma_start3A_1453 = tpu.memref_squeeze %dma_start3A_1452 : memref<1x64x128xf32, #tpu.memory_space<vmem>> -> memref<64x128xf32, #tpu.memory_space<vmem>>
      %dma_start3A_1454 = arith.constant 0 : i32
      %dma_start3A_1455 = tpu.memref_slice %arg6[%dma_start3A_1448, %dma_start3A_1454] : memref<3x64xi32, #tpu.memory_space<vmem>> -> memref<1x64xi32, #tpu.memory_space<vmem>>
      %dma_start3A_1456 = tpu.memref_squeeze %dma_start3A_1455 : memref<1x64xi32, #tpu.memory_space<vmem>> -> memref<64xi32, #tpu.memory_space<vmem>>
      %dma_start3A_1457 = arith.constant 0 : i32
      %dma_start3A_1458 = arith.constant 0 : i32
      %dma_start3A_1459 = tpu.memref_slice %arg2[%dma_start3A_1457, %dma_start3A_1458] : memref<10000x128xf32, #tpu.memory_space<hbm>> -> memref<10000x128xf32, #tpu.memory_space<hbm>>
      tpu.enqueue_indirect_dma source(%dma_start3A_1459 : memref<10000x128xf32, #tpu.memory_space<hbm>>) target(%dma_start3A_1453 : memref<64x128xf32, #tpu.memory_space<vmem>>) offsets(%dma_start3A_1456 : memref<64xi32, #tpu.memory_space<vmem>>) semaphore(%arg9 : memref<!tpu.dma_semaphore, #tpu.memory_space<semaphore_mem>>)
      %dma_wait3A_1460 = arith.constant 1 : i32
      %dma_wait3A_1461 = arith.constant 1 : i32
      %dma_wait3A_1462 = arith.constant 0 : i32
      %dma_wait3A_1463 = arith.constant 0 : i32
      %dma_wait3A_1464 = tpu.memref_slice %arg8[%dma_wait3A_1461, %dma_wait3A_1462, %dma_wait3A_1463] : memref<3x64x128xf32, #tpu.memory_space<vmem>> -> memref<1x64x128xf32, #tpu.memory_space<vmem>>
      %dma_wait3A_1465 = tpu.memref_squeeze %dma_wait3A_1464 : memref<1x64x128xf32, #tpu.memory_space<vmem>> -> memref<64x128xf32, #tpu.memory_space<vmem>>
      %dma_wait3A_1466 = arith.constant 0 : i32
      %dma_wait3A_1467 = tpu.memref_slice %arg6[%dma_wait3A_1460, %dma_wait3A_1466] : memref<3x64xi32, #tpu.memory_space<vmem>> -> memref<1x64xi32, #tpu.memory_space<vmem>>
      %dma_wait3A_1468 = tpu.memref_squeeze %dma_wait3A_1467 : memref<1x64xi32, #tpu.memory_space<vmem>> -> memref<64xi32, #tpu.memory_space<vmem>>
      %dma_wait3A_1469 = arith.constant 0 : i32
      %dma_wait3A_1470 = arith.constant 0 : i32
      %dma_wait3A_1471 = tpu.memref_slice %arg2[%dma_wait3A_1469, %dma_wait3A_1470] : memref<10000x128xf32, #tpu.memory_space<hbm>> -> memref<10000x128xf32, #tpu.memory_space<hbm>>
      tpu.wait_indirect_dma semaphore(%arg10 : memref<!tpu.dma_semaphore, #tpu.memory_space<semaphore_mem>>) src(%dma_wait3A_1471 : memref<10000x128xf32, #tpu.memory_space<hbm>>) dst(%dma_wait3A_1465 : memref<64x128xf32, #tpu.memory_space<vmem>>)
      %dma_start3A_1472 = arith.constant 1 : i32
      %dma_start3A_1473 = arith.constant 1 : i32
      %dma_start3A_1474 = arith.constant 0 : i32
      %dma_start3A_1475 = arith.constant 0 : i32
      %dma_start3A_1476 = tpu.memref_slice %arg8[%dma_start3A_1472, %dma_start3A_1474, %dma_start3A_1475] : memref<3x64x128xf32, #tpu.memory_space<vmem>> -> memref<1x64x128xf32, #tpu.memory_space<vmem>>
      %dma_start3A_1477 = tpu.memref_squeeze %dma_start3A_1476 : memref<1x64x128xf32, #tpu.memory_space<vmem>> -> memref<64x128xf32, #tpu.memory_space<vmem>>
      %dma_start3A_1478 = arith.constant 0 : i32
      %dma_start3A_1479 = tpu.memref_slice %arg7[%dma_start3A_1473, %dma_start3A_1478] : memref<3x64xi32, #tpu.memory_space<vmem>> -> memref<1x64xi32, #tpu.memory_space<vmem>>
      %dma_start3A_1480 = tpu.memref_squeeze %dma_start3A_1479 : memref<1x64xi32, #tpu.memory_space<vmem>> -> memref<64xi32, #tpu.memory_space<vmem>>
      %dma_start3A_1481 = arith.constant 0 : i32
      %dma_start3A_1482 = arith.constant 0 : i32
      %dma_start3A_1483 = tpu.memref_slice %arg15[%dma_start3A_1481, %dma_start3A_1482] : memref<10240x128xf32, #tpu.memory_space<vmem_shared>> -> memref<10240x128xf32, #tpu.memory_space<vmem_shared>>
      tpu.enqueue_indirect_dma source(%dma_start3A_1477 : memref<64x128xf32, #tpu.memory_space<vmem>>) target(%dma_start3A_1483 : memref<10240x128xf32, #tpu.memory_space<vmem_shared>>) offsets(%dma_start3A_1480 : memref<64xi32, #tpu.memory_space<vmem>>) semaphore(%arg13 : memref<!tpu.dma_semaphore, #tpu.memory_space<semaphore_mem>>) {add = true}
    }
    %scan3A_835 = arith.constant 52 : i32
    %dma_wait3A_836 = arith.constant 1 : i32
    %dma_wait3A_837 = arith.constant 1 : i32
    %dma_wait3A_838 = arith.constant 0 : i32
    %dma_wait3A_839 = arith.constant 0 : i32
    %dma_wait3A_840 = tpu.memref_slice %arg8[%dma_wait3A_836, %dma_wait3A_838, %dma_wait3A_839] : memref<3x64x128xf32, #tpu.memory_space<vmem>> -> memref<1x64x128xf32, #tpu.memory_space<vmem>>
    %dma_wait3A_841 = tpu.memref_squeeze %dma_wait3A_840 : memref<1x64x128xf32, #tpu.memory_space<vmem>> -> memref<64x128xf32, #tpu.memory_space<vmem>>
    %dma_wait3A_842 = arith.constant 0 : i32
    %dma_wait3A_843 = tpu.memref_slice %arg7[%dma_wait3A_837, %dma_wait3A_842] : memref<3x64xi32, #tpu.memory_space<vmem>> -> memref<1x64xi32, #tpu.memory_space<vmem>>
    %dma_wait3A_844 = tpu.memref_squeeze %dma_wait3A_843 : memref<1x64xi32, #tpu.memory_space<vmem>> -> memref<64xi32, #tpu.memory_space<vmem>>
    %dma_wait3A_845 = arith.constant 0 : i32
    %dma_wait3A_846 = arith.constant 0 : i32
    %dma_wait3A_847 = tpu.memref_slice %arg15[%dma_wait3A_845, %dma_wait3A_846] : memref<10240x128xf32, #tpu.memory_space<vmem_shared>> -> memref<10240x128xf32, #tpu.memory_space<vmem_shared>>
    tpu.wait_indirect_dma semaphore(%arg13 : memref<!tpu.dma_semaphore, #tpu.memory_space<semaphore_mem>>) src(%dma_wait3A_841 : memref<64x128xf32, #tpu.memory_space<vmem>>) dst(%dma_wait3A_847 : memref<10240x128xf32, #tpu.memory_space<vmem_shared>>)
    %dma_wait3A_848 = arith.constant 2 : i32
    %dma_wait3A_849 = arith.constant 2 : i32
    %dma_wait3A_850 = arith.constant 0 : i32
    %dma_wait3A_851 = arith.constant 0 : i32
    %dma_wait3A_852 = tpu.memref_slice %arg8[%dma_wait3A_849, %dma_wait3A_850, %dma_wait3A_851] : memref<3x64x128xf32, #tpu.memory_space<vmem>> -> memref<1x64x128xf32, #tpu.memory_space<vmem>>
    %dma_wait3A_853 = tpu.memref_squeeze %dma_wait3A_852 : memref<1x64x128xf32, #tpu.memory_space<vmem>> -> memref<64x128xf32, #tpu.memory_space<vmem>>
    %dma_wait3A_854 = arith.constant 0 : i32
    %dma_wait3A_855 = tpu.memref_slice %arg6[%dma_wait3A_848, %dma_wait3A_854] : memref<3x64xi32, #tpu.memory_space<vmem>> -> memref<1x64xi32, #tpu.memory_space<vmem>>
    %dma_wait3A_856 = tpu.memref_squeeze %dma_wait3A_855 : memref<1x64xi32, #tpu.memory_space<vmem>> -> memref<64xi32, #tpu.memory_space<vmem>>
    %dma_wait3A_857 = arith.constant 0 : i32
    %dma_wait3A_858 = arith.constant 0 : i32
    %dma_wait3A_859 = tpu.memref_slice %arg2[%dma_wait3A_857, %dma_wait3A_858] : memref<10000x128xf32, #tpu.memory_space<hbm>> -> memref<10000x128xf32, #tpu.memory_space<hbm>>
    tpu.wait_indirect_dma semaphore(%arg11 : memref<!tpu.dma_semaphore, #tpu.memory_space<semaphore_mem>>) src(%dma_wait3A_859 : memref<10000x128xf32, #tpu.memory_space<hbm>>) dst(%dma_wait3A_853 : memref<64x128xf32, #tpu.memory_space<vmem>>)
    %dma_start3A_860 = arith.constant 2 : i32
    %dma_start3A_861 = arith.constant 2 : i32
    %dma_start3A_862 = arith.constant 0 : i32
    %dma_start3A_863 = arith.constant 0 : i32
    %dma_start3A_864 = tpu.memref_slice %arg8[%dma_start3A_860, %dma_start3A_862, %dma_start3A_863] : memref<3x64x128xf32, #tpu.memory_space<vmem>> -> memref<1x64x128xf32, #tpu.memory_space<vmem>>
    %dma_start3A_865 = tpu.memref_squeeze %dma_start3A_864 : memref<1x64x128xf32, #tpu.memory_space<vmem>> -> memref<64x128xf32, #tpu.memory_space<vmem>>
    %dma_start3A_866 = arith.constant 0 : i32
    %dma_start3A_867 = tpu.memref_slice %arg7[%dma_start3A_861, %dma_start3A_866] : memref<3x64xi32, #tpu.memory_space<vmem>> -> memref<1x64xi32, #tpu.memory_space<vmem>>
    %dma_start3A_868 = tpu.memref_squeeze %dma_start3A_867 : memref<1x64xi32, #tpu.memory_space<vmem>> -> memref<64xi32, #tpu.memory_space<vmem>>
    %dma_start3A_869 = arith.constant 0 : i32
    %dma_start3A_870 = arith.constant 0 : i32
    %dma_start3A_871 = tpu.memref_slice %arg15[%dma_start3A_869, %dma_start3A_870] : memref<10240x128xf32, #tpu.memory_space<vmem_shared>> -> memref<10240x128xf32, #tpu.memory_space<vmem_shared>>
    tpu.enqueue_indirect_dma source(%dma_start3A_865 : memref<64x128xf32, #tpu.memory_space<vmem>>) target(%dma_start3A_871 : memref<10240x128xf32, #tpu.memory_space<vmem_shared>>) offsets(%dma_start3A_868 : memref<64xi32, #tpu.memory_space<vmem>>) semaphore(%arg14 : memref<!tpu.dma_semaphore, #tpu.memory_space<semaphore_mem>>) {add = true}
    %dma_wait3A_872 = arith.constant 2 : i32
    %dma_wait3A_873 = arith.constant 2 : i32
    %dma_wait3A_874 = arith.constant 0 : i32
    %dma_wait3A_875 = arith.constant 0 : i32
    %dma_wait3A_876 = tpu.memref_slice %arg8[%dma_wait3A_872, %dma_wait3A_874, %dma_wait3A_875] : memref<3x64x128xf32, #tpu.memory_space<vmem>> -> memref<1x64x128xf32, #tpu.memory_space<vmem>>
    %dma_wait3A_877 = tpu.memref_squeeze %dma_wait3A_876 : memref<1x64x128xf32, #tpu.memory_space<vmem>> -> memref<64x128xf32, #tpu.memory_space<vmem>>
    %dma_wait3A_878 = arith.constant 0 : i32
    %dma_wait3A_879 = tpu.memref_slice %arg7[%dma_wait3A_873, %dma_wait3A_878] : memref<3x64xi32, #tpu.memory_space<vmem>> -> memref<1x64xi32, #tpu.memory_space<vmem>>
    %dma_wait3A_880 = tpu.memref_squeeze %dma_wait3A_879 : memref<1x64xi32, #tpu.memory_space<vmem>> -> memref<64xi32, #tpu.memory_space<vmem>>
    %dma_wait3A_881 = arith.constant 0 : i32
    %dma_wait3A_882 = arith.constant 0 : i32
    %dma_wait3A_883 = tpu.memref_slice %arg15[%dma_wait3A_881, %dma_wait3A_882] : memref<10240x128xf32, #tpu.memory_space<vmem_shared>> -> memref<10240x128xf32, #tpu.memory_space<vmem_shared>>
    tpu.wait_indirect_dma semaphore(%arg14 : memref<!tpu.dma_semaphore, #tpu.memory_space<semaphore_mem>>) src(%dma_wait3A_877 : memref<64x128xf32, #tpu.memory_space<vmem>>) dst(%dma_wait3A_883 : memref<10240x128xf32, #tpu.memory_space<vmem_shared>>)
    %dma_wait3A_884 = arith.constant 0 : i32
    %dma_wait3A_885 = arith.constant 0 : i32
    %dma_wait3A_886 = arith.constant 0 : i32
    %dma_wait3A_887 = arith.constant 0 : i32
    %dma_wait3A_888 = tpu.memref_slice %arg8[%dma_wait3A_885, %dma_wait3A_886, %dma_wait3A_887] : memref<3x64x128xf32, #tpu.memory_space<vmem>> -> memref<1x64x128xf32, #tpu.memory_space<vmem>>
    %dma_wait3A_889 = tpu.memref_squeeze %dma_wait3A_888 : memref<1x64x128xf32, #tpu.memory_space<vmem>> -> memref<64x128xf32, #tpu.memory_space<vmem>>
    %dma_wait3A_890 = arith.constant 0 : i32
    %dma_wait3A_891 = tpu.memref_slice %arg6[%dma_wait3A_884, %dma_wait3A_890] : memref<3x64xi32, #tpu.memory_space<vmem>> -> memref<1x64xi32, #tpu.memory_space<vmem>>
    %dma_wait3A_892 = tpu.memref_squeeze %dma_wait3A_891 : memref<1x64xi32, #tpu.memory_space<vmem>> -> memref<64xi32, #tpu.memory_space<vmem>>
    %dma_wait3A_893 = arith.constant 0 : i32
    %dma_wait3A_894 = arith.constant 0 : i32
    %dma_wait3A_895 = tpu.memref_slice %arg2[%dma_wait3A_893, %dma_wait3A_894] : memref<10000x128xf32, #tpu.memory_space<hbm>> -> memref<10000x128xf32, #tpu.memory_space<hbm>>
    tpu.wait_indirect_dma semaphore(%arg9 : memref<!tpu.dma_semaphore, #tpu.memory_space<semaphore_mem>>) src(%dma_wait3A_895 : memref<10000x128xf32, #tpu.memory_space<hbm>>) dst(%dma_wait3A_889 : memref<64x128xf32, #tpu.memory_space<vmem>>)
    %dma_start3A_896 = arith.constant 0 : i32
    %dma_start3A_897 = arith.constant 0 : i32
    %dma_start3A_898 = arith.constant 0 : i32
    %dma_start3A_899 = arith.constant 0 : i32
    %dma_start3A_900 = tpu.memref_slice %arg8[%dma_start3A_896, %dma_start3A_898, %dma_start3A_899] : memref<3x64x128xf32, #tpu.memory_space<vmem>> -> memref<1x64x128xf32, #tpu.memory_space<vmem>>
    %dma_start3A_901 = tpu.memref_squeeze %dma_start3A_900 : memref<1x64x128xf32, #tpu.memory_space<vmem>> -> memref<64x128xf32, #tpu.memory_space<vmem>>
    %dma_start3A_902 = arith.constant 0 : i32
    %dma_start3A_903 = tpu.memref_slice %arg7[%dma_start3A_897, %dma_start3A_902] : memref<3x64xi32, #tpu.memory_space<vmem>> -> memref<1x64xi32, #tpu.memory_space<vmem>>
    %dma_start3A_904 = tpu.memref_squeeze %dma_start3A_903 : memref<1x64xi32, #tpu.memory_space<vmem>> -> memref<64xi32, #tpu.memory_space<vmem>>
    %dma_start3A_905 = arith.constant 0 : i32
    %dma_start3A_906 = arith.constant 0 : i32
    %dma_start3A_907 = tpu.memref_slice %arg15[%dma_start3A_905, %dma_start3A_906] : memref<10240x128xf32, #tpu.memory_space<vmem_shared>> -> memref<10240x128xf32, #tpu.memory_space<vmem_shared>>
    tpu.enqueue_indirect_dma source(%dma_start3A_901 : memref<64x128xf32, #tpu.memory_space<vmem>>) target(%dma_start3A_907 : memref<10240x128xf32, #tpu.memory_space<vmem_shared>>) offsets(%dma_start3A_904 : memref<64xi32, #tpu.memory_space<vmem>>) semaphore(%arg12 : memref<!tpu.dma_semaphore, #tpu.memory_space<semaphore_mem>>) {add = true}
    %dma_wait3A_908 = arith.constant 0 : i32
    %dma_wait3A_909 = arith.constant 0 : i32
    %dma_wait3A_910 = arith.constant 0 : i32
    %dma_wait3A_911 = arith.constant 0 : i32
    %dma_wait3A_912 = tpu.memref_slice %arg8[%dma_wait3A_908, %dma_wait3A_910, %dma_wait3A_911] : memref<3x64x128xf32, #tpu.memory_space<vmem>> -> memref<1x64x128xf32, #tpu.memory_space<vmem>>
    %dma_wait3A_913 = tpu.memref_squeeze %dma_wait3A_912 : memref<1x64x128xf32, #tpu.memory_space<vmem>> -> memref<64x128xf32, #tpu.memory_space<vmem>>
    %dma_wait3A_914 = arith.constant 0 : i32
    %dma_wait3A_915 = tpu.memref_slice %arg7[%dma_wait3A_909, %dma_wait3A_914] : memref<3x64xi32, #tpu.memory_space<vmem>> -> memref<1x64xi32, #tpu.memory_space<vmem>>
    %dma_wait3A_916 = tpu.memref_squeeze %dma_wait3A_915 : memref<1x64xi32, #tpu.memory_space<vmem>> -> memref<64xi32, #tpu.memory_space<vmem>>
    %dma_wait3A_917 = arith.constant 0 : i32
    %dma_wait3A_918 = arith.constant 0 : i32
    %dma_wait3A_919 = tpu.memref_slice %arg15[%dma_wait3A_917, %dma_wait3A_918] : memref<10240x128xf32, #tpu.memory_space<vmem_shared>> -> memref<10240x128xf32, #tpu.memory_space<vmem_shared>>
    tpu.wait_indirect_dma semaphore(%arg12 : memref<!tpu.dma_semaphore, #tpu.memory_space<semaphore_mem>>) src(%dma_wait3A_913 : memref<64x128xf32, #tpu.memory_space<vmem>>) dst(%dma_wait3A_919 : memref<10240x128xf32, #tpu.memory_space<vmem_shared>>)
    %barrier3A_920 = arith.constant 0 : index
    tpu.barrier barrier_id(%barrier3A_920)
    %mul3A_921 = arith.constant 640 : i32
    %mul3A_922 = arith.muli %arg1, %mul3A_921 : i32
    %add3A_923 = arith.constant 0 : i32
    %add3A_924 = arith.addi %mul3A_922, %add3A_923 : i32
    %mul3A_925 = arith.constant 640 : i32
    %mul3A_926 = arith.muli %arg1, %mul3A_925 : i32
    %add3A_927 = arith.constant 0 : i32
    %add3A_928 = arith.addi %mul3A_926, %add3A_927 : i32
    %dma_start3A_929 = arith.constant 0 : i32
    %dma_start3A_930 = tpu.memref_slice %arg4[%arg0, %add3A_928, %dma_start3A_929] : memref<2x10240x128xf32, #tpu.memory_space<hbm>> -> memref<1x128x128xf32, #tpu.memory_space<hbm>>
    %dma_start3A_931 = tpu.memref_squeeze %dma_start3A_930 : memref<1x128x128xf32, #tpu.memory_space<hbm>> -> memref<128x128xf32, #tpu.memory_space<hbm>>
    %dma_start3A_932 = arith.constant 0 : i32
    %dma_start3A_933 = tpu.memref_slice %arg15[%add3A_924, %dma_start3A_932] : memref<10240x128xf32, #tpu.memory_space<vmem_shared>> -> memref<128x128xf32, #tpu.memory_space<vmem_shared>>
    tpu.enqueue_dma source(%dma_start3A_933 : memref<128x128xf32, #tpu.memory_space<vmem_shared>>) target(%dma_start3A_931 : memref<128x128xf32, #tpu.memory_space<hbm>>) target_semaphore(%arg12 : memref<!tpu.dma_semaphore, #tpu.memory_space<semaphore_mem>>)
    %mul3A_934 = arith.constant 640 : i32
    %mul3A_935 = arith.muli %arg1, %mul3A_934 : i32
    %add3A_936 = arith.constant 128 : i32
    %add3A_937 = arith.addi %mul3A_935, %add3A_936 : i32
    %mul3A_938 = arith.constant 640 : i32
    %mul3A_939 = arith.muli %arg1, %mul3A_938 : i32
    %add3A_940 = arith.constant 128 : i32
    %add3A_941 = arith.addi %mul3A_939, %add3A_940 : i32
    %dma_start3A_942 = arith.constant 0 : i32
    %dma_start3A_943 = tpu.memref_slice %arg4[%arg0, %add3A_941, %dma_start3A_942] : memref<2x10240x128xf32, #tpu.memory_space<hbm>> -> memref<1x128x128xf32, #tpu.memory_space<hbm>>
    %dma_start3A_944 = tpu.memref_squeeze %dma_start3A_943 : memref<1x128x128xf32, #tpu.memory_space<hbm>> -> memref<128x128xf32, #tpu.memory_space<hbm>>
    %dma_start3A_945 = arith.constant 0 : i32
    %dma_start3A_946 = tpu.memref_slice %arg15[%add3A_937, %dma_start3A_945] : memref<10240x128xf32, #tpu.memory_space<vmem_shared>> -> memref<128x128xf32, #tpu.memory_space<vmem_shared>>
    tpu.enqueue_dma source(%dma_start3A_946 : memref<128x128xf32, #tpu.memory_space<vmem_shared>>) target(%dma_start3A_944 : memref<128x128xf32, #tpu.memory_space<hbm>>) target_semaphore(%arg12 : memref<!tpu.dma_semaphore, #tpu.memory_space<semaphore_mem>>)
    %mul3A_947 = arith.constant 640 : i32
    %mul3A_948 = arith.muli %arg1, %mul3A_947 : i32
    %add3A_949 = arith.constant 256 : i32
    %add3A_950 = arith.addi %mul3A_948, %add3A_949 : i32
    %mul3A_951 = arith.constant 640 : i32
    %mul3A_952 = arith.muli %arg1, %mul3A_951 : i32
    %add3A_953 = arith.constant 256 : i32
    %add3A_954 = arith.addi %mul3A_952, %add3A_953 : i32
    %dma_start3A_955 = arith.constant 0 : i32
    %dma_start3A_956 = tpu.memref_slice %arg4[%arg0, %add3A_954, %dma_start3A_955] : memref<2x10240x128xf32, #tpu.memory_space<hbm>> -> memref<1x128x128xf32, #tpu.memory_space<hbm>>
    %dma_start3A_957 = tpu.memref_squeeze %dma_start3A_956 : memref<1x128x128xf32, #tpu.memory_space<hbm>> -> memref<128x128xf32, #tpu.memory_space<hbm>>
    %dma_start3A_958 = arith.constant 0 : i32
    %dma_start3A_959 = tpu.memref_slice %arg15[%add3A_950, %dma_start3A_958] : memref<10240x128xf32, #tpu.memory_space<vmem_shared>> -> memref<128x128xf32, #tpu.memory_space<vmem_shared>>
    tpu.enqueue_dma source(%dma_start3A_959 : memref<128x128xf32, #tpu.memory_space<vmem_shared>>) target(%dma_start3A_957 : memref<128x128xf32, #tpu.memory_space<hbm>>) target_semaphore(%arg12 : memref<!tpu.dma_semaphore, #tpu.memory_space<semaphore_mem>>)
    %mul3A_960 = arith.constant 640 : i32
    %mul3A_961 = arith.muli %arg1, %mul3A_960 : i32
    %add3A_962 = arith.constant 384 : i32
    %add3A_963 = arith.addi %mul3A_961, %add3A_962 : i32
    %mul3A_964 = arith.constant 640 : i32
    %mul3A_965 = arith.muli %arg1, %mul3A_964 : i32
    %add3A_966 = arith.constant 384 : i32
    %add3A_967 = arith.addi %mul3A_965, %add3A_966 : i32
    %dma_start3A_968 = arith.constant 0 : i32
    %dma_start3A_969 = tpu.memref_slice %arg4[%arg0, %add3A_967, %dma_start3A_968] : memref<2x10240x128xf32, #tpu.memory_space<hbm>> -> memref<1x128x128xf32, #tpu.memory_space<hbm>>
    %dma_start3A_970 = tpu.memref_squeeze %dma_start3A_969 : memref<1x128x128xf32, #tpu.memory_space<hbm>> -> memref<128x128xf32, #tpu.memory_space<hbm>>
    %dma_start3A_971 = arith.constant 0 : i32
    %dma_start3A_972 = tpu.memref_slice %arg15[%add3A_963, %dma_start3A_971] : memref<10240x128xf32, #tpu.memory_space<vmem_shared>> -> memref<128x128xf32, #tpu.memory_space<vmem_shared>>
    tpu.enqueue_dma source(%dma_start3A_972 : memref<128x128xf32, #tpu.memory_space<vmem_shared>>) target(%dma_start3A_970 : memref<128x128xf32, #tpu.memory_space<hbm>>) target_semaphore(%arg12 : memref<!tpu.dma_semaphore, #tpu.memory_space<semaphore_mem>>)
    %mul3A_973 = arith.constant 640 : i32
    %mul3A_974 = arith.muli %arg1, %mul3A_973 : i32
    %add3A_975 = arith.constant 512 : i32
    %add3A_976 = arith.addi %mul3A_974, %add3A_975 : i32
    %mul3A_977 = arith.constant 640 : i32
    %mul3A_978 = arith.muli %arg1, %mul3A_977 : i32
    %add3A_979 = arith.constant 512 : i32
    %add3A_980 = arith.addi %mul3A_978, %add3A_979 : i32
    %dma_start3A_981 = arith.constant 0 : i32
    %dma_start3A_982 = tpu.memref_slice %arg4[%arg0, %add3A_980, %dma_start3A_981] : memref<2x10240x128xf32, #tpu.memory_space<hbm>> -> memref<1x128x128xf32, #tpu.memory_space<hbm>>
    %dma_start3A_983 = tpu.memref_squeeze %dma_start3A_982 : memref<1x128x128xf32, #tpu.memory_space<hbm>> -> memref<128x128xf32, #tpu.memory_space<hbm>>
    %dma_start3A_984 = arith.constant 0 : i32
    %dma_start3A_985 = tpu.memref_slice %arg15[%add3A_976, %dma_start3A_984] : memref<10240x128xf32, #tpu.memory_space<vmem_shared>> -> memref<128x128xf32, #tpu.memory_space<vmem_shared>>
    tpu.enqueue_dma source(%dma_start3A_985 : memref<128x128xf32, #tpu.memory_space<vmem_shared>>) target(%dma_start3A_983 : memref<128x128xf32, #tpu.memory_space<hbm>>) target_semaphore(%arg12 : memref<!tpu.dma_semaphore, #tpu.memory_space<semaphore_mem>>)
    %mul3A_986 = arith.constant 640 : i32
    %mul3A_987 = arith.muli %arg1, %mul3A_986 : i32
    %add3A_988 = arith.constant 0 : i32
    %add3A_989 = arith.addi %mul3A_987, %add3A_988 : i32
    %mul3A_990 = arith.constant 640 : i32
    %mul3A_991 = arith.muli %arg1, %mul3A_990 : i32
    %add3A_992 = arith.constant 0 : i32
    %add3A_993 = arith.addi %mul3A_991, %add3A_992 : i32
    %dma_wait3A_994 = arith.constant 0 : i32
    %dma_wait3A_995 = tpu.memref_slice %arg4[%arg0, %add3A_993, %dma_wait3A_994] : memref<2x10240x128xf32, #tpu.memory_space<hbm>> -> memref<1x128x128xf32, #tpu.memory_space<hbm>>
    %dma_wait3A_996 = tpu.memref_squeeze %dma_wait3A_995 : memref<1x128x128xf32, #tpu.memory_space<hbm>> -> memref<128x128xf32, #tpu.memory_space<hbm>>
    %dma_wait3A_997 = arith.constant 0 : i32
    %dma_wait3A_998 = tpu.memref_slice %arg15[%add3A_989, %dma_wait3A_997] : memref<10240x128xf32, #tpu.memory_space<vmem_shared>> -> memref<128x128xf32, #tpu.memory_space<vmem_shared>>
    tpu.wait_dma2 semaphore(%arg12 : memref<!tpu.dma_semaphore, #tpu.memory_space<semaphore_mem>>) src(%dma_wait3A_998 : memref<128x128xf32, #tpu.memory_space<vmem_shared>>) dst(%dma_wait3A_996 : memref<128x128xf32, #tpu.memory_space<hbm>>)
    %mul3A_999 = arith.constant 640 : i32
    %mul3A_1000 = arith.muli %arg1, %mul3A_999 : i32
    %add3A_1001 = arith.constant 128 : i32
    %add3A_1002 = arith.addi %mul3A_1000, %add3A_1001 : i32
    %mul3A_1003 = arith.constant 640 : i32
    %mul3A_1004 = arith.muli %arg1, %mul3A_1003 : i32
    %add3A_1005 = arith.constant 128 : i32
    %add3A_1006 = arith.addi %mul3A_1004, %add3A_1005 : i32
    %dma_wait3A_1007 = arith.constant 0 : i32
    %dma_wait3A_1008 = tpu.memref_slice %arg4[%arg0, %add3A_1006, %dma_wait3A_1007] : memref<2x10240x128xf32, #tpu.memory_space<hbm>> -> memref<1x128x128xf32, #tpu.memory_space<hbm>>
    %dma_wait3A_1009 = tpu.memref_squeeze %dma_wait3A_1008 : memref<1x128x128xf32, #tpu.memory_space<hbm>> -> memref<128x128xf32, #tpu.memory_space<hbm>>
    %dma_wait3A_1010 = arith.constant 0 : i32
    %dma_wait3A_1011 = tpu.memref_slice %arg15[%add3A_1002, %dma_wait3A_1010] : memref<10240x128xf32, #tpu.memory_space<vmem_shared>> -> memref<128x128xf32, #tpu.memory_space<vmem_shared>>
    tpu.wait_dma2 semaphore(%arg12 : memref<!tpu.dma_semaphore, #tpu.memory_space<semaphore_mem>>) src(%dma_wait3A_1011 : memref<128x128xf32, #tpu.memory_space<vmem_shared>>) dst(%dma_wait3A_1009 : memref<128x128xf32, #tpu.memory_space<hbm>>)
    %mul3A_1012 = arith.constant 640 : i32
    %mul3A_1013 = arith.muli %arg1, %mul3A_1012 : i32
    %add3A_1014 = arith.constant 256 : i32
    %add3A_1015 = arith.addi %mul3A_1013, %add3A_1014 : i32
    %mul3A_1016 = arith.constant 640 : i32
    %mul3A_1017 = arith.muli %arg1, %mul3A_1016 : i32
    %add3A_1018 = arith.constant 256 : i32
    %add3A_1019 = arith.addi %mul3A_1017, %add3A_1018 : i32
    %dma_wait3A_1020 = arith.constant 0 : i32
    %dma_wait3A_1021 = tpu.memref_slice %arg4[%arg0, %add3A_1019, %dma_wait3A_1020] : memref<2x10240x128xf32, #tpu.memory_space<hbm>> -> memref<1x128x128xf32, #tpu.memory_space<hbm>>
    %dma_wait3A_1022 = tpu.memref_squeeze %dma_wait3A_1021 : memref<1x128x128xf32, #tpu.memory_space<hbm>> -> memref<128x128xf32, #tpu.memory_space<hbm>>
    %dma_wait3A_1023 = arith.constant 0 : i32
    %dma_wait3A_1024 = tpu.memref_slice %arg15[%add3A_1015, %dma_wait3A_1023] : memref<10240x128xf32, #tpu.memory_space<vmem_shared>> -> memref<128x128xf32, #tpu.memory_space<vmem_shared>>
    tpu.wait_dma2 semaphore(%arg12 : memref<!tpu.dma_semaphore, #tpu.memory_space<semaphore_mem>>) src(%dma_wait3A_1024 : memref<128x128xf32, #tpu.memory_space<vmem_shared>>) dst(%dma_wait3A_1022 : memref<128x128xf32, #tpu.memory_space<hbm>>)
    %mul3A_1025 = arith.constant 640 : i32
    %mul3A_1026 = arith.muli %arg1, %mul3A_1025 : i32
    %add3A_1027 = arith.constant 384 : i32
    %add3A_1028 = arith.addi %mul3A_1026, %add3A_1027 : i32
    %mul3A_1029 = arith.constant 640 : i32
    %mul3A_1030 = arith.muli %arg1, %mul3A_1029 : i32
    %add3A_1031 = arith.constant 384 : i32
    %add3A_1032 = arith.addi %mul3A_1030, %add3A_1031 : i32
    %dma_wait3A_1033 = arith.constant 0 : i32
    %dma_wait3A_1034 = tpu.memref_slice %arg4[%arg0, %add3A_1032, %dma_wait3A_1033] : memref<2x10240x128xf32, #tpu.memory_space<hbm>> -> memref<1x128x128xf32, #tpu.memory_space<hbm>>
    %dma_wait3A_1035 = tpu.memref_squeeze %dma_wait3A_1034 : memref<1x128x128xf32, #tpu.memory_space<hbm>> -> memref<128x128xf32, #tpu.memory_space<hbm>>
    %dma_wait3A_1036 = arith.constant 0 : i32
    %dma_wait3A_1037 = tpu.memref_slice %arg15[%add3A_1028, %dma_wait3A_1036] : memref<10240x128xf32, #tpu.memory_space<vmem_shared>> -> memref<128x128xf32, #tpu.memory_space<vmem_shared>>
    tpu.wait_dma2 semaphore(%arg12 : memref<!tpu.dma_semaphore, #tpu.memory_space<semaphore_mem>>) src(%dma_wait3A_1037 : memref<128x128xf32, #tpu.memory_space<vmem_shared>>) dst(%dma_wait3A_1035 : memref<128x128xf32, #tpu.memory_space<hbm>>)
    %mul3A_1038 = arith.constant 640 : i32
    %mul3A_1039 = arith.muli %arg1, %mul3A_1038 : i32
    %add3A_1040 = arith.constant 512 : i32
    %add3A_1041 = arith.addi %mul3A_1039, %add3A_1040 : i32
    %mul3A_1042 = arith.constant 640 : i32
    %mul3A_1043 = arith.muli %arg1, %mul3A_1042 : i32
    %add3A_1044 = arith.constant 512 : i32
    %add3A_1045 = arith.addi %mul3A_1043, %add3A_1044 : i32
    %dma_wait3A_1046 = arith.constant 0 : i32
    %dma_wait3A_1047 = tpu.memref_slice %arg4[%arg0, %add3A_1045, %dma_wait3A_1046] : memref<2x10240x128xf32, #tpu.memory_space<hbm>> -> memref<1x128x128xf32, #tpu.memory_space<hbm>>
    %dma_wait3A_1048 = tpu.memref_squeeze %dma_wait3A_1047 : memref<1x128x128xf32, #tpu.memory_space<hbm>> -> memref<128x128xf32, #tpu.memory_space<hbm>>
    %dma_wait3A_1049 = arith.constant 0 : i32
    %dma_wait3A_1050 = tpu.memref_slice %arg15[%add3A_1041, %dma_wait3A_1049] : memref<10240x128xf32, #tpu.memory_space<vmem_shared>> -> memref<128x128xf32, #tpu.memory_space<vmem_shared>>
    tpu.wait_dma2 semaphore(%arg12 : memref<!tpu.dma_semaphore, #tpu.memory_space<semaphore_mem>>) src(%dma_wait3A_1050 : memref<128x128xf32, #tpu.memory_space<vmem_shared>>) dst(%dma_wait3A_1048 : memref<128x128xf32, #tpu.memory_space<hbm>>)
    return
  }
}

module attributes {stable_mosaic.version = 14 : i64} {
  func.func @_k1_body(%arg0: i32, %arg1: memref<2000x128xf32, #tpu.memory_space<vmem>>, %arg2: memref<128x128xf32, #tpu.memory_space<vmem>>, %arg3: memref<2000x2xf32, #tpu.memory_space<vmem>>, %arg4: memref<2000x128xf32, #tpu.memory_space<vmem>>, %arg5: memref<2000x1xf32, #tpu.memory_space<vmem>>) attributes {dimension_semantics = [#tpu.dimension_semantics<arbitrary>], iteration_bounds = array<i64: 5>, scalar_prefetch = 0 : i64, scratch_operands = 0 : i64, tpu.core_type = #tpu.core_type<tc>, window_params = [{transform_indices = @transform_0, window_bounds = array<i64: 2000, 128>}, {pipeline_mode = #tpu.pipeline_mode<synchronous>, transform_indices = @transform_1, window_bounds = array<i64: 128, 128>}, {transform_indices = @transform_2, window_bounds = array<i64: 2000, 2>}, {transform_indices = @transform_3, window_bounds = array<i64: 2000, 128>}, {transform_indices = @transform_4, window_bounds = array<i64: 2000, 1>}]} {
    %get3A = arith.constant 0 : index
    %get3A_0 = arith.constant 0 : index
    %get3A_1 = vector.load %arg3[%get3A, %get3A_0] : memref<2000x2xf32, #tpu.memory_space<vmem>>, vector<2000x1xf32>
    %get3A_2 = vector.shape_cast %get3A_1 : vector<2000x1xf32> to vector<2000xf32>
    %get3A_3 = arith.constant 0 : index
    %get3A_4 = arith.constant 1 : index
    %get3A_5 = vector.load %arg3[%get3A_3, %get3A_4] : memref<2000x2xf32, #tpu.memory_space<vmem>>, vector<2000x1xf32>
    %get3A_6 = vector.shape_cast %get3A_5 : vector<2000x1xf32> to vector<2000xf32>
    %add3A = arith.addf %get3A_2, %get3A_6 : vector<2000xf32>
    %add3A_7 = arith.constant 1.000000e+00 : f32
    %add3A_8 = vector.broadcast %add3A_7 : f32 to vector<2000xf32>
    %add3A_9 = arith.addf %add3A, %add3A_8 : vector<2000xf32>
    %rsqrt3A = math.rsqrt %add3A_9 : vector<2000xf32>
    %get3A_10 = arith.constant 0 : index
    %get3A_11 = arith.constant 0 : index
    %get3A_12 = vector.load %arg1[%get3A_10, %get3A_11] : memref<2000x128xf32, #tpu.memory_space<vmem>>, vector<2000x128xf32>
    %get3A_13 = arith.constant 0 : index
    %get3A_14 = arith.constant 0 : index
    %get3A_15 = vector.load %arg2[%get3A_13, %get3A_14] : memref<128x128xf32, #tpu.memory_space<vmem>>, vector<128x128xf32>
    %dot_general3A = arith.constant dense<0.000000e+00> : vector<2000x128xf32>
    %dot_general3A_16 = tpu.matmul %get3A_12, %get3A_15, %dot_general3A {dimension_numbers = #tpu.dot_dimension_numbers<[1], [0], [0], [1], [0, 0, 1, 1], [], []>, transpose_lhs_hint = false} : vector<2000x128xf32>, vector<128x128xf32>, vector<2000x128xf32> -> vector<2000x128xf32>
    %broadcast_in_dim3A = vector.shape_cast %rsqrt3A : vector<2000xf32> to vector<2000x1xf32>
    %mul3A = vector.broadcast %broadcast_in_dim3A : vector<2000x1xf32> to vector<2000x128xf32>
    %mul3A_17 = arith.mulf %dot_general3A_16, %mul3A : vector<2000x128xf32>
    %swap3A = arith.constant 0 : index
    %swap3A_18 = arith.constant 0 : index
    %swap3A_19 = vector.load %arg4[%swap3A, %swap3A_18] : memref<2000x128xf32, #tpu.memory_space<vmem>>, vector<2000x128xf32>
    tpu.vector_store %arg4[%swap3A, %swap3A_18], %mul3A_17 {strides = array<i32>} : memref<2000x128xf32, #tpu.memory_space<vmem>>, vector<2000x128xf32>,
    %broadcast_in_dim3A_20 = vector.shape_cast %rsqrt3A : vector<2000xf32> to vector<2000x1xf32>
    %swap3A_21 = arith.constant 0 : index
    %swap3A_22 = arith.constant 0 : index
    %swap3A_23 = vector.load %arg5[%swap3A_21, %swap3A_22] : memref<2000x1xf32, #tpu.memory_space<vmem>>, vector<2000x1xf32>
    tpu.vector_store %arg5[%swap3A_21, %swap3A_22], %broadcast_in_dim3A_20 {strides = array<i32>} : memref<2000x1xf32, #tpu.memory_space<vmem>>, vector<2000x1xf32>,
    return
  }
  func.func @transform_0(%arg0: i32) -> (i32, i32) {
    %c0_i32 = arith.constant 0 : i32
    %c0_i32_0 = arith.constant 0 : i32
    return %arg0, %c0_i32 : i32, i32
  }
  func.func @transform_1(%arg0: i32) -> (i32, i32) {
    %c0_i32 = arith.constant 0 : i32
    %c0_i32_0 = arith.constant 0 : i32
    %c0_i32_1 = arith.constant 0 : i32
    return %c0_i32, %c0_i32_0 : i32, i32
  }
  func.func @transform_2(%arg0: i32) -> (i32, i32) {
    %c0_i32 = arith.constant 0 : i32
    %c0_i32_0 = arith.constant 0 : i32
    return %arg0, %c0_i32 : i32, i32
  }
  func.func @transform_3(%arg0: i32) -> (i32, i32) {
    %c0_i32 = arith.constant 0 : i32
    %c0_i32_0 = arith.constant 0 : i32
    return %arg0, %c0_i32 : i32, i32
  }
  func.func @transform_4(%arg0: i32) -> (i32, i32) {
    %c0_i32 = arith.constant 0 : i32
    %c0_i32_0 = arith.constant 0 : i32
    return %arg0, %c0_i32 : i32, i32
  }
}

module attributes {stable_mosaic.version = 14 : i64} {
  func.func @_mid_body(%arg0: i32, %arg1: memref<2x2000x128xf32, #tpu.memory_space<vmem>>, %arg2: memref<2000x128xf32, #tpu.memory_space<vmem>>, %arg3: memref<2000x1xf32, #tpu.memory_space<vmem>>, %arg4: memref<1x128xf32, #tpu.memory_space<vmem>>, %arg5: memref<128x128xf32, #tpu.memory_space<vmem>>, %arg6: memref<2000x128xf32, #tpu.memory_space<vmem>>) attributes {dimension_semantics = [#tpu.dimension_semantics<arbitrary>], iteration_bounds = array<i64: 5>, scalar_prefetch = 0 : i64, scratch_operands = 0 : i64, tpu.core_type = #tpu.core_type<tc>, window_params = [{transform_indices = @transform_0, window_bounds = array<i64: 2, 2000, 128>}, {transform_indices = @transform_1, window_bounds = array<i64: 2000, 128>}, {transform_indices = @transform_2, window_bounds = array<i64: 2000, 1>}, {pipeline_mode = #tpu.pipeline_mode<synchronous>, transform_indices = @transform_3, window_bounds = array<i64: 1, 128>}, {pipeline_mode = #tpu.pipeline_mode<synchronous>, transform_indices = @transform_4, window_bounds = array<i64: 128, 128>}, {transform_indices = @transform_5, window_bounds = array<i64: 2000, 128>}]} {
    %get3A = arith.constant 0 : index
    %get3A_0 = arith.constant 0 : index
    %get3A_1 = arith.constant 0 : index
    %get3A_2 = vector.load %arg1[%get3A, %get3A_0, %get3A_1] : memref<2x2000x128xf32, #tpu.memory_space<vmem>>, vector<1x2000x128xf32>
    %get3A_3 = vector.shape_cast %get3A_2 : vector<1x2000x128xf32> to vector<2000x128xf32>
    %get3A_4 = arith.constant 1 : index
    %get3A_5 = arith.constant 0 : index
    %get3A_6 = arith.constant 0 : index
    %get3A_7 = vector.load %arg1[%get3A_4, %get3A_5, %get3A_6] : memref<2x2000x128xf32, #tpu.memory_space<vmem>>, vector<1x2000x128xf32>
    %get3A_8 = vector.shape_cast %get3A_7 : vector<1x2000x128xf32> to vector<2000x128xf32>
    %add3A = arith.addf %get3A_3, %get3A_8 : vector<2000x128xf32>
    %get3A_9 = arith.constant 0 : index
    %get3A_10 = arith.constant 0 : index
    %get3A_11 = vector.load %arg2[%get3A_9, %get3A_10] : memref<2000x128xf32, #tpu.memory_space<vmem>>, vector<2000x128xf32>
    %add3A_12 = arith.addf %add3A, %get3A_11 : vector<2000x128xf32>
    %get3A_13 = arith.constant 0 : index
    %get3A_14 = arith.constant 0 : index
    %get3A_15 = vector.load %arg3[%get3A_13, %get3A_14] : memref<2000x1xf32, #tpu.memory_space<vmem>>, vector<2000x1xf32>
    %mul3A = vector.broadcast %get3A_15 : vector<2000x1xf32> to vector<2000x128xf32>
    %mul3A_16 = arith.mulf %add3A_12, %mul3A : vector<2000x128xf32>
    %get3A_17 = arith.constant 0 : index
    %get3A_18 = arith.constant 0 : index
    %get3A_19 = vector.load %arg4[%get3A_17, %get3A_18] : memref<1x128xf32, #tpu.memory_space<vmem>>, vector<1x128xf32>
    %add3A_20 = vector.broadcast %get3A_19 : vector<1x128xf32> to vector<2000x128xf32>
    %add3A_21 = arith.addf %mul3A_16, %add3A_20 : vector<2000x128xf32>
    %gt3A = arith.constant 0.000000e+00 : f32
    %gt3A_22 = vector.broadcast %gt3A : f32 to vector<2000x128xf32>
    %gt3A_23 = arith.cmpf ogt, %add3A_21, %gt3A_22 : vector<2000x128xf32>
    %exp3A = math.exp %add3A_21 : vector<2000x128xf32>
    %sub3A = arith.constant 1.000000e+00 : f32
    %sub3A_24 = vector.broadcast %sub3A : f32 to vector<2000x128xf32>
    %sub3A_25 = arith.subf %exp3A, %sub3A_24 : vector<2000x128xf32>
    %select_n3A = arith.select %gt3A_23, %add3A_21, %sub3A_25 : vector<2000x128xi1>, vector<2000x128xf32>
    %get3A_26 = arith.constant 0 : index
    %get3A_27 = arith.constant 0 : index
    %get3A_28 = vector.load %arg5[%get3A_26, %get3A_27] : memref<128x128xf32, #tpu.memory_space<vmem>>, vector<128x128xf32>
    %dot_general3A = arith.constant dense<0.000000e+00> : vector<2000x128xf32>
    %dot_general3A_29 = tpu.matmul %select_n3A, %get3A_28, %dot_general3A {dimension_numbers = #tpu.dot_dimension_numbers<[1], [0], [0], [1], [0, 0, 1, 1], [], []>, transpose_lhs_hint = false} : vector<2000x128xf32>, vector<128x128xf32>, vector<2000x128xf32> -> vector<2000x128xf32>
    %get3A_30 = arith.constant 0 : index
    %get3A_31 = arith.constant 0 : index
    %get3A_32 = vector.load %arg3[%get3A_30, %get3A_31] : memref<2000x1xf32, #tpu.memory_space<vmem>>, vector<2000x1xf32>
    %mul3A_33 = vector.broadcast %get3A_32 : vector<2000x1xf32> to vector<2000x128xf32>
    %mul3A_34 = arith.mulf %dot_general3A_29, %mul3A_33 : vector<2000x128xf32>
    %swap3A = arith.constant 0 : index
    %swap3A_35 = arith.constant 0 : index
    %swap3A_36 = vector.load %arg6[%swap3A, %swap3A_35] : memref<2000x128xf32, #tpu.memory_space<vmem>>, vector<2000x128xf32>
    tpu.vector_store %arg6[%swap3A, %swap3A_35], %mul3A_34 {strides = array<i32>} : memref<2000x128xf32, #tpu.memory_space<vmem>>, vector<2000x128xf32>,
    return
  }
  func.func @transform_0(%arg0: i32) -> (i32, i32, i32) {
    %c0_i32 = arith.constant 0 : i32
    %c0_i32_0 = arith.constant 0 : i32
    %c0_i32_1 = arith.constant 0 : i32
    return %c0_i32, %arg0, %c0_i32_0 : i32, i32, i32
  }
  func.func @transform_1(%arg0: i32) -> (i32, i32) {
    %c0_i32 = arith.constant 0 : i32
    %c0_i32_0 = arith.constant 0 : i32
    return %arg0, %c0_i32 : i32, i32
  }
  func.func @transform_2(%arg0: i32) -> (i32, i32) {
    %c0_i32 = arith.constant 0 : i32
    %c0_i32_0 = arith.constant 0 : i32
    return %arg0, %c0_i32 : i32, i32
  }
  func.func @transform_3(%arg0: i32) -> (i32, i32) {
    %c0_i32 = arith.constant 0 : i32
    %c0_i32_0 = arith.constant 0 : i32
    %c0_i32_1 = arith.constant 0 : i32
    return %c0_i32, %c0_i32_0 : i32, i32
  }
  func.func @transform_4(%arg0: i32) -> (i32, i32) {
    %c0_i32 = arith.constant 0 : i32
    %c0_i32_0 = arith.constant 0 : i32
    %c0_i32_1 = arith.constant 0 : i32
    return %c0_i32, %c0_i32_0 : i32, i32
  }
  func.func @transform_5(%arg0: i32) -> (i32, i32) {
    %c0_i32 = arith.constant 0 : i32
    %c0_i32_0 = arith.constant 0 : i32
    return %arg0, %c0_i32 : i32, i32
  }
}

module attributes {stable_mosaic.version = 14 : i64} {
  func.func @_fin_body(%arg0: i32, %arg1: memref<2x2000x128xf32, #tpu.memory_space<vmem>>, %arg2: memref<2000x128xf32, #tpu.memory_space<vmem>>, %arg3: memref<2000x1xf32, #tpu.memory_space<vmem>>, %arg4: memref<1x128xf32, #tpu.memory_space<vmem>>, %arg5: memref<128x256xf32, #tpu.memory_space<vmem>>, %arg6: memref<1x256xf32, #tpu.memory_space<vmem>>, %arg7: memref<2000x128xf32, #tpu.memory_space<vmem>>, %arg8: memref<2000x256xf32, #tpu.memory_space<vmem>>) attributes {dimension_semantics = [#tpu.dimension_semantics<arbitrary>], iteration_bounds = array<i64: 5>, scalar_prefetch = 0 : i64, scratch_operands = 0 : i64, tpu.core_type = #tpu.core_type<tc>, window_params = [{transform_indices = @transform_0, window_bounds = array<i64: 2, 2000, 128>}, {transform_indices = @transform_1, window_bounds = array<i64: 2000, 128>}, {transform_indices = @transform_2, window_bounds = array<i64: 2000, 1>}, {pipeline_mode = #tpu.pipeline_mode<synchronous>, transform_indices = @transform_3, window_bounds = array<i64: 1, 128>}, {pipeline_mode = #tpu.pipeline_mode<synchronous>, transform_indices = @transform_4, window_bounds = array<i64: 128, 256>}, {pipeline_mode = #tpu.pipeline_mode<synchronous>, transform_indices = @transform_5, window_bounds = array<i64: 1, 256>}, {transform_indices = @transform_6, window_bounds = array<i64: 2000, 128>}, {transform_indices = @transform_7, window_bounds = array<i64: 2000, 256>}]} {
    %get3A = arith.constant 0 : index
    %get3A_0 = arith.constant 0 : index
    %get3A_1 = arith.constant 0 : index
    %get3A_2 = vector.load %arg1[%get3A, %get3A_0, %get3A_1] : memref<2x2000x128xf32, #tpu.memory_space<vmem>>, vector<1x2000x128xf32>
    %get3A_3 = vector.shape_cast %get3A_2 : vector<1x2000x128xf32> to vector<2000x128xf32>
    %get3A_4 = arith.constant 1 : index
    %get3A_5 = arith.constant 0 : index
    %get3A_6 = arith.constant 0 : index
    %get3A_7 = vector.load %arg1[%get3A_4, %get3A_5, %get3A_6] : memref<2x2000x128xf32, #tpu.memory_space<vmem>>, vector<1x2000x128xf32>
    %get3A_8 = vector.shape_cast %get3A_7 : vector<1x2000x128xf32> to vector<2000x128xf32>
    %add3A = arith.addf %get3A_3, %get3A_8 : vector<2000x128xf32>
    %get3A_9 = arith.constant 0 : index
    %get3A_10 = arith.constant 0 : index
    %get3A_11 = vector.load %arg2[%get3A_9, %get3A_10] : memref<2000x128xf32, #tpu.memory_space<vmem>>, vector<2000x128xf32>
    %add3A_12 = arith.addf %add3A, %get3A_11 : vector<2000x128xf32>
    %get3A_13 = arith.constant 0 : index
    %get3A_14 = arith.constant 0 : index
    %get3A_15 = vector.load %arg3[%get3A_13, %get3A_14] : memref<2000x1xf32, #tpu.memory_space<vmem>>, vector<2000x1xf32>
    %mul3A = vector.broadcast %get3A_15 : vector<2000x1xf32> to vector<2000x128xf32>
    %mul3A_16 = arith.mulf %add3A_12, %mul3A : vector<2000x128xf32>
    %get3A_17 = arith.constant 0 : index
    %get3A_18 = arith.constant 0 : index
    %get3A_19 = vector.load %arg4[%get3A_17, %get3A_18] : memref<1x128xf32, #tpu.memory_space<vmem>>, vector<1x128xf32>
    %add3A_20 = vector.broadcast %get3A_19 : vector<1x128xf32> to vector<2000x128xf32>
    %add3A_21 = arith.addf %mul3A_16, %add3A_20 : vector<2000x128xf32>
    %swap3A = arith.constant 0 : index
    %swap3A_22 = arith.constant 0 : index
    %swap3A_23 = vector.load %arg7[%swap3A, %swap3A_22] : memref<2000x128xf32, #tpu.memory_space<vmem>>, vector<2000x128xf32>
    tpu.vector_store %arg7[%swap3A, %swap3A_22], %add3A_21 {strides = array<i32>} : memref<2000x128xf32, #tpu.memory_space<vmem>>, vector<2000x128xf32>,
    %get3A_24 = arith.constant 0 : index
    %get3A_25 = arith.constant 0 : index
    %get3A_26 = vector.load %arg5[%get3A_24, %get3A_25] : memref<128x256xf32, #tpu.memory_space<vmem>>, vector<128x256xf32>
    %dot_general3A = arith.constant dense<0.000000e+00> : vector<2000x256xf32>
    %dot_general3A_27 = tpu.matmul %add3A_21, %get3A_26, %dot_general3A {dimension_numbers = #tpu.dot_dimension_numbers<[1], [0], [0], [1], [0, 0, 1, 1], [], []>, transpose_lhs_hint = false} : vector<2000x128xf32>, vector<128x256xf32>, vector<2000x256xf32> -> vector<2000x256xf32>
    %get3A_28 = arith.constant 0 : index
    %get3A_29 = arith.constant 0 : index
    %get3A_30 = vector.load %arg6[%get3A_28, %get3A_29] : memref<1x256xf32, #tpu.memory_space<vmem>>, vector<1x256xf32>
    %add3A_31 = vector.broadcast %get3A_30 : vector<1x256xf32> to vector<2000x256xf32>
    %add3A_32 = arith.addf %dot_general3A_27, %add3A_31 : vector<2000x256xf32>
    %swap3A_33 = arith.constant 0 : index
    %swap3A_34 = arith.constant 0 : index
    %swap3A_35 = vector.load %arg8[%swap3A_33, %swap3A_34] : memref<2000x256xf32, #tpu.memory_space<vmem>>, vector<2000x256xf32>
    tpu.vector_store %arg8[%swap3A_33, %swap3A_34], %add3A_32 {strides = array<i32>} : memref<2000x256xf32, #tpu.memory_space<vmem>>, vector<2000x256xf32>,
    return
  }
  func.func @transform_0(%arg0: i32) -> (i32, i32, i32) {
    %c0_i32 = arith.constant 0 : i32
    %c0_i32_0 = arith.constant 0 : i32
    %c0_i32_1 = arith.constant 0 : i32
    return %c0_i32, %arg0, %c0_i32_0 : i32, i32, i32
  }
  func.func @transform_1(%arg0: i32) -> (i32, i32) {
    %c0_i32 = arith.constant 0 : i32
    %c0_i32_0 = arith.constant 0 : i32
    return %arg0, %c0_i32 : i32, i32
  }
  func.func @transform_2(%arg0: i32) -> (i32, i32) {
    %c0_i32 = arith.constant 0 : i32
    %c0_i32_0 = arith.constant 0 : i32
    return %arg0, %c0_i32 : i32, i32
  }
  func.func @transform_3(%arg0: i32) -> (i32, i32) {
    %c0_i32 = arith.constant 0 : i32
    %c0_i32_0 = arith.constant 0 : i32
    %c0_i32_1 = arith.constant 0 : i32
    return %c0_i32, %c0_i32_0 : i32, i32
  }
  func.func @transform_4(%arg0: i32) -> (i32, i32) {
    %c0_i32 = arith.constant 0 : i32
    %c0_i32_0 = arith.constant 0 : i32
    %c0_i32_1 = arith.constant 0 : i32
    return %c0_i32, %c0_i32_0 : i32, i32
  }
  func.func @transform_5(%arg0: i32) -> (i32, i32) {
    %c0_i32 = arith.constant 0 : i32
    %c0_i32_0 = arith.constant 0 : i32
    %c0_i32_1 = arith.constant 0 : i32
    return %c0_i32, %c0_i32_0 : i32, i32
  }
  func.func @transform_6(%arg0: i32) -> (i32, i32) {
    %c0_i32 = arith.constant 0 : i32
    %c0_i32_0 = arith.constant 0 : i32
    return %arg0, %c0_i32 : i32, i32
  }
  func.func @transform_7(%arg0: i32) -> (i32, i32) {
    %c0_i32 = arith.constant 0 : i32
    %c0_i32_0 = arith.constant 0 : i32
    return %arg0, %c0_i32 : i32, i32
  }
}

</mosaic_0001>

<sc_bundles>
// kernel: kernel.11.cloned.1.call-start
scs
__scs_entry_jumppad:
0x0: {  	(pc) =	sbr.rel $0x88, $3  }
0x1: {  	(tag) =	ssettag $0x0;
	lr =	simm.s32 $0x1  }
0x2: {  	[smem:$0x3F99] =	sst lr;
	_ =	strace $0xD0000000  }
0x3: {  	_ = 	snop  }
0x4: {  	_ = 	snop  }
0x5: {  	_ = 	snop  }
0x6: {  	_ = 	snop  }
0x7: {  	_ = 	snop  }
__scs_overlays_trampoline_lowered:
0x8: {  	[smem:$0x3FA8] =	sst s0  }
0x9: {  	[smem:$0x3FA9] =	sst s1  }
0xa: {  	[smem:$0x3FAA] =	sst s2  }
0xb: {  	[smem:$0x3FAB] =	sst s3  }
0xc: {  	[smem:$0x3FAC] =	sst s4  }
0xd: {  	[smem:$0x3FAD] =	sst s5  }
0xe: {  	[smem:$0x3FAE] =	sst s6  }
0xf: {  	[smem:$0x3FAF] =	sst s7  }
0x10: {  	[smem:$0x3FB0] =	sst s8  }
0x11: {  	[smem:$0x3FB1] =	sst s9;
	s0 =	simm.s32 @!p0 $0x0  }
0x12: {  	s1 =	sld [smem:$0x3F97];
	s0 =	simm.s32 @p0 $0x1  }
0x13: {  	[smem:$0x3FB2] =	sst s0;
	s0 =	simm.s32 @!p1 $0x0  }
0x14: {  	s2 =	sld [smem:$0x3F96];
	s0 =	simm.s32 @p1 $0x1  }
0x15: {  	[smem:$0x3FB3] =	sst s0;
	s0 =	simm.s32 @!p2 $0x0  }
0x16: {  	s3 =	sld [smem:$0x3FDB];
	s0 =	simm.s32 @p2 $0x1  }
0x17: {  	s4 =	simm.s32 $0x1BF5;
	[smem:$0x3FB5] =	sst s0  }
0x18: {  	s0 =	sld [smem:$0x3F98];
	_ =	swait.ge [sflag:s4], $0x0  }
0x19: {  	s7 =	sld [smem:$0x3F99]  }
0x1a: {  	s8 =	sadd.s32 $0xFFFFE003, lr  }
0x1b: {  	s9 =	sadd.s32 $0xFFFFFEF7, lr;
	s5 =	simm.s32 $0xFFFFFFFF;
	p2 =	slt.u32 s8, $0xFFFFF086  }
0x1c: {  	p1 =	slt.u32 s9, $0xF7A;
	s5 =	simm.s32 @!p2 $0x0  }
0x1d: {  	s5 =	simm.s32 @p1 $0x1;
	p0 =	seq.s32 s7, s2  }
0x1e: {  	s7 =	smul.u32 @!p0 $0xF7A, s2;
	p2 =	seq.s32 @!p0 s5, $0x0  }
0x1f: {  	s9 =	smul.u32 $0xF7A, s1;
	s8 =	simm.s32 @!p0 $0x1BF5;
	p2 =	por !p2, p0  }
0x20: {  	[sflag:s8] =	ssyncset.s32 @!p0 $0xFFFFF086;
	s6 =	sadd.s32 @!p0 s3, s7;
	s7 =	simm.s32 @!p0 $0x108  }
0x21: {  	s3 =	sadd.s32 s3, s9;
	s6 =	sadd.s32 @!p0 $0x88, s6;
	s7 =	simm.s32 @p2 $0x1082  }
0x22: {  	[simem:s7], [sflag:s8] =	dma.local @!p0 [hbm:s6], $0xF7A  }
0x23: {  	s9 =	sor.u32 $0xD0000000, s2;
	s6 =	simm.s32 $0x108;
	_ =	swait.ge @!p0 [sflag:s8], $0x0  }
0x24: {  	s3 =	sadd.s32 $0x88, s3;
	s6 =	simm.s32 @!p1 $0x1082;
	[sflag:s4] =	ssyncset.s32 $0xFFFFF086  }
0x25: {  	[simem:s6], [sflag:s4] =	dma.local [hbm:s3], $0xF7A  }
0x26: {  	[smem:$0x3F99] =	sst s1;
	(tag) =	ssettag s2;
	_ =	strace s9  }
0x27: {  	s1 =	sld [smem:$0x3FA9]  }
0x28: {  	s2 =	sld [smem:$0x3FAA]  }
0x29: {  	s4 =	sld [smem:$0x3FAC]  }
0x2a: {  	p0 =	seq.s32 s5, $0x0;
	s5 =	sld [smem:$0x3FAD]  }
0x2b: {  	s6 =	sld [smem:$0x3FAE]  }
0x2c: {  	s7 =	sld [smem:$0x3FAF]  }
0x2d: {  	s3 =	simm.s32 $0x108;
	s8 =	sld [smem:$0x3FB0]  }
0x2e: {  	s3 =	simm.s32 @!p0 $0x1082;
	s9 =	sld [smem:$0x3FB1]  }
0x2f: {  	lr =	sadd.s32 s0, s3;
	s0 =	sld [smem:$0x3FA8]  }
0x30: {  	s3 =	sld [smem:$0x3FAB]  }
0x31: {  	[smem:$0x3FB4] =	sst s10  }
0x32: {  	s10 =	sld [smem:$0x3FB2];
	_ =	sdelay $0x3  }
0x33: {  	p0 =	seq.s32 s10, $0x1;
	s10 =	sld [smem:$0x3FB4];
	_ =	sdelay $0x3  }
0x34: {  	[smem:$0x3FB4] =	sst s10  }
0x35: {  	s10 =	sld [smem:$0x3FB3];
	_ =	sdelay $0x3  }
0x36: {  	p1 =	seq.s32 s10, $0x1;
	s10 =	sld [smem:$0x3FB4];
	_ =	sdelay $0x3  }
0x37: {  	[smem:$0x3FB4] =	sst s10  }
0x38: {  	s10 =	sld [smem:$0x3FB5]  }
0x39: {  	_ = 	snop;
	(pc) =	sbr.ind lr, $3  }
0x3a: {  	_ = 	snop  }
0x3b: {  	_ = 	snop  }
0x3c: {  	p2 =	seq.s32 s10, $0x1;
	s10 =	sld [smem:$0x3FB4]  }
0x3d: {  	_ =	shalt  }
0x3e: {  	_ =	shalt  }
0x3f: {  	_ =	shalt  }
0x40: {  	_ =	shalt  }
0x41: {  	_ =	shalt  }
0x42: {  	_ =	shalt  }
0x43: {  	_ =	shalt  }
0x44: {  	_ =	shalt  }
0x45: {  	_ =	shalt  }
0x46: {  	_ =	shalt  }
0x47: {  	_ =	shalt  }
0x48: {  	_ =	shalt  }
0x49: {  	_ =	shalt  }
0x4a: {  	_ =	shalt  }
0x4b: {  	_ =	shalt  }
0x4c: {  	_ =	shalt  }
0x4d: {  	_ =	shalt  }
0x4e: {  	_ =	shalt  }
0x4f: {  	_ =	shalt  }
0x50: {  	_ =	shalt  }
0x51: {  	_ =	shalt  }
0x52: {  	_ =	shalt  }
0x53: {  	_ =	shalt  }
0x54: {  	_ =	shalt  }
0x55: {  	_ =	shalt  }
0x56: {  	_ =	shalt  }
0x57: {  	_ =	shalt  }
0x58: {  	_ =	shalt  }
0x59: {  	_ =	shalt  }
0x5a: {  	_ =	shalt  }
0x5b: {  	_ =	shalt  }
0x5c: {  	_ =	shalt  }
0x5d: {  	_ =	shalt  }
0x5e: {  	_ =	shalt  }
0x5f: {  	_ =	shalt  }
0x60: {  	_ =	shalt  }
0x61: {  	_ =	shalt  }
0x62: {  	_ =	shalt  }
0x63: {  	_ =	shalt  }
0x64: {  	_ =	shalt  }
0x65: {  	_ =	shalt  }
0x66: {  	_ =	shalt  }
0x67: {  	_ =	shalt  }
0x68: {  	_ =	shalt  }
0x69: {  	_ =	shalt  }
0x6a: {  	_ =	shalt  }
0x6b: {  	_ =	shalt  }
0x6c: {  	_ =	shalt  }
0x6d: {  	_ =	shalt  }
0x6e: {  	_ =	shalt  }
0x6f: {  	_ =	shalt  }
0x70: {  	_ =	shalt  }
0x71: {  	_ =	shalt  }
0x72: {  	_ =	shalt  }
0x73: {  	_ =	shalt  }
0x74: {  	_ =	shalt  }
0x75: {  	_ =	shalt  }
0x76: {  	_ =	shalt  }
0x77: {  	_ =	shalt  }
0x78: {  	_ =	shalt  }
0x79: {  	_ =	shalt  }
0x7a: {  	_ =	shalt  }
0x7b: {  	_ =	shalt  }
0x7c: {  	_ =	shalt  }
0x7d: {  	_ =	shalt  }
0x7e: {  	_ =	shalt  }
0x7f: {  	_ =	shalt  }
0x80: {  	_ =	shalt  }
0x81: {  	_ =	shalt  }
0x82: {  	_ =	shalt  }
0x83: {  	_ =	shalt  }
0x84: {  	_ =	shalt  }
0x85: {  	_ =	shalt  }
0x86: {  	_ =	shalt  }
0x87: {  	_ =	shalt  }
.Lfunc_end0:
.L_simem_size_0:
called_computation.1_lowered:
.L_overlay_start_0:
0x88: {  	s2 =	sld [smem:$0x3FD9]  }
0x89: {  	s3 =	sld [smem:$0x3FFE];
	_ =	sdelay $0x1  }
0x8a: {  	s1 =	srdreg.scid  }
0x8b: {  	s0 =	sand.u32 $0x1, s1  }
0x8c: {  	s14 =	sshll.u32 s0, $0xA;
	s2 =	sadd.s32 s3, s2  }
0x8d: {  	s2 =	sadd.s32 s2, s14  }
0x8e: {  	[smem:$0x3FC0] =	sst s2  }
0x8f: {  	_ = 	snop  }
0x90: {  	s2 =	sld [smem:$0x3FD0];
	_ =	sdelay $0x2  }
0x91: {  	s15 =	simm.s32 $0xA;
	s4 =	simm.s32 $0x10  }
0x92: {  	[smem:s4], [sflag:s15] =	dma.local [hbm:s2], $0x1  }
0x93: {  	_ =	swait.eq [sflag:s15], $0x1  }
0x94: {  	[sflag:s15] =	ssyncset.done $0x0  }
0x95: {  	s16 =	sld [smem:$0x10];
	[sflag:s15] =	ssyncadd.s32 $0xFFFFFFFF  }
0x96: {  	s17 =	sld [smem:$0x11];
	(tm) =	ssettm $0x1  }
0x97: {  	s18 =	sld [smem:$0x3FFB];
	_ =	sdelay $0x3  }
0x98: {  	_ =	strace s18  }
0x99: {  	s4 =	sld [smem:$0x3FFC];
	_ =	sdelay $0x3  }
0x9a: {  	_ =	strace s4  }
0x9b: {  	s4 =	sld [smem:$0x3FFD];
	_ =	sdelay $0x3  }
0x9c: {  	_ =	strace s4  }
0x9d: {  	_ =	strace $0x8FFFFFFF  }
0x9e: {  	s19 =	sld [smem:$0x3FDB];
	_ =	sdelay $0x1  }
0x9f: {  	s5 =	simm.s32 $_scs_section_size  }
0xa0: {  	s6 =	simm.s32 $_size__tile_overlayer_lowered;
	s7 =	simm.s32 $_tile_overlayer_lowered  }
0xa1: {  	s22 =	simm.s32 $0x1BFF;
	s21 =	sshll.u32 s7, $0x1;
	s4 =	sadd.s32 s5, s19  }
0xa2: {  	s8 =	simm.s32 $0x0;
	s20 =	sshll.u32 s6, $0x1;
	s6 =	sadd.s32 s21, s4  }
0xa3: {  	[timem:s8], [sflag:s22] =	dma.local [hbm:s6], s20  }
0xa4: {  	_ =	swait.ge [sflag:s22], s20  }
0xa5: {  	s5 =	ssub.s32 $0x0, s20;
	[sflag:s22] =	ssyncset.done $0x0  }
0xa6: {  	[sflag:s22] =	ssyncadd.s32 s5;
	_ =	sdelay $0x1  }
0xa7: {  	s23 =	simm.s32 $0x1B8B  }
0xa8: {  	_ =	swait.ge [sflag:s23], $0x1  }
0xa9: {  	[sflag:s23] =	ssyncset.done $0x0  }
0xaa: {  	s25 =	simm.s32 $0x1B8E;
	s24 =	sld [smem:$0x3FFE];
	[sflag:s23] =	ssyncadd.s32 $0xFFFFFFFF  }
0xab: {  	s26 =	simm.s32 $execute0_lowered;
	[smem:$0x3FD2] =	sst s25  }
0xac: {  	s6 =	sshll.u32 s26, $0x1;
	_ =	strace $0x80000049;
	[dreg:$0x1] =	wrdreg $0xFFFFFFFF  }
0xad: {  	s28 =	simm.s32 $_size_execute0_lowered;
	s4 =	sadd.s32 s4, s6;
	[dreg:$0x0] =	wrdreg $0x0  }
0xae: {  	s6 =	sshll.u32 s28, $0x1;
	[dreg:$0x2] =	wrdreg s4  }
0xaf: {  	[dreg:$0x3] =	wrdreg s6  }
0xb0: {  	[dreg:$0x4] =	wrdreg $0xC0  }
0xb1: {  	_ =	task [dreg:s8], $0x5FFFF  }
0xb2: {  	[dreg:$0x1] =	wrdreg $0xFFFFFFFF  }
0xb3: {  	[dreg:$0x0] =	wrdreg $0x60  }
0xb4: {  	[dreg:$0x2] =	wrdreg s16  }
0xb5: {  	[dreg:$0x3] =	wrdreg s17  }
0xb6: {  	[dreg:$0x4] =	wrdreg s24  }
0xb7: {  	[dreg:$0x5] =	wrdreg $0xB4000  }
0xb8: {  	[dreg:$0x6] =	wrdreg $0x9  }
0xb9: {  	_ =	task.clear_ibuf [dreg:s8], $0x7FFFF;
	_ =	strace $0x90000049  }
0xba: {  	s29 =	simm.s32 $0x9;
	_ =	strace $0x8000004B  }
0xbb: {  	_ =	swait.ge [sflag:s29], $0x1  }
0xbc: {  	[sflag:s29] =	ssyncadd.s32 $0xFFFFFFFF  }
0xbd: {  	_ =	strace $0x9000004B  }
0xbe: {  	_ =	sfence  }
0xbf: {  	s30 =	sld [smem:$0x0];
	_ =	sdelay $0x2  }
0xc0: {  	s31 =	sshll.u32 s1, $0xD;
	s1 =	sshrl.u32 s1, $0x2  }
0xc1: {  	s3 =	sand.u32 $0x4000, s31;
	s1 =	sadd.s32 s1, s30  }
0xc2: {  	s0 =	sor.u32 s3, s0;
	s1 =	sshll.u32 s1, $0x11  }
0xc3: {  	s0 =	sor.u32 s1, s0  }
0xc4: {  	s0 =	sadd.s32 $0x8F2B, s0  }
0xc5: {  	[sflag:s0] =	ssyncadd.remote.s32 $0x1  }
0xc6: {  	_ =	sfence.sel $0xFFFF  }
0xc7: {  	[dreg:$0x0] =	wrdreg $0xFFFFFFFF;
	(pc) =	sbr.abs _section_cstart, $3  }
0xc8: {  	[dreg:$0x1] =	wrdreg $0xFFFFFFFF  }
0xc9: {  	_ =	task.clear_ibuf [dreg:s8], $0x2FFFF;
	_ =	strace $0x9FFFFFFF  }
0xca: {  	(tm) =	ssettm $0x7FFFFFFF  }
0xcb: {  	_ =	shalt  }
tec
execute0_lowered:
.L_overlay_start_1:
0x0: {  	(tag) =	ssettag $0x1  }
0x1: {  	s1 =	rddreg [dreg:$0x0]  }
0x2: {  	s0 =	rddreg [dreg:$0x1]  }
0x3: {  	s3 =	rddreg [dreg:$0x2]  }
0x4: {  	s2 =	rddreg [dreg:$0x3];
	s4 =	srdreg.scid  }
0x5: {  	s6 =	simm.s32 $0x0;
	s9 =	stileid.u32;
	s28 =	simm.s32 $0x5080  }
0x6: {  	s29 =	simm.s32 $0x7400;
	s30 =	simm.s32 $0x5100;
	s31 =	simm.s32 $0x9400  }
0x7: {  	s4 =	sand.u32 $0x1, s4;
	[smem:$0x7FF] =	sst s6;
	s19 =	smul.u32 $0x50000, s9  }
0x8: {  	s3 =	sadd.s32 $0x2C00, s3;
	s5 =	sshll.u32 s4, $0x4;
	_ =	strace $0x8000004A  }
0x9: {  	s7 =	ssub.s32 $0x2, s4;
	s4 =	smul.u32 $0x140000, s4;
	s5 =	sor.u32 s9, s5  }
0xa: {  	s20 =	sshrl.u32 s7, $0x1;
	s6 =	sshrl.u32 s19, $0x2;
	s9 =	smul.u32 $0x14000, s9  }
0xb: {  	s8 =	smul.u32 $0xA00, s5;
	s7 =	ssub.s32 s7, s20;
	s5 =	sadd.s32 s6, s2  }
0xc: {  	s21 =	sadd.s32 $0x2000, s5;
	s22 =	sadd.s32 $0x4000, s9;
	s6 =	sadd.s32 $0x6000, s5  }
0xd: {  	s23 =	sadd.s32 $0x8000, s9;
	s11 =	sadd.s32 $0xC000, s9;
	s12 =	sadd.s32 $0xA000, s5  }
0xe: {  	s13 =	sadd.s32 $0xE000, s5;
	s24 =	sadd.s32 $0x10000, s9;
	[dreg:$0x6] =	wrdreg s21  }
0xf: {  	s9 =	sadd.s32 s9, s4;
	s15 =	sadd.s32 $0x12000, s5;
	[dreg:$0x7] =	wrdreg s6  }
0x10: {  	s0 =	sadd.s32 s0, s8;
	s8 =	sadd.s32 s22, s2;
	[dreg:$0x8] =	wrdreg s12  }
0x11: {  	s10 =	sadd.s32 s23, s2;
	s12 =	sadd.s32 s11, s2;
	[dreg:$0x9] =	wrdreg s13  }
0x12: {  	s14 =	sadd.s32 s24, s2;
	s9 =	sshrl.u32 s9, $0x3;
	[dreg:$0xa] =	wrdreg s15  }
0x13: {  	s25 =	sadd.s32 s4, s23;
	s26 =	sadd.s32 s4, s11;
	s21 =	smax.u32 s7, $0x1  }
0x14: {  	s23 =	simm.s32 $0x4;
	s7 =	simm.s32 $0x3;
	s11 =	simm.s32 $0x6  }
0x15: {  	s13 =	simm.s32 $0x0;
	[dreg:$0x5] =	wrdreg s0;
	s0 =	sadd.s32 s4, s22  }
0x16: {  	s9 =	sadd.s32 s3, s9;
	s4 =	sadd.s32 s4, s24;
	s6 =	sshrl.u32 s26, $0x3  }
0x17: {  	s22 =	simm.s32 $0x5400;
	s24 =	simm.s32 $0x1;
	s26 =	simm.s32 $0x5000  }
0x18: {  	s0 =	sshrl.u32 s0, $0x3;
	[dreg:$0xb] =	wrdreg s9;
	s4 =	sshrl.u32 s4, $0x3  }
0x19: {  	s19 =	sadd.s32 s3, s6;
	s6 =	simm.s32 $0x5;
	s9 =	simm.s32 $0x5300  }
0x1a: {  	s0 =	sadd.s32 s3, s0;
	s20 =	sadd.s32 s3, s4;
	s4 =	simm.s32 $0x2  }
0x1b: {  	[dreg:$0xc] =	wrdreg s0;
	s0 =	sshrl.u32 s25, $0x3;
	s25 =	simm.s32 $0x40  }
0x1c: {  	v0 =	vimm.f32 $0.0e+00;
	s18 =	sadd.s32 s3, s0;
	s0 =	simm.s32 $0x5200;
	s3 =	simm.s32 $0x5280  }
.LBB2_1:
0x1d: {  	s15 =	simm.s32 $0x0;
	s16 =	rddreg [dreg:$0x5]  }
0x1e: {  	[tilespmem:s15], [sflag:$0x1] =	stream.linear.gather [hbm4b:s16+s15], $0x5000, $0x38;
	[tilespmem:$0x1F400] =	vst v63  }
0x1f: {  	s15 =	simm.s32 $0x0;
	s16 =	simm.s32 $0x200  }
.LBB2_2:
0x20: {  	p0 =	sne.s32 s16, $0x7E00;
	[tilespmem:s15+$0x5470] =	vst v0  }
0x21: {  	[tilespmem:s15+$0x5400] =	vst v0  }
0x22: {  	[tilespmem:s15+$0x5410] =	vst v0  }
.Ltmp0:
0x23: {  	[tilespmem:s15+$0x5420] =	vst v0;
	(pc) =	sbr.rel @p0 .LBB2_2-.Ltmp0, $4  }
0x24: {  	[tilespmem:s15+$0x5430] =	vst v0  }
0x25: {  	[tilespmem:s15+$0x5440] =	vst v0  }
0x26: {  	[tilespmem:s15+$0x5450] =	vst v0  }
0x27: {  	[tilespmem:s15+$0x5460] =	vst v0;
	s15 =	sshra.s32 s16, $0x2;
	s16 =	sadd.s32 $0x200, s16  }
0x28: {  	[tilespmem:s15+$0x5470] =	vst v0  }
0x29: {  	[tilespmem:s15+$0x5400] =	vst v0  }
0x2a: {  	[tilespmem:s15+$0x5410] =	vst v0  }
0x2b: {  	[tilespmem:s15+$0x5420] =	vst v0  }
0x2c: {  	[tilespmem:s15+$0x5430] =	vst v0  }
0x2d: {  	[tilespmem:s15+$0x5440] =	vst v0  }
0x2e: {  	[tilespmem:s15+$0x5450] =	vst v0  }
0x2f: {  	[tilespmem:s15+$0x5460] =	vst v0  }
0x30: {  	[spmem:s5] =	stream.linear.scatter [tilespmem:s22], [sflag:$0x4], $0x2000, $0x38;
	[tilespmem:$0x1F400] =	vst v63  }
0x31: {  	s17 =	rddreg [dreg:$0x6]  }
0x32: {  	[spmem:s17] =	stream.linear.scatter [tilespmem:s22], [sflag:$0x4], $0x2000, $0x38;
	[tilespmem:$0x1F400] =	vst v63  }
0x33: {  	_ = 	snop  }
0x34: {  	[spmem:s8] =	stream.linear.scatter [tilespmem:s22], [sflag:$0x4], $0x2000, $0x38;
	[tilespmem:$0x1F400] =	vst v63  }
0x35: {  	s16 =	rddreg [dreg:$0x7]  }
0x36: {  	[spmem:s16] =	stream.linear.scatter [tilespmem:s22], [sflag:$0x4], $0x2000, $0x38;
	[tilespmem:$0x1F400] =	vst v63  }
0x37: {  	_ = 	snop  }
0x38: {  	[spmem:s10] =	stream.linear.scatter [tilespmem:s22], [sflag:$0x4], $0x2000, $0x38;
	[tilespmem:$0x1F400] =	vst v63  }
0x39: {  	s17 =	rddreg [dreg:$0x8]  }
0x3a: {  	[spmem:s17] =	stream.linear.scatter [tilespmem:s22], [sflag:$0x4], $0x2000, $0x38;
	[tilespmem:$0x1F400] =	vst v63  }
0x3b: {  	_ = 	snop  }
0x3c: {  	[spmem:s12] =	stream.linear.scatter [tilespmem:s22], [sflag:$0x4], $0x2000, $0x38;
	[tilespmem:$0x1F400] =	vst v63  }
0x3d: {  	s16 =	rddreg [dreg:$0x9]  }
0x3e: {  	[spmem:s16] =	stream.linear.scatter [tilespmem:s22], [sflag:$0x4], $0x2000, $0x38;
	[tilespmem:$0x1F400] =	vst v63  }
0x3f: {  	_ = 	snop  }
0x40: {  	[spmem:s14] =	stream.linear.scatter [tilespmem:s22], [sflag:$0x4], $0x2000, $0x38;
	[tilespmem:$0x1F400] =	vst v63  }
0x41: {  	s17 =	rddreg [dreg:$0xa]  }
0x42: {  	[spmem:s17] =	stream.linear.scatter [tilespmem:s22], [sflag:$0x4], $0x2000, $0x38;
	[tilespmem:$0x1F400] =	vst v63  }
0x43: {  	_ =	swait.ge [sflag:s23], $0x2000  }
0x44: {  	[sflag:s23] =	ssyncset.done $0x0  }
0x45: {  	[sflag:s23] =	ssyncadd.s32 $0xFFFFE000  }
0x46: {  	_ =	swait.ge [sflag:s23], $0x2000  }
0x47: {  	[sflag:s23] =	ssyncset.done $0x0  }
0x48: {  	[sflag:s23] =	ssyncadd.s32 $0xFFFFE000  }
0x49: {  	_ =	swait.ge [sflag:s23], $0x2000  }
0x4a: {  	[sflag:s23] =	ssyncset.done $0x0  }
0x4b: {  	[sflag:s23] =	ssyncadd.s32 $0xFFFFE000  }
0x4c: {  	_ =	swait.ge [sflag:s23], $0x2000  }
0x4d: {  	[sflag:s23] =	ssyncset.done $0x0  }
0x4e: {  	[sflag:s23] =	ssyncadd.s32 $0xFFFFE000  }
0x4f: {  	_ =	swait.ge [sflag:s23], $0x2000  }
0x50: {  	[sflag:s23] =	ssyncset.done $0x0  }
0x51: {  	[sflag:s23] =	ssyncadd.s32 $0xFFFFE000  }
0x52: {  	_ =	swait.ge [sflag:s23], $0x2000  }
0x53: {  	[sflag:s23] =	ssyncset.done $0x0  }
0x54: {  	[sflag:s23] =	ssyncadd.s32 $0xFFFFE000  }
0x55: {  	_ =	swait.ge [sflag:s23], $0x2000  }
0x56: {  	[sflag:s23] =	ssyncset.done $0x0  }
0x57: {  	[sflag:s23] =	ssyncadd.s32 $0xFFFFE000  }
0x58: {  	_ =	swait.ge [sflag:s23], $0x2000  }
0x59: {  	[sflag:s23] =	ssyncset.done $0x0  }
0x5a: {  	[sflag:s23] =	ssyncadd.s32 $0xFFFFE000  }
0x5b: {  	_ =	swait.ge [sflag:s23], $0x2000  }
0x5c: {  	[sflag:s23] =	ssyncset.done $0x0  }
0x5d: {  	[sflag:s23] =	ssyncadd.s32 $0xFFFFE000  }
0x5e: {  	_ =	swait.ge [sflag:s23], $0x2000  }
0x5f: {  	[sflag:s23] =	ssyncset.done $0x0  }
0x60: {  	[sflag:s23] =	ssyncadd.s32 $0xFFFFE000  }
0x61: {  	_ =	swait.ge [sflag:s24], $0x5000  }
0x62: {  	[sflag:s24] =	ssyncset.done $0x0  }
0x63: {  	[sflag:s24] =	ssyncadd.s32 $0xFFFFB000  }
0x64: {  	[bflag:$0x0] =	sbarrier.arrive $0xFFFF  }
0x65: {  	v1 =	vld [tilespmem:$0x0];
	_ =	sdelay $0x1  }
0x66: {  	v2 =	vld [tilespmem:$0x10];
	_ =	sdelay $0x1  }
0x67: {  	v3 =	vld [tilespmem:$0x20]  }
0x68: {  	v4 =	vand.u32 $0xFFFF, v1  }
0x69: {  	v57 =	vld [tilespmem:$0x30];
	v1 =	vshrl.u32 v1, $0x10;
	[tilespmem:$0x5000] =	vst v4  }
0x6a: {  	[tilespmem:$0x5200] =	vst v1;
	v1 =	vand.u32 $0xFFFF, v2  }
0x6b: {  	[tilespmem:$0x5010] =	vst v1;
	v1 =	vshrl.u32 v2, $0x10  }
0x6c: {  	[tilespmem:$0x5210] =	vst v1;
	v1 =	vand.u32 $0xFFFF, v3  }
0x6d: {  	[tilespmem:$0x5020] =	vst v1;
	v1 =	vshrl.u32 v3, $0x10  }
0x6e: {  	[tilespmem:$0x5220] =	vst v1;
	v1 =	vand.u32 $0xFFFF, v57  }
0x6f: {  	[tilespmem:$0x5030] =	vst v1;
	v1 =	vshrl.u32 v57, $0x10  }
0x70: {  	[tilespmem:$0x5230] =	vst v1  }
0x71: {  	[tilespmem:s22], [sflag:$0x1] =	stream.indirect.gather [hbm4b:s1+s25], $0x80, s26, s25, $0xb8;
	[tilespmem:$0x1F400] =	vst v63  }
0x72: {  	v1 =	vld [tilespmem:$0x80];
	_ =	sdelay $0x1  }
0x73: {  	v2 =	vld [tilespmem:$0x90];
	_ =	sdelay $0x1  }
0x74: {  	v3 =	vld [tilespmem:$0xA0]  }
0x75: {  	v58 =	vand.u32 $0xFFFF, v1  }
0x76: {  	v59 =	vld [tilespmem:$0xB0];
	v1 =	vshrl.u32 v1, $0x10;
	[tilespmem:$0x5080] =	vst v58  }
0x77: {  	[tilespmem:$0x5280] =	vst v1;
	v1 =	vand.u32 $0xFFFF, v2  }
0x78: {  	[tilespmem:$0x5090] =	vst v1;
	v1 =	vshrl.u32 v2, $0x10  }
0x79: {  	[tilespmem:$0x5290] =	vst v1;
	v1 =	vand.u32 $0xFFFF, v3  }
0x7a: {  	[tilespmem:$0x50A0] =	vst v1;
	v1 =	vshrl.u32 v3, $0x10  }
0x7b: {  	[tilespmem:$0x52A0] =	vst v1;
	v1 =	vand.u32 $0xFFFF, v59  }
0x7c: {  	[tilespmem:$0x50B0] =	vst v1;
	v1 =	vshrl.u32 v59, $0x10  }
0x7d: {  	[tilespmem:$0x52B0] =	vst v1  }
0x7e: {  	[tilespmem:s29], [sflag:$0x2] =	stream.indirect.gather [hbm4b:s1+s25], $0x80, s28, s25, $0xb8;
	[tilespmem:$0x1F400] =	vst v63  }
0x7f: {  	v1 =	vld [tilespmem:$0x100];
	_ =	sdelay $0x1  }
0x80: {  	v2 =	vld [tilespmem:$0x110];
	_ =	sdelay $0x1  }
0x81: {  	v3 =	vld [tilespmem:$0x120]  }
0x82: {  	v60 =	vand.u32 $0xFFFF, v1  }
0x83: {  	v61 =	vld [tilespmem:$0x130];
	v1 =	vshrl.u32 v1, $0x10;
	[tilespmem:$0x5100] =	vst v60  }
0x84: {  	[tilespmem:$0x5300] =	vst v1;
	v1 =	vand.u32 $0xFFFF, v2  }
0x85: {  	[tilespmem:$0x5110] =	vst v1;
	v1 =	vshrl.u32 v2, $0x10  }
0x86: {  	[tilespmem:$0x5310] =	vst v1;
	v1 =	vand.u32 $0xFFFF, v3  }
0x87: {  	[tilespmem:$0x5120] =	vst v1;
	v1 =	vshrl.u32 v3, $0x10  }
0x88: {  	[tilespmem:$0x5320] =	vst v1;
	v1 =	vand.u32 $0xFFFF, v61  }
0x89: {  	[tilespmem:$0x5130] =	vst v1;
	v1 =	vshrl.u32 v61, $0x10  }
0x8a: {  	[tilespmem:$0x5330] =	vst v1  }
0x8b: {  	[tilespmem:s31], [sflag:$0x3] =	stream.indirect.gather [hbm4b:s1+s25], $0x80, s30, s25, $0xb8;
	[tilespmem:$0x1F400] =	vst v63  }
0x8c: {  	_ =	swait.ge [sflag:s24], $0x2000  }
0x8d: {  	[sflag:s24] =	ssyncset.done $0x0  }
0x8e: {  	[sflag:s24] =	ssyncadd.s32 $0xFFFFE000  }
0x8f: {  	[spmem:s2] =	stream.indirect.scatter.add.f32 [tilespmem:s22], [sflag:$0x4], $0x80, s0, s25, $0xb8;
	[tilespmem:$0x1F400] =	vst v63  }
0x90: {  	_ =	swait.ge [sflag:s23], $0x2000  }
0x91: {  	[sflag:s23] =	ssyncset.done $0x0  }
0x92: {  	[sflag:s23] =	ssyncadd.s32 $0xFFFFE000  }
0x93: {  	v1 =	vld [tilespmem:$0x180];
	_ =	sdelay $0x1  }
0x94: {  	v2 =	vld [tilespmem:$0x190];
	_ =	sdelay $0x1  }
0x95: {  	v3 =	vld [tilespmem:$0x1A0]  }
0x96: {  	v62 =	vand.u32 $0xFFFF, v1  }
0x97: {  	v63 =	vld [tilespmem:$0x1B0];
	v1 =	vshrl.u32 v1, $0x10;
	[tilespmem:$0x5000] =	vst v62  }
0x98: {  	[tilespmem:$0x5200] =	vst v1;
	v1 =	vand.u32 $0xFFFF, v2  }
0x99: {  	[tilespmem:$0x5010] =	vst v1;
	v1 =	vshrl.u32 v2, $0x10  }
0x9a: {  	[tilespmem:$0x5210] =	vst v1;
	v1 =	vand.u32 $0xFFFF, v3  }
0x9b: {  	[tilespmem:$0x5020] =	vst v1;
	v1 =	vshrl.u32 v3, $0x10  }
0x9c: {  	[tilespmem:$0x5220] =	vst v1;
	v1 =	vand.u32 $0xFFFF, v63  }
0x9d: {  	[tilespmem:$0x5030] =	vst v1;
	v1 =	vshrl.u32 v63, $0x10  }
0x9e: {  	[tilespmem:$0x5230] =	vst v1  }
0x9f: {  	[tilespmem:s22], [sflag:$0x1] =	stream.indirect.gather [hbm4b:s1+s25], $0x80, s26, s25, $0xb8;
	[tilespmem:$0x1F400] =	vst v63  }
0xa0: {  	_ =	swait.ge [sflag:s4], $0x2000  }
0xa1: {  	[sflag:s4] =	ssyncset.done $0x0  }
0xa2: {  	[sflag:s4] =	ssyncadd.s32 $0xFFFFE000  }
0xa3: {  	[spmem:s2] =	stream.indirect.scatter.add.f32 [tilespmem:s29], [sflag:$0x5], $0x80, s3, s25, $0xb8;
	[tilespmem:$0x1F400] =	vst v63  }
0xa4: {  	_ =	swait.ge [sflag:s6], $0x2000  }
0xa5: {  	[sflag:s6] =	ssyncset.done $0x0  }
0xa6: {  	s15 =	simm.s32 $0x330;
	[sflag:s6] =	ssyncadd.s32 $0xFFFFE000  }
0xa7: {  	v1 =	vld [tilespmem:s15+$0xFFFFFED0];
	_ =	sdelay $0x4  }
0xa8: {  	v2 =	vand.u32 $0xFFFF, v1  }
0xa9: {  	v1 =	vshrl.u32 v1, $0x10;
	[tilespmem:$0x5080] =	vst v2  }
0xaa: {  	[tilespmem:$0x5280] =	vst v1  }
0xab: {  	v1 =	vld [tilespmem:s15+$0xFFFFFEE0];
	_ =	sdelay $0x4  }
0xac: {  	v2 =	vand.u32 $0xFFFF, v1  }
0xad: {  	v1 =	vshrl.u32 v1, $0x10;
	[tilespmem:$0x5090] =	vst v2  }
0xae: {  	[tilespmem:$0x5290] =	vst v1  }
0xaf: {  	v1 =	vld [tilespmem:s15+$0xFFFFFEF0];
	_ =	sdelay $0x4  }
0xb0: {  	v2 =	vand.u32 $0xFFFF, v1  }
0xb1: {  	v1 =	vshrl.u32 v1, $0x10;
	[tilespmem:$0x50A0] =	vst v2  }
0xb2: {  	[tilespmem:$0x52A0] =	vst v1  }
0xb3: {  	v1 =	vld [tilespmem:s15+$0xFFFFFF00];
	_ =	sdelay $0x4  }
0xb4: {  	v2 =	vand.u32 $0xFFFF, v1  }
0xb5: {  	v1 =	vshrl.u32 v1, $0x10;
	[tilespmem:$0x50B0] =	vst v2  }
0xb6: {  	[tilespmem:$0x52B0] =	vst v1  }
0xb7: {  	[tilespmem:s29], [sflag:$0x2] =	stream.indirect.gather [hbm4b:s1+s25], $0x80, s28, s25, $0xb8;
	[tilespmem:$0x1F400] =	vst v63  }
0xb8: {  	_ =	swait.ge [sflag:s7], $0x2000  }
0xb9: {  	[sflag:s7] =	ssyncset.done $0x0  }
0xba: {  	[sflag:s7] =	ssyncadd.s32 $0xFFFFE000  }
0xbb: {  	[spmem:s2] =	stream.indirect.scatter.add.f32 [tilespmem:s31], [sflag:$0x6], $0x80, s9, s25, $0xb8;
	[tilespmem:$0x1F400] =	vst v63  }
0xbc: {  	_ =	swait.ge [sflag:s11], $0x2000  }
0xbd: {  	[sflag:s11] =	ssyncset.done $0x0  }
0xbe: {  	[sflag:s11] =	ssyncadd.s32 $0xFFFFE000  }
0xbf: {  	v1 =	vld [tilespmem:s15+$0xFFFFFF50];
	_ =	sdelay $0x4  }
0xc0: {  	v2 =	vand.u32 $0xFFFF, v1  }
0xc1: {  	v1 =	vshrl.u32 v1, $0x10;
	[tilespmem:$0x5100] =	vst v2  }
0xc2: {  	[tilespmem:$0x5300] =	vst v1  }
0xc3: {  	v1 =	vld [tilespmem:s15+$0xFFFFFF60];
	_ =	sdelay $0x4  }
0xc4: {  	v2 =	vand.u32 $0xFFFF, v1  }
0xc5: {  	v1 =	vshrl.u32 v1, $0x10;
	[tilespmem:$0x5110] =	vst v2  }
0xc6: {  	[tilespmem:$0x5310] =	vst v1  }
0xc7: {  	v1 =	vld [tilespmem:s15+$0xFFFFFF70];
	_ =	sdelay $0x4  }
0xc8: {  	v2 =	vand.u32 $0xFFFF, v1  }
0xc9: {  	v1 =	vshrl.u32 v1, $0x10;
	[tilespmem:$0x5120] =	vst v2  }
0xca: {  	[tilespmem:$0x5320] =	vst v1  }
0xcb: {  	v1 =	vld [tilespmem:s15+$0xFFFFFF80];
	_ =	sdelay $0x4  }
0xcc: {  	v2 =	vand.u32 $0xFFFF, v1  }
0xcd: {  	v1 =	vshrl.u32 v1, $0x10;
	[tilespmem:$0x5130] =	vst v2  }
0xce: {  	[tilespmem:$0x5330] =	vst v1  }
0xcf: {  	[tilespmem:s31], [sflag:$0x3] =	stream.indirect.gather [hbm4b:s1+s25], $0x80, s30, s25, $0xb8;
	[tilespmem:$0x1F400] =	vst v63  }
0xd0: {  	_ =	swait.ge [sflag:s24], $0x2000  }
0xd1: {  	[sflag:s24] =	ssyncset.done $0x0  }
0xd2: {  	[sflag:s24] =	ssyncadd.s32 $0xFFFFE000  }
0xd3: {  	[spmem:s2] =	stream.indirect.scatter.add.f32 [tilespmem:s22], [sflag:$0x4], $0x80, s0, s25, $0xb8;
	[tilespmem:$0x1F400] =	vst v63  }
0xd4: {  	_ =	swait.ge [sflag:s23], $0x2000  }
0xd5: {  	[sflag:s23] =	ssyncset.done $0x0  }
0xd6: {  	[sflag:s23] =	ssyncadd.s32 $0xFFFFE000  }
0xd7: {  	v1 =	vld [tilespmem:s15+$0xFFFFFFD0];
	_ =	sdelay $0x4  }
0xd8: {  	v2 =	vand.u32 $0xFFFF, v1  }
0xd9: {  	v1 =	vshrl.u32 v1, $0x10;
	[tilespmem:$0x5000] =	vst v2  }
0xda: {  	[tilespmem:$0x5200] =	vst v1  }
0xdb: {  	v1 =	vld [tilespmem:s15+$0xFFFFFFE0];
	_ =	sdelay $0x4  }
0xdc: {  	v2 =	vand.u32 $0xFFFF, v1  }
0xdd: {  	v1 =	vshrl.u32 v1, $0x10;
	[tilespmem:$0x5010] =	vst v2  }
0xde: {  	[tilespmem:$0x5210] =	vst v1  }
0xdf: {  	v1 =	vld [tilespmem:s15+$0xFFFFFFF0];
	_ =	sdelay $0x4  }
0xe0: {  	v2 =	vand.u32 $0xFFFF, v1  }
0xe1: {  	v1 =	vshrl.u32 v1, $0x10;
	[tilespmem:$0x5020] =	vst v2  }
0xe2: {  	s16 =	simm.s32 $0x12C0;
	[tilespmem:$0x5220] =	vst v1  }
.LBB2_4:
0xe3: {  	p0 =	sne.s32 s16, $0x13EC0;
	v1 =	vld [tilespmem:s15+$0x0];
	s15 =	smov.u32 s16;
	s16 =	sadd.s32 $0x600, s16  }
0xe4: {  	_ =	sdelay $0x3  }
0xe5: {  	v2 =	vand.u32 $0xFFFF, v1;
	v1 =	vshrl.u32 v1, $0x10  }
0xe6: {  	[tilespmem:$0x5030] =	vst v2  }
0xe7: {  	[tilespmem:$0x5230] =	vst v1  }
0xe8: {  	[tilespmem:s22], [sflag:$0x1] =	stream.indirect.gather [hbm4b:s1+s25], $0x80, s26, s25, $0xb8;
	[tilespmem:$0x1F400] =	vst v63  }
0xe9: {  	_ =	swait.ge [sflag:s4], $0x2000  }
0xea: {  	[sflag:s4] =	ssyncset.done $0x0  }
0xeb: {  	[sflag:s4] =	ssyncadd.s32 $0xFFFFE000  }
0xec: {  	[spmem:s2] =	stream.indirect.scatter.add.f32 [tilespmem:s29], [sflag:$0x5], $0x80, s3, s25, $0xb8;
	[tilespmem:$0x1F400] =	vst v63  }
0xed: {  	_ =	swait.ge [sflag:s6], $0x2000  }
0xee: {  	[sflag:s6] =	ssyncset.done $0x0  }
0xef: {  	s15 =	sshra.s32 s15, $0x2;
	[sflag:s6] =	ssyncadd.s32 $0xFFFFE000  }
0xf0: {  	v1 =	vld [tilespmem:s15+$0xFFFFFED0];
	_ =	sdelay $0x4  }
0xf1: {  	v2 =	vand.u32 $0xFFFF, v1;
	v1 =	vshrl.u32 v1, $0x10  }
0xf2: {  	[tilespmem:$0x5080] =	vst v2  }
0xf3: {  	[tilespmem:$0x5280] =	vst v1  }
0xf4: {  	v1 =	vld [tilespmem:s15+$0xFFFFFEE0];
	_ =	sdelay $0x4  }
0xf5: {  	v2 =	vand.u32 $0xFFFF, v1;
	v1 =	vshrl.u32 v1, $0x10  }
0xf6: {  	[tilespmem:$0x5090] =	vst v2  }
0xf7: {  	[tilespmem:$0x5290] =	vst v1  }
0xf8: {  	v1 =	vld [tilespmem:s15+$0xFFFFFEF0];
	_ =	sdelay $0x4  }
0xf9: {  	v2 =	vand.u32 $0xFFFF, v1;
	v1 =	vshrl.u32 v1, $0x10  }
0xfa: {  	[tilespmem:$0x50A0] =	vst v2  }
0xfb: {  	[tilespmem:$0x52A0] =	vst v1  }
0xfc: {  	v1 =	vld [tilespmem:s15+$0xFFFFFF00];
	_ =	sdelay $0x4  }
0xfd: {  	v2 =	vand.u32 $0xFFFF, v1;
	v1 =	vshrl.u32 v1, $0x10  }
0xfe: {  	[tilespmem:$0x50B0] =	vst v2  }
0xff: {  	[tilespmem:$0x52B0] =	vst v1  }
0x100: {  	[tilespmem:s29], [sflag:$0x2] =	stream.indirect.gather [hbm4b:s1+s25], $0x80, s28, s25, $0xb8;
	[tilespmem:$0x1F400] =	vst v63  }
0x101: {  	_ =	swait.ge [sflag:s7], $0x2000  }
0x102: {  	[sflag:s7] =	ssyncset.done $0x0  }
0x103: {  	[sflag:s7] =	ssyncadd.s32 $0xFFFFE000  }
0x104: {  	[spmem:s2] =	stream.indirect.scatter.add.f32 [tilespmem:s31], [sflag:$0x6], $0x80, s9, s25, $0xb8;
	[tilespmem:$0x1F400] =	vst v63  }
0x105: {  	_ =	swait.ge [sflag:s11], $0x2000  }
0x106: {  	[sflag:s11] =	ssyncset.done $0x0  }
0x107: {  	[sflag:s11] =	ssyncadd.s32 $0xFFFFE000  }
0x108: {  	v1 =	vld [tilespmem:s15+$0xFFFFFF50];
	_ =	sdelay $0x4  }
0x109: {  	v2 =	vand.u32 $0xFFFF, v1;
	v1 =	vshrl.u32 v1, $0x10  }
0x10a: {  	[tilespmem:$0x5100] =	vst v2  }
0x10b: {  	[tilespmem:$0x5300] =	vst v1  }
0x10c: {  	v1 =	vld [tilespmem:s15+$0xFFFFFF60];
	_ =	sdelay $0x4  }
0x10d: {  	v2 =	vand.u32 $0xFFFF, v1;
	v1 =	vshrl.u32 v1, $0x10  }
0x10e: {  	[tilespmem:$0x5110] =	vst v2  }
0x10f: {  	[tilespmem:$0x5310] =	vst v1  }
0x110: {  	v1 =	vld [tilespmem:s15+$0xFFFFFF70];
	_ =	sdelay $0x4  }
0x111: {  	v2 =	vand.u32 $0xFFFF, v1;
	v1 =	vshrl.u32 v1, $0x10  }
0x112: {  	[tilespmem:$0x5120] =	vst v2  }
0x113: {  	[tilespmem:$0x5320] =	vst v1  }
0x114: {  	v1 =	vld [tilespmem:s15+$0xFFFFFF80];
	_ =	sdelay $0x4  }
0x115: {  	v2 =	vand.u32 $0xFFFF, v1;
	v1 =	vshrl.u32 v1, $0x10  }
0x116: {  	[tilespmem:$0x5130] =	vst v2  }
0x117: {  	[tilespmem:$0x5330] =	vst v1  }
0x118: {  	[tilespmem:s31], [sflag:$0x3] =	stream.indirect.gather [hbm4b:s1+s25], $0x80, s30, s25, $0xb8;
	[tilespmem:$0x1F400] =	vst v63  }
0x119: {  	_ =	swait.ge [sflag:s24], $0x2000  }
0x11a: {  	[sflag:s24] =	ssyncset.done $0x0  }
0x11b: {  	[sflag:s24] =	ssyncadd.s32 $0xFFFFE000  }
0x11c: {  	[spmem:s2] =	stream.indirect.scatter.add.f32 [tilespmem:s22], [sflag:$0x4], $0x80, s0, s25, $0xb8;
	[tilespmem:$0x1F400] =	vst v63  }
0x11d: {  	_ =	swait.ge [sflag:s23], $0x2000  }
0x11e: {  	[sflag:s23] =	ssyncset.done $0x0  }
0x11f: {  	[sflag:s23] =	ssyncadd.s32 $0xFFFFE000  }
0x120: {  	v1 =	vld [tilespmem:s15+$0xFFFFFFD0];
	_ =	sdelay $0x4  }
0x121: {  	v2 =	vand.u32 $0xFFFF, v1;
	v1 =	vshrl.u32 v1, $0x10  }
0x122: {  	[tilespmem:$0x5000] =	vst v2  }
0x123: {  	[tilespmem:$0x5200] =	vst v1  }
0x124: {  	v1 =	vld [tilespmem:s15+$0xFFFFFFE0];
	_ =	sdelay $0x4  }
0x125: {  	v2 =	vand.u32 $0xFFFF, v1;
	v1 =	vshrl.u32 v1, $0x10  }
0x126: {  	[tilespmem:$0x5010] =	vst v2  }
0x127: {  	[tilespmem:$0x5210] =	vst v1  }
0x128: {  	v1 =	vld [tilespmem:s15+$0xFFFFFFF0];
	_ =	sdelay $0x2  }
.Ltmp1:
0x129: {  	(pc) =	sbr.rel @p0 .LBB2_4-.Ltmp1, $4  }
0x12a: {  	_ = 	snop  }
0x12b: {  	v2 =	vand.u32 $0xFFFF, v1;
	v1 =	vshrl.u32 v1, $0x10  }
0x12c: {  	[tilespmem:$0x5020] =	vst v2  }
0x12d: {  	[tilespmem:$0x5220] =	vst v1  }
0x12e: {  	v1 =	vld [tilespmem:s15+$0x0];
	_ =	sdelay $0x4  }
0x12f: {  	v2 =	vand.u32 $0xFFFF, v1  }
0x130: {  	v1 =	vshrl.u32 v1, $0x10;
	[tilespmem:$0x5030] =	vst v2  }
0x131: {  	[tilespmem:$0x5230] =	vst v1  }
0x132: {  	[tilespmem:s22], [sflag:$0x1] =	stream.indirect.gather [hbm4b:s1+s25], $0x80, s26, s25, $0xb8;
	[tilespmem:$0x1F400] =	vst v63  }
0x133: {  	_ =	swait.ge [sflag:s4], $0x2000  }
0x134: {  	[sflag:s4] =	ssyncset.done $0x0  }
0x135: {  	[sflag:s4] =	ssyncadd.s32 $0xFFFFE000  }
0x136: {  	[spmem:s2] =	stream.indirect.scatter.add.f32 [tilespmem:s29], [sflag:$0x5], $0x80, s3, s25, $0xb8;
	[tilespmem:$0x1F400] =	vst v63  }
0x137: {  	_ =	swait.ge [sflag:s6], $0x2000  }
0x138: {  	[sflag:s6] =	ssyncset.done $0x0  }
0x139: {  	[sflag:s6] =	ssyncadd.s32 $0xFFFFE000  }
0x13a: {  	_ =	swait.ge [sflag:s7], $0x2000  }
0x13b: {  	[sflag:s7] =	ssyncset.done $0x0  }
0x13c: {  	[sflag:s7] =	ssyncadd.s32 $0xFFFFE000  }
0x13d: {  	[spmem:s2] =	stream.indirect.scatter.add.f32 [tilespmem:s31], [sflag:$0x6], $0x80, s9, s25, $0xb8;
	[tilespmem:$0x1F400] =	vst v63  }
0x13e: {  	_ =	swait.ge [sflag:s11], $0x2000  }
0x13f: {  	[sflag:s11] =	ssyncset.done $0x0  }
0x140: {  	[sflag:s11] =	ssyncadd.s32 $0xFFFFE000  }
0x141: {  	_ =	swait.ge [sflag:s24], $0x2000  }
0x142: {  	[sflag:s24] =	ssyncset.done $0x0  }
0x143: {  	[sflag:s24] =	ssyncadd.s32 $0xFFFFE000  }
0x144: {  	[spmem:s2] =	stream.indirect.scatter.add.f32 [tilespmem:s22], [sflag:$0x4], $0x80, s0, s25, $0xb8;
	[tilespmem:$0x1F400] =	vst v63  }
0x145: {  	_ =	swait.ge [sflag:s23], $0x2000  }
0x146: {  	[sflag:s23] =	ssyncset.done $0x0  }
0x147: {  	s16 =	stileid.u32;
	[sflag:s23] =	ssyncadd.s32 $0xFFFFE000  }
0x148: {  	s15 =	sshll.u32 s16, $0x6;
	[bflag:$0x0] =	sbarrier.arrive $0xFFFF  }
0x149: {  	s16 =	sshrl.u32 s5, $0x3;
	s15 =	sor.u32 $0x1C04, s15;
	s17 =	rddreg [dreg:$0xb]  }
0x14a: {  	[hbm:s17], [sflag:s15] =	dma.local [spmem:s16], $0x800  }
0x14b: {  	s16 =	sshrl.u32 s8, $0x3;
	s17 =	rddreg [dreg:$0xc]  }
0x14c: {  	[hbm:s17], [sflag:s15] =	dma.local [spmem:s16], $0x800  }
0x14d: {  	s17 =	sshrl.u32 s10, $0x3  }
0x14e: {  	[hbm:s18], [sflag:s15] =	dma.local [spmem:s17], $0x800  }
0x14f: {  	s17 =	sshrl.u32 s12, $0x3  }
0x150: {  	[hbm:s19], [sflag:s15] =	dma.local [spmem:s17], $0x800  }
0x151: {  	s17 =	sshrl.u32 s14, $0x3  }
0x152: {  	[hbm:s20], [sflag:s15] =	dma.local [spmem:s17], $0x800  }
0x153: {  	_ =	swait.ge [sflag:s23], $0x800  }
0x154: {  	[sflag:s23] =	ssyncset.done $0x0  }
0x155: {  	[sflag:s23] =	ssyncadd.s32 $0xFFFFF800  }
0x156: {  	_ =	swait.ge [sflag:s23], $0x800  }
0x157: {  	[sflag:s23] =	ssyncset.done $0x0  }
0x158: {  	[sflag:s23] =	ssyncadd.s32 $0xFFFFF800  }
0x159: {  	_ =	swait.ge [sflag:s23], $0x800  }
0x15a: {  	[sflag:s23] =	ssyncset.done $0x0  }
0x15b: {  	s13 =	sadd.s32 $0x1, s13;
	[sflag:s23] =	ssyncadd.s32 $0xFFFFF800  }
0x15c: {  	p0 =	sne.s32 s13, s21;
	_ =	swait.ge [sflag:s23], $0x800  }
.Ltmp2:
0x15d: {  	[sflag:s23] =	ssyncset.done $0x0;
	(pc) =	sbr.rel @p0 .LBB2_1-.Ltmp2, $4  }
0x15e: {  	[sflag:s23] =	ssyncadd.s32 $0xFFFFF800  }
0x15f: {  	_ =	swait.ge [sflag:s23], $0x800  }
0x160: {  	[sflag:s23] =	ssyncset.done $0x0  }
0x161: {  	[sflag:s23] =	ssyncadd.s32 $0xFFFFF800  }
0x162: {  	_ =	sfence.sel $0x180000  }
0x163: {  	[bflag:$0x0] =	sbarrier.arrive $0xFFFF  }
0x164: {  	_ =	strace $0x9000004A  }
0x165: {  	s0 =	stileid.u32;
	[bflag:$0x2] =	sbarrier.arrive $0xFFFF  }
0x166: {  	p0 =	sne.s32 s0, $0x0;
	s0 =	rddreg [dreg:$0x4]  }
0x167: {  	s0 =	sadd.s32 @!p0 $0x100000, s0  }
0x168: {  	[sflag:s0] =	ssyncadd.tile.s32 @!p0 $0x1;
	_ =	shalt  }
.Lfunc_end2:
_tile_overlayer_lowered:
.L_overlay_start_2:
0x169: {  	(tag) =	ssettag $0x2  }
0x16a: {  	s0 =	rddreg [dreg:$0x0];
	s2 =	stileid.u32  }
0x16b: {  	s1 =	rddreg [dreg:$0x1];
	p0 =	sne.s32 s2, $0x0  }
0x16c: {  	s3 =	rddreg [dreg:$0x2];
	[bflag:$0x3] =	sbarrier.arrive $0xFFFF;
	s2 =	simm.s32 @!p0 $0x1C07  }
0x16d: {  	[timem:s3], [sflag:s2] =	dma.local @!p0 [hbm:s0], s1  }
0x16e: {  	s0 =	simm.s32 @!p0 $0x7  }
0x16f: {  	_ =	swait.ge @!p0 [sflag:s0], s1  }
0x170: {  	s1 =	ssub.s32 @!p0 $0x0, s1;
	[sflag:s0] =	ssyncset.done @!p0 $0x0  }
0x171: {  	[sflag:s0] =	ssyncadd.s32 @!p0 s1  }
0x172: {  	[bflag:$0x3] =	sbarrier.arrive $0xFFFF  }
0x173: {  	_ =	shalt  }

// kernel: kernel.14.cloned.1.call-start
scs
__scs_entry_jumppad:
0x0: {  	(pc) =	sbr.rel $0x88, $3  }
0x1: {  	(tag) =	ssettag $0x0;
	lr =	simm.s32 $0x1  }
0x2: {  	[smem:$0x3F99] =	sst lr;
	_ =	strace $0xD0000000  }
0x3: {  	_ = 	snop  }
0x4: {  	_ = 	snop  }
0x5: {  	_ = 	snop  }
0x6: {  	_ = 	snop  }
0x7: {  	_ = 	snop  }
__scs_overlays_trampoline_lowered:
0x8: {  	[smem:$0x3FA8] =	sst s0  }
0x9: {  	[smem:$0x3FA9] =	sst s1  }
0xa: {  	[smem:$0x3FAA] =	sst s2  }
0xb: {  	[smem:$0x3FAB] =	sst s3  }
0xc: {  	[smem:$0x3FAC] =	sst s4  }
0xd: {  	[smem:$0x3FAD] =	sst s5  }
0xe: {  	[smem:$0x3FAE] =	sst s6  }
0xf: {  	[smem:$0x3FAF] =	sst s7  }
0x10: {  	[smem:$0x3FB0] =	sst s8  }
0x11: {  	[smem:$0x3FB1] =	sst s9;
	s0 =	simm.s32 @!p0 $0x0  }
0x12: {  	s1 =	sld [smem:$0x3F97];
	s0 =	simm.s32 @p0 $0x1  }
0x13: {  	[smem:$0x3FB2] =	sst s0;
	s0 =	simm.s32 @!p1 $0x0  }
0x14: {  	s2 =	sld [smem:$0x3F96];
	s0 =	simm.s32 @p1 $0x1  }
0x15: {  	[smem:$0x3FB3] =	sst s0;
	s0 =	simm.s32 @!p2 $0x0  }
0x16: {  	s3 =	sld [smem:$0x3FDB];
	s0 =	simm.s32 @p2 $0x1  }
0x17: {  	s4 =	simm.s32 $0x1BF5;
	[smem:$0x3FB5] =	sst s0  }
0x18: {  	s0 =	sld [smem:$0x3F98];
	_ =	swait.ge [sflag:s4], $0x0  }
0x19: {  	s7 =	sld [smem:$0x3F99]  }
0x1a: {  	s8 =	sadd.s32 $0xFFFFE003, lr  }
0x1b: {  	s9 =	sadd.s32 $0xFFFFFEF7, lr;
	s5 =	simm.s32 $0xFFFFFFFF;
	p2 =	slt.u32 s8, $0xFFFFF086  }
0x1c: {  	p1 =	slt.u32 s9, $0xF7A;
	s5 =	simm.s32 @!p2 $0x0  }
0x1d: {  	s5 =	simm.s32 @p1 $0x1;
	p0 =	seq.s32 s7, s2  }
0x1e: {  	s7 =	smul.u32 @!p0 $0xF7A, s2;
	p2 =	seq.s32 @!p0 s5, $0x0  }
0x1f: {  	s9 =	smul.u32 $0xF7A, s1;
	s8 =	simm.s32 @!p0 $0x1BF5;
	p2 =	por !p2, p0  }
0x20: {  	[sflag:s8] =	ssyncset.s32 @!p0 $0xFFFFF086;
	s6 =	sadd.s32 @!p0 s3, s7;
	s7 =	simm.s32 @!p0 $0x108  }
0x21: {  	s3 =	sadd.s32 s3, s9;
	s6 =	sadd.s32 @!p0 $0x88, s6;
	s7 =	simm.s32 @p2 $0x1082  }
0x22: {  	[simem:s7], [sflag:s8] =	dma.local @!p0 [hbm:s6], $0xF7A  }
0x23: {  	s9 =	sor.u32 $0xD0000000, s2;
	s6 =	simm.s32 $0x108;
	_ =	swait.ge @!p0 [sflag:s8], $0x0  }
0x24: {  	s3 =	sadd.s32 $0x88, s3;
	s6 =	simm.s32 @!p1 $0x1082;
	[sflag:s4] =	ssyncset.s32 $0xFFFFF086  }
0x25: {  	[simem:s6], [sflag:s4] =	dma.local [hbm:s3], $0xF7A  }
0x26: {  	[smem:$0x3F99] =	sst s1;
	(tag) =	ssettag s2;
	_ =	strace s9  }
0x27: {  	s1 =	sld [smem:$0x3FA9]  }
0x28: {  	s2 =	sld [smem:$0x3FAA]  }
0x29: {  	s4 =	sld [smem:$0x3FAC]  }
0x2a: {  	p0 =	seq.s32 s5, $0x0;
	s5 =	sld [smem:$0x3FAD]  }
0x2b: {  	s6 =	sld [smem:$0x3FAE]  }
0x2c: {  	s7 =	sld [smem:$0x3FAF]  }
0x2d: {  	s3 =	simm.s32 $0x108;
	s8 =	sld [smem:$0x3FB0]  }
0x2e: {  	s3 =	simm.s32 @!p0 $0x1082;
	s9 =	sld [smem:$0x3FB1]  }
0x2f: {  	lr =	sadd.s32 s0, s3;
	s0 =	sld [smem:$0x3FA8]  }
0x30: {  	s3 =	sld [smem:$0x3FAB]  }
0x31: {  	[smem:$0x3FB4] =	sst s10  }
0x32: {  	s10 =	sld [smem:$0x3FB2];
	_ =	sdelay $0x3  }
0x33: {  	p0 =	seq.s32 s10, $0x1;
	s10 =	sld [smem:$0x3FB4];
	_ =	sdelay $0x3  }
0x34: {  	[smem:$0x3FB4] =	sst s10  }
0x35: {  	s10 =	sld [smem:$0x3FB3];
	_ =	sdelay $0x3  }
0x36: {  	p1 =	seq.s32 s10, $0x1;
	s10 =	sld [smem:$0x3FB4];
	_ =	sdelay $0x3  }
0x37: {  	[smem:$0x3FB4] =	sst s10  }
0x38: {  	s10 =	sld [smem:$0x3FB5]  }
0x39: {  	_ = 	snop;
	(pc) =	sbr.ind lr, $3  }
0x3a: {  	_ = 	snop  }
0x3b: {  	_ = 	snop  }
0x3c: {  	p2 =	seq.s32 s10, $0x1;
	s10 =	sld [smem:$0x3FB4]  }
0x3d: {  	_ =	shalt  }
0x3e: {  	_ =	shalt  }
0x3f: {  	_ =	shalt  }
0x40: {  	_ =	shalt  }
0x41: {  	_ =	shalt  }
0x42: {  	_ =	shalt  }
0x43: {  	_ =	shalt  }
0x44: {  	_ =	shalt  }
0x45: {  	_ =	shalt  }
0x46: {  	_ =	shalt  }
0x47: {  	_ =	shalt  }
0x48: {  	_ =	shalt  }
0x49: {  	_ =	shalt  }
0x4a: {  	_ =	shalt  }
0x4b: {  	_ =	shalt  }
0x4c: {  	_ =	shalt  }
0x4d: {  	_ =	shalt  }
0x4e: {  	_ =	shalt  }
0x4f: {  	_ =	shalt  }
0x50: {  	_ =	shalt  }
0x51: {  	_ =	shalt  }
0x52: {  	_ =	shalt  }
0x53: {  	_ =	shalt  }
0x54: {  	_ =	shalt  }
0x55: {  	_ =	shalt  }
0x56: {  	_ =	shalt  }
0x57: {  	_ =	shalt  }
0x58: {  	_ =	shalt  }
0x59: {  	_ =	shalt  }
0x5a: {  	_ =	shalt  }
0x5b: {  	_ =	shalt  }
0x5c: {  	_ =	shalt  }
0x5d: {  	_ =	shalt  }
0x5e: {  	_ =	shalt  }
0x5f: {  	_ =	shalt  }
0x60: {  	_ =	shalt  }
0x61: {  	_ =	shalt  }
0x62: {  	_ =	shalt  }
0x63: {  	_ =	shalt  }
0x64: {  	_ =	shalt  }
0x65: {  	_ =	shalt  }
0x66: {  	_ =	shalt  }
0x67: {  	_ =	shalt  }
0x68: {  	_ =	shalt  }
0x69: {  	_ =	shalt  }
0x6a: {  	_ =	shalt  }
0x6b: {  	_ =	shalt  }
0x6c: {  	_ =	shalt  }
0x6d: {  	_ =	shalt  }
0x6e: {  	_ =	shalt  }
0x6f: {  	_ =	shalt  }
0x70: {  	_ =	shalt  }
0x71: {  	_ =	shalt  }
0x72: {  	_ =	shalt  }
0x73: {  	_ =	shalt  }
0x74: {  	_ =	shalt  }
0x75: {  	_ =	shalt  }
0x76: {  	_ =	shalt  }
0x77: {  	_ =	shalt  }
0x78: {  	_ =	shalt  }
0x79: {  	_ =	shalt  }
0x7a: {  	_ =	shalt  }
0x7b: {  	_ =	shalt  }
0x7c: {  	_ =	shalt  }
0x7d: {  	_ =	shalt  }
0x7e: {  	_ =	shalt  }
0x7f: {  	_ =	shalt  }
0x80: {  	_ =	shalt  }
0x81: {  	_ =	shalt  }
0x82: {  	_ =	shalt  }
0x83: {  	_ =	shalt  }
0x84: {  	_ =	shalt  }
0x85: {  	_ =	shalt  }
0x86: {  	_ =	shalt  }
0x87: {  	_ =	shalt  }
.Lfunc_end0:
.L_simem_size_0:
called_computation.2_lowered:
.L_overlay_start_0:
0x88: {  	s2 =	sld [smem:$0x3FD9]  }
0x89: {  	s3 =	sld [smem:$0x3FFE];
	_ =	sdelay $0x1  }
0x8a: {  	s1 =	srdreg.scid  }
0x8b: {  	s0 =	sand.u32 $0x1, s1  }
0x8c: {  	s14 =	sshll.u32 s0, $0xA;
	s2 =	sadd.s32 s3, s2  }
0x8d: {  	s2 =	sadd.s32 s2, s14  }
0x8e: {  	[smem:$0x3FC0] =	sst s2  }
0x8f: {  	_ = 	snop  }
0x90: {  	s2 =	sld [smem:$0x3FD0];
	_ =	sdelay $0x2  }
0x91: {  	s15 =	simm.s32 $0xA;
	s4 =	simm.s32 $0x10  }
0x92: {  	[smem:s4], [sflag:s15] =	dma.local [hbm:s2], $0x1  }
0x93: {  	_ =	swait.eq [sflag:s15], $0x1  }
0x94: {  	[sflag:s15] =	ssyncset.done $0x0  }
0x95: {  	s16 =	sld [smem:$0x10];
	[sflag:s15] =	ssyncadd.s32 $0xFFFFFFFF  }
0x96: {  	s17 =	sld [smem:$0x11];
	(tm) =	ssettm $0x1  }
0x97: {  	s18 =	sld [smem:$0x3FFB];
	_ =	sdelay $0x3  }
0x98: {  	_ =	strace s18  }
0x99: {  	s4 =	sld [smem:$0x3FFC];
	_ =	sdelay $0x3  }
0x9a: {  	_ =	strace s4  }
0x9b: {  	s4 =	sld [smem:$0x3FFD];
	_ =	sdelay $0x3  }
0x9c: {  	_ =	strace s4  }
0x9d: {  	_ =	strace $0x8FFFFFFF  }
0x9e: {  	s19 =	sld [smem:$0x3FDB];
	_ =	sdelay $0x1  }
0x9f: {  	s5 =	simm.s32 $_scs_section_size  }
0xa0: {  	s6 =	simm.s32 $_size__tile_overlayer_lowered;
	s7 =	simm.s32 $_tile_overlayer_lowered  }
0xa1: {  	s22 =	simm.s32 $0x1BFF;
	s21 =	sshll.u32 s7, $0x1;
	s4 =	sadd.s32 s5, s19  }
0xa2: {  	s8 =	simm.s32 $0x0;
	s20 =	sshll.u32 s6, $0x1;
	s6 =	sadd.s32 s21, s4  }
0xa3: {  	[timem:s8], [sflag:s22] =	dma.local [hbm:s6], s20  }
0xa4: {  	_ =	swait.ge [sflag:s22], s20  }
0xa5: {  	s5 =	ssub.s32 $0x0, s20;
	[sflag:s22] =	ssyncset.done $0x0  }
0xa6: {  	[sflag:s22] =	ssyncadd.s32 s5;
	_ =	sdelay $0x1  }
0xa7: {  	s23 =	simm.s32 $0x1B8B  }
0xa8: {  	_ =	swait.ge [sflag:s23], $0x1  }
0xa9: {  	[sflag:s23] =	ssyncset.done $0x0  }
0xaa: {  	s25 =	simm.s32 $0x1B8E;
	s24 =	sld [smem:$0x3FFE];
	[sflag:s23] =	ssyncadd.s32 $0xFFFFFFFF  }
0xab: {  	s26 =	simm.s32 $execute0_lowered;
	[smem:$0x3FD2] =	sst s25  }
0xac: {  	s6 =	sshll.u32 s26, $0x1;
	_ =	strace $0x8000004C;
	[dreg:$0x1] =	wrdreg $0xFFFFFFFF  }
0xad: {  	s28 =	simm.s32 $_size_execute0_lowered;
	s4 =	sadd.s32 s4, s6;
	[dreg:$0x0] =	wrdreg $0x0  }
0xae: {  	s6 =	sshll.u32 s28, $0x1;
	[dreg:$0x2] =	wrdreg s4  }
0xaf: {  	[dreg:$0x3] =	wrdreg s6  }
0xb0: {  	[dreg:$0x4] =	wrdreg $0xC0  }
0xb1: {  	_ =	task [dreg:s8], $0x5FFFF  }
0xb2: {  	[dreg:$0x1] =	wrdreg $0xFFFFFFFF  }
0xb3: {  	[dreg:$0x0] =	wrdreg $0x60  }
0xb4: {  	[dreg:$0x2] =	wrdreg s16  }
0xb5: {  	[dreg:$0x3] =	wrdreg s17  }
0xb6: {  	[dreg:$0x4] =	wrdreg s24  }
0xb7: {  	[dreg:$0x5] =	wrdreg $0xB4000  }
0xb8: {  	[dreg:$0x6] =	wrdreg $0x9  }
0xb9: {  	_ =	task.clear_ibuf [dreg:s8], $0x7FFFF;
	_ =	strace $0x9000004C  }
0xba: {  	s29 =	simm.s32 $0x9;
	_ =	strace $0x8000004E  }
0xbb: {  	_ =	swait.ge [sflag:s29], $0x1  }
0xbc: {  	[sflag:s29] =	ssyncadd.s32 $0xFFFFFFFF  }
0xbd: {  	_ =	strace $0x9000004E  }
0xbe: {  	_ =	sfence  }
0xbf: {  	s30 =	sld [smem:$0x0];
	_ =	sdelay $0x2  }
0xc0: {  	s31 =	sshll.u32 s1, $0xD;
	s1 =	sshrl.u32 s1, $0x2  }
0xc1: {  	s3 =	sand.u32 $0x4000, s31;
	s1 =	sadd.s32 s1, s30  }
0xc2: {  	s0 =	sor.u32 s3, s0;
	s1 =	sshll.u32 s1, $0x11  }
0xc3: {  	s0 =	sor.u32 s1, s0  }
0xc4: {  	s0 =	sadd.s32 $0x8F2B, s0  }
0xc5: {  	[sflag:s0] =	ssyncadd.remote.s32 $0x1  }
0xc6: {  	_ =	sfence.sel $0xFFFF  }
0xc7: {  	[dreg:$0x0] =	wrdreg $0xFFFFFFFF;
	(pc) =	sbr.abs _section_cstart, $3  }
0xc8: {  	[dreg:$0x1] =	wrdreg $0xFFFFFFFF  }
0xc9: {  	_ =	task.clear_ibuf [dreg:s8], $0x2FFFF;
	_ =	strace $0x9FFFFFFF  }
0xca: {  	(tm) =	ssettm $0x7FFFFFFF  }
0xcb: {  	_ =	shalt  }
tec
execute0_lowered:
.L_overlay_start_1:
0x0: {  	(tag) =	ssettag $0x1  }
0x1: {  	s1 =	rddreg [dreg:$0x0]  }
0x2: {  	s0 =	rddreg [dreg:$0x1]  }
0x3: {  	s3 =	rddreg [dreg:$0x2]  }
0x4: {  	s2 =	rddreg [dreg:$0x3];
	s4 =	srdreg.scid  }
0x5: {  	s6 =	simm.s32 $0x0;
	s9 =	stileid.u32;
	s28 =	simm.s32 $0x5080  }
0x6: {  	s29 =	simm.s32 $0x7400;
	s30 =	simm.s32 $0x5100;
	s31 =	simm.s32 $0x9400  }
0x7: {  	s4 =	sand.u32 $0x1, s4;
	[smem:$0x7FF] =	sst s6;
	s19 =	smul.u32 $0x50000, s9  }
0x8: {  	s3 =	sadd.s32 $0x2C00, s3;
	s5 =	sshll.u32 s4, $0x4;
	_ =	strace $0x8000004D  }
0x9: {  	s7 =	ssub.s32 $0x2, s4;
	s4 =	smul.u32 $0x140000, s4;
	s5 =	sor.u32 s9, s5  }
0xa: {  	s20 =	sshrl.u32 s7, $0x1;
	s6 =	sshrl.u32 s19, $0x2;
	s9 =	smul.u32 $0x14000, s9  }
0xb: {  	s8 =	smul.u32 $0xA00, s5;
	s7 =	ssub.s32 s7, s20;
	s5 =	sadd.s32 s6, s2  }
0xc: {  	s21 =	sadd.s32 $0x2000, s5;
	s22 =	sadd.s32 $0x4000, s9;
	s6 =	sadd.s32 $0x6000, s5  }
0xd: {  	s23 =	sadd.s32 $0x8000, s9;
	s11 =	sadd.s32 $0xC000, s9;
	s12 =	sadd.s32 $0xA000, s5  }
0xe: {  	s13 =	sadd.s32 $0xE000, s5;
	s24 =	sadd.s32 $0x10000, s9;
	[dreg:$0x6] =	wrdreg s21  }
0xf: {  	s9 =	sadd.s32 s9, s4;
	s15 =	sadd.s32 $0x12000, s5;
	[dreg:$0x7] =	wrdreg s6  }
0x10: {  	s0 =	sadd.s32 s0, s8;
	s8 =	sadd.s32 s22, s2;
	[dreg:$0x8] =	wrdreg s12  }
0x11: {  	s10 =	sadd.s32 s23, s2;
	s12 =	sadd.s32 s11, s2;
	[dreg:$0x9] =	wrdreg s13  }
0x12: {  	s14 =	sadd.s32 s24, s2;
	s9 =	sshrl.u32 s9, $0x3;
	[dreg:$0xa] =	wrdreg s15  }
0x13: {  	s25 =	sadd.s32 s4, s23;
	s26 =	sadd.s32 s4, s11;
	s21 =	smax.u32 s7, $0x1  }
0x14: {  	s23 =	simm.s32 $0x4;
	s7 =	simm.s32 $0x3;
	s11 =	simm.s32 $0x6  }
0x15: {  	s13 =	simm.s32 $0x0;
	[dreg:$0x5] =	wrdreg s0;
	s0 =	sadd.s32 s4, s22  }
0x16: {  	s9 =	sadd.s32 s3, s9;
	s4 =	sadd.s32 s4, s24;
	s6 =	sshrl.u32 s26, $0x3  }
0x17: {  	s22 =	simm.s32 $0x5400;
	s24 =	simm.s32 $0x1;
	s26 =	simm.s32 $0x5000  }
0x18: {  	s0 =	sshrl.u32 s0, $0x3;
	[dreg:$0xb] =	wrdreg s9;
	s4 =	sshrl.u32 s4, $0x3  }
0x19: {  	s19 =	sadd.s32 s3, s6;
	s6 =	simm.s32 $0x5;
	s9 =	simm.s32 $0x5300  }
0x1a: {  	s0 =	sadd.s32 s3, s0;
	s20 =	sadd.s32 s3, s4;
	s4 =	simm.s32 $0x2  }
0x1b: {  	[dreg:$0xc] =	wrdreg s0;
	s0 =	sshrl.u32 s25, $0x3;
	s25 =	simm.s32 $0x40  }
0x1c: {  	v0 =	vimm.f32 $0.0e+00;
	s18 =	sadd.s32 s3, s0;
	s0 =	simm.s32 $0x5200;
	s3 =	simm.s32 $0x5280  }
.LBB2_1:
0x1d: {  	s15 =	simm.s32 $0x0;
	s16 =	rddreg [dreg:$0x5]  }
0x1e: {  	[tilespmem:s15], [sflag:$0x1] =	stream.linear.gather [hbm4b:s16+s15], $0x5000, $0x38;
	[tilespmem:$0x1F400] =	vst v63  }
0x1f: {  	s15 =	simm.s32 $0x0;
	s16 =	simm.s32 $0x200  }
.LBB2_2:
0x20: {  	p0 =	sne.s32 s16, $0x7E00;
	[tilespmem:s15+$0x5470] =	vst v0  }
0x21: {  	[tilespmem:s15+$0x5400] =	vst v0  }
0x22: {  	[tilespmem:s15+$0x5410] =	vst v0  }
.Ltmp0:
0x23: {  	[tilespmem:s15+$0x5420] =	vst v0;
	(pc) =	sbr.rel @p0 .LBB2_2-.Ltmp0, $4  }
0x24: {  	[tilespmem:s15+$0x5430] =	vst v0  }
0x25: {  	[tilespmem:s15+$0x5440] =	vst v0  }
0x26: {  	[tilespmem:s15+$0x5450] =	vst v0  }
0x27: {  	[tilespmem:s15+$0x5460] =	vst v0;
	s15 =	sshra.s32 s16, $0x2;
	s16 =	sadd.s32 $0x200, s16  }
0x28: {  	[tilespmem:s15+$0x5470] =	vst v0  }
0x29: {  	[tilespmem:s15+$0x5400] =	vst v0  }
0x2a: {  	[tilespmem:s15+$0x5410] =	vst v0  }
0x2b: {  	[tilespmem:s15+$0x5420] =	vst v0  }
0x2c: {  	[tilespmem:s15+$0x5430] =	vst v0  }
0x2d: {  	[tilespmem:s15+$0x5440] =	vst v0  }
0x2e: {  	[tilespmem:s15+$0x5450] =	vst v0  }
0x2f: {  	[tilespmem:s15+$0x5460] =	vst v0  }
0x30: {  	[spmem:s5] =	stream.linear.scatter [tilespmem:s22], [sflag:$0x4], $0x2000, $0x38;
	[tilespmem:$0x1F400] =	vst v63  }
0x31: {  	s17 =	rddreg [dreg:$0x6]  }
0x32: {  	[spmem:s17] =	stream.linear.scatter [tilespmem:s22], [sflag:$0x4], $0x2000, $0x38;
	[tilespmem:$0x1F400] =	vst v63  }
0x33: {  	_ = 	snop  }
0x34: {  	[spmem:s8] =	stream.linear.scatter [tilespmem:s22], [sflag:$0x4], $0x2000, $0x38;
	[tilespmem:$0x1F400] =	vst v63  }
0x35: {  	s16 =	rddreg [dreg:$0x7]  }
0x36: {  	[spmem:s16] =	stream.linear.scatter [tilespmem:s22], [sflag:$0x4], $0x2000, $0x38;
	[tilespmem:$0x1F400] =	vst v63  }
0x37: {  	_ = 	snop  }
0x38: {  	[spmem:s10] =	stream.linear.scatter [tilespmem:s22], [sflag:$0x4], $0x2000, $0x38;
	[tilespmem:$0x1F400] =	vst v63  }
0x39: {  	s17 =	rddreg [dreg:$0x8]  }
0x3a: {  	[spmem:s17] =	stream.linear.scatter [tilespmem:s22], [sflag:$0x4], $0x2000, $0x38;
	[tilespmem:$0x1F400] =	vst v63  }
0x3b: {  	_ = 	snop  }
0x3c: {  	[spmem:s12] =	stream.linear.scatter [tilespmem:s22], [sflag:$0x4], $0x2000, $0x38;
	[tilespmem:$0x1F400] =	vst v63  }
0x3d: {  	s16 =	rddreg [dreg:$0x9]  }
0x3e: {  	[spmem:s16] =	stream.linear.scatter [tilespmem:s22], [sflag:$0x4], $0x2000, $0x38;
	[tilespmem:$0x1F400] =	vst v63  }
0x3f: {  	_ = 	snop  }
0x40: {  	[spmem:s14] =	stream.linear.scatter [tilespmem:s22], [sflag:$0x4], $0x2000, $0x38;
	[tilespmem:$0x1F400] =	vst v63  }
0x41: {  	s17 =	rddreg [dreg:$0xa]  }
0x42: {  	[spmem:s17] =	stream.linear.scatter [tilespmem:s22], [sflag:$0x4], $0x2000, $0x38;
	[tilespmem:$0x1F400] =	vst v63  }
0x43: {  	_ =	swait.ge [sflag:s23], $0x2000  }
0x44: {  	[sflag:s23] =	ssyncset.done $0x0  }
0x45: {  	[sflag:s23] =	ssyncadd.s32 $0xFFFFE000  }
0x46: {  	_ =	swait.ge [sflag:s23], $0x2000  }
0x47: {  	[sflag:s23] =	ssyncset.done $0x0  }
0x48: {  	[sflag:s23] =	ssyncadd.s32 $0xFFFFE000  }
0x49: {  	_ =	swait.ge [sflag:s23], $0x2000  }
0x4a: {  	[sflag:s23] =	ssyncset.done $0x0  }
0x4b: {  	[sflag:s23] =	ssyncadd.s32 $0xFFFFE000  }
0x4c: {  	_ =	swait.ge [sflag:s23], $0x2000  }
0x4d: {  	[sflag:s23] =	ssyncset.done $0x0  }
0x4e: {  	[sflag:s23] =	ssyncadd.s32 $0xFFFFE000  }
0x4f: {  	_ =	swait.ge [sflag:s23], $0x2000  }
0x50: {  	[sflag:s23] =	ssyncset.done $0x0  }
0x51: {  	[sflag:s23] =	ssyncadd.s32 $0xFFFFE000  }
0x52: {  	_ =	swait.ge [sflag:s23], $0x2000  }
0x53: {  	[sflag:s23] =	ssyncset.done $0x0  }
0x54: {  	[sflag:s23] =	ssyncadd.s32 $0xFFFFE000  }
0x55: {  	_ =	swait.ge [sflag:s23], $0x2000  }
0x56: {  	[sflag:s23] =	ssyncset.done $0x0  }
0x57: {  	[sflag:s23] =	ssyncadd.s32 $0xFFFFE000  }
0x58: {  	_ =	swait.ge [sflag:s23], $0x2000  }
0x59: {  	[sflag:s23] =	ssyncset.done $0x0  }
0x5a: {  	[sflag:s23] =	ssyncadd.s32 $0xFFFFE000  }
0x5b: {  	_ =	swait.ge [sflag:s23], $0x2000  }
0x5c: {  	[sflag:s23] =	ssyncset.done $0x0  }
0x5d: {  	[sflag:s23] =	ssyncadd.s32 $0xFFFFE000  }
0x5e: {  	_ =	swait.ge [sflag:s23], $0x2000  }
0x5f: {  	[sflag:s23] =	ssyncset.done $0x0  }
0x60: {  	[sflag:s23] =	ssyncadd.s32 $0xFFFFE000  }
0x61: {  	_ =	swait.ge [sflag:s24], $0x5000  }
0x62: {  	[sflag:s24] =	ssyncset.done $0x0  }
0x63: {  	[sflag:s24] =	ssyncadd.s32 $0xFFFFB000  }
0x64: {  	[bflag:$0x0] =	sbarrier.arrive $0xFFFF  }
0x65: {  	v1 =	vld [tilespmem:$0x0];
	_ =	sdelay $0x1  }
0x66: {  	v2 =	vld [tilespmem:$0x10];
	_ =	sdelay $0x1  }
0x67: {  	v3 =	vld [tilespmem:$0x20]  }
0x68: {  	v4 =	vand.u32 $0xFFFF, v1  }
0x69: {  	v57 =	vld [tilespmem:$0x30];
	v1 =	vshrl.u32 v1, $0x10;
	[tilespmem:$0x5000] =	vst v4  }
0x6a: {  	[tilespmem:$0x5200] =	vst v1;
	v1 =	vand.u32 $0xFFFF, v2  }
0x6b: {  	[tilespmem:$0x5010] =	vst v1;
	v1 =	vshrl.u32 v2, $0x10  }
0x6c: {  	[tilespmem:$0x5210] =	vst v1;
	v1 =	vand.u32 $0xFFFF, v3  }
0x6d: {  	[tilespmem:$0x5020] =	vst v1;
	v1 =	vshrl.u32 v3, $0x10  }
0x6e: {  	[tilespmem:$0x5220] =	vst v1;
	v1 =	vand.u32 $0xFFFF, v57  }
0x6f: {  	[tilespmem:$0x5030] =	vst v1;
	v1 =	vshrl.u32 v57, $0x10  }
0x70: {  	[tilespmem:$0x5230] =	vst v1  }
0x71: {  	[tilespmem:s22], [sflag:$0x1] =	stream.indirect.gather [hbm4b:s1+s25], $0x80, s26, s25, $0xb8;
	[tilespmem:$0x1F400] =	vst v63  }
0x72: {  	v1 =	vld [tilespmem:$0x80];
	_ =	sdelay $0x1  }
0x73: {  	v2 =	vld [tilespmem:$0x90];
	_ =	sdelay $0x1  }
0x74: {  	v3 =	vld [tilespmem:$0xA0]  }
0x75: {  	v58 =	vand.u32 $0xFFFF, v1  }
0x76: {  	v59 =	vld [tilespmem:$0xB0];
	v1 =	vshrl.u32 v1, $0x10;
	[tilespmem:$0x5080] =	vst v58  }
0x77: {  	[tilespmem:$0x5280] =	vst v1;
	v1 =	vand.u32 $0xFFFF, v2  }
0x78: {  	[tilespmem:$0x5090] =	vst v1;
	v1 =	vshrl.u32 v2, $0x10  }
0x79: {  	[tilespmem:$0x5290] =	vst v1;
	v1 =	vand.u32 $0xFFFF, v3  }
0x7a: {  	[tilespmem:$0x50A0] =	vst v1;
	v1 =	vshrl.u32 v3, $0x10  }
0x7b: {  	[tilespmem:$0x52A0] =	vst v1;
	v1 =	vand.u32 $0xFFFF, v59  }
0x7c: {  	[tilespmem:$0x50B0] =	vst v1;
	v1 =	vshrl.u32 v59, $0x10  }
0x7d: {  	[tilespmem:$0x52B0] =	vst v1  }
0x7e: {  	[tilespmem:s29], [sflag:$0x2] =	stream.indirect.gather [hbm4b:s1+s25], $0x80, s28, s25, $0xb8;
	[tilespmem:$0x1F400] =	vst v63  }
0x7f: {  	v1 =	vld [tilespmem:$0x100];
	_ =	sdelay $0x1  }
0x80: {  	v2 =	vld [tilespmem:$0x110];
	_ =	sdelay $0x1  }
0x81: {  	v3 =	vld [tilespmem:$0x120]  }
0x82: {  	v60 =	vand.u32 $0xFFFF, v1  }
0x83: {  	v61 =	vld [tilespmem:$0x130];
	v1 =	vshrl.u32 v1, $0x10;
	[tilespmem:$0x5100] =	vst v60  }
0x84: {  	[tilespmem:$0x5300] =	vst v1;
	v1 =	vand.u32 $0xFFFF, v2  }
0x85: {  	[tilespmem:$0x5110] =	vst v1;
	v1 =	vshrl.u32 v2, $0x10  }
0x86: {  	[tilespmem:$0x5310] =	vst v1;
	v1 =	vand.u32 $0xFFFF, v3  }
0x87: {  	[tilespmem:$0x5120] =	vst v1;
	v1 =	vshrl.u32 v3, $0x10  }
0x88: {  	[tilespmem:$0x5320] =	vst v1;
	v1 =	vand.u32 $0xFFFF, v61  }
0x89: {  	[tilespmem:$0x5130] =	vst v1;
	v1 =	vshrl.u32 v61, $0x10  }
0x8a: {  	[tilespmem:$0x5330] =	vst v1  }
0x8b: {  	[tilespmem:s31], [sflag:$0x3] =	stream.indirect.gather [hbm4b:s1+s25], $0x80, s30, s25, $0xb8;
	[tilespmem:$0x1F400] =	vst v63  }
0x8c: {  	_ =	swait.ge [sflag:s24], $0x2000  }
0x8d: {  	[sflag:s24] =	ssyncset.done $0x0  }
0x8e: {  	[sflag:s24] =	ssyncadd.s32 $0xFFFFE000  }
0x8f: {  	[spmem:s2] =	stream.indirect.scatter.add.f32 [tilespmem:s22], [sflag:$0x4], $0x80, s0, s25, $0xb8;
	[tilespmem:$0x1F400] =	vst v63  }
0x90: {  	_ =	swait.ge [sflag:s23], $0x2000  }
0x91: {  	[sflag:s23] =	ssyncset.done $0x0  }
0x92: {  	[sflag:s23] =	ssyncadd.s32 $0xFFFFE000  }
0x93: {  	v1 =	vld [tilespmem:$0x180];
	_ =	sdelay $0x1  }
0x94: {  	v2 =	vld [tilespmem:$0x190];
	_ =	sdelay $0x1  }
0x95: {  	v3 =	vld [tilespmem:$0x1A0]  }
0x96: {  	v62 =	vand.u32 $0xFFFF, v1  }
0x97: {  	v63 =	vld [tilespmem:$0x1B0];
	v1 =	vshrl.u32 v1, $0x10;
	[tilespmem:$0x5000] =	vst v62  }
0x98: {  	[tilespmem:$0x5200] =	vst v1;
	v1 =	vand.u32 $0xFFFF, v2  }
0x99: {  	[tilespmem:$0x5010] =	vst v1;
	v1 =	vshrl.u32 v2, $0x10  }
0x9a: {  	[tilespmem:$0x5210] =	vst v1;
	v1 =	vand.u32 $0xFFFF, v3  }
0x9b: {  	[tilespmem:$0x5020] =	vst v1;
	v1 =	vshrl.u32 v3, $0x10  }
0x9c: {  	[tilespmem:$0x5220] =	vst v1;
	v1 =	vand.u32 $0xFFFF, v63  }
0x9d: {  	[tilespmem:$0x5030] =	vst v1;
	v1 =	vshrl.u32 v63, $0x10  }
0x9e: {  	[tilespmem:$0x5230] =	vst v1  }
0x9f: {  	[tilespmem:s22], [sflag:$0x1] =	stream.indirect.gather [hbm4b:s1+s25], $0x80, s26, s25, $0xb8;
	[tilespmem:$0x1F400] =	vst v63  }
0xa0: {  	_ =	swait.ge [sflag:s4], $0x2000  }
0xa1: {  	[sflag:s4] =	ssyncset.done $0x0  }
0xa2: {  	[sflag:s4] =	ssyncadd.s32 $0xFFFFE000  }
0xa3: {  	[spmem:s2] =	stream.indirect.scatter.add.f32 [tilespmem:s29], [sflag:$0x5], $0x80, s3, s25, $0xb8;
	[tilespmem:$0x1F400] =	vst v63  }
0xa4: {  	_ =	swait.ge [sflag:s6], $0x2000  }
0xa5: {  	[sflag:s6] =	ssyncset.done $0x0  }
0xa6: {  	s15 =	simm.s32 $0x330;
	[sflag:s6] =	ssyncadd.s32 $0xFFFFE000  }
0xa7: {  	v1 =	vld [tilespmem:s15+$0xFFFFFED0];
	_ =	sdelay $0x4  }
0xa8: {  	v2 =	vand.u32 $0xFFFF, v1  }
0xa9: {  	v1 =	vshrl.u32 v1, $0x10;
	[tilespmem:$0x5080] =	vst v2  }
0xaa: {  	[tilespmem:$0x5280] =	vst v1  }
0xab: {  	v1 =	vld [tilespmem:s15+$0xFFFFFEE0];
	_ =	sdelay $0x4  }
0xac: {  	v2 =	vand.u32 $0xFFFF, v1  }
0xad: {  	v1 =	vshrl.u32 v1, $0x10;
	[tilespmem:$0x5090] =	vst v2  }
0xae: {  	[tilespmem:$0x5290] =	vst v1  }
0xaf: {  	v1 =	vld [tilespmem:s15+$0xFFFFFEF0];
	_ =	sdelay $0x4  }
0xb0: {  	v2 =	vand.u32 $0xFFFF, v1  }
0xb1: {  	v1 =	vshrl.u32 v1, $0x10;
	[tilespmem:$0x50A0] =	vst v2  }
0xb2: {  	[tilespmem:$0x52A0] =	vst v1  }
0xb3: {  	v1 =	vld [tilespmem:s15+$0xFFFFFF00];
	_ =	sdelay $0x4  }
0xb4: {  	v2 =	vand.u32 $0xFFFF, v1  }
0xb5: {  	v1 =	vshrl.u32 v1, $0x10;
	[tilespmem:$0x50B0] =	vst v2  }
0xb6: {  	[tilespmem:$0x52B0] =	vst v1  }
0xb7: {  	[tilespmem:s29], [sflag:$0x2] =	stream.indirect.gather [hbm4b:s1+s25], $0x80, s28, s25, $0xb8;
	[tilespmem:$0x1F400] =	vst v63  }
0xb8: {  	_ =	swait.ge [sflag:s7], $0x2000  }
0xb9: {  	[sflag:s7] =	ssyncset.done $0x0  }
0xba: {  	[sflag:s7] =	ssyncadd.s32 $0xFFFFE000  }
0xbb: {  	[spmem:s2] =	stream.indirect.scatter.add.f32 [tilespmem:s31], [sflag:$0x6], $0x80, s9, s25, $0xb8;
	[tilespmem:$0x1F400] =	vst v63  }
0xbc: {  	_ =	swait.ge [sflag:s11], $0x2000  }
0xbd: {  	[sflag:s11] =	ssyncset.done $0x0  }
0xbe: {  	[sflag:s11] =	ssyncadd.s32 $0xFFFFE000  }
0xbf: {  	v1 =	vld [tilespmem:s15+$0xFFFFFF50];
	_ =	sdelay $0x4  }
0xc0: {  	v2 =	vand.u32 $0xFFFF, v1  }
0xc1: {  	v1 =	vshrl.u32 v1, $0x10;
	[tilespmem:$0x5100] =	vst v2  }
0xc2: {  	[tilespmem:$0x5300] =	vst v1  }
0xc3: {  	v1 =	vld [tilespmem:s15+$0xFFFFFF60];
	_ =	sdelay $0x4  }
0xc4: {  	v2 =	vand.u32 $0xFFFF, v1  }
0xc5: {  	v1 =	vshrl.u32 v1, $0x10;
	[tilespmem:$0x5110] =	vst v2  }
0xc6: {  	[tilespmem:$0x5310] =	vst v1  }
0xc7: {  	v1 =	vld [tilespmem:s15+$0xFFFFFF70];
	_ =	sdelay $0x4  }
0xc8: {  	v2 =	vand.u32 $0xFFFF, v1  }
0xc9: {  	v1 =	vshrl.u32 v1, $0x10;
	[tilespmem:$0x5120] =	vst v2  }
0xca: {  	[tilespmem:$0x5320] =	vst v1  }
0xcb: {  	v1 =	vld [tilespmem:s15+$0xFFFFFF80];
	_ =	sdelay $0x4  }
0xcc: {  	v2 =	vand.u32 $0xFFFF, v1  }
0xcd: {  	v1 =	vshrl.u32 v1, $0x10;
	[tilespmem:$0x5130] =	vst v2  }
0xce: {  	[tilespmem:$0x5330] =	vst v1  }
0xcf: {  	[tilespmem:s31], [sflag:$0x3] =	stream.indirect.gather [hbm4b:s1+s25], $0x80, s30, s25, $0xb8;
	[tilespmem:$0x1F400] =	vst v63  }
0xd0: {  	_ =	swait.ge [sflag:s24], $0x2000  }
0xd1: {  	[sflag:s24] =	ssyncset.done $0x0  }
0xd2: {  	[sflag:s24] =	ssyncadd.s32 $0xFFFFE000  }
0xd3: {  	[spmem:s2] =	stream.indirect.scatter.add.f32 [tilespmem:s22], [sflag:$0x4], $0x80, s0, s25, $0xb8;
	[tilespmem:$0x1F400] =	vst v63  }
0xd4: {  	_ =	swait.ge [sflag:s23], $0x2000  }
0xd5: {  	[sflag:s23] =	ssyncset.done $0x0  }
0xd6: {  	[sflag:s23] =	ssyncadd.s32 $0xFFFFE000  }
0xd7: {  	v1 =	vld [tilespmem:s15+$0xFFFFFFD0];
	_ =	sdelay $0x4  }
0xd8: {  	v2 =	vand.u32 $0xFFFF, v1  }
0xd9: {  	v1 =	vshrl.u32 v1, $0x10;
	[tilespmem:$0x5000] =	vst v2  }
0xda: {  	[tilespmem:$0x5200] =	vst v1  }
0xdb: {  	v1 =	vld [tilespmem:s15+$0xFFFFFFE0];
	_ =	sdelay $0x4  }
0xdc: {  	v2 =	vand.u32 $0xFFFF, v1  }
0xdd: {  	v1 =	vshrl.u32 v1, $0x10;
	[tilespmem:$0x5010] =	vst v2  }
0xde: {  	[tilespmem:$0x5210] =	vst v1  }
0xdf: {  	v1 =	vld [tilespmem:s15+$0xFFFFFFF0];
	_ =	sdelay $0x4  }
0xe0: {  	v2 =	vand.u32 $0xFFFF, v1  }
0xe1: {  	v1 =	vshrl.u32 v1, $0x10;
	[tilespmem:$0x5020] =	vst v2  }
0xe2: {  	s16 =	simm.s32 $0x12C0;
	[tilespmem:$0x5220] =	vst v1  }
.LBB2_4:
0xe3: {  	p0 =	sne.s32 s16, $0x13EC0;
	v1 =	vld [tilespmem:s15+$0x0];
	s15 =	smov.u32 s16;
	s16 =	sadd.s32 $0x600, s16  }
0xe4: {  	_ =	sdelay $0x3  }
0xe5: {  	v2 =	vand.u32 $0xFFFF, v1;
	v1 =	vshrl.u32 v1, $0x10  }
0xe6: {  	[tilespmem:$0x5030] =	vst v2  }
0xe7: {  	[tilespmem:$0x5230] =	vst v1  }
0xe8: {  	[tilespmem:s22], [sflag:$0x1] =	stream.indirect.gather [hbm4b:s1+s25], $0x80, s26, s25, $0xb8;
	[tilespmem:$0x1F400] =	vst v63  }
0xe9: {  	_ =	swait.ge [sflag:s4], $0x2000  }
0xea: {  	[sflag:s4] =	ssyncset.done $0x0  }
0xeb: {  	[sflag:s4] =	ssyncadd.s32 $0xFFFFE000  }
0xec: {  	[spmem:s2] =	stream.indirect.scatter.add.f32 [tilespmem:s29], [sflag:$0x5], $0x80, s3, s25, $0xb8;
	[tilespmem:$0x1F400] =	vst v63  }
0xed: {  	_ =	swait.ge [sflag:s6], $0x2000  }
0xee: {  	[sflag:s6] =	ssyncset.done $0x0  }
0xef: {  	s15 =	sshra.s32 s15, $0x2;
	[sflag:s6] =	ssyncadd.s32 $0xFFFFE000  }
0xf0: {  	v1 =	vld [tilespmem:s15+$0xFFFFFED0];
	_ =	sdelay $0x4  }
0xf1: {  	v2 =	vand.u32 $0xFFFF, v1;
	v1 =	vshrl.u32 v1, $0x10  }
0xf2: {  	[tilespmem:$0x5080] =	vst v2  }
0xf3: {  	[tilespmem:$0x5280] =	vst v1  }
0xf4: {  	v1 =	vld [tilespmem:s15+$0xFFFFFEE0];
	_ =	sdelay $0x4  }
0xf5: {  	v2 =	vand.u32 $0xFFFF, v1;
	v1 =	vshrl.u32 v1, $0x10  }
0xf6: {  	[tilespmem:$0x5090] =	vst v2  }
0xf7: {  	[tilespmem:$0x5290] =	vst v1  }
0xf8: {  	v1 =	vld [tilespmem:s15+$0xFFFFFEF0];
	_ =	sdelay $0x4  }
0xf9: {  	v2 =	vand.u32 $0xFFFF, v1;
	v1 =	vshrl.u32 v1, $0x10  }
0xfa: {  	[tilespmem:$0x50A0] =	vst v2  }
0xfb: {  	[tilespmem:$0x52A0] =	vst v1  }
0xfc: {  	v1 =	vld [tilespmem:s15+$0xFFFFFF00];
	_ =	sdelay $0x4  }
0xfd: {  	v2 =	vand.u32 $0xFFFF, v1;
	v1 =	vshrl.u32 v1, $0x10  }
0xfe: {  	[tilespmem:$0x50B0] =	vst v2  }
0xff: {  	[tilespmem:$0x52B0] =	vst v1  }
0x100: {  	[tilespmem:s29], [sflag:$0x2] =	stream.indirect.gather [hbm4b:s1+s25], $0x80, s28, s25, $0xb8;
	[tilespmem:$0x1F400] =	vst v63  }
0x101: {  	_ =	swait.ge [sflag:s7], $0x2000  }
0x102: {  	[sflag:s7] =	ssyncset.done $0x0  }
0x103: {  	[sflag:s7] =	ssyncadd.s32 $0xFFFFE000  }
0x104: {  	[spmem:s2] =	stream.indirect.scatter.add.f32 [tilespmem:s31], [sflag:$0x6], $0x80, s9, s25, $0xb8;
	[tilespmem:$0x1F400] =	vst v63  }
0x105: {  	_ =	swait.ge [sflag:s11], $0x2000  }
0x106: {  	[sflag:s11] =	ssyncset.done $0x0  }
0x107: {  	[sflag:s11] =	ssyncadd.s32 $0xFFFFE000  }
0x108: {  	v1 =	vld [tilespmem:s15+$0xFFFFFF50];
	_ =	sdelay $0x4  }
0x109: {  	v2 =	vand.u32 $0xFFFF, v1;
	v1 =	vshrl.u32 v1, $0x10  }
0x10a: {  	[tilespmem:$0x5100] =	vst v2  }
0x10b: {  	[tilespmem:$0x5300] =	vst v1  }
0x10c: {  	v1 =	vld [tilespmem:s15+$0xFFFFFF60];
	_ =	sdelay $0x4  }
0x10d: {  	v2 =	vand.u32 $0xFFFF, v1;
	v1 =	vshrl.u32 v1, $0x10  }
0x10e: {  	[tilespmem:$0x5110] =	vst v2  }
0x10f: {  	[tilespmem:$0x5310] =	vst v1  }
0x110: {  	v1 =	vld [tilespmem:s15+$0xFFFFFF70];
	_ =	sdelay $0x4  }
0x111: {  	v2 =	vand.u32 $0xFFFF, v1;
	v1 =	vshrl.u32 v1, $0x10  }
0x112: {  	[tilespmem:$0x5120] =	vst v2  }
0x113: {  	[tilespmem:$0x5320] =	vst v1  }
0x114: {  	v1 =	vld [tilespmem:s15+$0xFFFFFF80];
	_ =	sdelay $0x4  }
0x115: {  	v2 =	vand.u32 $0xFFFF, v1;
	v1 =	vshrl.u32 v1, $0x10  }
0x116: {  	[tilespmem:$0x5130] =	vst v2  }
0x117: {  	[tilespmem:$0x5330] =	vst v1  }
0x118: {  	[tilespmem:s31], [sflag:$0x3] =	stream.indirect.gather [hbm4b:s1+s25], $0x80, s30, s25, $0xb8;
	[tilespmem:$0x1F400] =	vst v63  }
0x119: {  	_ =	swait.ge [sflag:s24], $0x2000  }
0x11a: {  	[sflag:s24] =	ssyncset.done $0x0  }
0x11b: {  	[sflag:s24] =	ssyncadd.s32 $0xFFFFE000  }
0x11c: {  	[spmem:s2] =	stream.indirect.scatter.add.f32 [tilespmem:s22], [sflag:$0x4], $0x80, s0, s25, $0xb8;
	[tilespmem:$0x1F400] =	vst v63  }
0x11d: {  	_ =	swait.ge [sflag:s23], $0x2000  }
0x11e: {  	[sflag:s23] =	ssyncset.done $0x0  }
0x11f: {  	[sflag:s23] =	ssyncadd.s32 $0xFFFFE000  }
0x120: {  	v1 =	vld [tilespmem:s15+$0xFFFFFFD0];
	_ =	sdelay $0x4  }
0x121: {  	v2 =	vand.u32 $0xFFFF, v1;
	v1 =	vshrl.u32 v1, $0x10  }
0x122: {  	[tilespmem:$0x5000] =	vst v2  }
0x123: {  	[tilespmem:$0x5200] =	vst v1  }
0x124: {  	v1 =	vld [tilespmem:s15+$0xFFFFFFE0];
	_ =	sdelay $0x4  }
0x125: {  	v2 =	vand.u32 $0xFFFF, v1;
	v1 =	vshrl.u32 v1, $0x10  }
0x126: {  	[tilespmem:$0x5010] =	vst v2  }
0x127: {  	[tilespmem:$0x5210] =	vst v1  }
0x128: {  	v1 =	vld [tilespmem:s15+$0xFFFFFFF0];
	_ =	sdelay $0x2  }
.Ltmp1:
0x129: {  	(pc) =	sbr.rel @p0 .LBB2_4-.Ltmp1, $4  }
0x12a: {  	_ = 	snop  }
0x12b: {  	v2 =	vand.u32 $0xFFFF, v1;
	v1 =	vshrl.u32 v1, $0x10  }
0x12c: {  	[tilespmem:$0x5020] =	vst v2  }
0x12d: {  	[tilespmem:$0x5220] =	vst v1  }
0x12e: {  	v1 =	vld [tilespmem:s15+$0x0];
	_ =	sdelay $0x4  }
0x12f: {  	v2 =	vand.u32 $0xFFFF, v1  }
0x130: {  	v1 =	vshrl.u32 v1, $0x10;
	[tilespmem:$0x5030] =	vst v2  }
0x131: {  	[tilespmem:$0x5230] =	vst v1  }
0x132: {  	[tilespmem:s22], [sflag:$0x1] =	stream.indirect.gather [hbm4b:s1+s25], $0x80, s26, s25, $0xb8;
	[tilespmem:$0x1F400] =	vst v63  }
0x133: {  	_ =	swait.ge [sflag:s4], $0x2000  }
0x134: {  	[sflag:s4] =	ssyncset.done $0x0  }
0x135: {  	[sflag:s4] =	ssyncadd.s32 $0xFFFFE000  }
0x136: {  	[spmem:s2] =	stream.indirect.scatter.add.f32 [tilespmem:s29], [sflag:$0x5], $0x80, s3, s25, $0xb8;
	[tilespmem:$0x1F400] =	vst v63  }
0x137: {  	_ =	swait.ge [sflag:s6], $0x2000  }
0x138: {  	[sflag:s6] =	ssyncset.done $0x0  }
0x139: {  	[sflag:s6] =	ssyncadd.s32 $0xFFFFE000  }
0x13a: {  	_ =	swait.ge [sflag:s7], $0x2000  }
0x13b: {  	[sflag:s7] =	ssyncset.done $0x0  }
0x13c: {  	[sflag:s7] =	ssyncadd.s32 $0xFFFFE000  }
0x13d: {  	[spmem:s2] =	stream.indirect.scatter.add.f32 [tilespmem:s31], [sflag:$0x6], $0x80, s9, s25, $0xb8;
	[tilespmem:$0x1F400] =	vst v63  }
0x13e: {  	_ =	swait.ge [sflag:s11], $0x2000  }
0x13f: {  	[sflag:s11] =	ssyncset.done $0x0  }
0x140: {  	[sflag:s11] =	ssyncadd.s32 $0xFFFFE000  }
0x141: {  	_ =	swait.ge [sflag:s24], $0x2000  }
0x142: {  	[sflag:s24] =	ssyncset.done $0x0  }
0x143: {  	[sflag:s24] =	ssyncadd.s32 $0xFFFFE000  }
0x144: {  	[spmem:s2] =	stream.indirect.scatter.add.f32 [tilespmem:s22], [sflag:$0x4], $0x80, s0, s25, $0xb8;
	[tilespmem:$0x1F400] =	vst v63  }
0x145: {  	_ =	swait.ge [sflag:s23], $0x2000  }
0x146: {  	[sflag:s23] =	ssyncset.done $0x0  }
0x147: {  	s16 =	stileid.u32;
	[sflag:s23] =	ssyncadd.s32 $0xFFFFE000  }
0x148: {  	s15 =	sshll.u32 s16, $0x6;
	[bflag:$0x0] =	sbarrier.arrive $0xFFFF  }
0x149: {  	s16 =	sshrl.u32 s5, $0x3;
	s15 =	sor.u32 $0x1C04, s15;
	s17 =	rddreg [dreg:$0xb]  }
0x14a: {  	[hbm:s17], [sflag:s15] =	dma.local [spmem:s16], $0x800  }
0x14b: {  	s16 =	sshrl.u32 s8, $0x3;
	s17 =	rddreg [dreg:$0xc]  }
0x14c: {  	[hbm:s17], [sflag:s15] =	dma.local [spmem:s16], $0x800  }
0x14d: {  	s17 =	sshrl.u32 s10, $0x3  }
0x14e: {  	[hbm:s18], [sflag:s15] =	dma.local [spmem:s17], $0x800  }
0x14f: {  	s17 =	sshrl.u32 s12, $0x3  }
0x150: {  	[hbm:s19], [sflag:s15] =	dma.local [spmem:s17], $0x800  }
0x151: {  	s17 =	sshrl.u32 s14, $0x3  }
0x152: {  	[hbm:s20], [sflag:s15] =	dma.local [spmem:s17], $0x800  }
0x153: {  	_ =	swait.ge [sflag:s23], $0x800  }
0x154: {  	[sflag:s23] =	ssyncset.done $0x0  }
0x155: {  	[sflag:s23] =	ssyncadd.s32 $0xFFFFF800  }
0x156: {  	_ =	swait.ge [sflag:s23], $0x800  }
0x157: {  	[sflag:s23] =	ssyncset.done $0x0  }
0x158: {  	[sflag:s23] =	ssyncadd.s32 $0xFFFFF800  }
0x159: {  	_ =	swait.ge [sflag:s23], $0x800  }
0x15a: {  	[sflag:s23] =	ssyncset.done $0x0  }
0x15b: {  	s13 =	sadd.s32 $0x1, s13;
	[sflag:s23] =	ssyncadd.s32 $0xFFFFF800  }
0x15c: {  	p0 =	sne.s32 s13, s21;
	_ =	swait.ge [sflag:s23], $0x800  }
.Ltmp2:
0x15d: {  	[sflag:s23] =	ssyncset.done $0x0;
	(pc) =	sbr.rel @p0 .LBB2_1-.Ltmp2, $4  }
0x15e: {  	[sflag:s23] =	ssyncadd.s32 $0xFFFFF800  }
0x15f: {  	_ =	swait.ge [sflag:s23], $0x800  }
0x160: {  	[sflag:s23] =	ssyncset.done $0x0  }
0x161: {  	[sflag:s23] =	ssyncadd.s32 $0xFFFFF800  }
0x162: {  	_ =	sfence.sel $0x180000  }
0x163: {  	[bflag:$0x0] =	sbarrier.arrive $0xFFFF  }
0x164: {  	_ =	strace $0x9000004D  }
0x165: {  	s0 =	stileid.u32;
	[bflag:$0x2] =	sbarrier.arrive $0xFFFF  }
0x166: {  	p0 =	sne.s32 s0, $0x0;
	s0 =	rddreg [dreg:$0x4]  }
0x167: {  	s0 =	sadd.s32 @!p0 $0x100000, s0  }
0x168: {  	[sflag:s0] =	ssyncadd.tile.s32 @!p0 $0x1;
	_ =	shalt  }
.Lfunc_end2:
_tile_overlayer_lowered:
.L_overlay_start_2:
0x169: {  	(tag) =	ssettag $0x2  }
0x16a: {  	s0 =	rddreg [dreg:$0x0];
	s2 =	stileid.u32  }
0x16b: {  	s1 =	rddreg [dreg:$0x1];
	p0 =	sne.s32 s2, $0x0  }
0x16c: {  	s3 =	rddreg [dreg:$0x2];
	[bflag:$0x3] =	sbarrier.arrive $0xFFFF;
	s2 =	simm.s32 @!p0 $0x1C07  }
0x16d: {  	[timem:s3], [sflag:s2] =	dma.local @!p0 [hbm:s0], s1  }
0x16e: {  	s0 =	simm.s32 @!p0 $0x7  }
0x16f: {  	_ =	swait.ge @!p0 [sflag:s0], s1  }
0x170: {  	s1 =	ssub.s32 @!p0 $0x0, s1;
	[sflag:s0] =	ssyncset.done @!p0 $0x0  }
0x171: {  	[sflag:s0] =	ssyncadd.s32 @!p0 s1  }
0x172: {  	[bflag:$0x3] =	sbarrier.arrive $0xFFFF  }
0x173: {  	_ =	shalt  }

// kernel: kernel.8.cloned.1.call-start
scs
__scs_entry_jumppad:
0x0: {  	(pc) =	sbr.rel $0x88, $3  }
0x1: {  	(tag) =	ssettag $0x0;
	lr =	simm.s32 $0x1  }
0x2: {  	[smem:$0x3F99] =	sst lr;
	_ =	strace $0xD0000000  }
0x3: {  	_ = 	snop  }
0x4: {  	_ = 	snop  }
0x5: {  	_ = 	snop  }
0x6: {  	_ = 	snop  }
0x7: {  	_ = 	snop  }
__scs_overlays_trampoline_lowered:
0x8: {  	[smem:$0x3FA8] =	sst s0  }
0x9: {  	[smem:$0x3FA9] =	sst s1  }
0xa: {  	[smem:$0x3FAA] =	sst s2  }
0xb: {  	[smem:$0x3FAB] =	sst s3  }
0xc: {  	[smem:$0x3FAC] =	sst s4  }
0xd: {  	[smem:$0x3FAD] =	sst s5  }
0xe: {  	[smem:$0x3FAE] =	sst s6  }
0xf: {  	[smem:$0x3FAF] =	sst s7  }
0x10: {  	[smem:$0x3FB0] =	sst s8  }
0x11: {  	[smem:$0x3FB1] =	sst s9;
	s0 =	simm.s32 @!p0 $0x0  }
0x12: {  	s1 =	sld [smem:$0x3F97];
	s0 =	simm.s32 @p0 $0x1  }
0x13: {  	[smem:$0x3FB2] =	sst s0;
	s0 =	simm.s32 @!p1 $0x0  }
0x14: {  	s2 =	sld [smem:$0x3F96];
	s0 =	simm.s32 @p1 $0x1  }
0x15: {  	[smem:$0x3FB3] =	sst s0;
	s0 =	simm.s32 @!p2 $0x0  }
0x16: {  	s3 =	sld [smem:$0x3FDB];
	s0 =	simm.s32 @p2 $0x1  }
0x17: {  	s4 =	simm.s32 $0x1BF5;
	[smem:$0x3FB5] =	sst s0  }
0x18: {  	s0 =	sld [smem:$0x3F98];
	_ =	swait.ge [sflag:s4], $0x0  }
0x19: {  	s7 =	sld [smem:$0x3F99]  }
0x1a: {  	s8 =	sadd.s32 $0xFFFFE003, lr  }
0x1b: {  	s9 =	sadd.s32 $0xFFFFFEF7, lr;
	s5 =	simm.s32 $0xFFFFFFFF;
	p2 =	slt.u32 s8, $0xFFFFF086  }
0x1c: {  	p1 =	slt.u32 s9, $0xF7A;
	s5 =	simm.s32 @!p2 $0x0  }
0x1d: {  	s5 =	simm.s32 @p1 $0x1;
	p0 =	seq.s32 s7, s2  }
0x1e: {  	s7 =	smul.u32 @!p0 $0xF7A, s2;
	p2 =	seq.s32 @!p0 s5, $0x0  }
0x1f: {  	s9 =	smul.u32 $0xF7A, s1;
	s8 =	simm.s32 @!p0 $0x1BF5;
	p2 =	por !p2, p0  }
0x20: {  	[sflag:s8] =	ssyncset.s32 @!p0 $0xFFFFF086;
	s6 =	sadd.s32 @!p0 s3, s7;
	s7 =	simm.s32 @!p0 $0x108  }
0x21: {  	s3 =	sadd.s32 s3, s9;
	s6 =	sadd.s32 @!p0 $0x88, s6;
	s7 =	simm.s32 @p2 $0x1082  }
0x22: {  	[simem:s7], [sflag:s8] =	dma.local @!p0 [hbm:s6], $0xF7A  }
0x23: {  	s9 =	sor.u32 $0xD0000000, s2;
	s6 =	simm.s32 $0x108;
	_ =	swait.ge @!p0 [sflag:s8], $0x0  }
0x24: {  	s3 =	sadd.s32 $0x88, s3;
	s6 =	simm.s32 @!p1 $0x1082;
	[sflag:s4] =	ssyncset.s32 $0xFFFFF086  }
0x25: {  	[simem:s6], [sflag:s4] =	dma.local [hbm:s3], $0xF7A  }
0x26: {  	[smem:$0x3F99] =	sst s1;
	(tag) =	ssettag s2;
	_ =	strace s9  }
0x27: {  	s1 =	sld [smem:$0x3FA9]  }
0x28: {  	s2 =	sld [smem:$0x3FAA]  }
0x29: {  	s4 =	sld [smem:$0x3FAC]  }
0x2a: {  	p0 =	seq.s32 s5, $0x0;
	s5 =	sld [smem:$0x3FAD]  }
0x2b: {  	s6 =	sld [smem:$0x3FAE]  }
0x2c: {  	s7 =	sld [smem:$0x3FAF]  }
0x2d: {  	s3 =	simm.s32 $0x108;
	s8 =	sld [smem:$0x3FB0]  }
0x2e: {  	s3 =	simm.s32 @!p0 $0x1082;
	s9 =	sld [smem:$0x3FB1]  }
0x2f: {  	lr =	sadd.s32 s0, s3;
	s0 =	sld [smem:$0x3FA8]  }
0x30: {  	s3 =	sld [smem:$0x3FAB]  }
0x31: {  	[smem:$0x3FB4] =	sst s10  }
0x32: {  	s10 =	sld [smem:$0x3FB2];
	_ =	sdelay $0x3  }
0x33: {  	p0 =	seq.s32 s10, $0x1;
	s10 =	sld [smem:$0x3FB4];
	_ =	sdelay $0x3  }
0x34: {  	[smem:$0x3FB4] =	sst s10  }
0x35: {  	s10 =	sld [smem:$0x3FB3];
	_ =	sdelay $0x3  }
0x36: {  	p1 =	seq.s32 s10, $0x1;
	s10 =	sld [smem:$0x3FB4];
	_ =	sdelay $0x3  }
0x37: {  	[smem:$0x3FB4] =	sst s10  }
0x38: {  	s10 =	sld [smem:$0x3FB5]  }
0x39: {  	_ = 	snop;
	(pc) =	sbr.ind lr, $3  }
0x3a: {  	_ = 	snop  }
0x3b: {  	_ = 	snop  }
0x3c: {  	p2 =	seq.s32 s10, $0x1;
	s10 =	sld [smem:$0x3FB4]  }
0x3d: {  	_ =	shalt  }
0x3e: {  	_ =	shalt  }
0x3f: {  	_ =	shalt  }
0x40: {  	_ =	shalt  }
0x41: {  	_ =	shalt  }
0x42: {  	_ =	shalt  }
0x43: {  	_ =	shalt  }
0x44: {  	_ =	shalt  }
0x45: {  	_ =	shalt  }
0x46: {  	_ =	shalt  }
0x47: {  	_ =	shalt  }
0x48: {  	_ =	shalt  }
0x49: {  	_ =	shalt  }
0x4a: {  	_ =	shalt  }
0x4b: {  	_ =	shalt  }
0x4c: {  	_ =	shalt  }
0x4d: {  	_ =	shalt  }
0x4e: {  	_ =	shalt  }
0x4f: {  	_ =	shalt  }
0x50: {  	_ =	shalt  }
0x51: {  	_ =	shalt  }
0x52: {  	_ =	shalt  }
0x53: {  	_ =	shalt  }
0x54: {  	_ =	shalt  }
0x55: {  	_ =	shalt  }
0x56: {  	_ =	shalt  }
0x57: {  	_ =	shalt  }
0x58: {  	_ =	shalt  }
0x59: {  	_ =	shalt  }
0x5a: {  	_ =	shalt  }
0x5b: {  	_ =	shalt  }
0x5c: {  	_ =	shalt  }
0x5d: {  	_ =	shalt  }
0x5e: {  	_ =	shalt  }
0x5f: {  	_ =	shalt  }
0x60: {  	_ =	shalt  }
0x61: {  	_ =	shalt  }
0x62: {  	_ =	shalt  }
0x63: {  	_ =	shalt  }
0x64: {  	_ =	shalt  }
0x65: {  	_ =	shalt  }
0x66: {  	_ =	shalt  }
0x67: {  	_ =	shalt  }
0x68: {  	_ =	shalt  }
0x69: {  	_ =	shalt  }
0x6a: {  	_ =	shalt  }
0x6b: {  	_ =	shalt  }
0x6c: {  	_ =	shalt  }
0x6d: {  	_ =	shalt  }
0x6e: {  	_ =	shalt  }
0x6f: {  	_ =	shalt  }
0x70: {  	_ =	shalt  }
0x71: {  	_ =	shalt  }
0x72: {  	_ =	shalt  }
0x73: {  	_ =	shalt  }
0x74: {  	_ =	shalt  }
0x75: {  	_ =	shalt  }
0x76: {  	_ =	shalt  }
0x77: {  	_ =	shalt  }
0x78: {  	_ =	shalt  }
0x79: {  	_ =	shalt  }
0x7a: {  	_ =	shalt  }
0x7b: {  	_ =	shalt  }
0x7c: {  	_ =	shalt  }
0x7d: {  	_ =	shalt  }
0x7e: {  	_ =	shalt  }
0x7f: {  	_ =	shalt  }
0x80: {  	_ =	shalt  }
0x81: {  	_ =	shalt  }
0x82: {  	_ =	shalt  }
0x83: {  	_ =	shalt  }
0x84: {  	_ =	shalt  }
0x85: {  	_ =	shalt  }
0x86: {  	_ =	shalt  }
0x87: {  	_ =	shalt  }
.Lfunc_end0:
.L_simem_size_0:
called_computation_lowered:
.L_overlay_start_0:
0x88: {  	s2 =	sld [smem:$0x3FD9]  }
0x89: {  	s3 =	sld [smem:$0x3FFE];
	_ =	sdelay $0x1  }
0x8a: {  	s1 =	srdreg.scid  }
0x8b: {  	s0 =	sand.u32 $0x1, s1  }
0x8c: {  	s14 =	sshll.u32 s0, $0xA;
	s2 =	sadd.s32 s3, s2  }
0x8d: {  	s2 =	sadd.s32 s2, s14  }
0x8e: {  	[smem:$0x3FC0] =	sst s2  }
0x8f: {  	_ = 	snop  }
0x90: {  	s2 =	sld [smem:$0x3FD0];
	_ =	sdelay $0x2  }
0x91: {  	s15 =	simm.s32 $0xA;
	s4 =	simm.s32 $0x10  }
0x92: {  	[smem:s4], [sflag:s15] =	dma.local [hbm:s2], $0x1  }
0x93: {  	_ =	swait.eq [sflag:s15], $0x1  }
0x94: {  	[sflag:s15] =	ssyncset.done $0x0  }
0x95: {  	[sflag:s15] =	ssyncadd.s32 $0xFFFFFFFF  }
0x96: {  	s16 =	sld [smem:$0x10];
	(tm) =	ssettm $0x1  }
0x97: {  	s17 =	sld [smem:$0x3FFB];
	_ =	sdelay $0x3  }
0x98: {  	_ =	strace s17  }
0x99: {  	s3 =	sld [smem:$0x3FFC];
	_ =	sdelay $0x3  }
0x9a: {  	_ =	strace s3  }
0x9b: {  	s3 =	sld [smem:$0x3FFD];
	_ =	sdelay $0x3  }
0x9c: {  	_ =	strace s3  }
0x9d: {  	_ =	strace $0x8FFFFFFF  }
0x9e: {  	s18 =	sld [smem:$0x3FDB];
	_ =	sdelay $0x1  }
0x9f: {  	s19 =	simm.s32 $_scs_section_size  }
0xa0: {  	s5 =	simm.s32 $_size__tile_overlayer_lowered;
	s6 =	simm.s32 $_tile_overlayer_lowered  }
0xa1: {  	s22 =	simm.s32 $0x1BFF;
	s21 =	sshll.u32 s6, $0x1;
	s3 =	sadd.s32 s19, s18  }
0xa2: {  	s7 =	simm.s32 $0x0;
	s20 =	sshll.u32 s5, $0x1;
	s5 =	sadd.s32 s21, s3  }
0xa3: {  	[timem:s7], [sflag:s22] =	dma.local [hbm:s5], s20  }
0xa4: {  	_ =	swait.ge [sflag:s22], s20  }
0xa5: {  	s4 =	ssub.s32 $0x0, s20;
	[sflag:s22] =	ssyncset.done $0x0  }
0xa6: {  	[sflag:s22] =	ssyncadd.s32 s4;
	_ =	sdelay $0x1  }
0xa7: {  	s23 =	simm.s32 $0x1B8B  }
0xa8: {  	_ =	swait.ge [sflag:s23], $0x1  }
0xa9: {  	[sflag:s23] =	ssyncset.done $0x0  }
0xaa: {  	s25 =	simm.s32 $0x1B8E;
	s24 =	sld [smem:$0x3FFE];
	[sflag:s23] =	ssyncadd.s32 $0xFFFFFFFF  }
0xab: {  	s26 =	simm.s32 $execute0_lowered;
	[smem:$0x3FD2] =	sst s25  }
0xac: {  	s5 =	sshll.u32 s26, $0x1;
	_ =	strace $0x80000046;
	[dreg:$0x1] =	wrdreg $0xFFFFFFFF  }
0xad: {  	s28 =	simm.s32 $_size_execute0_lowered;
	s3 =	sadd.s32 s3, s5;
	[dreg:$0x0] =	wrdreg $0x0  }
0xae: {  	s5 =	sshll.u32 s28, $0x1;
	[dreg:$0x2] =	wrdreg s3  }
0xaf: {  	[dreg:$0x3] =	wrdreg s5  }
0xb0: {  	[dreg:$0x4] =	wrdreg $0xC0  }
0xb1: {  	_ =	task [dreg:s7], $0x5FFFF  }
0xb2: {  	[dreg:$0x1] =	wrdreg $0xFFFFFFFF  }
0xb3: {  	[dreg:$0x0] =	wrdreg $0x60  }
0xb4: {  	[dreg:$0x2] =	wrdreg s16  }
0xb5: {  	[dreg:$0x3] =	wrdreg s24  }
0xb6: {  	[dreg:$0x4] =	wrdreg $0x2B000  }
0xb7: {  	[dreg:$0x5] =	wrdreg $0x9  }
0xb8: {  	_ =	task.clear_ibuf [dreg:s7], $0x6FFFF;
	_ =	strace $0x90000046  }
0xb9: {  	s29 =	simm.s32 $0x9;
	_ =	strace $0x80000048  }
0xba: {  	_ =	swait.ge [sflag:s29], $0x1  }
0xbb: {  	[sflag:s29] =	ssyncadd.s32 $0xFFFFFFFF  }
0xbc: {  	_ =	strace $0x90000048  }
0xbd: {  	_ =	sfence  }
0xbe: {  	s30 =	sld [smem:$0x0];
	_ =	sdelay $0x2  }
0xbf: {  	s31 =	sshll.u32 s1, $0xD;
	s1 =	sshrl.u32 s1, $0x2  }
0xc0: {  	s3 =	sand.u32 $0x4000, s31;
	s1 =	sadd.s32 s1, s30  }
0xc1: {  	s0 =	sor.u32 s3, s0;
	s1 =	sshll.u32 s1, $0x11  }
0xc2: {  	s0 =	sor.u32 s1, s0  }
0xc3: {  	s0 =	sadd.s32 $0x8F2B, s0  }
0xc4: {  	[sflag:s0] =	ssyncadd.remote.s32 $0x1  }
0xc5: {  	_ =	sfence.sel $0xFFFF  }
0xc6: {  	[dreg:$0x0] =	wrdreg $0xFFFFFFFF;
	(pc) =	sbr.abs _section_cstart, $3  }
0xc7: {  	[dreg:$0x1] =	wrdreg $0xFFFFFFFF  }
0xc8: {  	_ =	task.clear_ibuf [dreg:s7], $0x2FFFF;
	_ =	strace $0x9FFFFFFF  }
0xc9: {  	(tm) =	ssettm $0x7FFFFFFF  }
tec
execute0_lowered:
.L_overlay_start_1:
0x0: {  	(tag) =	ssettag $0x1  }
0x1: {  	s4 =	rddreg [dreg:$0x0]  }
0x2: {  	s5 =	rddreg [dreg:$0x1]  }
0x3: {  	s2 =	rddreg [dreg:$0x2]  }
0x4: {  	s0 =	rddreg [dreg:$0x3];
	s6 =	srdreg.scid  }
0x5: {  	s1 =	stileid.u32;
	s3 =	simm.s32 $0x0;
	s11 =	simm.s32 $0x80  }
0x6: {  	s12 =	simm.s32 $0x2A80;
	s15 =	simm.s32 $0x20;
	s16 =	simm.s32 $0x10  }
0x7: {  	s17 =	simm.s32 $0x0;
	s6 =	sand.u32 $0x1, s6;
	s7 =	smul.u32 $0x500, s1  }
0x8: {  	[smem:$0x7FF] =	sst s3;
	s9 =	smul.u32 $0xA00, s1;
	s13 =	sshll.u32 s1, $0x6  }
0x9: {  	s8 =	sshll.u32 s6, $0x7;
	_ =	strace $0x80000047;
	s30 =	sshll.u32 s6, $0x4  }
0xa: {  	s6 =	ssub.s32 $0x2, s6;
	s13 =	sor.u32 $0x1C02, s13;
	s7 =	sor.u32 s8, s7  }
0xb: {  	s8 =	sor.u32 s1, s30;
	s10 =	sshrl.u32 s6, $0x1;
	s31 =	sshrl.u32 s9, $0x2  }
0xc: {  	s9 =	simm.s32 $0x2800;
	s7 =	sshrl.u32 s7, $0x3;
	s8 =	smul.u32 $0x500, s8  }
0xd: {  	s10 =	ssub.s32 s6, s10;
	s7 =	sadd.s32 s7, s5;
	s5 =	sadd.s32 s31, s2  }
0xe: {  	s4 =	sadd.s32 s4, s8;
	s6 =	sadd.s32 $0x2C00, s7;
	s7 =	smax.u32 s10, $0x1  }
0xf: {  	v0 =	vimm.f32 $0.0e+00;
	v1 =	vimm.f32 $1.000000000e+00;
	s8 =	simm.s32 $0x1;
	s10 =	simm.s32 $0x2;
	s14 =	sshrl.u32 s5, $0x3  }
.LBB2_1:
0x10: {  	[tilespmem:s3], [sflag:$0x1] =	stream.linear.gather [hbm4b:s4+s3], $0x2800, $0x38;
	[tilespmem:$0x2D80] =	vst v63  }
0x11: {  	[tilespmem:$0x2800] =	vst v0  }
0x12: {  	[tilespmem:$0x2810] =	vst v0  }
0x13: {  	[tilespmem:$0x2820] =	vst v0  }
0x14: {  	[tilespmem:$0x2830] =	vst v0  }
0x15: {  	[tilespmem:$0x2840] =	vst v0  }
0x16: {  	[tilespmem:$0x2850] =	vst v0  }
0x17: {  	[tilespmem:$0x2860] =	vst v0  }
0x18: {  	[tilespmem:$0x2870] =	vst v0  }
0x19: {  	[tilespmem:$0x2880] =	vst v0  }
0x1a: {  	[tilespmem:$0x2890] =	vst v0  }
0x1b: {  	[tilespmem:$0x28A0] =	vst v0  }
0x1c: {  	[tilespmem:$0x28B0] =	vst v0  }
0x1d: {  	[tilespmem:$0x28C0] =	vst v0  }
0x1e: {  	[tilespmem:$0x28D0] =	vst v0  }
0x1f: {  	[tilespmem:$0x28E0] =	vst v0  }
0x20: {  	[tilespmem:$0x28F0] =	vst v0  }
0x21: {  	[tilespmem:$0x2900] =	vst v0  }
0x22: {  	[tilespmem:$0x2910] =	vst v0  }
0x23: {  	[tilespmem:$0x2920] =	vst v0  }
0x24: {  	[tilespmem:$0x2930] =	vst v0  }
0x25: {  	[tilespmem:$0x2940] =	vst v0  }
0x26: {  	[tilespmem:$0x2950] =	vst v0  }
0x27: {  	[tilespmem:$0x2960] =	vst v0  }
0x28: {  	[tilespmem:$0x2970] =	vst v0  }
0x29: {  	[tilespmem:$0x2980] =	vst v0  }
0x2a: {  	[tilespmem:$0x2990] =	vst v0  }
0x2b: {  	[tilespmem:$0x29A0] =	vst v0  }
0x2c: {  	[tilespmem:$0x29B0] =	vst v0  }
0x2d: {  	[tilespmem:$0x29C0] =	vst v0  }
0x2e: {  	[tilespmem:$0x29D0] =	vst v0  }
0x2f: {  	[tilespmem:$0x29E0] =	vst v0  }
0x30: {  	[tilespmem:$0x29F0] =	vst v0  }
0x31: {  	[tilespmem:$0x2A00] =	vst v0  }
0x32: {  	[tilespmem:$0x2A10] =	vst v0  }
0x33: {  	[tilespmem:$0x2A20] =	vst v0  }
0x34: {  	[tilespmem:$0x2A30] =	vst v0  }
0x35: {  	[tilespmem:$0x2A40] =	vst v0  }
0x36: {  	[tilespmem:$0x2A50] =	vst v0  }
0x37: {  	[tilespmem:$0x2A60] =	vst v0  }
0x38: {  	[tilespmem:$0x2A70] =	vst v0  }
0x39: {  	[tilespmem:$0x2A80] =	vst v1  }
0x3a: {  	[tilespmem:$0x2A90] =	vst v1  }
0x3b: {  	[tilespmem:$0x2AA0] =	vst v1  }
0x3c: {  	[tilespmem:$0x2AB0] =	vst v1  }
0x3d: {  	[tilespmem:$0x2AC0] =	vst v1  }
0x3e: {  	[tilespmem:$0x2AD0] =	vst v1  }
0x3f: {  	[tilespmem:$0x2AE0] =	vst v1  }
0x40: {  	[tilespmem:$0x2AF0] =	vst v1  }
0x41: {  	_ =	swait.ge [sflag:s8], $0x2800  }
0x42: {  	[sflag:s8] =	ssyncset.done $0x0  }
0x43: {  	[sflag:s8] =	ssyncadd.s32 $0xFFFFD800  }
0x44: {  	[spmem:s5] =	stream.linear.scatter [tilespmem:s9], [sflag:$0x2], $0x280, $0x38;
	[tilespmem:$0x2D80] =	vst v63  }
0x45: {  	_ =	swait.ge [sflag:s10], $0x280  }
0x46: {  	[sflag:s10] =	ssyncset.done $0x0  }
0x47: {  	[sflag:s10] =	ssyncadd.s32 $0xFFFFFD80  }
0x48: {  	s18 =	simm.s32 $0x0;
	[bflag:$0x0] =	sbarrier.arrive $0xFFFF  }
0x49: {  	[spmem:s2] =	stream.indirect.scatter.add.f32 [tilespmem:s12], [sflag:$0x1], $0x1, s18, s11, $0xb8;
	[tilespmem:$0x2D80] =	vst v63  }
0x4a: {  	s24 =	simm.s32 $0x80  }
0x4b: {  	[spmem:s2] =	stream.indirect.scatter.add.f32 [tilespmem:s12], [sflag:$0x1], $0x1, s24, s11, $0xb8;
	[tilespmem:$0x2D80] =	vst v63  }
0x4c: {  	s25 =	simm.s32 $0x100  }
0x4d: {  	[spmem:s2] =	stream.indirect.scatter.add.f32 [tilespmem:s12], [sflag:$0x1], $0x1, s25, s11, $0xb8;
	[tilespmem:$0x2D80] =	vst v63  }
0x4e: {  	s26 =	simm.s32 $0x180  }
0x4f: {  	[spmem:s2] =	stream.indirect.scatter.add.f32 [tilespmem:s12], [sflag:$0x1], $0x1, s26, s11, $0xb8;
	[tilespmem:$0x2D80] =	vst v63  }
0x50: {  	s28 =	simm.s32 $0x200  }
0x51: {  	[spmem:s2] =	stream.indirect.scatter.add.f32 [tilespmem:s12], [sflag:$0x1], $0x1, s28, s11, $0xb8;
	[tilespmem:$0x2D80] =	vst v63  }
0x52: {  	s29 =	simm.s32 $0x280  }
0x53: {  	[spmem:s2] =	stream.indirect.scatter.add.f32 [tilespmem:s12], [sflag:$0x1], $0x1, s29, s11, $0xb8;
	[tilespmem:$0x2D80] =	vst v63  }
0x54: {  	s30 =	simm.s32 $0x300  }
0x55: {  	[spmem:s2] =	stream.indirect.scatter.add.f32 [tilespmem:s12], [sflag:$0x1], $0x1, s30, s11, $0xb8;
	[tilespmem:$0x2D80] =	vst v63  }
0x56: {  	s31 =	simm.s32 $0x380  }
0x57: {  	[spmem:s2] =	stream.indirect.scatter.add.f32 [tilespmem:s12], [sflag:$0x1], $0x1, s31, s11, $0xb8;
	[tilespmem:$0x2D80] =	vst v63  }
0x58: {  	_ =	swait.ge [sflag:s8], $0x80  }
0x59: {  	[sflag:s8] =	ssyncset.done $0x0  }
0x5a: {  	[sflag:s8] =	ssyncadd.s32 $0xFFFFFF80  }
0x5b: {  	_ =	swait.ge [sflag:s8], $0x80  }
0x5c: {  	[sflag:s8] =	ssyncset.done $0x0  }
0x5d: {  	[sflag:s8] =	ssyncadd.s32 $0xFFFFFF80  }
0x5e: {  	_ =	swait.ge [sflag:s8], $0x80  }
0x5f: {  	[sflag:s8] =	ssyncset.done $0x0  }
0x60: {  	[sflag:s8] =	ssyncadd.s32 $0xFFFFFF80  }
0x61: {  	_ =	swait.ge [sflag:s8], $0x80  }
0x62: {  	[sflag:s8] =	ssyncset.done $0x0  }
0x63: {  	[sflag:s8] =	ssyncadd.s32 $0xFFFFFF80  }
0x64: {  	_ =	swait.ge [sflag:s8], $0x80  }
0x65: {  	[sflag:s8] =	ssyncset.done $0x0  }
0x66: {  	[sflag:s8] =	ssyncadd.s32 $0xFFFFFF80  }
0x67: {  	_ =	swait.ge [sflag:s8], $0x80  }
0x68: {  	[sflag:s8] =	ssyncset.done $0x0  }
0x69: {  	[sflag:s8] =	ssyncadd.s32 $0xFFFFFF80  }
0x6a: {  	_ =	swait.ge [sflag:s8], $0x80  }
0x6b: {  	[sflag:s8] =	ssyncset.done $0x0  }
0x6c: {  	[sflag:s8] =	ssyncadd.s32 $0xFFFFFF80  }
0x6d: {  	_ =	swait.ge [sflag:s8], $0x80  }
0x6e: {  	s20 =	simm.s32 $0x2000;
	s18 =	simm.s32 $0x1000;
	[sflag:s8] =	ssyncset.done $0x0  }
.LBB2_2:
0x6f: {  	s21 =	sshra.s32 s18, $0x2  }
0x70: {  	[sflag:s8] =	ssyncadd.s32 $0xFFFFFF80;
	s18 =	smov.u32 s20;
	s19 =	sadd.s32 $0x1000, s20  }
0x71: {  	[spmem:s2] =	stream.indirect.scatter.add.f32 [tilespmem:s12], [sflag:$0x1], $0x1, s21, s11, $0xb8;
	[tilespmem:$0x2D80] =	vst v63  }
0x72: {  	p0 =	sne.s32 s20, $0x9000;
	s20 =	sadd.s32 $0x80, s21  }
0x73: {  	[spmem:s2] =	stream.indirect.scatter.add.f32 [tilespmem:s12], [sflag:$0x1], $0x1, s20, s11, $0xb8;
	[tilespmem:$0x2D80] =	vst v63  }
0x74: {  	s20 =	sadd.s32 $0x100, s21  }
0x75: {  	[spmem:s2] =	stream.indirect.scatter.add.f32 [tilespmem:s12], [sflag:$0x1], $0x1, s20, s11, $0xb8;
	[tilespmem:$0x2D80] =	vst v63  }
0x76: {  	s20 =	sadd.s32 $0x180, s21  }
0x77: {  	[spmem:s2] =	stream.indirect.scatter.add.f32 [tilespmem:s12], [sflag:$0x1], $0x1, s20, s11, $0xb8;
	[tilespmem:$0x2D80] =	vst v63  }
0x78: {  	s20 =	sadd.s32 $0x200, s21  }
0x79: {  	[spmem:s2] =	stream.indirect.scatter.add.f32 [tilespmem:s12], [sflag:$0x1], $0x1, s20, s11, $0xb8;
	[tilespmem:$0x2D80] =	vst v63  }
0x7a: {  	s20 =	sadd.s32 $0x280, s21  }
0x7b: {  	[spmem:s2] =	stream.indirect.scatter.add.f32 [tilespmem:s12], [sflag:$0x1], $0x1, s20, s11, $0xb8;
	[tilespmem:$0x2D80] =	vst v63  }
0x7c: {  	s20 =	sadd.s32 $0x300, s21  }
0x7d: {  	[spmem:s2] =	stream.indirect.scatter.add.f32 [tilespmem:s12], [sflag:$0x1], $0x1, s20, s11, $0xb8;
	[tilespmem:$0x2D80] =	vst v63  }
0x7e: {  	s20 =	sadd.s32 $0x380, s21  }
0x7f: {  	[spmem:s2] =	stream.indirect.scatter.add.f32 [tilespmem:s12], [sflag:$0x1], $0x1, s20, s11, $0xb8;
	[tilespmem:$0x2D80] =	vst v63  }
0x80: {  	_ =	swait.ge [sflag:s8], $0x80  }
0x81: {  	[sflag:s8] =	ssyncset.done $0x0  }
0x82: {  	[sflag:s8] =	ssyncadd.s32 $0xFFFFFF80  }
0x83: {  	_ =	swait.ge [sflag:s8], $0x80  }
0x84: {  	[sflag:s8] =	ssyncset.done $0x0  }
0x85: {  	[sflag:s8] =	ssyncadd.s32 $0xFFFFFF80  }
0x86: {  	_ =	swait.ge [sflag:s8], $0x80  }
0x87: {  	[sflag:s8] =	ssyncset.done $0x0  }
0x88: {  	[sflag:s8] =	ssyncadd.s32 $0xFFFFFF80  }
0x89: {  	_ =	swait.ge [sflag:s8], $0x80  }
0x8a: {  	[sflag:s8] =	ssyncset.done $0x0  }
0x8b: {  	[sflag:s8] =	ssyncadd.s32 $0xFFFFFF80  }
0x8c: {  	_ =	swait.ge [sflag:s8], $0x80  }
0x8d: {  	[sflag:s8] =	ssyncset.done $0x0  }
0x8e: {  	[sflag:s8] =	ssyncadd.s32 $0xFFFFFF80  }
0x8f: {  	_ =	swait.ge [sflag:s8], $0x80  }
0x90: {  	[sflag:s8] =	ssyncset.done $0x0  }
0x91: {  	[sflag:s8] =	ssyncadd.s32 $0xFFFFFF80  }
.Ltmp0:
0x92: {  	_ =	swait.ge [sflag:s8], $0x80;
	(pc) =	sbr.rel @p0 .LBB2_2-.Ltmp0, $4  }
0x93: {  	[sflag:s8] =	ssyncset.done $0x0  }
0x94: {  	[sflag:s8] =	ssyncadd.s32 $0xFFFFFF80  }
0x95: {  	_ =	swait.ge [sflag:s8], $0x80  }
0x96: {  	s20 =	smov.u32 s19;
	[sflag:s8] =	ssyncset.done $0x0  }
0x97: {  	s18 =	sshra.s32 s18, $0x2;
	[sflag:s8] =	ssyncadd.s32 $0xFFFFFF80  }
0x98: {  	[spmem:s2] =	stream.indirect.scatter.add.f32 [tilespmem:s12], [sflag:$0x1], $0x1, s18, s11, $0xb8;
	[tilespmem:$0x2D80] =	vst v63  }
0x99: {  	s19 =	sadd.s32 $0x80, s18  }
0x9a: {  	[spmem:s2] =	stream.indirect.scatter.add.f32 [tilespmem:s12], [sflag:$0x1], $0x1, s19, s11, $0xb8;
	[tilespmem:$0x2D80] =	vst v63  }
0x9b: {  	s26 =	sadd.s32 $0x100, s18  }
0x9c: {  	[spmem:s2] =	stream.indirect.scatter.add.f32 [tilespmem:s12], [sflag:$0x1], $0x1, s26, s11, $0xb8;
	[tilespmem:$0x2D80] =	vst v63  }
0x9d: {  	s28 =	sadd.s32 $0x180, s18  }
0x9e: {  	[spmem:s2] =	stream.indirect.scatter.add.f32 [tilespmem:s12], [sflag:$0x1], $0x1, s28, s11, $0xb8;
	[tilespmem:$0x2D80] =	vst v63  }
0x9f: {  	s29 =	sadd.s32 $0x200, s18  }
0xa0: {  	[spmem:s2] =	stream.indirect.scatter.add.f32 [tilespmem:s12], [sflag:$0x1], $0x1, s29, s11, $0xb8;
	[tilespmem:$0x2D80] =	vst v63  }
0xa1: {  	s30 =	sadd.s32 $0x280, s18  }
0xa2: {  	[spmem:s2] =	stream.indirect.scatter.add.f32 [tilespmem:s12], [sflag:$0x1], $0x1, s30, s11, $0xb8;
	[tilespmem:$0x2D80] =	vst v63  }
0xa3: {  	s31 =	sadd.s32 $0x300, s18  }
0xa4: {  	[spmem:s2] =	stream.indirect.scatter.add.f32 [tilespmem:s12], [sflag:$0x1], $0x1, s31, s11, $0xb8;
	[tilespmem:$0x2D80] =	vst v63  }
0xa5: {  	s18 =	sadd.s32 $0x380, s18  }
0xa6: {  	[spmem:s2] =	stream.indirect.scatter.add.f32 [tilespmem:s12], [sflag:$0x1], $0x1, s18, s11, $0xb8;
	[tilespmem:$0x2D80] =	vst v63  }
0xa7: {  	_ =	swait.ge [sflag:s8], $0x80  }
0xa8: {  	[sflag:s8] =	ssyncset.done $0x0  }
0xa9: {  	[sflag:s8] =	ssyncadd.s32 $0xFFFFFF80  }
0xaa: {  	_ =	swait.ge [sflag:s8], $0x80  }
0xab: {  	[sflag:s8] =	ssyncset.done $0x0  }
0xac: {  	[sflag:s8] =	ssyncadd.s32 $0xFFFFFF80  }
0xad: {  	_ =	swait.ge [sflag:s8], $0x80  }
0xae: {  	[sflag:s8] =	ssyncset.done $0x0  }
0xaf: {  	[sflag:s8] =	ssyncadd.s32 $0xFFFFFF80  }
0xb0: {  	_ =	swait.ge [sflag:s8], $0x80  }
0xb1: {  	[sflag:s8] =	ssyncset.done $0x0  }
0xb2: {  	[sflag:s8] =	ssyncadd.s32 $0xFFFFFF80  }
0xb3: {  	_ =	swait.ge [sflag:s8], $0x80  }
0xb4: {  	[sflag:s8] =	ssyncset.done $0x0  }
0xb5: {  	[sflag:s8] =	ssyncadd.s32 $0xFFFFFF80  }
0xb6: {  	_ =	swait.ge [sflag:s8], $0x80  }
0xb7: {  	[sflag:s8] =	ssyncset.done $0x0  }
0xb8: {  	[sflag:s8] =	ssyncadd.s32 $0xFFFFFF80  }
0xb9: {  	_ =	swait.ge [sflag:s8], $0x80  }
0xba: {  	[sflag:s8] =	ssyncset.done $0x0  }
0xbb: {  	[sflag:s8] =	ssyncadd.s32 $0xFFFFFF80  }
0xbc: {  	_ =	swait.ge [sflag:s8], $0x80  }
0xbd: {  	s17 =	sadd.s32 $0x1, s17;
	[sflag:s8] =	ssyncset.done $0x0  }
0xbe: {  	p0 =	sne.s32 s17, s7;
	[sflag:s8] =	ssyncadd.s32 $0xFFFFFF80  }
.Ltmp1:
0xbf: {  	[bflag:$0x0] =	sbarrier.arrive $0xFFFF;
	(pc) =	sbr.rel @p0 .LBB2_1-.Ltmp1, $4  }
0xc0: {  	[hbm:s6@s15], [sflag:s13] =	dma.strided [spmem:s14@s16], $0x50, s8, $0x10   }
0xc1: {  	_ =	swait.ge [sflag:s10], $0x50  }
0xc2: {  	[sflag:s10] =	ssyncset.done $0x0  }
0xc3: {  	[sflag:s10] =	ssyncadd.s32 $0xFFFFFFB0  }
0xc4: {  	_ =	sfence.sel $0x180000  }
0xc5: {  	[bflag:$0x0] =	sbarrier.arrive $0xFFFF  }
0xc6: {  	p0 =	sne.s32 s1, $0x0;
	_ =	strace $0x90000047  }
0xc7: {  	s0 =	sadd.s32 @!p0 $0x100000, s0;
	[bflag:$0x2] =	sbarrier.arrive $0xFFFF  }
0xc8: {  	[sflag:s0] =	ssyncadd.tile.s32 @!p0 $0x1;
	_ =	shalt  }
.Lfunc_end2:
_tile_overlayer_lowered:
.L_overlay_start_2:
0xc9: {  	(tag) =	ssettag $0x2  }
0xca: {  	s0 =	rddreg [dreg:$0x0];
	s2 =	stileid.u32  }
0xcb: {  	s1 =	rddreg [dreg:$0x1];
	p0 =	sne.s32 s2, $0x0  }
0xcc: {  	s3 =	rddreg [dreg:$0x2];
	[bflag:$0x3] =	sbarrier.arrive $0xFFFF;
	s2 =	simm.s32 @!p0 $0x1C02  }
0xcd: {  	[timem:s3], [sflag:s2] =	dma.local @!p0 [hbm:s0], s1  }
0xce: {  	s0 =	simm.s32 @!p0 $0x2  }
0xcf: {  	_ =	swait.ge @!p0 [sflag:s0], s1  }
0xd0: {  	s1 =	ssub.s32 @!p0 $0x0, s1;
	[sflag:s0] =	ssyncset.done @!p0 $0x0  }
0xd1: {  	[sflag:s0] =	ssyncadd.s32 @!p0 s1  }
0xd2: {  	[bflag:$0x3] =	sbarrier.arrive $0xFFFF  }
0xd3: {  	_ =	shalt  }

</sc_bundles>
